<compile_context>
chip_gen: v7x
topology: tpu7x:2x2x1
jax: 0.10.2.dev20260603
libtpu: 0.0.44.dev20260713+nightly
codegen_flags: <defaults>
</compile_context>

<pallas_src>
import functools

import jax
import jax.numpy as jnp
from jax import lax
from jax.experimental import pallas as pl
from jax.experimental.pallas import tpu as pltpu
from jax.experimental.pallas import tpu_sc as plsc

N_NODES = 10000
N_EDGES = 320000
D_FEAT = 128
D_HID = 64

NC = 2
NS = 16
NW = NC * NS
EW = N_EDGES // NW
N_PAD = 10240
ROWS = N_PAD // NS
DROWS = N_PAD // NS

_SC_PARAMS = pltpu.CompilerParams(use_tc_tiling_on_sc=False)


def _mesh():
    return plsc.VectorSubcoreMesh(core_axis_name="c", subcore_axis_name="s")


C_DEG = 625
NCH_DEG = EW // C_DEG


def _make_degree():
    @functools.partial(
        pl.kernel,
        out_type=jax.ShapeDtypeStruct((NC, N_PAD), jnp.float32),
        mesh=_mesh(),
        compiler_params=_SC_PARAMS,
        scratch_types=[
            pltpu.VMEM((NCH_DEG, C_DEG), jnp.int32),
            pltpu.VMEM((C_DEG,), jnp.float32),
            pltpu.VMEM_SHARED((N_PAD,), jnp.float32),
            pltpu.SemaphoreType.DMA,
        ],
    )
    def degree(dst2_hbm, ones_hbm, z_hbm, out_hbm, didx, ones_v, acc, sem):
        c = lax.axis_index("c")
        s = lax.axis_index("s")
        w = s * NC + c
        pltpu.sync_copy(z_hbm.at[pl.ds(s * DROWS, DROWS)],
                        acc.at[pl.ds(s * DROWS, DROWS)])
        pltpu.sync_copy(dst2_hbm.at[w], didx)
        pltpu.sync_copy(ones_hbm, ones_v)
        plsc.subcore_barrier()

        for g in range(NCH_DEG):
            pltpu.async_copy(ones_v, acc.at[didx.at[g]], sem, add=True)
        for g in range(NCH_DEG):
            pltpu.make_async_copy(ones_v, acc.at[didx.at[g]], sem).wait()
        plsc.subcore_barrier()
        pltpu.sync_copy(acc.at[pl.ds(s * DROWS, DROWS)],
                        out_hbm.at[c, pl.ds(s * DROWS, DROWS)])

    return degree


def _make_propagate4(D, CP):
    NCH = EW // CP
    assert EW % CP == 0 and NCH % 4 == 0 and NCH >= 8

    @functools.partial(
        pl.kernel,
        out_type=jax.ShapeDtypeStruct((NC, N_PAD, D), jnp.float32),
        mesh=_mesh(),
        compiler_params=_SC_PARAMS,
        scratch_types=[
            pltpu.VMEM((NCH, 2, CP), jnp.int32),
            [pltpu.VMEM((CP, D), jnp.float32) for _ in range(4)],
            pltpu.VMEM_SHARED((N_PAD, D), jnp.float32),
            [pltpu.SemaphoreType.DMA for _ in range(4)],
            [pltpu.SemaphoreType.DMA for _ in range(4)],
        ],
    )
    def propagate(p_hbm, e4_hbm, z_hbm, out_hbm, E, R, acc, sg, ss):
        c = lax.axis_index("c")
        s = lax.axis_index("s")
        w = s * NC + c
        pltpu.sync_copy(z_hbm.at[pl.ds(s * ROWS, ROWS)],
                        acc.at[pl.ds(s * ROWS, ROWS)])
        pltpu.sync_copy(e4_hbm.at[w], E)
        plsc.subcore_barrier()

        def gath(k, b):
            pltpu.async_copy(p_hbm.at[E.at[k, 0]], R[b], sg[b])

        def wait_gath(k, b):
            pltpu.make_async_copy(p_hbm.at[E.at[k, 0]], R[b], sg[b]).wait()

        def scat(k, b):
            pltpu.async_copy(R[b], acc.at[E.at[k, 1]], ss[b], add=True)

        def wait_scat(k, b):
            pltpu.make_async_copy(R[b], acc.at[E.at[k, 1]], ss[b]).wait()

        gath(0, 0)
        gath(1, 1)
        wait_gath(0, 0)
        scat(0, 0)
        gath(2, 2)
        wait_gath(1, 1)
        scat(1, 1)
        gath(3, 3)

        def body(g, cy):
            j0 = 4 * g + 2
            for u in range(4):
                b = (2 + u) % 4
                j = j0 + u
                wait_gath(j, b)
                scat(j, b)
                wait_scat(j - 2, (b + 2) % 4)
                gath(j + 2, (b + 2) % 4)
            return cy

        lax.fori_loop(0, (NCH - 4) // 4, body, 0)

        for u in range(2):
            j = NCH - 2 + u
            b = j % 4
            wait_gath(j, b)
            scat(j, b)
            wait_scat(j - 2, (b + 2) % 4)
        wait_scat(NCH - 2, (NCH - 2) % 4)
        wait_scat(NCH - 1, (NCH - 1) % 4)

        plsc.subcore_barrier()
        pltpu.sync_copy(acc.at[pl.ds(s * ROWS, ROWS)],
                        out_hbm.at[c, pl.ds(s * ROWS, ROWS)])

    return propagate


BM = 1000


def _dinv_body(deg_ref, mm1_ref, dinv_ref, p1_ref):
    d = deg_ref[0, :] + deg_ref[1, :] + 1.0
    dinv = jax.lax.rsqrt(d)[:, None]
    dinv_ref[...] = dinv
    p1_ref[...] = dinv[:N_NODES] * mm1_ref[...]


def _dinv_scale(deg, mm1):
    return pl.pallas_call(
        _dinv_body,
        out_shape=[
            jax.ShapeDtypeStruct((N_PAD, 1), jnp.float32),
            jax.ShapeDtypeStruct((N_NODES, D_HID), jnp.float32),
        ],
    )(deg, mm1)


def _mm_body(x_ref, w_ref, out_ref):
    out_ref[...] = jnp.dot(x_ref[...], w_ref[...],
                           preferred_element_type=jnp.float32)


def _mm(x, w):
    m, k = x.shape
    n = w.shape[1]
    return pl.pallas_call(
        _mm_body,
        grid=(m // BM,),
        in_specs=[
            pl.BlockSpec((BM, k), lambda i: (i, 0)),
            pl.BlockSpec((k, n), lambda i: (0, 0)),
        ],
        out_specs=pl.BlockSpec((BM, n), lambda i: (i, 0)),
        out_shape=jax.ShapeDtypeStruct((m, n), jnp.float32),
    )(x, w)


def _epilogue_body(nw, post, dinv_ref, a0_ref, a1_ref, p_ref, b_ref, *rest):
    w_refs = rest[:nw]
    out_refs = rest[nw:]
    dinv = dinv_ref[...]
    h = dinv * (a0_ref[0] + a1_ref[0] + p_ref[...]) + b_ref[...]
    h = jnp.maximum(h, 0.0)
    if nw == 0:
        out_refs[0][...] = dinv * h if post else h
    else:
        for w_ref, o_ref in zip(w_refs, out_refs):
            t = jnp.dot(h, w_ref[...], preferred_element_type=jnp.float32)
            o_ref[...] = dinv * t


def _epilogue(dinv, a, p, b, ws, post=False):
    m, d = p.shape
    nw = len(ws)
    outs = ([jax.ShapeDtypeStruct((m, d), jnp.float32)] if nw == 0 else
            [jax.ShapeDtypeStruct((m, w.shape[1]), jnp.float32) for w in ws])
    w_specs = [pl.BlockSpec(w.shape, lambda i: (0, 0)) for w in ws]
    out_specs = ([pl.BlockSpec((BM, d), lambda i: (i, 0))] if nw == 0 else
                 [pl.BlockSpec((BM, w.shape[1]), lambda i: (i, 0)) for w in ws])
    return pl.pallas_call(
        functools.partial(_epilogue_body, nw, post),
        grid=(m // BM,),
        in_specs=[
            pl.BlockSpec((BM, 1), lambda i: (i, 0)),
            pl.BlockSpec((1, BM, d), lambda i: (0, i, 0)),
            pl.BlockSpec((1, BM, d), lambda i: (1, i, 0)),
            pl.BlockSpec((BM, d), lambda i: (i, 0)),
            pl.BlockSpec((1, d), lambda i: (0, 0)),
            *w_specs,
        ],
        out_specs=out_specs,
        out_shape=outs,
    )(dinv, a, a, p, b, *ws)


def _heads_body(heads, dinv_ref, a0_ref, a1_ref, q_ref, *rest):
    nh = len(heads)
    w_refs = rest[:nh]
    b_refs = rest[nh:2 * nh]
    out_refs = rest[2 * nh:]
    dinv = dinv_ref[...]
    B = a0_ref[0] + a1_ref[0] + q_ref[...]
    for (post, _), w_ref, b_ref, o_ref in zip(heads, w_refs, b_refs, out_refs):
        t = jnp.maximum(dinv * jnp.dot(B, w_ref[...],
                                       preferred_element_type=jnp.float32)
                        + b_ref[...], 0.0)
        o_ref[...] = dinv * t if post else t


def _heads(dinv, a, q, heads_ws):
    m, d = q.shape
    heads = [(post, w.shape[1]) for post, w, _ in heads_ws]
    ws = [w for _, w, _ in heads_ws]
    bs = [b for _, _, b in heads_ws]
    return pl.pallas_call(
        functools.partial(_heads_body, heads),
        grid=(m // BM,),
        in_specs=[
            pl.BlockSpec((BM, 1), lambda i: (i, 0)),
            pl.BlockSpec((1, BM, d), lambda i: (0, i, 0)),
            pl.BlockSpec((1, BM, d), lambda i: (1, i, 0)),
            pl.BlockSpec((BM, d), lambda i: (i, 0)),
            *[pl.BlockSpec(w.shape, lambda i: (0, 0)) for w in ws],
            *[pl.BlockSpec((1, b.shape[1]), lambda i: (0, 0)) for b in bs],
        ],
        out_specs=[pl.BlockSpec((BM, n), lambda i: (i, 0)) for _, n in heads],
        out_shape=[jax.ShapeDtypeStruct((m, n), jnp.float32) for _, n in heads],
    )(dinv, a, a, q, *ws, *bs)


BN = 2048


def _sst_body(sr_ref, sc_ref, out_ref):
    out_ref[...] = lax.dot_general(
        sr_ref[...], sc_ref[...],
        dimension_numbers=(((1,), (1,)), ((), ())),
        preferred_element_type=jnp.float32,
    )


def _s_st(s):
    m = s.shape[0]
    d = s.shape[1]
    return pl.pallas_call(
        _sst_body,
        grid=(m // BM, pl.cdiv(m, BN)),
        in_specs=[
            pl.BlockSpec((BM, d), lambda i, j: (i, 0)),
            pl.BlockSpec((BN, d), lambda i, j: (j, 0)),
        ],
        out_specs=pl.BlockSpec((BM, BN), lambda i, j: (i, j)),
        out_shape=jax.ShapeDtypeStruct((m, m), jnp.float32),
    )(s, s)


def kernel(x, edge_index, label, prior_labels, W1, b1, W2, b2, W3, b3, W4, b4, W5, b5):
    ei = edge_index.astype(jnp.int32)
    CP = 125
    e4 = ei.reshape(2, NW, EW // CP, CP).transpose(1, 2, 0, 3)
    dstdeg = ei[1].reshape(NW, NCH_DEG, C_DEG)

    z1 = jnp.zeros((N_PAD,), jnp.float32)
    z64 = jnp.zeros((N_PAD, D_HID), jnp.float32)

    ones_blk = jnp.ones((C_DEG,), jnp.float32)
    deg = _make_degree()(dstdeg, ones_blk, z1)
    mm1 = _mm(x, W1)
    dinv, p1 = _dinv_scale(deg, mm1)

    prop = _make_propagate4(D_HID, CP)

    b1r = b1.reshape(1, -1)
    b2r = b2.reshape(1, -1)
    b3r = b3.reshape(1, -1)
    b4r = b4.reshape(1, -1)
    b5r = b5.reshape(1, -1)

    a1 = prop(p1, e4, z64)
    (p2,) = _epilogue(dinv, a1, p1, b1r, [W2])
    a2 = prop(p2, e4, z64)
    (q2,) = _epilogue(dinv, a2, p2, b2r, [], post=True)

    aq2 = prop(q2, e4, z64)
    q4, s = _heads(dinv, aq2, q2, [(True, W3, b3r), (False, W5, b5r)])
    struct = _s_st(s)

    aq4 = prop(q4, e4, z64)
    (x_hat,) = _heads(dinv, aq4, q4, [(False, W4, b4r)])

    return (struct, x_hat, edge_index)

# --- scband reference (transcript-rebuilt; emitter-appended) ---
"""Pipeline reference for scband-dominant-66795331387594 (READ-ONLY COPY).

The authoritative reference and input builder live on the scoring server;
editing this copy changes nothing except your own understanding.
"""

import jax, jax.numpy as jnp
import numpy as np

N_NODES = 10000
N_EDGES = 320000
D_FEAT = 128
D_HID = 64


def gcn_conv(x, W, b, src, dst, num_nodes):
    # torch_geometric GCNConv with add_self_loops=True, symmetric normalization
    loop = jnp.arange(num_nodes, dtype=src.dtype)
    src_f = jnp.concatenate([src, loop])
    dst_f = jnp.concatenate([dst, loop])
    ew = jnp.ones(src_f.shape[0], dtype=x.dtype)
    deg = jnp.zeros((num_nodes,), dtype=x.dtype).at[dst_f].add(ew)
    dinv = jnp.where(deg > 0, 1.0 / jnp.sqrt(deg), 0.0)
    norm = dinv[src_f] * dinv[dst_f]
    h = x @ W
    msg = h[src_f] * norm[:, None]
    out = jnp.zeros((num_nodes, h.shape[1]), dtype=x.dtype).at[dst_f].add(msg)
    return out + b


def setup_inputs(seed: int = 0) -> dict:
    key = jax.random.key(seed)
    ks = jax.random.split(key, 16)
    x = jax.random.normal(ks[0], (N_NODES, D_FEAT), dtype=jnp.float32)
    edge_index = jax.random.randint(ks[1], (2, N_EDGES), 0, N_NODES, dtype=jnp.int64)
    label = jax.random.randint(ks[2], (N_NODES,), 0, 2, dtype=jnp.int64)
    prior_labels = jax.random.randint(ks[3], (N_NODES,), 0, 2, dtype=jnp.int64)
    def glorot(k, fan_in, fan_out):
        lim = np.sqrt(6.0 / (fan_in + fan_out))
        return jax.random.uniform(k, (fan_in, fan_out), dtype=jnp.float32, minval=-lim, maxval=lim)
    # Encoder: gc1 (D_FEAT->D_HID), gc2 (D_HID->D_HID)
    W1 = glorot(ks[4], D_FEAT, D_HID); b1 = jnp.zeros((D_HID,), jnp.float32)
    W2 = glorot(ks[5], D_HID, D_HID); b2 = jnp.zeros((D_HID,), jnp.float32)
    # AttributeDecoder: gc1 (D_HID->D_HID), gc2 (D_HID->D_FEAT)
    W3 = glorot(ks[6], D_HID, D_HID); b3 = jnp.zeros((D_HID,), jnp.float32)
    W4 = glorot(ks[7], D_HID, D_FEAT); b4 = jnp.zeros((D_FEAT,), jnp.float32)
    # StructureDecoder: gc1 (D_HID->D_HID)
    W5 = glorot(ks[8], D_HID, D_HID); b5 = jnp.zeros((D_HID,), jnp.float32)
    return {"x": x, "edge_index": edge_index, "label": label, "prior_labels": prior_labels,
            "W1": W1, "b1": b1, "W2": W2, "b2": b2, "W3": W3, "b3": b3,
            "W4": W4, "b4": b4, "W5": W5, "b5": b5}


def reference(x, edge_index, label, prior_labels, W1, b1, W2, b2, W3, b3, W4, b4, W5, b5):
    # Dominant.forward (eval-style; dropout=0.0, preprocessing cached/identity,
    # edge_weight=None -> all-ones weights, as in the cached-adjacency path)
    src = edge_index[0]
    dst = edge_index[1]
    n = x.shape[0]
    # shared encoder
    h = jax.nn.relu(gcn_conv(x, W1, b1, src, dst, n))
    h = jax.nn.relu(gcn_conv(h, W2, b2, src, dst, n))
    # attribute decoder
    xh = jax.nn.relu(gcn_conv(h, W3, b3, src, dst, n))
    x_hat = jax.nn.relu(gcn_conv(xh, W4, b4, src, dst, n))
    # structure decoder
    s = jax.nn.relu(gcn_conv(h, W5, b5, src, dst, n))
    struct_reconstructed = s @ s.T
    return (struct_reconstructed, x_hat, edge_index)

if __name__ == "__main__":
    import jax
    _d = setup_inputs()
    print(jax.jit(kernel)(*tuple(_d.values())))

</pallas_src>

<mosaic_0001>
#map = affine_map<(d0, d1) -> (0, 0)>
#map1 = affine_map<(d0, d1) -> (0, 0, 0, 0)>
#map2 = affine_map<(d0, d1) -> (0, 0, 0)>
module attributes {stable_mosaic.version = 14 : i64} {
  func.func @propagate(%arg0: i32, %arg1: i32, %arg2: memref<10000x64xf32, #tpu.memory_space<hbm>>, %arg3: memref<32x80x2x125xi32, #tpu.memory_space<hbm>>, %arg4: memref<10240x64xf32, #tpu.memory_space<hbm>>, %arg5: memref<2x10240x64xf32, #tpu.memory_space<hbm>>, %arg6: memref<80x2x125xi32, #tpu.memory_space<vmem>>, %arg7: memref<125x64xf32, #tpu.memory_space<vmem>>, %arg8: memref<125x64xf32, #tpu.memory_space<vmem>>, %arg9: memref<125x64xf32, #tpu.memory_space<vmem>>, %arg10: memref<125x64xf32, #tpu.memory_space<vmem>>, %arg11: memref<10240x64xf32, #tpu.memory_space<vmem_shared>>, %arg12: memref<!tpu.dma_semaphore, #tpu.memory_space<semaphore_mem>>, %arg13: memref<!tpu.dma_semaphore, #tpu.memory_space<semaphore_mem>>, %arg14: memref<!tpu.dma_semaphore, #tpu.memory_space<semaphore_mem>>, %arg15: memref<!tpu.dma_semaphore, #tpu.memory_space<semaphore_mem>>, %arg16: memref<!tpu.dma_semaphore, #tpu.memory_space<semaphore_mem>>, %arg17: memref<!tpu.dma_semaphore, #tpu.memory_space<semaphore_mem>>, %arg18: memref<!tpu.dma_semaphore, #tpu.memory_space<semaphore_mem>>, %arg19: memref<!tpu.dma_semaphore, #tpu.memory_space<semaphore_mem>>) attributes {dimension_semantics = [#tpu.dimension_semantics<core_parallel>, #tpu.dimension_semantics<subcore_parallel>], iteration_bounds = array<i64: 2, 16>, scalar_prefetch = 0 : i64, scratch_operands = 14 : i64, tpu.core_type = #tpu.core_type<sc_vector_subcore>, window_params = [{transform_indices = #map}, {transform_indices = #map1}, {transform_indices = #map}, {transform_indices = #map2}]} {
    %mul3A = arith.constant 2 : i32
    %mul3A_0 = arith.muli %arg1, %mul3A : i32
    %add3A = arith.addi %mul3A_0, %arg0 : i32
    %mul3A_1 = arith.constant 640 : i32
    %mul3A_2 = arith.muli %arg1, %mul3A_1 : i32
    %mul3A_3 = arith.constant 640 : i32
    %mul3A_4 = arith.muli %arg1, %mul3A_3 : i32
    "tpu.region"() ({
      %run_scoped3A = tpu.sem_alloc : memref<!tpu.dma_semaphore, #tpu.memory_space<semaphore_mem>>
      %dma_start3A_141 = arith.constant 0 : i32
      %dma_start3A_142 = tpu.memref_slice %arg11[%mul3A_4, %dma_start3A_141] : memref<10240x64xf32, #tpu.memory_space<vmem_shared>> -> memref<640x64xf32, #tpu.memory_space<vmem_shared>>
      %dma_start3A_143 = arith.constant 0 : i32
      %dma_start3A_144 = tpu.memref_slice %arg4[%mul3A_2, %dma_start3A_143] : memref<10240x64xf32, #tpu.memory_space<hbm>> -> memref<640x64xf32, #tpu.memory_space<hbm>>
      tpu.enqueue_dma source(%dma_start3A_144 : memref<640x64xf32, #tpu.memory_space<hbm>>) target(%dma_start3A_142 : memref<640x64xf32, #tpu.memory_space<vmem_shared>>) target_semaphore(%run_scoped3A : memref<!tpu.dma_semaphore, #tpu.memory_space<semaphore_mem>>)
      %dma_wait3A_145 = arith.constant 0 : i32
      %dma_wait3A_146 = tpu.memref_slice %arg11[%mul3A_4, %dma_wait3A_145] : memref<10240x64xf32, #tpu.memory_space<vmem_shared>> -> memref<640x64xf32, #tpu.memory_space<vmem_shared>>
      %dma_wait3A_147 = arith.constant 0 : i32
      %dma_wait3A_148 = tpu.memref_slice %arg4[%mul3A_2, %dma_wait3A_147] : memref<10240x64xf32, #tpu.memory_space<hbm>> -> memref<640x64xf32, #tpu.memory_space<hbm>>
      tpu.wait_dma2 semaphore(%run_scoped3A : memref<!tpu.dma_semaphore, #tpu.memory_space<semaphore_mem>>) src(%dma_wait3A_148 : memref<640x64xf32, #tpu.memory_space<hbm>>) dst(%dma_wait3A_146 : memref<640x64xf32, #tpu.memory_space<vmem_shared>>)
      tpu.yield
    }) : () -> ()
    "tpu.region"() ({
      %run_scoped3A = tpu.sem_alloc : memref<!tpu.dma_semaphore, #tpu.memory_space<semaphore_mem>>
      %dma_start3A_141 = arith.constant 0 : i32
      %dma_start3A_142 = arith.constant 0 : i32
      %dma_start3A_143 = arith.constant 0 : i32
      %dma_start3A_144 = tpu.memref_slice %arg3[%add3A, %dma_start3A_141, %dma_start3A_142, %dma_start3A_143] : memref<32x80x2x125xi32, #tpu.memory_space<hbm>> -> memref<1x80x2x125xi32, #tpu.memory_space<hbm>>
      %dma_start3A_145 = tpu.memref_squeeze %dma_start3A_144 : memref<1x80x2x125xi32, #tpu.memory_space<hbm>> -> memref<80x2x125xi32, #tpu.memory_space<hbm>>
      %dma_start3A_146 = arith.constant 0 : i32
      %dma_start3A_147 = arith.constant 0 : i32
      %dma_start3A_148 = arith.constant 0 : i32
      %dma_start3A_149 = tpu.memref_slice %arg3[%add3A, %dma_start3A_146, %dma_start3A_147, %dma_start3A_148] : memref<32x80x2x125xi32, #tpu.memory_space<hbm>> -> memref<1x80x2x125xi32, #tpu.memory_space<hbm>>
      %dma_start3A_150 = tpu.memref_squeeze %dma_start3A_149 : memref<1x80x2x125xi32, #tpu.memory_space<hbm>> -> memref<80x2x125xi32, #tpu.memory_space<hbm>>
      tpu.enqueue_dma source(%dma_start3A_150 : memref<80x2x125xi32, #tpu.memory_space<hbm>>) target(%arg6 : memref<80x2x125xi32, #tpu.memory_space<vmem>>) target_semaphore(%run_scoped3A : memref<!tpu.dma_semaphore, #tpu.memory_space<semaphore_mem>>)
      %dma_wait3A_151 = arith.constant 0 : i32
      %dma_wait3A_152 = arith.constant 0 : i32
      %dma_wait3A_153 = arith.constant 0 : i32
      %dma_wait3A_154 = tpu.memref_slice %arg3[%add3A, %dma_wait3A_151, %dma_wait3A_152, %dma_wait3A_153] : memref<32x80x2x125xi32, #tpu.memory_space<hbm>> -> memref<1x80x2x125xi32, #tpu.memory_space<hbm>>
      %dma_wait3A_155 = tpu.memref_squeeze %dma_wait3A_154 : memref<1x80x2x125xi32, #tpu.memory_space<hbm>> -> memref<80x2x125xi32, #tpu.memory_space<hbm>>
      %dma_wait3A_156 = arith.constant 0 : i32
      %dma_wait3A_157 = arith.constant 0 : i32
      %dma_wait3A_158 = arith.constant 0 : i32
      %dma_wait3A_159 = tpu.memref_slice %arg3[%add3A, %dma_wait3A_156, %dma_wait3A_157, %dma_wait3A_158] : memref<32x80x2x125xi32, #tpu.memory_space<hbm>> -> memref<1x80x2x125xi32, #tpu.memory_space<hbm>>
      %dma_wait3A_160 = tpu.memref_squeeze %dma_wait3A_159 : memref<1x80x2x125xi32, #tpu.memory_space<hbm>> -> memref<80x2x125xi32, #tpu.memory_space<hbm>>
      tpu.wait_dma2 semaphore(%run_scoped3A : memref<!tpu.dma_semaphore, #tpu.memory_space<semaphore_mem>>) src(%dma_wait3A_160 : memref<80x2x125xi32, #tpu.memory_space<hbm>>) dst(%arg6 : memref<80x2x125xi32, #tpu.memory_space<vmem>>)
      tpu.yield
    }) : () -> ()
    %barrier3A = arith.constant 0 : index
    tpu.barrier barrier_id(%barrier3A)
    %dma_start3A = arith.constant 0 : i32
    %dma_start3A_5 = arith.constant 0 : i32
    %dma_start3A_6 = arith.constant 0 : i32
    %dma_start3A_7 = tpu.memref_slice %arg6[%dma_start3A, %dma_start3A_5, %dma_start3A_6] : memref<80x2x125xi32, #tpu.memory_space<vmem>> -> memref<1x1x125xi32, #tpu.memory_space<vmem>>
    %dma_start3A_8 = tpu.memref_squeeze %dma_start3A_7 : memref<1x1x125xi32, #tpu.memory_space<vmem>> -> memref<125xi32, #tpu.memory_space<vmem>>
    %dma_start3A_9 = arith.constant 0 : i32
    %dma_start3A_10 = arith.constant 0 : i32
    %dma_start3A_11 = tpu.memref_slice %arg2[%dma_start3A_9, %dma_start3A_10] : memref<10000x64xf32, #tpu.memory_space<hbm>> -> memref<10000x64xf32, #tpu.memory_space<hbm>>
    tpu.enqueue_indirect_dma source(%dma_start3A_11 : memref<10000x64xf32, #tpu.memory_space<hbm>>) target(%arg7 : memref<125x64xf32, #tpu.memory_space<vmem>>) offsets(%dma_start3A_8 : memref<125xi32, #tpu.memory_space<vmem>>) semaphore(%arg12 : memref<!tpu.dma_semaphore, #tpu.memory_space<semaphore_mem>>)
    %dma_start3A_12 = arith.constant 1 : i32
    %dma_start3A_13 = arith.constant 0 : i32
    %dma_start3A_14 = arith.constant 0 : i32
    %dma_start3A_15 = tpu.memref_slice %arg6[%dma_start3A_12, %dma_start3A_13, %dma_start3A_14] : memref<80x2x125xi32, #tpu.memory_space<vmem>> -> memref<1x1x125xi32, #tpu.memory_space<vmem>>
    %dma_start3A_16 = tpu.memref_squeeze %dma_start3A_15 : memref<1x1x125xi32, #tpu.memory_space<vmem>> -> memref<125xi32, #tpu.memory_space<vmem>>
    %dma_start3A_17 = arith.constant 0 : i32
    %dma_start3A_18 = arith.constant 0 : i32
    %dma_start3A_19 = tpu.memref_slice %arg2[%dma_start3A_17, %dma_start3A_18] : memref<10000x64xf32, #tpu.memory_space<hbm>> -> memref<10000x64xf32, #tpu.memory_space<hbm>>
    tpu.enqueue_indirect_dma source(%dma_start3A_19 : memref<10000x64xf32, #tpu.memory_space<hbm>>) target(%arg8 : memref<125x64xf32, #tpu.memory_space<vmem>>) offsets(%dma_start3A_16 : memref<125xi32, #tpu.memory_space<vmem>>) semaphore(%arg13 : memref<!tpu.dma_semaphore, #tpu.memory_space<semaphore_mem>>)
    %dma_wait3A = arith.constant 0 : i32
    %dma_wait3A_20 = arith.constant 0 : i32
    %dma_wait3A_21 = arith.constant 0 : i32
    %dma_wait3A_22 = tpu.memref_slice %arg6[%dma_wait3A, %dma_wait3A_20, %dma_wait3A_21] : memref<80x2x125xi32, #tpu.memory_space<vmem>> -> memref<1x1x125xi32, #tpu.memory_space<vmem>>
    %dma_wait3A_23 = tpu.memref_squeeze %dma_wait3A_22 : memref<1x1x125xi32, #tpu.memory_space<vmem>> -> memref<125xi32, #tpu.memory_space<vmem>>
    %dma_wait3A_24 = arith.constant 0 : i32
    %dma_wait3A_25 = arith.constant 0 : i32
    %dma_wait3A_26 = tpu.memref_slice %arg2[%dma_wait3A_24, %dma_wait3A_25] : memref<10000x64xf32, #tpu.memory_space<hbm>> -> memref<10000x64xf32, #tpu.memory_space<hbm>>
    tpu.wait_indirect_dma semaphore(%arg12 : memref<!tpu.dma_semaphore, #tpu.memory_space<semaphore_mem>>) src(%dma_wait3A_26 : memref<10000x64xf32, #tpu.memory_space<hbm>>) dst(%arg7 : memref<125x64xf32, #tpu.memory_space<vmem>>)
    %dma_start3A_27 = arith.constant 0 : i32
    %dma_start3A_28 = arith.constant 1 : i32
    %dma_start3A_29 = arith.constant 0 : i32
    %dma_start3A_30 = tpu.memref_slice %arg6[%dma_start3A_27, %dma_start3A_28, %dma_start3A_29] : memref<80x2x125xi32, #tpu.memory_space<vmem>> -> memref<1x1x125xi32, #tpu.memory_space<vmem>>
    %dma_start3A_31 = tpu.memref_squeeze %dma_start3A_30 : memref<1x1x125xi32, #tpu.memory_space<vmem>> -> memref<125xi32, #tpu.memory_space<vmem>>
    %dma_start3A_32 = arith.constant 0 : i32
    %dma_start3A_33 = arith.constant 0 : i32
    %dma_start3A_34 = tpu.memref_slice %arg11[%dma_start3A_32, %dma_start3A_33] : memref<10240x64xf32, #tpu.memory_space<vmem_shared>> -> memref<10240x64xf32, #tpu.memory_space<vmem_shared>>
    tpu.enqueue_indirect_dma source(%arg7 : memref<125x64xf32, #tpu.memory_space<vmem>>) target(%dma_start3A_34 : memref<10240x64xf32, #tpu.memory_space<vmem_shared>>) offsets(%dma_start3A_31 : memref<125xi32, #tpu.memory_space<vmem>>) semaphore(%arg16 : memref<!tpu.dma_semaphore, #tpu.memory_space<semaphore_mem>>) {add = true}
    %dma_start3A_35 = arith.constant 2 : i32
    %dma_start3A_36 = arith.constant 0 : i32
    %dma_start3A_37 = arith.constant 0 : i32
    %dma_start3A_38 = tpu.memref_slice %arg6[%dma_start3A_35, %dma_start3A_36, %dma_start3A_37] : memref<80x2x125xi32, #tpu.memory_space<vmem>> -> memref<1x1x125xi32, #tpu.memory_space<vmem>>
    %dma_start3A_39 = tpu.memref_squeeze %dma_start3A_38 : memref<1x1x125xi32, #tpu.memory_space<vmem>> -> memref<125xi32, #tpu.memory_space<vmem>>
    %dma_start3A_40 = arith.constant 0 : i32
    %dma_start3A_41 = arith.constant 0 : i32
    %dma_start3A_42 = tpu.memref_slice %arg2[%dma_start3A_40, %dma_start3A_41] : memref<10000x64xf32, #tpu.memory_space<hbm>> -> memref<10000x64xf32, #tpu.memory_space<hbm>>
    tpu.enqueue_indirect_dma source(%dma_start3A_42 : memref<10000x64xf32, #tpu.memory_space<hbm>>) target(%arg9 : memref<125x64xf32, #tpu.memory_space<vmem>>) offsets(%dma_start3A_39 : memref<125xi32, #tpu.memory_space<vmem>>) semaphore(%arg14 : memref<!tpu.dma_semaphore, #tpu.memory_space<semaphore_mem>>)
    %dma_wait3A_43 = arith.constant 1 : i32
    %dma_wait3A_44 = arith.constant 0 : i32
    %dma_wait3A_45 = arith.constant 0 : i32
    %dma_wait3A_46 = tpu.memref_slice %arg6[%dma_wait3A_43, %dma_wait3A_44, %dma_wait3A_45] : memref<80x2x125xi32, #tpu.memory_space<vmem>> -> memref<1x1x125xi32, #tpu.memory_space<vmem>>
    %dma_wait3A_47 = tpu.memref_squeeze %dma_wait3A_46 : memref<1x1x125xi32, #tpu.memory_space<vmem>> -> memref<125xi32, #tpu.memory_space<vmem>>
    %dma_wait3A_48 = arith.constant 0 : i32
    %dma_wait3A_49 = arith.constant 0 : i32
    %dma_wait3A_50 = tpu.memref_slice %arg2[%dma_wait3A_48, %dma_wait3A_49] : memref<10000x64xf32, #tpu.memory_space<hbm>> -> memref<10000x64xf32, #tpu.memory_space<hbm>>
    tpu.wait_indirect_dma semaphore(%arg13 : memref<!tpu.dma_semaphore, #tpu.memory_space<semaphore_mem>>) src(%dma_wait3A_50 : memref<10000x64xf32, #tpu.memory_space<hbm>>) dst(%arg8 : memref<125x64xf32, #tpu.memory_space<vmem>>)
    %dma_start3A_51 = arith.constant 1 : i32
    %dma_start3A_52 = arith.constant 1 : i32
    %dma_start3A_53 = arith.constant 0 : i32
    %dma_start3A_54 = tpu.memref_slice %arg6[%dma_start3A_51, %dma_start3A_52, %dma_start3A_53] : memref<80x2x125xi32, #tpu.memory_space<vmem>> -> memref<1x1x125xi32, #tpu.memory_space<vmem>>
    %dma_start3A_55 = tpu.memref_squeeze %dma_start3A_54 : memref<1x1x125xi32, #tpu.memory_space<vmem>> -> memref<125xi32, #tpu.memory_space<vmem>>
    %dma_start3A_56 = arith.constant 0 : i32
    %dma_start3A_57 = arith.constant 0 : i32
    %dma_start3A_58 = tpu.memref_slice %arg11[%dma_start3A_56, %dma_start3A_57] : memref<10240x64xf32, #tpu.memory_space<vmem_shared>> -> memref<10240x64xf32, #tpu.memory_space<vmem_shared>>
    tpu.enqueue_indirect_dma source(%arg8 : memref<125x64xf32, #tpu.memory_space<vmem>>) target(%dma_start3A_58 : memref<10240x64xf32, #tpu.memory_space<vmem_shared>>) offsets(%dma_start3A_55 : memref<125xi32, #tpu.memory_space<vmem>>) semaphore(%arg17 : memref<!tpu.dma_semaphore, #tpu.memory_space<semaphore_mem>>) {add = true}
    %dma_start3A_59 = arith.constant 3 : i32
    %dma_start3A_60 = arith.constant 0 : i32
    %dma_start3A_61 = arith.constant 0 : i32
    %dma_start3A_62 = tpu.memref_slice %arg6[%dma_start3A_59, %dma_start3A_60, %dma_start3A_61] : memref<80x2x125xi32, #tpu.memory_space<vmem>> -> memref<1x1x125xi32, #tpu.memory_space<vmem>>
    %dma_start3A_63 = tpu.memref_squeeze %dma_start3A_62 : memref<1x1x125xi32, #tpu.memory_space<vmem>> -> memref<125xi32, #tpu.memory_space<vmem>>
    %dma_start3A_64 = arith.constant 0 : i32
    %dma_start3A_65 = arith.constant 0 : i32
    %dma_start3A_66 = tpu.memref_slice %arg2[%dma_start3A_64, %dma_start3A_65] : memref<10000x64xf32, #tpu.memory_space<hbm>> -> memref<10000x64xf32, #tpu.memory_space<hbm>>
    tpu.enqueue_indirect_dma source(%dma_start3A_66 : memref<10000x64xf32, #tpu.memory_space<hbm>>) target(%arg10 : memref<125x64xf32, #tpu.memory_space<vmem>>) offsets(%dma_start3A_63 : memref<125xi32, #tpu.memory_space<vmem>>) semaphore(%arg15 : memref<!tpu.dma_semaphore, #tpu.memory_space<semaphore_mem>>)
    %scan3A = arith.constant 0 : i32
    %scan3A_67 = arith.constant 0 : i32
    %scan3A_68 = arith.constant 19 : i32
    %scan3A_69 = arith.addi %scan3A_67, %scan3A_68 : i32
    %scan3A_70 = arith.constant 1 : i32
    scf.for %scan3A_141 = %scan3A_67 to %scan3A_69 step %scan3A_70  : i32 {
      %mul3A_142 = arith.constant 4 : i32
      %mul3A_143 = arith.muli %mul3A_142, %scan3A_141 : i32
      %add3A_144 = arith.constant 2 : i32
      %add3A_145 = arith.addi %mul3A_143, %add3A_144 : i32
      %add3A_146 = arith.constant 0 : i32
      %add3A_147 = arith.addi %add3A_145, %add3A_146 : i32
      %dma_wait3A_148 = arith.constant 0 : i32
      %dma_wait3A_149 = arith.constant 0 : i32
      %dma_wait3A_150 = tpu.memref_slice %arg6[%add3A_147, %dma_wait3A_148, %dma_wait3A_149] : memref<80x2x125xi32, #tpu.memory_space<vmem>> -> memref<1x1x125xi32, #tpu.memory_space<vmem>>
      %dma_wait3A_151 = tpu.memref_squeeze %dma_wait3A_150 : memref<1x1x125xi32, #tpu.memory_space<vmem>> -> memref<125xi32, #tpu.memory_space<vmem>>
      %dma_wait3A_152 = arith.constant 0 : i32
      %dma_wait3A_153 = arith.constant 0 : i32
      %dma_wait3A_154 = tpu.memref_slice %arg2[%dma_wait3A_152, %dma_wait3A_153] : memref<10000x64xf32, #tpu.memory_space<hbm>> -> memref<10000x64xf32, #tpu.memory_space<hbm>>
      tpu.wait_indirect_dma semaphore(%arg14 : memref<!tpu.dma_semaphore, #tpu.memory_space<semaphore_mem>>) src(%dma_wait3A_154 : memref<10000x64xf32, #tpu.memory_space<hbm>>) dst(%arg9 : memref<125x64xf32, #tpu.memory_space<vmem>>)
      %dma_start3A_155 = arith.constant 1 : i32
      %dma_start3A_156 = arith.constant 0 : i32
      %dma_start3A_157 = tpu.memref_slice %arg6[%add3A_147, %dma_start3A_155, %dma_start3A_156] : memref<80x2x125xi32, #tpu.memory_space<vmem>> -> memref<1x1x125xi32, #tpu.memory_space<vmem>>
      %dma_start3A_158 = tpu.memref_squeeze %dma_start3A_157 : memref<1x1x125xi32, #tpu.memory_space<vmem>> -> memref<125xi32, #tpu.memory_space<vmem>>
      %dma_start3A_159 = arith.constant 0 : i32
      %dma_start3A_160 = arith.constant 0 : i32
      %dma_start3A_161 = tpu.memref_slice %arg11[%dma_start3A_159, %dma_start3A_160] : memref<10240x64xf32, #tpu.memory_space<vmem_shared>> -> memref<10240x64xf32, #tpu.memory_space<vmem_shared>>
      tpu.enqueue_indirect_dma source(%arg9 : memref<125x64xf32, #tpu.memory_space<vmem>>) target(%dma_start3A_161 : memref<10240x64xf32, #tpu.memory_space<vmem_shared>>) offsets(%dma_start3A_158 : memref<125xi32, #tpu.memory_space<vmem>>) semaphore(%arg18 : memref<!tpu.dma_semaphore, #tpu.memory_space<semaphore_mem>>) {add = true}
      %sub3A = arith.constant 2 : i32
      %sub3A_162 = arith.subi %add3A_147, %sub3A : i32
      %dma_wait3A_163 = arith.constant 1 : i32
      %dma_wait3A_164 = arith.constant 0 : i32
      %dma_wait3A_165 = tpu.memref_slice %arg6[%sub3A_162, %dma_wait3A_163, %dma_wait3A_164] : memref<80x2x125xi32, #tpu.memory_space<vmem>> -> memref<1x1x125xi32, #tpu.memory_space<vmem>>
      %dma_wait3A_166 = tpu.memref_squeeze %dma_wait3A_165 : memref<1x1x125xi32, #tpu.memory_space<vmem>> -> memref<125xi32, #tpu.memory_space<vmem>>
      %dma_wait3A_167 = arith.constant 0 : i32
      %dma_wait3A_168 = arith.constant 0 : i32
      %dma_wait3A_169 = tpu.memref_slice %arg11[%dma_wait3A_167, %dma_wait3A_168] : memref<10240x64xf32, #tpu.memory_space<vmem_shared>> -> memref<10240x64xf32, #tpu.memory_space<vmem_shared>>
      tpu.wait_indirect_dma semaphore(%arg16 : memref<!tpu.dma_semaphore, #tpu.memory_space<semaphore_mem>>) src(%arg7 : memref<125x64xf32, #tpu.memory_space<vmem>>) dst(%dma_wait3A_169 : memref<10240x64xf32, #tpu.memory_space<vmem_shared>>)
      %add3A_170 = arith.constant 2 : i32
      %add3A_171 = arith.addi %add3A_147, %add3A_170 : i32
      %dma_start3A_172 = arith.constant 0 : i32
      %dma_start3A_173 = arith.constant 0 : i32
      %dma_start3A_174 = tpu.memref_slice %arg6[%add3A_171, %dma_start3A_172, %dma_start3A_173] : memref<80x2x125xi32, #tpu.memory_space<vmem>> -> memref<1x1x125xi32, #tpu.memory_space<vmem>>
      %dma_start3A_175 = tpu.memref_squeeze %dma_start3A_174 : memref<1x1x125xi32, #tpu.memory_space<vmem>> -> memref<125xi32, #tpu.memory_space<vmem>>
      %dma_start3A_176 = arith.constant 0 : i32
      %dma_start3A_177 = arith.constant 0 : i32
      %dma_start3A_178 = tpu.memref_slice %arg2[%dma_start3A_176, %dma_start3A_177] : memref<10000x64xf32, #tpu.memory_space<hbm>> -> memref<10000x64xf32, #tpu.memory_space<hbm>>
      tpu.enqueue_indirect_dma source(%dma_start3A_178 : memref<10000x64xf32, #tpu.memory_space<hbm>>) target(%arg7 : memref<125x64xf32, #tpu.memory_space<vmem>>) offsets(%dma_start3A_175 : memref<125xi32, #tpu.memory_space<vmem>>) semaphore(%arg12 : memref<!tpu.dma_semaphore, #tpu.memory_space<semaphore_mem>>)
      %add3A_179 = arith.constant 1 : i32
      %add3A_180 = arith.addi %add3A_145, %add3A_179 : i32
      %dma_wait3A_181 = arith.constant 0 : i32
      %dma_wait3A_182 = arith.constant 0 : i32
      %dma_wait3A_183 = tpu.memref_slice %arg6[%add3A_180, %dma_wait3A_181, %dma_wait3A_182] : memref<80x2x125xi32, #tpu.memory_space<vmem>> -> memref<1x1x125xi32, #tpu.memory_space<vmem>>
      %dma_wait3A_184 = tpu.memref_squeeze %dma_wait3A_183 : memref<1x1x125xi32, #tpu.memory_space<vmem>> -> memref<125xi32, #tpu.memory_space<vmem>>
      %dma_wait3A_185 = arith.constant 0 : i32
      %dma_wait3A_186 = arith.constant 0 : i32
      %dma_wait3A_187 = tpu.memref_slice %arg2[%dma_wait3A_185, %dma_wait3A_186] : memref<10000x64xf32, #tpu.memory_space<hbm>> -> memref<10000x64xf32, #tpu.memory_space<hbm>>
      tpu.wait_indirect_dma semaphore(%arg15 : memref<!tpu.dma_semaphore, #tpu.memory_space<semaphore_mem>>) src(%dma_wait3A_187 : memref<10000x64xf32, #tpu.memory_space<hbm>>) dst(%arg10 : memref<125x64xf32, #tpu.memory_space<vmem>>)
      %dma_start3A_188 = arith.constant 1 : i32
      %dma_start3A_189 = arith.constant 0 : i32
      %dma_start3A_190 = tpu.memref_slice %arg6[%add3A_180, %dma_start3A_188, %dma_start3A_189] : memref<80x2x125xi32, #tpu.memory_space<vmem>> -> memref<1x1x125xi32, #tpu.memory_space<vmem>>
      %dma_start3A_191 = tpu.memref_squeeze %dma_start3A_190 : memref<1x1x125xi32, #tpu.memory_space<vmem>> -> memref<125xi32, #tpu.memory_space<vmem>>
      %dma_start3A_192 = arith.constant 0 : i32
      %dma_start3A_193 = arith.constant 0 : i32
      %dma_start3A_194 = tpu.memref_slice %arg11[%dma_start3A_192, %dma_start3A_193] : memref<10240x64xf32, #tpu.memory_space<vmem_shared>> -> memref<10240x64xf32, #tpu.memory_space<vmem_shared>>
      tpu.enqueue_indirect_dma source(%arg10 : memref<125x64xf32, #tpu.memory_space<vmem>>) target(%dma_start3A_194 : memref<10240x64xf32, #tpu.memory_space<vmem_shared>>) offsets(%dma_start3A_191 : memref<125xi32, #tpu.memory_space<vmem>>) semaphore(%arg19 : memref<!tpu.dma_semaphore, #tpu.memory_space<semaphore_mem>>) {add = true}
      %sub3A_195 = arith.constant 2 : i32
      %sub3A_196 = arith.subi %add3A_180, %sub3A_195 : i32
      %dma_wait3A_197 = arith.constant 1 : i32
      %dma_wait3A_198 = arith.constant 0 : i32
      %dma_wait3A_199 = tpu.memref_slice %arg6[%sub3A_196, %dma_wait3A_197, %dma_wait3A_198] : memref<80x2x125xi32, #tpu.memory_space<vmem>> -> memref<1x1x125xi32, #tpu.memory_space<vmem>>
      %dma_wait3A_200 = tpu.memref_squeeze %dma_wait3A_199 : memref<1x1x125xi32, #tpu.memory_space<vmem>> -> memref<125xi32, #tpu.memory_space<vmem>>
      %dma_wait3A_201 = arith.constant 0 : i32
      %dma_wait3A_202 = arith.constant 0 : i32
      %dma_wait3A_203 = tpu.memref_slice %arg11[%dma_wait3A_201, %dma_wait3A_202] : memref<10240x64xf32, #tpu.memory_space<vmem_shared>> -> memref<10240x64xf32, #tpu.memory_space<vmem_shared>>
      tpu.wait_indirect_dma semaphore(%arg17 : memref<!tpu.dma_semaphore, #tpu.memory_space<semaphore_mem>>) src(%arg8 : memref<125x64xf32, #tpu.memory_space<vmem>>) dst(%dma_wait3A_203 : memref<10240x64xf32, #tpu.memory_space<vmem_shared>>)
      %add3A_204 = arith.constant 2 : i32
      %add3A_205 = arith.addi %add3A_180, %add3A_204 : i32
      %dma_start3A_206 = arith.constant 0 : i32
      %dma_start3A_207 = arith.constant 0 : i32
      %dma_start3A_208 = tpu.memref_slice %arg6[%add3A_205, %dma_start3A_206, %dma_start3A_207] : memref<80x2x125xi32, #tpu.memory_space<vmem>> -> memref<1x1x125xi32, #tpu.memory_space<vmem>>
      %dma_start3A_209 = tpu.memref_squeeze %dma_start3A_208 : memref<1x1x125xi32, #tpu.memory_space<vmem>> -> memref<125xi32, #tpu.memory_space<vmem>>
      %dma_start3A_210 = arith.constant 0 : i32
      %dma_start3A_211 = arith.constant 0 : i32
      %dma_start3A_212 = tpu.memref_slice %arg2[%dma_start3A_210, %dma_start3A_211] : memref<10000x64xf32, #tpu.memory_space<hbm>> -> memref<10000x64xf32, #tpu.memory_space<hbm>>
      tpu.enqueue_indirect_dma source(%dma_start3A_212 : memref<10000x64xf32, #tpu.memory_space<hbm>>) target(%arg8 : memref<125x64xf32, #tpu.memory_space<vmem>>) offsets(%dma_start3A_209 : memref<125xi32, #tpu.memory_space<vmem>>) semaphore(%arg13 : memref<!tpu.dma_semaphore, #tpu.memory_space<semaphore_mem>>)
      %add3A_213 = arith.constant 2 : i32
      %add3A_214 = arith.addi %add3A_145, %add3A_213 : i32
      %dma_wait3A_215 = arith.constant 0 : i32
      %dma_wait3A_216 = arith.constant 0 : i32
      %dma_wait3A_217 = tpu.memref_slice %arg6[%add3A_214, %dma_wait3A_215, %dma_wait3A_216] : memref<80x2x125xi32, #tpu.memory_space<vmem>> -> memref<1x1x125xi32, #tpu.memory_space<vmem>>
      %dma_wait3A_218 = tpu.memref_squeeze %dma_wait3A_217 : memref<1x1x125xi32, #tpu.memory_space<vmem>> -> memref<125xi32, #tpu.memory_space<vmem>>
      %dma_wait3A_219 = arith.constant 0 : i32
      %dma_wait3A_220 = arith.constant 0 : i32
      %dma_wait3A_221 = tpu.memref_slice %arg2[%dma_wait3A_219, %dma_wait3A_220] : memref<10000x64xf32, #tpu.memory_space<hbm>> -> memref<10000x64xf32, #tpu.memory_space<hbm>>
      tpu.wait_indirect_dma semaphore(%arg12 : memref<!tpu.dma_semaphore, #tpu.memory_space<semaphore_mem>>) src(%dma_wait3A_221 : memref<10000x64xf32, #tpu.memory_space<hbm>>) dst(%arg7 : memref<125x64xf32, #tpu.memory_space<vmem>>)
      %dma_start3A_222 = arith.constant 1 : i32
      %dma_start3A_223 = arith.constant 0 : i32
      %dma_start3A_224 = tpu.memref_slice %arg6[%add3A_214, %dma_start3A_222, %dma_start3A_223] : memref<80x2x125xi32, #tpu.memory_space<vmem>> -> memref<1x1x125xi32, #tpu.memory_space<vmem>>
      %dma_start3A_225 = tpu.memref_squeeze %dma_start3A_224 : memref<1x1x125xi32, #tpu.memory_space<vmem>> -> memref<125xi32, #tpu.memory_space<vmem>>
      %dma_start3A_226 = arith.constant 0 : i32
      %dma_start3A_227 = arith.constant 0 : i32
      %dma_start3A_228 = tpu.memref_slice %arg11[%dma_start3A_226, %dma_start3A_227] : memref<10240x64xf32, #tpu.memory_space<vmem_shared>> -> memref<10240x64xf32, #tpu.memory_space<vmem_shared>>
      tpu.enqueue_indirect_dma source(%arg7 : memref<125x64xf32, #tpu.memory_space<vmem>>) target(%dma_start3A_228 : memref<10240x64xf32, #tpu.memory_space<vmem_shared>>) offsets(%dma_start3A_225 : memref<125xi32, #tpu.memory_space<vmem>>) semaphore(%arg16 : memref<!tpu.dma_semaphore, #tpu.memory_space<semaphore_mem>>) {add = true}
      %sub3A_229 = arith.constant 2 : i32
      %sub3A_230 = arith.subi %add3A_214, %sub3A_229 : i32
      %dma_wait3A_231 = arith.constant 1 : i32
      %dma_wait3A_232 = arith.constant 0 : i32
      %dma_wait3A_233 = tpu.memref_slice %arg6[%sub3A_230, %dma_wait3A_231, %dma_wait3A_232] : memref<80x2x125xi32, #tpu.memory_space<vmem>> -> memref<1x1x125xi32, #tpu.memory_space<vmem>>
      %dma_wait3A_234 = tpu.memref_squeeze %dma_wait3A_233 : memref<1x1x125xi32, #tpu.memory_space<vmem>> -> memref<125xi32, #tpu.memory_space<vmem>>
      %dma_wait3A_235 = arith.constant 0 : i32
      %dma_wait3A_236 = arith.constant 0 : i32
      %dma_wait3A_237 = tpu.memref_slice %arg11[%dma_wait3A_235, %dma_wait3A_236] : memref<10240x64xf32, #tpu.memory_space<vmem_shared>> -> memref<10240x64xf32, #tpu.memory_space<vmem_shared>>
      tpu.wait_indirect_dma semaphore(%arg18 : memref<!tpu.dma_semaphore, #tpu.memory_space<semaphore_mem>>) src(%arg9 : memref<125x64xf32, #tpu.memory_space<vmem>>) dst(%dma_wait3A_237 : memref<10240x64xf32, #tpu.memory_space<vmem_shared>>)
      %add3A_238 = arith.constant 2 : i32
      %add3A_239 = arith.addi %add3A_214, %add3A_238 : i32
      %dma_start3A_240 = arith.constant 0 : i32
      %dma_start3A_241 = arith.constant 0 : i32
      %dma_start3A_242 = tpu.memref_slice %arg6[%add3A_239, %dma_start3A_240, %dma_start3A_241] : memref<80x2x125xi32, #tpu.memory_space<vmem>> -> memref<1x1x125xi32, #tpu.memory_space<vmem>>
      %dma_start3A_243 = tpu.memref_squeeze %dma_start3A_242 : memref<1x1x125xi32, #tpu.memory_space<vmem>> -> memref<125xi32, #tpu.memory_space<vmem>>
      %dma_start3A_244 = arith.constant 0 : i32
      %dma_start3A_245 = arith.constant 0 : i32
      %dma_start3A_246 = tpu.memref_slice %arg2[%dma_start3A_244, %dma_start3A_245] : memref<10000x64xf32, #tpu.memory_space<hbm>> -> memref<10000x64xf32, #tpu.memory_space<hbm>>
      tpu.enqueue_indirect_dma source(%dma_start3A_246 : memref<10000x64xf32, #tpu.memory_space<hbm>>) target(%arg9 : memref<125x64xf32, #tpu.memory_space<vmem>>) offsets(%dma_start3A_243 : memref<125xi32, #tpu.memory_space<vmem>>) semaphore(%arg14 : memref<!tpu.dma_semaphore, #tpu.memory_space<semaphore_mem>>)
      %add3A_247 = arith.constant 3 : i32
      %add3A_248 = arith.addi %add3A_145, %add3A_247 : i32
      %dma_wait3A_249 = arith.constant 0 : i32
      %dma_wait3A_250 = arith.constant 0 : i32
      %dma_wait3A_251 = tpu.memref_slice %arg6[%add3A_248, %dma_wait3A_249, %dma_wait3A_250] : memref<80x2x125xi32, #tpu.memory_space<vmem>> -> memref<1x1x125xi32, #tpu.memory_space<vmem>>
      %dma_wait3A_252 = tpu.memref_squeeze %dma_wait3A_251 : memref<1x1x125xi32, #tpu.memory_space<vmem>> -> memref<125xi32, #tpu.memory_space<vmem>>
      %dma_wait3A_253 = arith.constant 0 : i32
      %dma_wait3A_254 = arith.constant 0 : i32
      %dma_wait3A_255 = tpu.memref_slice %arg2[%dma_wait3A_253, %dma_wait3A_254] : memref<10000x64xf32, #tpu.memory_space<hbm>> -> memref<10000x64xf32, #tpu.memory_space<hbm>>
      tpu.wait_indirect_dma semaphore(%arg13 : memref<!tpu.dma_semaphore, #tpu.memory_space<semaphore_mem>>) src(%dma_wait3A_255 : memref<10000x64xf32, #tpu.memory_space<hbm>>) dst(%arg8 : memref<125x64xf32, #tpu.memory_space<vmem>>)
      %dma_start3A_256 = arith.constant 1 : i32
      %dma_start3A_257 = arith.constant 0 : i32
      %dma_start3A_258 = tpu.memref_slice %arg6[%add3A_248, %dma_start3A_256, %dma_start3A_257] : memref<80x2x125xi32, #tpu.memory_space<vmem>> -> memref<1x1x125xi32, #tpu.memory_space<vmem>>
      %dma_start3A_259 = tpu.memref_squeeze %dma_start3A_258 : memref<1x1x125xi32, #tpu.memory_space<vmem>> -> memref<125xi32, #tpu.memory_space<vmem>>
      %dma_start3A_260 = arith.constant 0 : i32
      %dma_start3A_261 = arith.constant 0 : i32
      %dma_start3A_262 = tpu.memref_slice %arg11[%dma_start3A_260, %dma_start3A_261] : memref<10240x64xf32, #tpu.memory_space<vmem_shared>> -> memref<10240x64xf32, #tpu.memory_space<vmem_shared>>
      tpu.enqueue_indirect_dma source(%arg8 : memref<125x64xf32, #tpu.memory_space<vmem>>) target(%dma_start3A_262 : memref<10240x64xf32, #tpu.memory_space<vmem_shared>>) offsets(%dma_start3A_259 : memref<125xi32, #tpu.memory_space<vmem>>) semaphore(%arg17 : memref<!tpu.dma_semaphore, #tpu.memory_space<semaphore_mem>>) {add = true}
      %sub3A_263 = arith.constant 2 : i32
      %sub3A_264 = arith.subi %add3A_248, %sub3A_263 : i32
      %dma_wait3A_265 = arith.constant 1 : i32
      %dma_wait3A_266 = arith.constant 0 : i32
      %dma_wait3A_267 = tpu.memref_slice %arg6[%sub3A_264, %dma_wait3A_265, %dma_wait3A_266] : memref<80x2x125xi32, #tpu.memory_space<vmem>> -> memref<1x1x125xi32, #tpu.memory_space<vmem>>
      %dma_wait3A_268 = tpu.memref_squeeze %dma_wait3A_267 : memref<1x1x125xi32, #tpu.memory_space<vmem>> -> memref<125xi32, #tpu.memory_space<vmem>>
      %dma_wait3A_269 = arith.constant 0 : i32
      %dma_wait3A_270 = arith.constant 0 : i32
      %dma_wait3A_271 = tpu.memref_slice %arg11[%dma_wait3A_269, %dma_wait3A_270] : memref<10240x64xf32, #tpu.memory_space<vmem_shared>> -> memref<10240x64xf32, #tpu.memory_space<vmem_shared>>
      tpu.wait_indirect_dma semaphore(%arg19 : memref<!tpu.dma_semaphore, #tpu.memory_space<semaphore_mem>>) src(%arg10 : memref<125x64xf32, #tpu.memory_space<vmem>>) dst(%dma_wait3A_271 : memref<10240x64xf32, #tpu.memory_space<vmem_shared>>)
      %add3A_272 = arith.constant 2 : i32
      %add3A_273 = arith.addi %add3A_248, %add3A_272 : i32
      %dma_start3A_274 = arith.constant 0 : i32
      %dma_start3A_275 = arith.constant 0 : i32
      %dma_start3A_276 = tpu.memref_slice %arg6[%add3A_273, %dma_start3A_274, %dma_start3A_275] : memref<80x2x125xi32, #tpu.memory_space<vmem>> -> memref<1x1x125xi32, #tpu.memory_space<vmem>>
      %dma_start3A_277 = tpu.memref_squeeze %dma_start3A_276 : memref<1x1x125xi32, #tpu.memory_space<vmem>> -> memref<125xi32, #tpu.memory_space<vmem>>
      %dma_start3A_278 = arith.constant 0 : i32
      %dma_start3A_279 = arith.constant 0 : i32
      %dma_start3A_280 = tpu.memref_slice %arg2[%dma_start3A_278, %dma_start3A_279] : memref<10000x64xf32, #tpu.memory_space<hbm>> -> memref<10000x64xf32, #tpu.memory_space<hbm>>
      tpu.enqueue_indirect_dma source(%dma_start3A_280 : memref<10000x64xf32, #tpu.memory_space<hbm>>) target(%arg10 : memref<125x64xf32, #tpu.memory_space<vmem>>) offsets(%dma_start3A_277 : memref<125xi32, #tpu.memory_space<vmem>>) semaphore(%arg15 : memref<!tpu.dma_semaphore, #tpu.memory_space<semaphore_mem>>)
    }
    %scan3A_71 = arith.constant 19 : i32
    %dma_wait3A_72 = arith.constant 78 : i32
    %dma_wait3A_73 = arith.constant 0 : i32
    %dma_wait3A_74 = arith.constant 0 : i32
    %dma_wait3A_75 = tpu.memref_slice %arg6[%dma_wait3A_72, %dma_wait3A_73, %dma_wait3A_74] : memref<80x2x125xi32, #tpu.memory_space<vmem>> -> memref<1x1x125xi32, #tpu.memory_space<vmem>>
    %dma_wait3A_76 = tpu.memref_squeeze %dma_wait3A_75 : memref<1x1x125xi32, #tpu.memory_space<vmem>> -> memref<125xi32, #tpu.memory_space<vmem>>
    %dma_wait3A_77 = arith.constant 0 : i32
    %dma_wait3A_78 = arith.constant 0 : i32
    %dma_wait3A_79 = tpu.memref_slice %arg2[%dma_wait3A_77, %dma_wait3A_78] : memref<10000x64xf32, #tpu.memory_space<hbm>> -> memref<10000x64xf32, #tpu.memory_space<hbm>>
    tpu.wait_indirect_dma semaphore(%arg14 : memref<!tpu.dma_semaphore, #tpu.memory_space<semaphore_mem>>) src(%dma_wait3A_79 : memref<10000x64xf32, #tpu.memory_space<hbm>>) dst(%arg9 : memref<125x64xf32, #tpu.memory_space<vmem>>)
    %dma_start3A_80 = arith.constant 78 : i32
    %dma_start3A_81 = arith.constant 1 : i32
    %dma_start3A_82 = arith.constant 0 : i32
    %dma_start3A_83 = tpu.memref_slice %arg6[%dma_start3A_80, %dma_start3A_81, %dma_start3A_82] : memref<80x2x125xi32, #tpu.memory_space<vmem>> -> memref<1x1x125xi32, #tpu.memory_space<vmem>>
    %dma_start3A_84 = tpu.memref_squeeze %dma_start3A_83 : memref<1x1x125xi32, #tpu.memory_space<vmem>> -> memref<125xi32, #tpu.memory_space<vmem>>
    %dma_start3A_85 = arith.constant 0 : i32
    %dma_start3A_86 = arith.constant 0 : i32
    %dma_start3A_87 = tpu.memref_slice %arg11[%dma_start3A_85, %dma_start3A_86] : memref<10240x64xf32, #tpu.memory_space<vmem_shared>> -> memref<10240x64xf32, #tpu.memory_space<vmem_shared>>
    tpu.enqueue_indirect_dma source(%arg9 : memref<125x64xf32, #tpu.memory_space<vmem>>) target(%dma_start3A_87 : memref<10240x64xf32, #tpu.memory_space<vmem_shared>>) offsets(%dma_start3A_84 : memref<125xi32, #tpu.memory_space<vmem>>) semaphore(%arg18 : memref<!tpu.dma_semaphore, #tpu.memory_space<semaphore_mem>>) {add = true}
    %dma_wait3A_88 = arith.constant 76 : i32
    %dma_wait3A_89 = arith.constant 1 : i32
    %dma_wait3A_90 = arith.constant 0 : i32
    %dma_wait3A_91 = tpu.memref_slice %arg6[%dma_wait3A_88, %dma_wait3A_89, %dma_wait3A_90] : memref<80x2x125xi32, #tpu.memory_space<vmem>> -> memref<1x1x125xi32, #tpu.memory_space<vmem>>
    %dma_wait3A_92 = tpu.memref_squeeze %dma_wait3A_91 : memref<1x1x125xi32, #tpu.memory_space<vmem>> -> memref<125xi32, #tpu.memory_space<vmem>>
    %dma_wait3A_93 = arith.constant 0 : i32
    %dma_wait3A_94 = arith.constant 0 : i32
    %dma_wait3A_95 = tpu.memref_slice %arg11[%dma_wait3A_93, %dma_wait3A_94] : memref<10240x64xf32, #tpu.memory_space<vmem_shared>> -> memref<10240x64xf32, #tpu.memory_space<vmem_shared>>
    tpu.wait_indirect_dma semaphore(%arg16 : memref<!tpu.dma_semaphore, #tpu.memory_space<semaphore_mem>>) src(%arg7 : memref<125x64xf32, #tpu.memory_space<vmem>>) dst(%dma_wait3A_95 : memref<10240x64xf32, #tpu.memory_space<vmem_shared>>)
    %dma_wait3A_96 = arith.constant 79 : i32
    %dma_wait3A_97 = arith.constant 0 : i32
    %dma_wait3A_98 = arith.constant 0 : i32
    %dma_wait3A_99 = tpu.memref_slice %arg6[%dma_wait3A_96, %dma_wait3A_97, %dma_wait3A_98] : memref<80x2x125xi32, #tpu.memory_space<vmem>> -> memref<1x1x125xi32, #tpu.memory_space<vmem>>
    %dma_wait3A_100 = tpu.memref_squeeze %dma_wait3A_99 : memref<1x1x125xi32, #tpu.memory_space<vmem>> -> memref<125xi32, #tpu.memory_space<vmem>>
    %dma_wait3A_101 = arith.constant 0 : i32
    %dma_wait3A_102 = arith.constant 0 : i32
    %dma_wait3A_103 = tpu.memref_slice %arg2[%dma_wait3A_101, %dma_wait3A_102] : memref<10000x64xf32, #tpu.memory_space<hbm>> -> memref<10000x64xf32, #tpu.memory_space<hbm>>
    tpu.wait_indirect_dma semaphore(%arg15 : memref<!tpu.dma_semaphore, #tpu.memory_space<semaphore_mem>>) src(%dma_wait3A_103 : memref<10000x64xf32, #tpu.memory_space<hbm>>) dst(%arg10 : memref<125x64xf32, #tpu.memory_space<vmem>>)
    %dma_start3A_104 = arith.constant 79 : i32
    %dma_start3A_105 = arith.constant 1 : i32
    %dma_start3A_106 = arith.constant 0 : i32
    %dma_start3A_107 = tpu.memref_slice %arg6[%dma_start3A_104, %dma_start3A_105, %dma_start3A_106] : memref<80x2x125xi32, #tpu.memory_space<vmem>> -> memref<1x1x125xi32, #tpu.memory_space<vmem>>
    %dma_start3A_108 = tpu.memref_squeeze %dma_start3A_107 : memref<1x1x125xi32, #tpu.memory_space<vmem>> -> memref<125xi32, #tpu.memory_space<vmem>>
    %dma_start3A_109 = arith.constant 0 : i32
    %dma_start3A_110 = arith.constant 0 : i32
    %dma_start3A_111 = tpu.memref_slice %arg11[%dma_start3A_109, %dma_start3A_110] : memref<10240x64xf32, #tpu.memory_space<vmem_shared>> -> memref<10240x64xf32, #tpu.memory_space<vmem_shared>>
    tpu.enqueue_indirect_dma source(%arg10 : memref<125x64xf32, #tpu.memory_space<vmem>>) target(%dma_start3A_111 : memref<10240x64xf32, #tpu.memory_space<vmem_shared>>) offsets(%dma_start3A_108 : memref<125xi32, #tpu.memory_space<vmem>>) semaphore(%arg19 : memref<!tpu.dma_semaphore, #tpu.memory_space<semaphore_mem>>) {add = true}
    %dma_wait3A_112 = arith.constant 77 : i32
    %dma_wait3A_113 = arith.constant 1 : i32
    %dma_wait3A_114 = arith.constant 0 : i32
    %dma_wait3A_115 = tpu.memref_slice %arg6[%dma_wait3A_112, %dma_wait3A_113, %dma_wait3A_114] : memref<80x2x125xi32, #tpu.memory_space<vmem>> -> memref<1x1x125xi32, #tpu.memory_space<vmem>>
    %dma_wait3A_116 = tpu.memref_squeeze %dma_wait3A_115 : memref<1x1x125xi32, #tpu.memory_space<vmem>> -> memref<125xi32, #tpu.memory_space<vmem>>
    %dma_wait3A_117 = arith.constant 0 : i32
    %dma_wait3A_118 = arith.constant 0 : i32
    %dma_wait3A_119 = tpu.memref_slice %arg11[%dma_wait3A_117, %dma_wait3A_118] : memref<10240x64xf32, #tpu.memory_space<vmem_shared>> -> memref<10240x64xf32, #tpu.memory_space<vmem_shared>>
    tpu.wait_indirect_dma semaphore(%arg17 : memref<!tpu.dma_semaphore, #tpu.memory_space<semaphore_mem>>) src(%arg8 : memref<125x64xf32, #tpu.memory_space<vmem>>) dst(%dma_wait3A_119 : memref<10240x64xf32, #tpu.memory_space<vmem_shared>>)
    %dma_wait3A_120 = arith.constant 78 : i32
    %dma_wait3A_121 = arith.constant 1 : i32
    %dma_wait3A_122 = arith.constant 0 : i32
    %dma_wait3A_123 = tpu.memref_slice %arg6[%dma_wait3A_120, %dma_wait3A_121, %dma_wait3A_122] : memref<80x2x125xi32, #tpu.memory_space<vmem>> -> memref<1x1x125xi32, #tpu.memory_space<vmem>>
    %dma_wait3A_124 = tpu.memref_squeeze %dma_wait3A_123 : memref<1x1x125xi32, #tpu.memory_space<vmem>> -> memref<125xi32, #tpu.memory_space<vmem>>
    %dma_wait3A_125 = arith.constant 0 : i32
    %dma_wait3A_126 = arith.constant 0 : i32
    %dma_wait3A_127 = tpu.memref_slice %arg11[%dma_wait3A_125, %dma_wait3A_126] : memref<10240x64xf32, #tpu.memory_space<vmem_shared>> -> memref<10240x64xf32, #tpu.memory_space<vmem_shared>>
    tpu.wait_indirect_dma semaphore(%arg18 : memref<!tpu.dma_semaphore, #tpu.memory_space<semaphore_mem>>) src(%arg9 : memref<125x64xf32, #tpu.memory_space<vmem>>) dst(%dma_wait3A_127 : memref<10240x64xf32, #tpu.memory_space<vmem_shared>>)
    %dma_wait3A_128 = arith.constant 79 : i32
    %dma_wait3A_129 = arith.constant 1 : i32
    %dma_wait3A_130 = arith.constant 0 : i32
    %dma_wait3A_131 = tpu.memref_slice %arg6[%dma_wait3A_128, %dma_wait3A_129, %dma_wait3A_130] : memref<80x2x125xi32, #tpu.memory_space<vmem>> -> memref<1x1x125xi32, #tpu.memory_space<vmem>>
    %dma_wait3A_132 = tpu.memref_squeeze %dma_wait3A_131 : memref<1x1x125xi32, #tpu.memory_space<vmem>> -> memref<125xi32, #tpu.memory_space<vmem>>
    %dma_wait3A_133 = arith.constant 0 : i32
    %dma_wait3A_134 = arith.constant 0 : i32
    %dma_wait3A_135 = tpu.memref_slice %arg11[%dma_wait3A_133, %dma_wait3A_134] : memref<10240x64xf32, #tpu.memory_space<vmem_shared>> -> memref<10240x64xf32, #tpu.memory_space<vmem_shared>>
    tpu.wait_indirect_dma semaphore(%arg19 : memref<!tpu.dma_semaphore, #tpu.memory_space<semaphore_mem>>) src(%arg10 : memref<125x64xf32, #tpu.memory_space<vmem>>) dst(%dma_wait3A_135 : memref<10240x64xf32, #tpu.memory_space<vmem_shared>>)
    %barrier3A_136 = arith.constant 0 : index
    tpu.barrier barrier_id(%barrier3A_136)
    %mul3A_137 = arith.constant 640 : i32
    %mul3A_138 = arith.muli %arg1, %mul3A_137 : i32
    %mul3A_139 = arith.constant 640 : i32
    %mul3A_140 = arith.muli %arg1, %mul3A_139 : i32
    "tpu.region"() ({
      %run_scoped3A = tpu.sem_alloc : memref<!tpu.dma_semaphore, #tpu.memory_space<semaphore_mem>>
      %dma_start3A_141 = arith.constant 0 : i32
      %dma_start3A_142 = tpu.memref_slice %arg5[%arg0, %mul3A_140, %dma_start3A_141] : memref<2x10240x64xf32, #tpu.memory_space<hbm>> -> memref<1x640x64xf32, #tpu.memory_space<hbm>>
      %dma_start3A_143 = tpu.memref_squeeze %dma_start3A_142 : memref<1x640x64xf32, #tpu.memory_space<hbm>> -> memref<640x64xf32, #tpu.memory_space<hbm>>
      %dma_start3A_144 = arith.constant 0 : i32
      %dma_start3A_145 = tpu.memref_slice %arg11[%mul3A_138, %dma_start3A_144] : memref<10240x64xf32, #tpu.memory_space<vmem_shared>> -> memref<640x64xf32, #tpu.memory_space<vmem_shared>>
      tpu.enqueue_dma source(%dma_start3A_145 : memref<640x64xf32, #tpu.memory_space<vmem_shared>>) target(%dma_start3A_143 : memref<640x64xf32, #tpu.memory_space<hbm>>) target_semaphore(%run_scoped3A : memref<!tpu.dma_semaphore, #tpu.memory_space<semaphore_mem>>)
      %dma_wait3A_146 = arith.constant 0 : i32
      %dma_wait3A_147 = tpu.memref_slice %arg5[%arg0, %mul3A_140, %dma_wait3A_146] : memref<2x10240x64xf32, #tpu.memory_space<hbm>> -> memref<1x640x64xf32, #tpu.memory_space<hbm>>
      %dma_wait3A_148 = tpu.memref_squeeze %dma_wait3A_147 : memref<1x640x64xf32, #tpu.memory_space<hbm>> -> memref<640x64xf32, #tpu.memory_space<hbm>>
      %dma_wait3A_149 = arith.constant 0 : i32
      %dma_wait3A_150 = tpu.memref_slice %arg11[%mul3A_138, %dma_wait3A_149] : memref<10240x64xf32, #tpu.memory_space<vmem_shared>> -> memref<640x64xf32, #tpu.memory_space<vmem_shared>>
      tpu.wait_dma2 semaphore(%run_scoped3A : memref<!tpu.dma_semaphore, #tpu.memory_space<semaphore_mem>>) src(%dma_wait3A_150 : memref<640x64xf32, #tpu.memory_space<vmem_shared>>) dst(%dma_wait3A_148 : memref<640x64xf32, #tpu.memory_space<hbm>>)
      tpu.yield
    }) : () -> ()
    return
  }
}

#map = affine_map<(d0, d1) -> (0, 0, 0)>
#map1 = affine_map<(d0, d1) -> (0)>
#map2 = affine_map<(d0, d1) -> (0, 0)>
module attributes {stable_mosaic.version = 14 : i64} {
  func.func @degree(%arg0: i32, %arg1: i32, %arg2: memref<32x16x625xi32, #tpu.memory_space<hbm>>, %arg3: memref<625xf32, #tpu.memory_space<hbm>>, %arg4: memref<10240xf32, #tpu.memory_space<hbm>>, %arg5: memref<2x10240xf32, #tpu.memory_space<hbm>>, %arg6: memref<16x625xi32, #tpu.memory_space<vmem>>, %arg7: memref<625xf32, #tpu.memory_space<vmem>>, %arg8: memref<10240xf32, #tpu.memory_space<vmem_shared>>, %arg9: memref<!tpu.dma_semaphore, #tpu.memory_space<semaphore_mem>>) attributes {dimension_semantics = [#tpu.dimension_semantics<core_parallel>, #tpu.dimension_semantics<subcore_parallel>], iteration_bounds = array<i64: 2, 16>, scalar_prefetch = 0 : i64, scratch_operands = 4 : i64, tpu.core_type = #tpu.core_type<sc_vector_subcore>, window_params = [{transform_indices = #map}, {transform_indices = #map1}, {transform_indices = #map1}, {transform_indices = #map2}]} {
    %mul3A = arith.constant 2 : i32
    %mul3A_0 = arith.muli %arg1, %mul3A : i32
    %add3A = arith.addi %mul3A_0, %arg0 : i32
    %mul3A_1 = arith.constant 640 : i32
    %mul3A_2 = arith.muli %arg1, %mul3A_1 : i32
    %mul3A_3 = arith.constant 640 : i32
    %mul3A_4 = arith.muli %arg1, %mul3A_3 : i32
    "tpu.region"() ({
      %run_scoped3A = tpu.sem_alloc : memref<!tpu.dma_semaphore, #tpu.memory_space<semaphore_mem>>
      %dma_start3A_200 = tpu.memref_slice %arg8[%mul3A_4] : memref<10240xf32, #tpu.memory_space<vmem_shared>> -> memref<640xf32, #tpu.memory_space<vmem_shared>>
      %dma_start3A_201 = tpu.memref_slice %arg4[%mul3A_2] : memref<10240xf32, #tpu.memory_space<hbm>> -> memref<640xf32, #tpu.memory_space<hbm>>
      tpu.enqueue_dma source(%dma_start3A_201 : memref<640xf32, #tpu.memory_space<hbm>>) target(%dma_start3A_200 : memref<640xf32, #tpu.memory_space<vmem_shared>>) target_semaphore(%run_scoped3A : memref<!tpu.dma_semaphore, #tpu.memory_space<semaphore_mem>>)
      %dma_wait3A_202 = tpu.memref_slice %arg8[%mul3A_4] : memref<10240xf32, #tpu.memory_space<vmem_shared>> -> memref<640xf32, #tpu.memory_space<vmem_shared>>
      %dma_wait3A_203 = tpu.memref_slice %arg4[%mul3A_2] : memref<10240xf32, #tpu.memory_space<hbm>> -> memref<640xf32, #tpu.memory_space<hbm>>
      tpu.wait_dma2 semaphore(%run_scoped3A : memref<!tpu.dma_semaphore, #tpu.memory_space<semaphore_mem>>) src(%dma_wait3A_203 : memref<640xf32, #tpu.memory_space<hbm>>) dst(%dma_wait3A_202 : memref<640xf32, #tpu.memory_space<vmem_shared>>)
      tpu.yield
    }) : () -> ()
    "tpu.region"() ({
      %run_scoped3A = tpu.sem_alloc : memref<!tpu.dma_semaphore, #tpu.memory_space<semaphore_mem>>
      %dma_start3A_200 = arith.constant 0 : i32
      %dma_start3A_201 = arith.constant 0 : i32
      %dma_start3A_202 = tpu.memref_slice %arg2[%add3A, %dma_start3A_200, %dma_start3A_201] : memref<32x16x625xi32, #tpu.memory_space<hbm>> -> memref<1x16x625xi32, #tpu.memory_space<hbm>>
      %dma_start3A_203 = tpu.memref_squeeze %dma_start3A_202 : memref<1x16x625xi32, #tpu.memory_space<hbm>> -> memref<16x625xi32, #tpu.memory_space<hbm>>
      %dma_start3A_204 = arith.constant 0 : i32
      %dma_start3A_205 = arith.constant 0 : i32
      %dma_start3A_206 = tpu.memref_slice %arg2[%add3A, %dma_start3A_204, %dma_start3A_205] : memref<32x16x625xi32, #tpu.memory_space<hbm>> -> memref<1x16x625xi32, #tpu.memory_space<hbm>>
      %dma_start3A_207 = tpu.memref_squeeze %dma_start3A_206 : memref<1x16x625xi32, #tpu.memory_space<hbm>> -> memref<16x625xi32, #tpu.memory_space<hbm>>
      tpu.enqueue_dma source(%dma_start3A_207 : memref<16x625xi32, #tpu.memory_space<hbm>>) target(%arg6 : memref<16x625xi32, #tpu.memory_space<vmem>>) target_semaphore(%run_scoped3A : memref<!tpu.dma_semaphore, #tpu.memory_space<semaphore_mem>>)
      %dma_wait3A_208 = arith.constant 0 : i32
      %dma_wait3A_209 = arith.constant 0 : i32
      %dma_wait3A_210 = tpu.memref_slice %arg2[%add3A, %dma_wait3A_208, %dma_wait3A_209] : memref<32x16x625xi32, #tpu.memory_space<hbm>> -> memref<1x16x625xi32, #tpu.memory_space<hbm>>
      %dma_wait3A_211 = tpu.memref_squeeze %dma_wait3A_210 : memref<1x16x625xi32, #tpu.memory_space<hbm>> -> memref<16x625xi32, #tpu.memory_space<hbm>>
      %dma_wait3A_212 = arith.constant 0 : i32
      %dma_wait3A_213 = arith.constant 0 : i32
      %dma_wait3A_214 = tpu.memref_slice %arg2[%add3A, %dma_wait3A_212, %dma_wait3A_213] : memref<32x16x625xi32, #tpu.memory_space<hbm>> -> memref<1x16x625xi32, #tpu.memory_space<hbm>>
      %dma_wait3A_215 = tpu.memref_squeeze %dma_wait3A_214 : memref<1x16x625xi32, #tpu.memory_space<hbm>> -> memref<16x625xi32, #tpu.memory_space<hbm>>
      tpu.wait_dma2 semaphore(%run_scoped3A : memref<!tpu.dma_semaphore, #tpu.memory_space<semaphore_mem>>) src(%dma_wait3A_215 : memref<16x625xi32, #tpu.memory_space<hbm>>) dst(%arg6 : memref<16x625xi32, #tpu.memory_space<vmem>>)
      tpu.yield
    }) : () -> ()
    "tpu.region"() ({
      %run_scoped3A = tpu.sem_alloc : memref<!tpu.dma_semaphore, #tpu.memory_space<semaphore_mem>>
      tpu.enqueue_dma source(%arg3 : memref<625xf32, #tpu.memory_space<hbm>>) target(%arg7 : memref<625xf32, #tpu.memory_space<vmem>>) target_semaphore(%run_scoped3A : memref<!tpu.dma_semaphore, #tpu.memory_space<semaphore_mem>>)
      tpu.wait_dma2 semaphore(%run_scoped3A : memref<!tpu.dma_semaphore, #tpu.memory_space<semaphore_mem>>) src(%arg3 : memref<625xf32, #tpu.memory_space<hbm>>) dst(%arg7 : memref<625xf32, #tpu.memory_space<vmem>>)
      tpu.yield
    }) : () -> ()
    %barrier3A = arith.constant 0 : index
    tpu.barrier barrier_id(%barrier3A)
    %dma_start3A = arith.constant 0 : i32
    %dma_start3A_5 = arith.constant 0 : i32
    %dma_start3A_6 = tpu.memref_slice %arg6[%dma_start3A, %dma_start3A_5] : memref<16x625xi32, #tpu.memory_space<vmem>> -> memref<1x625xi32, #tpu.memory_space<vmem>>
    %dma_start3A_7 = tpu.memref_squeeze %dma_start3A_6 : memref<1x625xi32, #tpu.memory_space<vmem>> -> memref<625xi32, #tpu.memory_space<vmem>>
    %dma_start3A_8 = arith.constant 0 : i32
    %dma_start3A_9 = tpu.memref_slice %arg8[%dma_start3A_8] : memref<10240xf32, #tpu.memory_space<vmem_shared>> -> memref<10240xf32, #tpu.memory_space<vmem_shared>>
    tpu.enqueue_indirect_dma source(%arg7 : memref<625xf32, #tpu.memory_space<vmem>>) target(%dma_start3A_9 : memref<10240xf32, #tpu.memory_space<vmem_shared>>) offsets(%dma_start3A_7 : memref<625xi32, #tpu.memory_space<vmem>>) semaphore(%arg9 : memref<!tpu.dma_semaphore, #tpu.memory_space<semaphore_mem>>) {add = true}
    %dma_start3A_10 = arith.constant 1 : i32
    %dma_start3A_11 = arith.constant 0 : i32
    %dma_start3A_12 = tpu.memref_slice %arg6[%dma_start3A_10, %dma_start3A_11] : memref<16x625xi32, #tpu.memory_space<vmem>> -> memref<1x625xi32, #tpu.memory_space<vmem>>
    %dma_start3A_13 = tpu.memref_squeeze %dma_start3A_12 : memref<1x625xi32, #tpu.memory_space<vmem>> -> memref<625xi32, #tpu.memory_space<vmem>>
    %dma_start3A_14 = arith.constant 0 : i32
    %dma_start3A_15 = tpu.memref_slice %arg8[%dma_start3A_14] : memref<10240xf32, #tpu.memory_space<vmem_shared>> -> memref<10240xf32, #tpu.memory_space<vmem_shared>>
    tpu.enqueue_indirect_dma source(%arg7 : memref<625xf32, #tpu.memory_space<vmem>>) target(%dma_start3A_15 : memref<10240xf32, #tpu.memory_space<vmem_shared>>) offsets(%dma_start3A_13 : memref<625xi32, #tpu.memory_space<vmem>>) semaphore(%arg9 : memref<!tpu.dma_semaphore, #tpu.memory_space<semaphore_mem>>) {add = true}
    %dma_start3A_16 = arith.constant 2 : i32
    %dma_start3A_17 = arith.constant 0 : i32
    %dma_start3A_18 = tpu.memref_slice %arg6[%dma_start3A_16, %dma_start3A_17] : memref<16x625xi32, #tpu.memory_space<vmem>> -> memref<1x625xi32, #tpu.memory_space<vmem>>
    %dma_start3A_19 = tpu.memref_squeeze %dma_start3A_18 : memref<1x625xi32, #tpu.memory_space<vmem>> -> memref<625xi32, #tpu.memory_space<vmem>>
    %dma_start3A_20 = arith.constant 0 : i32
    %dma_start3A_21 = tpu.memref_slice %arg8[%dma_start3A_20] : memref<10240xf32, #tpu.memory_space<vmem_shared>> -> memref<10240xf32, #tpu.memory_space<vmem_shared>>
    tpu.enqueue_indirect_dma source(%arg7 : memref<625xf32, #tpu.memory_space<vmem>>) target(%dma_start3A_21 : memref<10240xf32, #tpu.memory_space<vmem_shared>>) offsets(%dma_start3A_19 : memref<625xi32, #tpu.memory_space<vmem>>) semaphore(%arg9 : memref<!tpu.dma_semaphore, #tpu.memory_space<semaphore_mem>>) {add = true}
    %dma_start3A_22 = arith.constant 3 : i32
    %dma_start3A_23 = arith.constant 0 : i32
    %dma_start3A_24 = tpu.memref_slice %arg6[%dma_start3A_22, %dma_start3A_23] : memref<16x625xi32, #tpu.memory_space<vmem>> -> memref<1x625xi32, #tpu.memory_space<vmem>>
    %dma_start3A_25 = tpu.memref_squeeze %dma_start3A_24 : memref<1x625xi32, #tpu.memory_space<vmem>> -> memref<625xi32, #tpu.memory_space<vmem>>
    %dma_start3A_26 = arith.constant 0 : i32
    %dma_start3A_27 = tpu.memref_slice %arg8[%dma_start3A_26] : memref<10240xf32, #tpu.memory_space<vmem_shared>> -> memref<10240xf32, #tpu.memory_space<vmem_shared>>
    tpu.enqueue_indirect_dma source(%arg7 : memref<625xf32, #tpu.memory_space<vmem>>) target(%dma_start3A_27 : memref<10240xf32, #tpu.memory_space<vmem_shared>>) offsets(%dma_start3A_25 : memref<625xi32, #tpu.memory_space<vmem>>) semaphore(%arg9 : memref<!tpu.dma_semaphore, #tpu.memory_space<semaphore_mem>>) {add = true}
    %dma_start3A_28 = arith.constant 4 : i32
    %dma_start3A_29 = arith.constant 0 : i32
    %dma_start3A_30 = tpu.memref_slice %arg6[%dma_start3A_28, %dma_start3A_29] : memref<16x625xi32, #tpu.memory_space<vmem>> -> memref<1x625xi32, #tpu.memory_space<vmem>>
    %dma_start3A_31 = tpu.memref_squeeze %dma_start3A_30 : memref<1x625xi32, #tpu.memory_space<vmem>> -> memref<625xi32, #tpu.memory_space<vmem>>
    %dma_start3A_32 = arith.constant 0 : i32
    %dma_start3A_33 = tpu.memref_slice %arg8[%dma_start3A_32] : memref<10240xf32, #tpu.memory_space<vmem_shared>> -> memref<10240xf32, #tpu.memory_space<vmem_shared>>
    tpu.enqueue_indirect_dma source(%arg7 : memref<625xf32, #tpu.memory_space<vmem>>) target(%dma_start3A_33 : memref<10240xf32, #tpu.memory_space<vmem_shared>>) offsets(%dma_start3A_31 : memref<625xi32, #tpu.memory_space<vmem>>) semaphore(%arg9 : memref<!tpu.dma_semaphore, #tpu.memory_space<semaphore_mem>>) {add = true}
    %dma_start3A_34 = arith.constant 5 : i32
    %dma_start3A_35 = arith.constant 0 : i32
    %dma_start3A_36 = tpu.memref_slice %arg6[%dma_start3A_34, %dma_start3A_35] : memref<16x625xi32, #tpu.memory_space<vmem>> -> memref<1x625xi32, #tpu.memory_space<vmem>>
    %dma_start3A_37 = tpu.memref_squeeze %dma_start3A_36 : memref<1x625xi32, #tpu.memory_space<vmem>> -> memref<625xi32, #tpu.memory_space<vmem>>
    %dma_start3A_38 = arith.constant 0 : i32
    %dma_start3A_39 = tpu.memref_slice %arg8[%dma_start3A_38] : memref<10240xf32, #tpu.memory_space<vmem_shared>> -> memref<10240xf32, #tpu.memory_space<vmem_shared>>
    tpu.enqueue_indirect_dma source(%arg7 : memref<625xf32, #tpu.memory_space<vmem>>) target(%dma_start3A_39 : memref<10240xf32, #tpu.memory_space<vmem_shared>>) offsets(%dma_start3A_37 : memref<625xi32, #tpu.memory_space<vmem>>) semaphore(%arg9 : memref<!tpu.dma_semaphore, #tpu.memory_space<semaphore_mem>>) {add = true}
    %dma_start3A_40 = arith.constant 6 : i32
    %dma_start3A_41 = arith.constant 0 : i32
    %dma_start3A_42 = tpu.memref_slice %arg6[%dma_start3A_40, %dma_start3A_41] : memref<16x625xi32, #tpu.memory_space<vmem>> -> memref<1x625xi32, #tpu.memory_space<vmem>>
    %dma_start3A_43 = tpu.memref_squeeze %dma_start3A_42 : memref<1x625xi32, #tpu.memory_space<vmem>> -> memref<625xi32, #tpu.memory_space<vmem>>
    %dma_start3A_44 = arith.constant 0 : i32
    %dma_start3A_45 = tpu.memref_slice %arg8[%dma_start3A_44] : memref<10240xf32, #tpu.memory_space<vmem_shared>> -> memref<10240xf32, #tpu.memory_space<vmem_shared>>
    tpu.enqueue_indirect_dma source(%arg7 : memref<625xf32, #tpu.memory_space<vmem>>) target(%dma_start3A_45 : memref<10240xf32, #tpu.memory_space<vmem_shared>>) offsets(%dma_start3A_43 : memref<625xi32, #tpu.memory_space<vmem>>) semaphore(%arg9 : memref<!tpu.dma_semaphore, #tpu.memory_space<semaphore_mem>>) {add = true}
    %dma_start3A_46 = arith.constant 7 : i32
    %dma_start3A_47 = arith.constant 0 : i32
    %dma_start3A_48 = tpu.memref_slice %arg6[%dma_start3A_46, %dma_start3A_47] : memref<16x625xi32, #tpu.memory_space<vmem>> -> memref<1x625xi32, #tpu.memory_space<vmem>>
    %dma_start3A_49 = tpu.memref_squeeze %dma_start3A_48 : memref<1x625xi32, #tpu.memory_space<vmem>> -> memref<625xi32, #tpu.memory_space<vmem>>
    %dma_start3A_50 = arith.constant 0 : i32
    %dma_start3A_51 = tpu.memref_slice %arg8[%dma_start3A_50] : memref<10240xf32, #tpu.memory_space<vmem_shared>> -> memref<10240xf32, #tpu.memory_space<vmem_shared>>
    tpu.enqueue_indirect_dma source(%arg7 : memref<625xf32, #tpu.memory_space<vmem>>) target(%dma_start3A_51 : memref<10240xf32, #tpu.memory_space<vmem_shared>>) offsets(%dma_start3A_49 : memref<625xi32, #tpu.memory_space<vmem>>) semaphore(%arg9 : memref<!tpu.dma_semaphore, #tpu.memory_space<semaphore_mem>>) {add = true}
    %dma_start3A_52 = arith.constant 8 : i32
    %dma_start3A_53 = arith.constant 0 : i32
    %dma_start3A_54 = tpu.memref_slice %arg6[%dma_start3A_52, %dma_start3A_53] : memref<16x625xi32, #tpu.memory_space<vmem>> -> memref<1x625xi32, #tpu.memory_space<vmem>>
    %dma_start3A_55 = tpu.memref_squeeze %dma_start3A_54 : memref<1x625xi32, #tpu.memory_space<vmem>> -> memref<625xi32, #tpu.memory_space<vmem>>
    %dma_start3A_56 = arith.constant 0 : i32
    %dma_start3A_57 = tpu.memref_slice %arg8[%dma_start3A_56] : memref<10240xf32, #tpu.memory_space<vmem_shared>> -> memref<10240xf32, #tpu.memory_space<vmem_shared>>
    tpu.enqueue_indirect_dma source(%arg7 : memref<625xf32, #tpu.memory_space<vmem>>) target(%dma_start3A_57 : memref<10240xf32, #tpu.memory_space<vmem_shared>>) offsets(%dma_start3A_55 : memref<625xi32, #tpu.memory_space<vmem>>) semaphore(%arg9 : memref<!tpu.dma_semaphore, #tpu.memory_space<semaphore_mem>>) {add = true}
    %dma_start3A_58 = arith.constant 9 : i32
    %dma_start3A_59 = arith.constant 0 : i32
    %dma_start3A_60 = tpu.memref_slice %arg6[%dma_start3A_58, %dma_start3A_59] : memref<16x625xi32, #tpu.memory_space<vmem>> -> memref<1x625xi32, #tpu.memory_space<vmem>>
    %dma_start3A_61 = tpu.memref_squeeze %dma_start3A_60 : memref<1x625xi32, #tpu.memory_space<vmem>> -> memref<625xi32, #tpu.memory_space<vmem>>
    %dma_start3A_62 = arith.constant 0 : i32
    %dma_start3A_63 = tpu.memref_slice %arg8[%dma_start3A_62] : memref<10240xf32, #tpu.memory_space<vmem_shared>> -> memref<10240xf32, #tpu.memory_space<vmem_shared>>
    tpu.enqueue_indirect_dma source(%arg7 : memref<625xf32, #tpu.memory_space<vmem>>) target(%dma_start3A_63 : memref<10240xf32, #tpu.memory_space<vmem_shared>>) offsets(%dma_start3A_61 : memref<625xi32, #tpu.memory_space<vmem>>) semaphore(%arg9 : memref<!tpu.dma_semaphore, #tpu.memory_space<semaphore_mem>>) {add = true}
    %dma_start3A_64 = arith.constant 10 : i32
    %dma_start3A_65 = arith.constant 0 : i32
    %dma_start3A_66 = tpu.memref_slice %arg6[%dma_start3A_64, %dma_start3A_65] : memref<16x625xi32, #tpu.memory_space<vmem>> -> memref<1x625xi32, #tpu.memory_space<vmem>>
    %dma_start3A_67 = tpu.memref_squeeze %dma_start3A_66 : memref<1x625xi32, #tpu.memory_space<vmem>> -> memref<625xi32, #tpu.memory_space<vmem>>
    %dma_start3A_68 = arith.constant 0 : i32
    %dma_start3A_69 = tpu.memref_slice %arg8[%dma_start3A_68] : memref<10240xf32, #tpu.memory_space<vmem_shared>> -> memref<10240xf32, #tpu.memory_space<vmem_shared>>
    tpu.enqueue_indirect_dma source(%arg7 : memref<625xf32, #tpu.memory_space<vmem>>) target(%dma_start3A_69 : memref<10240xf32, #tpu.memory_space<vmem_shared>>) offsets(%dma_start3A_67 : memref<625xi32, #tpu.memory_space<vmem>>) semaphore(%arg9 : memref<!tpu.dma_semaphore, #tpu.memory_space<semaphore_mem>>) {add = true}
    %dma_start3A_70 = arith.constant 11 : i32
    %dma_start3A_71 = arith.constant 0 : i32
    %dma_start3A_72 = tpu.memref_slice %arg6[%dma_start3A_70, %dma_start3A_71] : memref<16x625xi32, #tpu.memory_space<vmem>> -> memref<1x625xi32, #tpu.memory_space<vmem>>
    %dma_start3A_73 = tpu.memref_squeeze %dma_start3A_72 : memref<1x625xi32, #tpu.memory_space<vmem>> -> memref<625xi32, #tpu.memory_space<vmem>>
    %dma_start3A_74 = arith.constant 0 : i32
    %dma_start3A_75 = tpu.memref_slice %arg8[%dma_start3A_74] : memref<10240xf32, #tpu.memory_space<vmem_shared>> -> memref<10240xf32, #tpu.memory_space<vmem_shared>>
    tpu.enqueue_indirect_dma source(%arg7 : memref<625xf32, #tpu.memory_space<vmem>>) target(%dma_start3A_75 : memref<10240xf32, #tpu.memory_space<vmem_shared>>) offsets(%dma_start3A_73 : memref<625xi32, #tpu.memory_space<vmem>>) semaphore(%arg9 : memref<!tpu.dma_semaphore, #tpu.memory_space<semaphore_mem>>) {add = true}
    %dma_start3A_76 = arith.constant 12 : i32
    %dma_start3A_77 = arith.constant 0 : i32
    %dma_start3A_78 = tpu.memref_slice %arg6[%dma_start3A_76, %dma_start3A_77] : memref<16x625xi32, #tpu.memory_space<vmem>> -> memref<1x625xi32, #tpu.memory_space<vmem>>
    %dma_start3A_79 = tpu.memref_squeeze %dma_start3A_78 : memref<1x625xi32, #tpu.memory_space<vmem>> -> memref<625xi32, #tpu.memory_space<vmem>>
    %dma_start3A_80 = arith.constant 0 : i32
    %dma_start3A_81 = tpu.memref_slice %arg8[%dma_start3A_80] : memref<10240xf32, #tpu.memory_space<vmem_shared>> -> memref<10240xf32, #tpu.memory_space<vmem_shared>>
    tpu.enqueue_indirect_dma source(%arg7 : memref<625xf32, #tpu.memory_space<vmem>>) target(%dma_start3A_81 : memref<10240xf32, #tpu.memory_space<vmem_shared>>) offsets(%dma_start3A_79 : memref<625xi32, #tpu.memory_space<vmem>>) semaphore(%arg9 : memref<!tpu.dma_semaphore, #tpu.memory_space<semaphore_mem>>) {add = true}
    %dma_start3A_82 = arith.constant 13 : i32
    %dma_start3A_83 = arith.constant 0 : i32
    %dma_start3A_84 = tpu.memref_slice %arg6[%dma_start3A_82, %dma_start3A_83] : memref<16x625xi32, #tpu.memory_space<vmem>> -> memref<1x625xi32, #tpu.memory_space<vmem>>
    %dma_start3A_85 = tpu.memref_squeeze %dma_start3A_84 : memref<1x625xi32, #tpu.memory_space<vmem>> -> memref<625xi32, #tpu.memory_space<vmem>>
    %dma_start3A_86 = arith.constant 0 : i32
    %dma_start3A_87 = tpu.memref_slice %arg8[%dma_start3A_86] : memref<10240xf32, #tpu.memory_space<vmem_shared>> -> memref<10240xf32, #tpu.memory_space<vmem_shared>>
    tpu.enqueue_indirect_dma source(%arg7 : memref<625xf32, #tpu.memory_space<vmem>>) target(%dma_start3A_87 : memref<10240xf32, #tpu.memory_space<vmem_shared>>) offsets(%dma_start3A_85 : memref<625xi32, #tpu.memory_space<vmem>>) semaphore(%arg9 : memref<!tpu.dma_semaphore, #tpu.memory_space<semaphore_mem>>) {add = true}
    %dma_start3A_88 = arith.constant 14 : i32
    %dma_start3A_89 = arith.constant 0 : i32
    %dma_start3A_90 = tpu.memref_slice %arg6[%dma_start3A_88, %dma_start3A_89] : memref<16x625xi32, #tpu.memory_space<vmem>> -> memref<1x625xi32, #tpu.memory_space<vmem>>
    %dma_start3A_91 = tpu.memref_squeeze %dma_start3A_90 : memref<1x625xi32, #tpu.memory_space<vmem>> -> memref<625xi32, #tpu.memory_space<vmem>>
    %dma_start3A_92 = arith.constant 0 : i32
    %dma_start3A_93 = tpu.memref_slice %arg8[%dma_start3A_92] : memref<10240xf32, #tpu.memory_space<vmem_shared>> -> memref<10240xf32, #tpu.memory_space<vmem_shared>>
    tpu.enqueue_indirect_dma source(%arg7 : memref<625xf32, #tpu.memory_space<vmem>>) target(%dma_start3A_93 : memref<10240xf32, #tpu.memory_space<vmem_shared>>) offsets(%dma_start3A_91 : memref<625xi32, #tpu.memory_space<vmem>>) semaphore(%arg9 : memref<!tpu.dma_semaphore, #tpu.memory_space<semaphore_mem>>) {add = true}
    %dma_start3A_94 = arith.constant 15 : i32
    %dma_start3A_95 = arith.constant 0 : i32
    %dma_start3A_96 = tpu.memref_slice %arg6[%dma_start3A_94, %dma_start3A_95] : memref<16x625xi32, #tpu.memory_space<vmem>> -> memref<1x625xi32, #tpu.memory_space<vmem>>
    %dma_start3A_97 = tpu.memref_squeeze %dma_start3A_96 : memref<1x625xi32, #tpu.memory_space<vmem>> -> memref<625xi32, #tpu.memory_space<vmem>>
    %dma_start3A_98 = arith.constant 0 : i32
    %dma_start3A_99 = tpu.memref_slice %arg8[%dma_start3A_98] : memref<10240xf32, #tpu.memory_space<vmem_shared>> -> memref<10240xf32, #tpu.memory_space<vmem_shared>>
    tpu.enqueue_indirect_dma source(%arg7 : memref<625xf32, #tpu.memory_space<vmem>>) target(%dma_start3A_99 : memref<10240xf32, #tpu.memory_space<vmem_shared>>) offsets(%dma_start3A_97 : memref<625xi32, #tpu.memory_space<vmem>>) semaphore(%arg9 : memref<!tpu.dma_semaphore, #tpu.memory_space<semaphore_mem>>) {add = true}
    %dma_wait3A = arith.constant 0 : i32
    %dma_wait3A_100 = arith.constant 0 : i32
    %dma_wait3A_101 = tpu.memref_slice %arg6[%dma_wait3A, %dma_wait3A_100] : memref<16x625xi32, #tpu.memory_space<vmem>> -> memref<1x625xi32, #tpu.memory_space<vmem>>
    %dma_wait3A_102 = tpu.memref_squeeze %dma_wait3A_101 : memref<1x625xi32, #tpu.memory_space<vmem>> -> memref<625xi32, #tpu.memory_space<vmem>>
    %dma_wait3A_103 = arith.constant 0 : i32
    %dma_wait3A_104 = tpu.memref_slice %arg8[%dma_wait3A_103] : memref<10240xf32, #tpu.memory_space<vmem_shared>> -> memref<10240xf32, #tpu.memory_space<vmem_shared>>
    tpu.wait_indirect_dma semaphore(%arg9 : memref<!tpu.dma_semaphore, #tpu.memory_space<semaphore_mem>>) src(%arg7 : memref<625xf32, #tpu.memory_space<vmem>>) dst(%dma_wait3A_104 : memref<10240xf32, #tpu.memory_space<vmem_shared>>)
    %dma_wait3A_105 = arith.constant 1 : i32
    %dma_wait3A_106 = arith.constant 0 : i32
    %dma_wait3A_107 = tpu.memref_slice %arg6[%dma_wait3A_105, %dma_wait3A_106] : memref<16x625xi32, #tpu.memory_space<vmem>> -> memref<1x625xi32, #tpu.memory_space<vmem>>
    %dma_wait3A_108 = tpu.memref_squeeze %dma_wait3A_107 : memref<1x625xi32, #tpu.memory_space<vmem>> -> memref<625xi32, #tpu.memory_space<vmem>>
    %dma_wait3A_109 = arith.constant 0 : i32
    %dma_wait3A_110 = tpu.memref_slice %arg8[%dma_wait3A_109] : memref<10240xf32, #tpu.memory_space<vmem_shared>> -> memref<10240xf32, #tpu.memory_space<vmem_shared>>
    tpu.wait_indirect_dma semaphore(%arg9 : memref<!tpu.dma_semaphore, #tpu.memory_space<semaphore_mem>>) src(%arg7 : memref<625xf32, #tpu.memory_space<vmem>>) dst(%dma_wait3A_110 : memref<10240xf32, #tpu.memory_space<vmem_shared>>)
    %dma_wait3A_111 = arith.constant 2 : i32
    %dma_wait3A_112 = arith.constant 0 : i32
    %dma_wait3A_113 = tpu.memref_slice %arg6[%dma_wait3A_111, %dma_wait3A_112] : memref<16x625xi32, #tpu.memory_space<vmem>> -> memref<1x625xi32, #tpu.memory_space<vmem>>
    %dma_wait3A_114 = tpu.memref_squeeze %dma_wait3A_113 : memref<1x625xi32, #tpu.memory_space<vmem>> -> memref<625xi32, #tpu.memory_space<vmem>>
    %dma_wait3A_115 = arith.constant 0 : i32
    %dma_wait3A_116 = tpu.memref_slice %arg8[%dma_wait3A_115] : memref<10240xf32, #tpu.memory_space<vmem_shared>> -> memref<10240xf32, #tpu.memory_space<vmem_shared>>
    tpu.wait_indirect_dma semaphore(%arg9 : memref<!tpu.dma_semaphore, #tpu.memory_space<semaphore_mem>>) src(%arg7 : memref<625xf32, #tpu.memory_space<vmem>>) dst(%dma_wait3A_116 : memref<10240xf32, #tpu.memory_space<vmem_shared>>)
    %dma_wait3A_117 = arith.constant 3 : i32
    %dma_wait3A_118 = arith.constant 0 : i32
    %dma_wait3A_119 = tpu.memref_slice %arg6[%dma_wait3A_117, %dma_wait3A_118] : memref<16x625xi32, #tpu.memory_space<vmem>> -> memref<1x625xi32, #tpu.memory_space<vmem>>
    %dma_wait3A_120 = tpu.memref_squeeze %dma_wait3A_119 : memref<1x625xi32, #tpu.memory_space<vmem>> -> memref<625xi32, #tpu.memory_space<vmem>>
    %dma_wait3A_121 = arith.constant 0 : i32
    %dma_wait3A_122 = tpu.memref_slice %arg8[%dma_wait3A_121] : memref<10240xf32, #tpu.memory_space<vmem_shared>> -> memref<10240xf32, #tpu.memory_space<vmem_shared>>
    tpu.wait_indirect_dma semaphore(%arg9 : memref<!tpu.dma_semaphore, #tpu.memory_space<semaphore_mem>>) src(%arg7 : memref<625xf32, #tpu.memory_space<vmem>>) dst(%dma_wait3A_122 : memref<10240xf32, #tpu.memory_space<vmem_shared>>)
    %dma_wait3A_123 = arith.constant 4 : i32
    %dma_wait3A_124 = arith.constant 0 : i32
    %dma_wait3A_125 = tpu.memref_slice %arg6[%dma_wait3A_123, %dma_wait3A_124] : memref<16x625xi32, #tpu.memory_space<vmem>> -> memref<1x625xi32, #tpu.memory_space<vmem>>
    %dma_wait3A_126 = tpu.memref_squeeze %dma_wait3A_125 : memref<1x625xi32, #tpu.memory_space<vmem>> -> memref<625xi32, #tpu.memory_space<vmem>>
    %dma_wait3A_127 = arith.constant 0 : i32
    %dma_wait3A_128 = tpu.memref_slice %arg8[%dma_wait3A_127] : memref<10240xf32, #tpu.memory_space<vmem_shared>> -> memref<10240xf32, #tpu.memory_space<vmem_shared>>
    tpu.wait_indirect_dma semaphore(%arg9 : memref<!tpu.dma_semaphore, #tpu.memory_space<semaphore_mem>>) src(%arg7 : memref<625xf32, #tpu.memory_space<vmem>>) dst(%dma_wait3A_128 : memref<10240xf32, #tpu.memory_space<vmem_shared>>)
    %dma_wait3A_129 = arith.constant 5 : i32
    %dma_wait3A_130 = arith.constant 0 : i32
    %dma_wait3A_131 = tpu.memref_slice %arg6[%dma_wait3A_129, %dma_wait3A_130] : memref<16x625xi32, #tpu.memory_space<vmem>> -> memref<1x625xi32, #tpu.memory_space<vmem>>
    %dma_wait3A_132 = tpu.memref_squeeze %dma_wait3A_131 : memref<1x625xi32, #tpu.memory_space<vmem>> -> memref<625xi32, #tpu.memory_space<vmem>>
    %dma_wait3A_133 = arith.constant 0 : i32
    %dma_wait3A_134 = tpu.memref_slice %arg8[%dma_wait3A_133] : memref<10240xf32, #tpu.memory_space<vmem_shared>> -> memref<10240xf32, #tpu.memory_space<vmem_shared>>
    tpu.wait_indirect_dma semaphore(%arg9 : memref<!tpu.dma_semaphore, #tpu.memory_space<semaphore_mem>>) src(%arg7 : memref<625xf32, #tpu.memory_space<vmem>>) dst(%dma_wait3A_134 : memref<10240xf32, #tpu.memory_space<vmem_shared>>)
    %dma_wait3A_135 = arith.constant 6 : i32
    %dma_wait3A_136 = arith.constant 0 : i32
    %dma_wait3A_137 = tpu.memref_slice %arg6[%dma_wait3A_135, %dma_wait3A_136] : memref<16x625xi32, #tpu.memory_space<vmem>> -> memref<1x625xi32, #tpu.memory_space<vmem>>
    %dma_wait3A_138 = tpu.memref_squeeze %dma_wait3A_137 : memref<1x625xi32, #tpu.memory_space<vmem>> -> memref<625xi32, #tpu.memory_space<vmem>>
    %dma_wait3A_139 = arith.constant 0 : i32
    %dma_wait3A_140 = tpu.memref_slice %arg8[%dma_wait3A_139] : memref<10240xf32, #tpu.memory_space<vmem_shared>> -> memref<10240xf32, #tpu.memory_space<vmem_shared>>
    tpu.wait_indirect_dma semaphore(%arg9 : memref<!tpu.dma_semaphore, #tpu.memory_space<semaphore_mem>>) src(%arg7 : memref<625xf32, #tpu.memory_space<vmem>>) dst(%dma_wait3A_140 : memref<10240xf32, #tpu.memory_space<vmem_shared>>)
    %dma_wait3A_141 = arith.constant 7 : i32
    %dma_wait3A_142 = arith.constant 0 : i32
    %dma_wait3A_143 = tpu.memref_slice %arg6[%dma_wait3A_141, %dma_wait3A_142] : memref<16x625xi32, #tpu.memory_space<vmem>> -> memref<1x625xi32, #tpu.memory_space<vmem>>
    %dma_wait3A_144 = tpu.memref_squeeze %dma_wait3A_143 : memref<1x625xi32, #tpu.memory_space<vmem>> -> memref<625xi32, #tpu.memory_space<vmem>>
    %dma_wait3A_145 = arith.constant 0 : i32
    %dma_wait3A_146 = tpu.memref_slice %arg8[%dma_wait3A_145] : memref<10240xf32, #tpu.memory_space<vmem_shared>> -> memref<10240xf32, #tpu.memory_space<vmem_shared>>
    tpu.wait_indirect_dma semaphore(%arg9 : memref<!tpu.dma_semaphore, #tpu.memory_space<semaphore_mem>>) src(%arg7 : memref<625xf32, #tpu.memory_space<vmem>>) dst(%dma_wait3A_146 : memref<10240xf32, #tpu.memory_space<vmem_shared>>)
    %dma_wait3A_147 = arith.constant 8 : i32
    %dma_wait3A_148 = arith.constant 0 : i32
    %dma_wait3A_149 = tpu.memref_slice %arg6[%dma_wait3A_147, %dma_wait3A_148] : memref<16x625xi32, #tpu.memory_space<vmem>> -> memref<1x625xi32, #tpu.memory_space<vmem>>
    %dma_wait3A_150 = tpu.memref_squeeze %dma_wait3A_149 : memref<1x625xi32, #tpu.memory_space<vmem>> -> memref<625xi32, #tpu.memory_space<vmem>>
    %dma_wait3A_151 = arith.constant 0 : i32
    %dma_wait3A_152 = tpu.memref_slice %arg8[%dma_wait3A_151] : memref<10240xf32, #tpu.memory_space<vmem_shared>> -> memref<10240xf32, #tpu.memory_space<vmem_shared>>
    tpu.wait_indirect_dma semaphore(%arg9 : memref<!tpu.dma_semaphore, #tpu.memory_space<semaphore_mem>>) src(%arg7 : memref<625xf32, #tpu.memory_space<vmem>>) dst(%dma_wait3A_152 : memref<10240xf32, #tpu.memory_space<vmem_shared>>)
    %dma_wait3A_153 = arith.constant 9 : i32
    %dma_wait3A_154 = arith.constant 0 : i32
    %dma_wait3A_155 = tpu.memref_slice %arg6[%dma_wait3A_153, %dma_wait3A_154] : memref<16x625xi32, #tpu.memory_space<vmem>> -> memref<1x625xi32, #tpu.memory_space<vmem>>
    %dma_wait3A_156 = tpu.memref_squeeze %dma_wait3A_155 : memref<1x625xi32, #tpu.memory_space<vmem>> -> memref<625xi32, #tpu.memory_space<vmem>>
    %dma_wait3A_157 = arith.constant 0 : i32
    %dma_wait3A_158 = tpu.memref_slice %arg8[%dma_wait3A_157] : memref<10240xf32, #tpu.memory_space<vmem_shared>> -> memref<10240xf32, #tpu.memory_space<vmem_shared>>
    tpu.wait_indirect_dma semaphore(%arg9 : memref<!tpu.dma_semaphore, #tpu.memory_space<semaphore_mem>>) src(%arg7 : memref<625xf32, #tpu.memory_space<vmem>>) dst(%dma_wait3A_158 : memref<10240xf32, #tpu.memory_space<vmem_shared>>)
    %dma_wait3A_159 = arith.constant 10 : i32
    %dma_wait3A_160 = arith.constant 0 : i32
    %dma_wait3A_161 = tpu.memref_slice %arg6[%dma_wait3A_159, %dma_wait3A_160] : memref<16x625xi32, #tpu.memory_space<vmem>> -> memref<1x625xi32, #tpu.memory_space<vmem>>
    %dma_wait3A_162 = tpu.memref_squeeze %dma_wait3A_161 : memref<1x625xi32, #tpu.memory_space<vmem>> -> memref<625xi32, #tpu.memory_space<vmem>>
    %dma_wait3A_163 = arith.constant 0 : i32
    %dma_wait3A_164 = tpu.memref_slice %arg8[%dma_wait3A_163] : memref<10240xf32, #tpu.memory_space<vmem_shared>> -> memref<10240xf32, #tpu.memory_space<vmem_shared>>
    tpu.wait_indirect_dma semaphore(%arg9 : memref<!tpu.dma_semaphore, #tpu.memory_space<semaphore_mem>>) src(%arg7 : memref<625xf32, #tpu.memory_space<vmem>>) dst(%dma_wait3A_164 : memref<10240xf32, #tpu.memory_space<vmem_shared>>)
    %dma_wait3A_165 = arith.constant 11 : i32
    %dma_wait3A_166 = arith.constant 0 : i32
    %dma_wait3A_167 = tpu.memref_slice %arg6[%dma_wait3A_165, %dma_wait3A_166] : memref<16x625xi32, #tpu.memory_space<vmem>> -> memref<1x625xi32, #tpu.memory_space<vmem>>
    %dma_wait3A_168 = tpu.memref_squeeze %dma_wait3A_167 : memref<1x625xi32, #tpu.memory_space<vmem>> -> memref<625xi32, #tpu.memory_space<vmem>>
    %dma_wait3A_169 = arith.constant 0 : i32
    %dma_wait3A_170 = tpu.memref_slice %arg8[%dma_wait3A_169] : memref<10240xf32, #tpu.memory_space<vmem_shared>> -> memref<10240xf32, #tpu.memory_space<vmem_shared>>
    tpu.wait_indirect_dma semaphore(%arg9 : memref<!tpu.dma_semaphore, #tpu.memory_space<semaphore_mem>>) src(%arg7 : memref<625xf32, #tpu.memory_space<vmem>>) dst(%dma_wait3A_170 : memref<10240xf32, #tpu.memory_space<vmem_shared>>)
    %dma_wait3A_171 = arith.constant 12 : i32
    %dma_wait3A_172 = arith.constant 0 : i32
    %dma_wait3A_173 = tpu.memref_slice %arg6[%dma_wait3A_171, %dma_wait3A_172] : memref<16x625xi32, #tpu.memory_space<vmem>> -> memref<1x625xi32, #tpu.memory_space<vmem>>
    %dma_wait3A_174 = tpu.memref_squeeze %dma_wait3A_173 : memref<1x625xi32, #tpu.memory_space<vmem>> -> memref<625xi32, #tpu.memory_space<vmem>>
    %dma_wait3A_175 = arith.constant 0 : i32
    %dma_wait3A_176 = tpu.memref_slice %arg8[%dma_wait3A_175] : memref<10240xf32, #tpu.memory_space<vmem_shared>> -> memref<10240xf32, #tpu.memory_space<vmem_shared>>
    tpu.wait_indirect_dma semaphore(%arg9 : memref<!tpu.dma_semaphore, #tpu.memory_space<semaphore_mem>>) src(%arg7 : memref<625xf32, #tpu.memory_space<vmem>>) dst(%dma_wait3A_176 : memref<10240xf32, #tpu.memory_space<vmem_shared>>)
    %dma_wait3A_177 = arith.constant 13 : i32
    %dma_wait3A_178 = arith.constant 0 : i32
    %dma_wait3A_179 = tpu.memref_slice %arg6[%dma_wait3A_177, %dma_wait3A_178] : memref<16x625xi32, #tpu.memory_space<vmem>> -> memref<1x625xi32, #tpu.memory_space<vmem>>
    %dma_wait3A_180 = tpu.memref_squeeze %dma_wait3A_179 : memref<1x625xi32, #tpu.memory_space<vmem>> -> memref<625xi32, #tpu.memory_space<vmem>>
    %dma_wait3A_181 = arith.constant 0 : i32
    %dma_wait3A_182 = tpu.memref_slice %arg8[%dma_wait3A_181] : memref<10240xf32, #tpu.memory_space<vmem_shared>> -> memref<10240xf32, #tpu.memory_space<vmem_shared>>
    tpu.wait_indirect_dma semaphore(%arg9 : memref<!tpu.dma_semaphore, #tpu.memory_space<semaphore_mem>>) src(%arg7 : memref<625xf32, #tpu.memory_space<vmem>>) dst(%dma_wait3A_182 : memref<10240xf32, #tpu.memory_space<vmem_shared>>)
    %dma_wait3A_183 = arith.constant 14 : i32
    %dma_wait3A_184 = arith.constant 0 : i32
    %dma_wait3A_185 = tpu.memref_slice %arg6[%dma_wait3A_183, %dma_wait3A_184] : memref<16x625xi32, #tpu.memory_space<vmem>> -> memref<1x625xi32, #tpu.memory_space<vmem>>
    %dma_wait3A_186 = tpu.memref_squeeze %dma_wait3A_185 : memref<1x625xi32, #tpu.memory_space<vmem>> -> memref<625xi32, #tpu.memory_space<vmem>>
    %dma_wait3A_187 = arith.constant 0 : i32
    %dma_wait3A_188 = tpu.memref_slice %arg8[%dma_wait3A_187] : memref<10240xf32, #tpu.memory_space<vmem_shared>> -> memref<10240xf32, #tpu.memory_space<vmem_shared>>
    tpu.wait_indirect_dma semaphore(%arg9 : memref<!tpu.dma_semaphore, #tpu.memory_space<semaphore_mem>>) src(%arg7 : memref<625xf32, #tpu.memory_space<vmem>>) dst(%dma_wait3A_188 : memref<10240xf32, #tpu.memory_space<vmem_shared>>)
    %dma_wait3A_189 = arith.constant 15 : i32
    %dma_wait3A_190 = arith.constant 0 : i32
    %dma_wait3A_191 = tpu.memref_slice %arg6[%dma_wait3A_189, %dma_wait3A_190] : memref<16x625xi32, #tpu.memory_space<vmem>> -> memref<1x625xi32, #tpu.memory_space<vmem>>
    %dma_wait3A_192 = tpu.memref_squeeze %dma_wait3A_191 : memref<1x625xi32, #tpu.memory_space<vmem>> -> memref<625xi32, #tpu.memory_space<vmem>>
    %dma_wait3A_193 = arith.constant 0 : i32
    %dma_wait3A_194 = tpu.memref_slice %arg8[%dma_wait3A_193] : memref<10240xf32, #tpu.memory_space<vmem_shared>> -> memref<10240xf32, #tpu.memory_space<vmem_shared>>
    tpu.wait_indirect_dma semaphore(%arg9 : memref<!tpu.dma_semaphore, #tpu.memory_space<semaphore_mem>>) src(%arg7 : memref<625xf32, #tpu.memory_space<vmem>>) dst(%dma_wait3A_194 : memref<10240xf32, #tpu.memory_space<vmem_shared>>)
    %barrier3A_195 = arith.constant 0 : index
    tpu.barrier barrier_id(%barrier3A_195)
    %mul3A_196 = arith.constant 640 : i32
    %mul3A_197 = arith.muli %arg1, %mul3A_196 : i32
    %mul3A_198 = arith.constant 640 : i32
    %mul3A_199 = arith.muli %arg1, %mul3A_198 : i32
    "tpu.region"() ({
      %run_scoped3A = tpu.sem_alloc : memref<!tpu.dma_semaphore, #tpu.memory_space<semaphore_mem>>
      %dma_start3A_200 = tpu.memref_slice %arg5[%arg0, %mul3A_199] : memref<2x10240xf32, #tpu.memory_space<hbm>> -> memref<1x640xf32, #tpu.memory_space<hbm>>
      %dma_start3A_201 = tpu.memref_squeeze %dma_start3A_200 : memref<1x640xf32, #tpu.memory_space<hbm>> -> memref<640xf32, #tpu.memory_space<hbm>>
      %dma_start3A_202 = tpu.memref_slice %arg8[%mul3A_197] : memref<10240xf32, #tpu.memory_space<vmem_shared>> -> memref<640xf32, #tpu.memory_space<vmem_shared>>
      tpu.enqueue_dma source(%dma_start3A_202 : memref<640xf32, #tpu.memory_space<vmem_shared>>) target(%dma_start3A_201 : memref<640xf32, #tpu.memory_space<hbm>>) target_semaphore(%run_scoped3A : memref<!tpu.dma_semaphore, #tpu.memory_space<semaphore_mem>>)
      %dma_wait3A_203 = tpu.memref_slice %arg5[%arg0, %mul3A_199] : memref<2x10240xf32, #tpu.memory_space<hbm>> -> memref<1x640xf32, #tpu.memory_space<hbm>>
      %dma_wait3A_204 = tpu.memref_squeeze %dma_wait3A_203 : memref<1x640xf32, #tpu.memory_space<hbm>> -> memref<640xf32, #tpu.memory_space<hbm>>
      %dma_wait3A_205 = tpu.memref_slice %arg8[%mul3A_197] : memref<10240xf32, #tpu.memory_space<vmem_shared>> -> memref<640xf32, #tpu.memory_space<vmem_shared>>
      tpu.wait_dma2 semaphore(%run_scoped3A : memref<!tpu.dma_semaphore, #tpu.memory_space<semaphore_mem>>) src(%dma_wait3A_205 : memref<640xf32, #tpu.memory_space<vmem_shared>>) dst(%dma_wait3A_204 : memref<640xf32, #tpu.memory_space<hbm>>)
      tpu.yield
    }) : () -> ()
    return
  }
}

#map = affine_map<(d0, d1) -> (0, 0)>
#map1 = affine_map<(d0, d1) -> (0, 0, 0, 0)>
#map2 = affine_map<(d0, d1) -> (0, 0, 0)>
module attributes {stable_mosaic.version = 14 : i64} {
  func.func @propagate(%arg0: i32, %arg1: i32, %arg2: memref<10000x64xf32, #tpu.memory_space<hbm>>, %arg3: memref<32x80x2x125xi32, #tpu.memory_space<hbm>>, %arg4: memref<10240x64xf32, #tpu.memory_space<hbm>>, %arg5: memref<2x10240x64xf32, #tpu.memory_space<hbm>>, %arg6: memref<80x2x125xi32, #tpu.memory_space<vmem>>, %arg7: memref<125x64xf32, #tpu.memory_space<vmem>>, %arg8: memref<125x64xf32, #tpu.memory_space<vmem>>, %arg9: memref<125x64xf32, #tpu.memory_space<vmem>>, %arg10: memref<125x64xf32, #tpu.memory_space<vmem>>, %arg11: memref<10240x64xf32, #tpu.memory_space<vmem_shared>>, %arg12: memref<!tpu.dma_semaphore, #tpu.memory_space<semaphore_mem>>, %arg13: memref<!tpu.dma_semaphore, #tpu.memory_space<semaphore_mem>>, %arg14: memref<!tpu.dma_semaphore, #tpu.memory_space<semaphore_mem>>, %arg15: memref<!tpu.dma_semaphore, #tpu.memory_space<semaphore_mem>>, %arg16: memref<!tpu.dma_semaphore, #tpu.memory_space<semaphore_mem>>, %arg17: memref<!tpu.dma_semaphore, #tpu.memory_space<semaphore_mem>>, %arg18: memref<!tpu.dma_semaphore, #tpu.memory_space<semaphore_mem>>, %arg19: memref<!tpu.dma_semaphore, #tpu.memory_space<semaphore_mem>>) attributes {dimension_semantics = [#tpu.dimension_semantics<core_parallel>, #tpu.dimension_semantics<subcore_parallel>], iteration_bounds = array<i64: 2, 16>, scalar_prefetch = 0 : i64, scratch_operands = 14 : i64, tpu.core_type = #tpu.core_type<sc_vector_subcore>, window_params = [{transform_indices = #map}, {transform_indices = #map1}, {transform_indices = #map}, {transform_indices = #map2}]} {
    %mul3A = arith.constant 2 : i32
    %mul3A_0 = arith.muli %arg1, %mul3A : i32
    %add3A = arith.addi %mul3A_0, %arg0 : i32
    %mul3A_1 = arith.constant 640 : i32
    %mul3A_2 = arith.muli %arg1, %mul3A_1 : i32
    %mul3A_3 = arith.constant 640 : i32
    %mul3A_4 = arith.muli %arg1, %mul3A_3 : i32
    "tpu.region"() ({
      %run_scoped3A = tpu.sem_alloc : memref<!tpu.dma_semaphore, #tpu.memory_space<semaphore_mem>>
      %dma_start3A_141 = arith.constant 0 : i32
      %dma_start3A_142 = tpu.memref_slice %arg11[%mul3A_4, %dma_start3A_141] : memref<10240x64xf32, #tpu.memory_space<vmem_shared>> -> memref<640x64xf32, #tpu.memory_space<vmem_shared>>
      %dma_start3A_143 = arith.constant 0 : i32
      %dma_start3A_144 = tpu.memref_slice %arg4[%mul3A_2, %dma_start3A_143] : memref<10240x64xf32, #tpu.memory_space<hbm>> -> memref<640x64xf32, #tpu.memory_space<hbm>>
      tpu.enqueue_dma source(%dma_start3A_144 : memref<640x64xf32, #tpu.memory_space<hbm>>) target(%dma_start3A_142 : memref<640x64xf32, #tpu.memory_space<vmem_shared>>) target_semaphore(%run_scoped3A : memref<!tpu.dma_semaphore, #tpu.memory_space<semaphore_mem>>)
      %dma_wait3A_145 = arith.constant 0 : i32
      %dma_wait3A_146 = tpu.memref_slice %arg11[%mul3A_4, %dma_wait3A_145] : memref<10240x64xf32, #tpu.memory_space<vmem_shared>> -> memref<640x64xf32, #tpu.memory_space<vmem_shared>>
      %dma_wait3A_147 = arith.constant 0 : i32
      %dma_wait3A_148 = tpu.memref_slice %arg4[%mul3A_2, %dma_wait3A_147] : memref<10240x64xf32, #tpu.memory_space<hbm>> -> memref<640x64xf32, #tpu.memory_space<hbm>>
      tpu.wait_dma2 semaphore(%run_scoped3A : memref<!tpu.dma_semaphore, #tpu.memory_space<semaphore_mem>>) src(%dma_wait3A_148 : memref<640x64xf32, #tpu.memory_space<hbm>>) dst(%dma_wait3A_146 : memref<640x64xf32, #tpu.memory_space<vmem_shared>>)
      tpu.yield
    }) : () -> ()
    "tpu.region"() ({
      %run_scoped3A = tpu.sem_alloc : memref<!tpu.dma_semaphore, #tpu.memory_space<semaphore_mem>>
      %dma_start3A_141 = arith.constant 0 : i32
      %dma_start3A_142 = arith.constant 0 : i32
      %dma_start3A_143 = arith.constant 0 : i32
      %dma_start3A_144 = tpu.memref_slice %arg3[%add3A, %dma_start3A_141, %dma_start3A_142, %dma_start3A_143] : memref<32x80x2x125xi32, #tpu.memory_space<hbm>> -> memref<1x80x2x125xi32, #tpu.memory_space<hbm>>
      %dma_start3A_145 = tpu.memref_squeeze %dma_start3A_144 : memref<1x80x2x125xi32, #tpu.memory_space<hbm>> -> memref<80x2x125xi32, #tpu.memory_space<hbm>>
      %dma_start3A_146 = arith.constant 0 : i32
      %dma_start3A_147 = arith.constant 0 : i32
      %dma_start3A_148 = arith.constant 0 : i32
      %dma_start3A_149 = tpu.memref_slice %arg3[%add3A, %dma_start3A_146, %dma_start3A_147, %dma_start3A_148] : memref<32x80x2x125xi32, #tpu.memory_space<hbm>> -> memref<1x80x2x125xi32, #tpu.memory_space<hbm>>
      %dma_start3A_150 = tpu.memref_squeeze %dma_start3A_149 : memref<1x80x2x125xi32, #tpu.memory_space<hbm>> -> memref<80x2x125xi32, #tpu.memory_space<hbm>>
      tpu.enqueue_dma source(%dma_start3A_150 : memref<80x2x125xi32, #tpu.memory_space<hbm>>) target(%arg6 : memref<80x2x125xi32, #tpu.memory_space<vmem>>) target_semaphore(%run_scoped3A : memref<!tpu.dma_semaphore, #tpu.memory_space<semaphore_mem>>)
      %dma_wait3A_151 = arith.constant 0 : i32
      %dma_wait3A_152 = arith.constant 0 : i32
      %dma_wait3A_153 = arith.constant 0 : i32
      %dma_wait3A_154 = tpu.memref_slice %arg3[%add3A, %dma_wait3A_151, %dma_wait3A_152, %dma_wait3A_153] : memref<32x80x2x125xi32, #tpu.memory_space<hbm>> -> memref<1x80x2x125xi32, #tpu.memory_space<hbm>>
      %dma_wait3A_155 = tpu.memref_squeeze %dma_wait3A_154 : memref<1x80x2x125xi32, #tpu.memory_space<hbm>> -> memref<80x2x125xi32, #tpu.memory_space<hbm>>
      %dma_wait3A_156 = arith.constant 0 : i32
      %dma_wait3A_157 = arith.constant 0 : i32
      %dma_wait3A_158 = arith.constant 0 : i32
      %dma_wait3A_159 = tpu.memref_slice %arg3[%add3A, %dma_wait3A_156, %dma_wait3A_157, %dma_wait3A_158] : memref<32x80x2x125xi32, #tpu.memory_space<hbm>> -> memref<1x80x2x125xi32, #tpu.memory_space<hbm>>
      %dma_wait3A_160 = tpu.memref_squeeze %dma_wait3A_159 : memref<1x80x2x125xi32, #tpu.memory_space<hbm>> -> memref<80x2x125xi32, #tpu.memory_space<hbm>>
      tpu.wait_dma2 semaphore(%run_scoped3A : memref<!tpu.dma_semaphore, #tpu.memory_space<semaphore_mem>>) src(%dma_wait3A_160 : memref<80x2x125xi32, #tpu.memory_space<hbm>>) dst(%arg6 : memref<80x2x125xi32, #tpu.memory_space<vmem>>)
      tpu.yield
    }) : () -> ()
    %barrier3A = arith.constant 0 : index
    tpu.barrier barrier_id(%barrier3A)
    %dma_start3A = arith.constant 0 : i32
    %dma_start3A_5 = arith.constant 0 : i32
    %dma_start3A_6 = arith.constant 0 : i32
    %dma_start3A_7 = tpu.memref_slice %arg6[%dma_start3A, %dma_start3A_5, %dma_start3A_6] : memref<80x2x125xi32, #tpu.memory_space<vmem>> -> memref<1x1x125xi32, #tpu.memory_space<vmem>>
    %dma_start3A_8 = tpu.memref_squeeze %dma_start3A_7 : memref<1x1x125xi32, #tpu.memory_space<vmem>> -> memref<125xi32, #tpu.memory_space<vmem>>
    %dma_start3A_9 = arith.constant 0 : i32
    %dma_start3A_10 = arith.constant 0 : i32
    %dma_start3A_11 = tpu.memref_slice %arg2[%dma_start3A_9, %dma_start3A_10] : memref<10000x64xf32, #tpu.memory_space<hbm>> -> memref<10000x64xf32, #tpu.memory_space<hbm>>
    tpu.enqueue_indirect_dma source(%dma_start3A_11 : memref<10000x64xf32, #tpu.memory_space<hbm>>) target(%arg7 : memref<125x64xf32, #tpu.memory_space<vmem>>) offsets(%dma_start3A_8 : memref<125xi32, #tpu.memory_space<vmem>>) semaphore(%arg12 : memref<!tpu.dma_semaphore, #tpu.memory_space<semaphore_mem>>)
    %dma_start3A_12 = arith.constant 1 : i32
    %dma_start3A_13 = arith.constant 0 : i32
    %dma_start3A_14 = arith.constant 0 : i32
    %dma_start3A_15 = tpu.memref_slice %arg6[%dma_start3A_12, %dma_start3A_13, %dma_start3A_14] : memref<80x2x125xi32, #tpu.memory_space<vmem>> -> memref<1x1x125xi32, #tpu.memory_space<vmem>>
    %dma_start3A_16 = tpu.memref_squeeze %dma_start3A_15 : memref<1x1x125xi32, #tpu.memory_space<vmem>> -> memref<125xi32, #tpu.memory_space<vmem>>
    %dma_start3A_17 = arith.constant 0 : i32
    %dma_start3A_18 = arith.constant 0 : i32
    %dma_start3A_19 = tpu.memref_slice %arg2[%dma_start3A_17, %dma_start3A_18] : memref<10000x64xf32, #tpu.memory_space<hbm>> -> memref<10000x64xf32, #tpu.memory_space<hbm>>
    tpu.enqueue_indirect_dma source(%dma_start3A_19 : memref<10000x64xf32, #tpu.memory_space<hbm>>) target(%arg8 : memref<125x64xf32, #tpu.memory_space<vmem>>) offsets(%dma_start3A_16 : memref<125xi32, #tpu.memory_space<vmem>>) semaphore(%arg13 : memref<!tpu.dma_semaphore, #tpu.memory_space<semaphore_mem>>)
    %dma_wait3A = arith.constant 0 : i32
    %dma_wait3A_20 = arith.constant 0 : i32
    %dma_wait3A_21 = arith.constant 0 : i32
    %dma_wait3A_22 = tpu.memref_slice %arg6[%dma_wait3A, %dma_wait3A_20, %dma_wait3A_21] : memref<80x2x125xi32, #tpu.memory_space<vmem>> -> memref<1x1x125xi32, #tpu.memory_space<vmem>>
    %dma_wait3A_23 = tpu.memref_squeeze %dma_wait3A_22 : memref<1x1x125xi32, #tpu.memory_space<vmem>> -> memref<125xi32, #tpu.memory_space<vmem>>
    %dma_wait3A_24 = arith.constant 0 : i32
    %dma_wait3A_25 = arith.constant 0 : i32
    %dma_wait3A_26 = tpu.memref_slice %arg2[%dma_wait3A_24, %dma_wait3A_25] : memref<10000x64xf32, #tpu.memory_space<hbm>> -> memref<10000x64xf32, #tpu.memory_space<hbm>>
    tpu.wait_indirect_dma semaphore(%arg12 : memref<!tpu.dma_semaphore, #tpu.memory_space<semaphore_mem>>) src(%dma_wait3A_26 : memref<10000x64xf32, #tpu.memory_space<hbm>>) dst(%arg7 : memref<125x64xf32, #tpu.memory_space<vmem>>)
    %dma_start3A_27 = arith.constant 0 : i32
    %dma_start3A_28 = arith.constant 1 : i32
    %dma_start3A_29 = arith.constant 0 : i32
    %dma_start3A_30 = tpu.memref_slice %arg6[%dma_start3A_27, %dma_start3A_28, %dma_start3A_29] : memref<80x2x125xi32, #tpu.memory_space<vmem>> -> memref<1x1x125xi32, #tpu.memory_space<vmem>>
    %dma_start3A_31 = tpu.memref_squeeze %dma_start3A_30 : memref<1x1x125xi32, #tpu.memory_space<vmem>> -> memref<125xi32, #tpu.memory_space<vmem>>
    %dma_start3A_32 = arith.constant 0 : i32
    %dma_start3A_33 = arith.constant 0 : i32
    %dma_start3A_34 = tpu.memref_slice %arg11[%dma_start3A_32, %dma_start3A_33] : memref<10240x64xf32, #tpu.memory_space<vmem_shared>> -> memref<10240x64xf32, #tpu.memory_space<vmem_shared>>
    tpu.enqueue_indirect_dma source(%arg7 : memref<125x64xf32, #tpu.memory_space<vmem>>) target(%dma_start3A_34 : memref<10240x64xf32, #tpu.memory_space<vmem_shared>>) offsets(%dma_start3A_31 : memref<125xi32, #tpu.memory_space<vmem>>) semaphore(%arg16 : memref<!tpu.dma_semaphore, #tpu.memory_space<semaphore_mem>>) {add = true}
    %dma_start3A_35 = arith.constant 2 : i32
    %dma_start3A_36 = arith.constant 0 : i32
    %dma_start3A_37 = arith.constant 0 : i32
    %dma_start3A_38 = tpu.memref_slice %arg6[%dma_start3A_35, %dma_start3A_36, %dma_start3A_37] : memref<80x2x125xi32, #tpu.memory_space<vmem>> -> memref<1x1x125xi32, #tpu.memory_space<vmem>>
    %dma_start3A_39 = tpu.memref_squeeze %dma_start3A_38 : memref<1x1x125xi32, #tpu.memory_space<vmem>> -> memref<125xi32, #tpu.memory_space<vmem>>
    %dma_start3A_40 = arith.constant 0 : i32
    %dma_start3A_41 = arith.constant 0 : i32
    %dma_start3A_42 = tpu.memref_slice %arg2[%dma_start3A_40, %dma_start3A_41] : memref<10000x64xf32, #tpu.memory_space<hbm>> -> memref<10000x64xf32, #tpu.memory_space<hbm>>
    tpu.enqueue_indirect_dma source(%dma_start3A_42 : memref<10000x64xf32, #tpu.memory_space<hbm>>) target(%arg9 : memref<125x64xf32, #tpu.memory_space<vmem>>) offsets(%dma_start3A_39 : memref<125xi32, #tpu.memory_space<vmem>>) semaphore(%arg14 : memref<!tpu.dma_semaphore, #tpu.memory_space<semaphore_mem>>)
    %dma_wait3A_43 = arith.constant 1 : i32
    %dma_wait3A_44 = arith.constant 0 : i32
    %dma_wait3A_45 = arith.constant 0 : i32
    %dma_wait3A_46 = tpu.memref_slice %arg6[%dma_wait3A_43, %dma_wait3A_44, %dma_wait3A_45] : memref<80x2x125xi32, #tpu.memory_space<vmem>> -> memref<1x1x125xi32, #tpu.memory_space<vmem>>
    %dma_wait3A_47 = tpu.memref_squeeze %dma_wait3A_46 : memref<1x1x125xi32, #tpu.memory_space<vmem>> -> memref<125xi32, #tpu.memory_space<vmem>>
    %dma_wait3A_48 = arith.constant 0 : i32
    %dma_wait3A_49 = arith.constant 0 : i32
    %dma_wait3A_50 = tpu.memref_slice %arg2[%dma_wait3A_48, %dma_wait3A_49] : memref<10000x64xf32, #tpu.memory_space<hbm>> -> memref<10000x64xf32, #tpu.memory_space<hbm>>
    tpu.wait_indirect_dma semaphore(%arg13 : memref<!tpu.dma_semaphore, #tpu.memory_space<semaphore_mem>>) src(%dma_wait3A_50 : memref<10000x64xf32, #tpu.memory_space<hbm>>) dst(%arg8 : memref<125x64xf32, #tpu.memory_space<vmem>>)
    %dma_start3A_51 = arith.constant 1 : i32
    %dma_start3A_52 = arith.constant 1 : i32
    %dma_start3A_53 = arith.constant 0 : i32
    %dma_start3A_54 = tpu.memref_slice %arg6[%dma_start3A_51, %dma_start3A_52, %dma_start3A_53] : memref<80x2x125xi32, #tpu.memory_space<vmem>> -> memref<1x1x125xi32, #tpu.memory_space<vmem>>
    %dma_start3A_55 = tpu.memref_squeeze %dma_start3A_54 : memref<1x1x125xi32, #tpu.memory_space<vmem>> -> memref<125xi32, #tpu.memory_space<vmem>>
    %dma_start3A_56 = arith.constant 0 : i32
    %dma_start3A_57 = arith.constant 0 : i32
    %dma_start3A_58 = tpu.memref_slice %arg11[%dma_start3A_56, %dma_start3A_57] : memref<10240x64xf32, #tpu.memory_space<vmem_shared>> -> memref<10240x64xf32, #tpu.memory_space<vmem_shared>>
    tpu.enqueue_indirect_dma source(%arg8 : memref<125x64xf32, #tpu.memory_space<vmem>>) target(%dma_start3A_58 : memref<10240x64xf32, #tpu.memory_space<vmem_shared>>) offsets(%dma_start3A_55 : memref<125xi32, #tpu.memory_space<vmem>>) semaphore(%arg17 : memref<!tpu.dma_semaphore, #tpu.memory_space<semaphore_mem>>) {add = true}
    %dma_start3A_59 = arith.constant 3 : i32
    %dma_start3A_60 = arith.constant 0 : i32
    %dma_start3A_61 = arith.constant 0 : i32
    %dma_start3A_62 = tpu.memref_slice %arg6[%dma_start3A_59, %dma_start3A_60, %dma_start3A_61] : memref<80x2x125xi32, #tpu.memory_space<vmem>> -> memref<1x1x125xi32, #tpu.memory_space<vmem>>
    %dma_start3A_63 = tpu.memref_squeeze %dma_start3A_62 : memref<1x1x125xi32, #tpu.memory_space<vmem>> -> memref<125xi32, #tpu.memory_space<vmem>>
    %dma_start3A_64 = arith.constant 0 : i32
    %dma_start3A_65 = arith.constant 0 : i32
    %dma_start3A_66 = tpu.memref_slice %arg2[%dma_start3A_64, %dma_start3A_65] : memref<10000x64xf32, #tpu.memory_space<hbm>> -> memref<10000x64xf32, #tpu.memory_space<hbm>>
    tpu.enqueue_indirect_dma source(%dma_start3A_66 : memref<10000x64xf32, #tpu.memory_space<hbm>>) target(%arg10 : memref<125x64xf32, #tpu.memory_space<vmem>>) offsets(%dma_start3A_63 : memref<125xi32, #tpu.memory_space<vmem>>) semaphore(%arg15 : memref<!tpu.dma_semaphore, #tpu.memory_space<semaphore_mem>>)
    %scan3A = arith.constant 0 : i32
    %scan3A_67 = arith.constant 0 : i32
    %scan3A_68 = arith.constant 19 : i32
    %scan3A_69 = arith.addi %scan3A_67, %scan3A_68 : i32
    %scan3A_70 = arith.constant 1 : i32
    scf.for %scan3A_141 = %scan3A_67 to %scan3A_69 step %scan3A_70  : i32 {
      %mul3A_142 = arith.constant 4 : i32
      %mul3A_143 = arith.muli %mul3A_142, %scan3A_141 : i32
      %add3A_144 = arith.constant 2 : i32
      %add3A_145 = arith.addi %mul3A_143, %add3A_144 : i32
      %add3A_146 = arith.constant 0 : i32
      %add3A_147 = arith.addi %add3A_145, %add3A_146 : i32
      %dma_wait3A_148 = arith.constant 0 : i32
      %dma_wait3A_149 = arith.constant 0 : i32
      %dma_wait3A_150 = tpu.memref_slice %arg6[%add3A_147, %dma_wait3A_148, %dma_wait3A_149] : memref<80x2x125xi32, #tpu.memory_space<vmem>> -> memref<1x1x125xi32, #tpu.memory_space<vmem>>
      %dma_wait3A_151 = tpu.memref_squeeze %dma_wait3A_150 : memref<1x1x125xi32, #tpu.memory_space<vmem>> -> memref<125xi32, #tpu.memory_space<vmem>>
      %dma_wait3A_152 = arith.constant 0 : i32
      %dma_wait3A_153 = arith.constant 0 : i32
      %dma_wait3A_154 = tpu.memref_slice %arg2[%dma_wait3A_152, %dma_wait3A_153] : memref<10000x64xf32, #tpu.memory_space<hbm>> -> memref<10000x64xf32, #tpu.memory_space<hbm>>
      tpu.wait_indirect_dma semaphore(%arg14 : memref<!tpu.dma_semaphore, #tpu.memory_space<semaphore_mem>>) src(%dma_wait3A_154 : memref<10000x64xf32, #tpu.memory_space<hbm>>) dst(%arg9 : memref<125x64xf32, #tpu.memory_space<vmem>>)
      %dma_start3A_155 = arith.constant 1 : i32
      %dma_start3A_156 = arith.constant 0 : i32
      %dma_start3A_157 = tpu.memref_slice %arg6[%add3A_147, %dma_start3A_155, %dma_start3A_156] : memref<80x2x125xi32, #tpu.memory_space<vmem>> -> memref<1x1x125xi32, #tpu.memory_space<vmem>>
      %dma_start3A_158 = tpu.memref_squeeze %dma_start3A_157 : memref<1x1x125xi32, #tpu.memory_space<vmem>> -> memref<125xi32, #tpu.memory_space<vmem>>
      %dma_start3A_159 = arith.constant 0 : i32
      %dma_start3A_160 = arith.constant 0 : i32
      %dma_start3A_161 = tpu.memref_slice %arg11[%dma_start3A_159, %dma_start3A_160] : memref<10240x64xf32, #tpu.memory_space<vmem_shared>> -> memref<10240x64xf32, #tpu.memory_space<vmem_shared>>
      tpu.enqueue_indirect_dma source(%arg9 : memref<125x64xf32, #tpu.memory_space<vmem>>) target(%dma_start3A_161 : memref<10240x64xf32, #tpu.memory_space<vmem_shared>>) offsets(%dma_start3A_158 : memref<125xi32, #tpu.memory_space<vmem>>) semaphore(%arg18 : memref<!tpu.dma_semaphore, #tpu.memory_space<semaphore_mem>>) {add = true}
      %sub3A = arith.constant 2 : i32
      %sub3A_162 = arith.subi %add3A_147, %sub3A : i32
      %dma_wait3A_163 = arith.constant 1 : i32
      %dma_wait3A_164 = arith.constant 0 : i32
      %dma_wait3A_165 = tpu.memref_slice %arg6[%sub3A_162, %dma_wait3A_163, %dma_wait3A_164] : memref<80x2x125xi32, #tpu.memory_space<vmem>> -> memref<1x1x125xi32, #tpu.memory_space<vmem>>
      %dma_wait3A_166 = tpu.memref_squeeze %dma_wait3A_165 : memref<1x1x125xi32, #tpu.memory_space<vmem>> -> memref<125xi32, #tpu.memory_space<vmem>>
      %dma_wait3A_167 = arith.constant 0 : i32
      %dma_wait3A_168 = arith.constant 0 : i32
      %dma_wait3A_169 = tpu.memref_slice %arg11[%dma_wait3A_167, %dma_wait3A_168] : memref<10240x64xf32, #tpu.memory_space<vmem_shared>> -> memref<10240x64xf32, #tpu.memory_space<vmem_shared>>
      tpu.wait_indirect_dma semaphore(%arg16 : memref<!tpu.dma_semaphore, #tpu.memory_space<semaphore_mem>>) src(%arg7 : memref<125x64xf32, #tpu.memory_space<vmem>>) dst(%dma_wait3A_169 : memref<10240x64xf32, #tpu.memory_space<vmem_shared>>)
      %add3A_170 = arith.constant 2 : i32
      %add3A_171 = arith.addi %add3A_147, %add3A_170 : i32
      %dma_start3A_172 = arith.constant 0 : i32
      %dma_start3A_173 = arith.constant 0 : i32
      %dma_start3A_174 = tpu.memref_slice %arg6[%add3A_171, %dma_start3A_172, %dma_start3A_173] : memref<80x2x125xi32, #tpu.memory_space<vmem>> -> memref<1x1x125xi32, #tpu.memory_space<vmem>>
      %dma_start3A_175 = tpu.memref_squeeze %dma_start3A_174 : memref<1x1x125xi32, #tpu.memory_space<vmem>> -> memref<125xi32, #tpu.memory_space<vmem>>
      %dma_start3A_176 = arith.constant 0 : i32
      %dma_start3A_177 = arith.constant 0 : i32
      %dma_start3A_178 = tpu.memref_slice %arg2[%dma_start3A_176, %dma_start3A_177] : memref<10000x64xf32, #tpu.memory_space<hbm>> -> memref<10000x64xf32, #tpu.memory_space<hbm>>
      tpu.enqueue_indirect_dma source(%dma_start3A_178 : memref<10000x64xf32, #tpu.memory_space<hbm>>) target(%arg7 : memref<125x64xf32, #tpu.memory_space<vmem>>) offsets(%dma_start3A_175 : memref<125xi32, #tpu.memory_space<vmem>>) semaphore(%arg12 : memref<!tpu.dma_semaphore, #tpu.memory_space<semaphore_mem>>)
      %add3A_179 = arith.constant 1 : i32
      %add3A_180 = arith.addi %add3A_145, %add3A_179 : i32
      %dma_wait3A_181 = arith.constant 0 : i32
      %dma_wait3A_182 = arith.constant 0 : i32
      %dma_wait3A_183 = tpu.memref_slice %arg6[%add3A_180, %dma_wait3A_181, %dma_wait3A_182] : memref<80x2x125xi32, #tpu.memory_space<vmem>> -> memref<1x1x125xi32, #tpu.memory_space<vmem>>
      %dma_wait3A_184 = tpu.memref_squeeze %dma_wait3A_183 : memref<1x1x125xi32, #tpu.memory_space<vmem>> -> memref<125xi32, #tpu.memory_space<vmem>>
      %dma_wait3A_185 = arith.constant 0 : i32
      %dma_wait3A_186 = arith.constant 0 : i32
      %dma_wait3A_187 = tpu.memref_slice %arg2[%dma_wait3A_185, %dma_wait3A_186] : memref<10000x64xf32, #tpu.memory_space<hbm>> -> memref<10000x64xf32, #tpu.memory_space<hbm>>
      tpu.wait_indirect_dma semaphore(%arg15 : memref<!tpu.dma_semaphore, #tpu.memory_space<semaphore_mem>>) src(%dma_wait3A_187 : memref<10000x64xf32, #tpu.memory_space<hbm>>) dst(%arg10 : memref<125x64xf32, #tpu.memory_space<vmem>>)
      %dma_start3A_188 = arith.constant 1 : i32
      %dma_start3A_189 = arith.constant 0 : i32
      %dma_start3A_190 = tpu.memref_slice %arg6[%add3A_180, %dma_start3A_188, %dma_start3A_189] : memref<80x2x125xi32, #tpu.memory_space<vmem>> -> memref<1x1x125xi32, #tpu.memory_space<vmem>>
      %dma_start3A_191 = tpu.memref_squeeze %dma_start3A_190 : memref<1x1x125xi32, #tpu.memory_space<vmem>> -> memref<125xi32, #tpu.memory_space<vmem>>
      %dma_start3A_192 = arith.constant 0 : i32
      %dma_start3A_193 = arith.constant 0 : i32
      %dma_start3A_194 = tpu.memref_slice %arg11[%dma_start3A_192, %dma_start3A_193] : memref<10240x64xf32, #tpu.memory_space<vmem_shared>> -> memref<10240x64xf32, #tpu.memory_space<vmem_shared>>
      tpu.enqueue_indirect_dma source(%arg10 : memref<125x64xf32, #tpu.memory_space<vmem>>) target(%dma_start3A_194 : memref<10240x64xf32, #tpu.memory_space<vmem_shared>>) offsets(%dma_start3A_191 : memref<125xi32, #tpu.memory_space<vmem>>) semaphore(%arg19 : memref<!tpu.dma_semaphore, #tpu.memory_space<semaphore_mem>>) {add = true}
      %sub3A_195 = arith.constant 2 : i32
      %sub3A_196 = arith.subi %add3A_180, %sub3A_195 : i32
      %dma_wait3A_197 = arith.constant 1 : i32
      %dma_wait3A_198 = arith.constant 0 : i32
      %dma_wait3A_199 = tpu.memref_slice %arg6[%sub3A_196, %dma_wait3A_197, %dma_wait3A_198] : memref<80x2x125xi32, #tpu.memory_space<vmem>> -> memref<1x1x125xi32, #tpu.memory_space<vmem>>
      %dma_wait3A_200 = tpu.memref_squeeze %dma_wait3A_199 : memref<1x1x125xi32, #tpu.memory_space<vmem>> -> memref<125xi32, #tpu.memory_space<vmem>>
      %dma_wait3A_201 = arith.constant 0 : i32
      %dma_wait3A_202 = arith.constant 0 : i32
      %dma_wait3A_203 = tpu.memref_slice %arg11[%dma_wait3A_201, %dma_wait3A_202] : memref<10240x64xf32, #tpu.memory_space<vmem_shared>> -> memref<10240x64xf32, #tpu.memory_space<vmem_shared>>
      tpu.wait_indirect_dma semaphore(%arg17 : memref<!tpu.dma_semaphore, #tpu.memory_space<semaphore_mem>>) src(%arg8 : memref<125x64xf32, #tpu.memory_space<vmem>>) dst(%dma_wait3A_203 : memref<10240x64xf32, #tpu.memory_space<vmem_shared>>)
      %add3A_204 = arith.constant 2 : i32
      %add3A_205 = arith.addi %add3A_180, %add3A_204 : i32
      %dma_start3A_206 = arith.constant 0 : i32
      %dma_start3A_207 = arith.constant 0 : i32
      %dma_start3A_208 = tpu.memref_slice %arg6[%add3A_205, %dma_start3A_206, %dma_start3A_207] : memref<80x2x125xi32, #tpu.memory_space<vmem>> -> memref<1x1x125xi32, #tpu.memory_space<vmem>>
      %dma_start3A_209 = tpu.memref_squeeze %dma_start3A_208 : memref<1x1x125xi32, #tpu.memory_space<vmem>> -> memref<125xi32, #tpu.memory_space<vmem>>
      %dma_start3A_210 = arith.constant 0 : i32
      %dma_start3A_211 = arith.constant 0 : i32
      %dma_start3A_212 = tpu.memref_slice %arg2[%dma_start3A_210, %dma_start3A_211] : memref<10000x64xf32, #tpu.memory_space<hbm>> -> memref<10000x64xf32, #tpu.memory_space<hbm>>
      tpu.enqueue_indirect_dma source(%dma_start3A_212 : memref<10000x64xf32, #tpu.memory_space<hbm>>) target(%arg8 : memref<125x64xf32, #tpu.memory_space<vmem>>) offsets(%dma_start3A_209 : memref<125xi32, #tpu.memory_space<vmem>>) semaphore(%arg13 : memref<!tpu.dma_semaphore, #tpu.memory_space<semaphore_mem>>)
      %add3A_213 = arith.constant 2 : i32
      %add3A_214 = arith.addi %add3A_145, %add3A_213 : i32
      %dma_wait3A_215 = arith.constant 0 : i32
      %dma_wait3A_216 = arith.constant 0 : i32
      %dma_wait3A_217 = tpu.memref_slice %arg6[%add3A_214, %dma_wait3A_215, %dma_wait3A_216] : memref<80x2x125xi32, #tpu.memory_space<vmem>> -> memref<1x1x125xi32, #tpu.memory_space<vmem>>
      %dma_wait3A_218 = tpu.memref_squeeze %dma_wait3A_217 : memref<1x1x125xi32, #tpu.memory_space<vmem>> -> memref<125xi32, #tpu.memory_space<vmem>>
      %dma_wait3A_219 = arith.constant 0 : i32
      %dma_wait3A_220 = arith.constant 0 : i32
      %dma_wait3A_221 = tpu.memref_slice %arg2[%dma_wait3A_219, %dma_wait3A_220] : memref<10000x64xf32, #tpu.memory_space<hbm>> -> memref<10000x64xf32, #tpu.memory_space<hbm>>
      tpu.wait_indirect_dma semaphore(%arg12 : memref<!tpu.dma_semaphore, #tpu.memory_space<semaphore_mem>>) src(%dma_wait3A_221 : memref<10000x64xf32, #tpu.memory_space<hbm>>) dst(%arg7 : memref<125x64xf32, #tpu.memory_space<vmem>>)
      %dma_start3A_222 = arith.constant 1 : i32
      %dma_start3A_223 = arith.constant 0 : i32
      %dma_start3A_224 = tpu.memref_slice %arg6[%add3A_214, %dma_start3A_222, %dma_start3A_223] : memref<80x2x125xi32, #tpu.memory_space<vmem>> -> memref<1x1x125xi32, #tpu.memory_space<vmem>>
      %dma_start3A_225 = tpu.memref_squeeze %dma_start3A_224 : memref<1x1x125xi32, #tpu.memory_space<vmem>> -> memref<125xi32, #tpu.memory_space<vmem>>
      %dma_start3A_226 = arith.constant 0 : i32
      %dma_start3A_227 = arith.constant 0 : i32
      %dma_start3A_228 = tpu.memref_slice %arg11[%dma_start3A_226, %dma_start3A_227] : memref<10240x64xf32, #tpu.memory_space<vmem_shared>> -> memref<10240x64xf32, #tpu.memory_space<vmem_shared>>
      tpu.enqueue_indirect_dma source(%arg7 : memref<125x64xf32, #tpu.memory_space<vmem>>) target(%dma_start3A_228 : memref<10240x64xf32, #tpu.memory_space<vmem_shared>>) offsets(%dma_start3A_225 : memref<125xi32, #tpu.memory_space<vmem>>) semaphore(%arg16 : memref<!tpu.dma_semaphore, #tpu.memory_space<semaphore_mem>>) {add = true}
      %sub3A_229 = arith.constant 2 : i32
      %sub3A_230 = arith.subi %add3A_214, %sub3A_229 : i32
      %dma_wait3A_231 = arith.constant 1 : i32
      %dma_wait3A_232 = arith.constant 0 : i32
      %dma_wait3A_233 = tpu.memref_slice %arg6[%sub3A_230, %dma_wait3A_231, %dma_wait3A_232] : memref<80x2x125xi32, #tpu.memory_space<vmem>> -> memref<1x1x125xi32, #tpu.memory_space<vmem>>
      %dma_wait3A_234 = tpu.memref_squeeze %dma_wait3A_233 : memref<1x1x125xi32, #tpu.memory_space<vmem>> -> memref<125xi32, #tpu.memory_space<vmem>>
      %dma_wait3A_235 = arith.constant 0 : i32
      %dma_wait3A_236 = arith.constant 0 : i32
      %dma_wait3A_237 = tpu.memref_slice %arg11[%dma_wait3A_235, %dma_wait3A_236] : memref<10240x64xf32, #tpu.memory_space<vmem_shared>> -> memref<10240x64xf32, #tpu.memory_space<vmem_shared>>
      tpu.wait_indirect_dma semaphore(%arg18 : memref<!tpu.dma_semaphore, #tpu.memory_space<semaphore_mem>>) src(%arg9 : memref<125x64xf32, #tpu.memory_space<vmem>>) dst(%dma_wait3A_237 : memref<10240x64xf32, #tpu.memory_space<vmem_shared>>)
      %add3A_238 = arith.constant 2 : i32
      %add3A_239 = arith.addi %add3A_214, %add3A_238 : i32
      %dma_start3A_240 = arith.constant 0 : i32
      %dma_start3A_241 = arith.constant 0 : i32
      %dma_start3A_242 = tpu.memref_slice %arg6[%add3A_239, %dma_start3A_240, %dma_start3A_241] : memref<80x2x125xi32, #tpu.memory_space<vmem>> -> memref<1x1x125xi32, #tpu.memory_space<vmem>>
      %dma_start3A_243 = tpu.memref_squeeze %dma_start3A_242 : memref<1x1x125xi32, #tpu.memory_space<vmem>> -> memref<125xi32, #tpu.memory_space<vmem>>
      %dma_start3A_244 = arith.constant 0 : i32
      %dma_start3A_245 = arith.constant 0 : i32
      %dma_start3A_246 = tpu.memref_slice %arg2[%dma_start3A_244, %dma_start3A_245] : memref<10000x64xf32, #tpu.memory_space<hbm>> -> memref<10000x64xf32, #tpu.memory_space<hbm>>
      tpu.enqueue_indirect_dma source(%dma_start3A_246 : memref<10000x64xf32, #tpu.memory_space<hbm>>) target(%arg9 : memref<125x64xf32, #tpu.memory_space<vmem>>) offsets(%dma_start3A_243 : memref<125xi32, #tpu.memory_space<vmem>>) semaphore(%arg14 : memref<!tpu.dma_semaphore, #tpu.memory_space<semaphore_mem>>)
      %add3A_247 = arith.constant 3 : i32
      %add3A_248 = arith.addi %add3A_145, %add3A_247 : i32
      %dma_wait3A_249 = arith.constant 0 : i32
      %dma_wait3A_250 = arith.constant 0 : i32
      %dma_wait3A_251 = tpu.memref_slice %arg6[%add3A_248, %dma_wait3A_249, %dma_wait3A_250] : memref<80x2x125xi32, #tpu.memory_space<vmem>> -> memref<1x1x125xi32, #tpu.memory_space<vmem>>
      %dma_wait3A_252 = tpu.memref_squeeze %dma_wait3A_251 : memref<1x1x125xi32, #tpu.memory_space<vmem>> -> memref<125xi32, #tpu.memory_space<vmem>>
      %dma_wait3A_253 = arith.constant 0 : i32
      %dma_wait3A_254 = arith.constant 0 : i32
      %dma_wait3A_255 = tpu.memref_slice %arg2[%dma_wait3A_253, %dma_wait3A_254] : memref<10000x64xf32, #tpu.memory_space<hbm>> -> memref<10000x64xf32, #tpu.memory_space<hbm>>
      tpu.wait_indirect_dma semaphore(%arg13 : memref<!tpu.dma_semaphore, #tpu.memory_space<semaphore_mem>>) src(%dma_wait3A_255 : memref<10000x64xf32, #tpu.memory_space<hbm>>) dst(%arg8 : memref<125x64xf32, #tpu.memory_space<vmem>>)
      %dma_start3A_256 = arith.constant 1 : i32
      %dma_start3A_257 = arith.constant 0 : i32
      %dma_start3A_258 = tpu.memref_slice %arg6[%add3A_248, %dma_start3A_256, %dma_start3A_257] : memref<80x2x125xi32, #tpu.memory_space<vmem>> -> memref<1x1x125xi32, #tpu.memory_space<vmem>>
      %dma_start3A_259 = tpu.memref_squeeze %dma_start3A_258 : memref<1x1x125xi32, #tpu.memory_space<vmem>> -> memref<125xi32, #tpu.memory_space<vmem>>
      %dma_start3A_260 = arith.constant 0 : i32
      %dma_start3A_261 = arith.constant 0 : i32
      %dma_start3A_262 = tpu.memref_slice %arg11[%dma_start3A_260, %dma_start3A_261] : memref<10240x64xf32, #tpu.memory_space<vmem_shared>> -> memref<10240x64xf32, #tpu.memory_space<vmem_shared>>
      tpu.enqueue_indirect_dma source(%arg8 : memref<125x64xf32, #tpu.memory_space<vmem>>) target(%dma_start3A_262 : memref<10240x64xf32, #tpu.memory_space<vmem_shared>>) offsets(%dma_start3A_259 : memref<125xi32, #tpu.memory_space<vmem>>) semaphore(%arg17 : memref<!tpu.dma_semaphore, #tpu.memory_space<semaphore_mem>>) {add = true}
      %sub3A_263 = arith.constant 2 : i32
      %sub3A_264 = arith.subi %add3A_248, %sub3A_263 : i32
      %dma_wait3A_265 = arith.constant 1 : i32
      %dma_wait3A_266 = arith.constant 0 : i32
      %dma_wait3A_267 = tpu.memref_slice %arg6[%sub3A_264, %dma_wait3A_265, %dma_wait3A_266] : memref<80x2x125xi32, #tpu.memory_space<vmem>> -> memref<1x1x125xi32, #tpu.memory_space<vmem>>
      %dma_wait3A_268 = tpu.memref_squeeze %dma_wait3A_267 : memref<1x1x125xi32, #tpu.memory_space<vmem>> -> memref<125xi32, #tpu.memory_space<vmem>>
      %dma_wait3A_269 = arith.constant 0 : i32
      %dma_wait3A_270 = arith.constant 0 : i32
      %dma_wait3A_271 = tpu.memref_slice %arg11[%dma_wait3A_269, %dma_wait3A_270] : memref<10240x64xf32, #tpu.memory_space<vmem_shared>> -> memref<10240x64xf32, #tpu.memory_space<vmem_shared>>
      tpu.wait_indirect_dma semaphore(%arg19 : memref<!tpu.dma_semaphore, #tpu.memory_space<semaphore_mem>>) src(%arg10 : memref<125x64xf32, #tpu.memory_space<vmem>>) dst(%dma_wait3A_271 : memref<10240x64xf32, #tpu.memory_space<vmem_shared>>)
      %add3A_272 = arith.constant 2 : i32
      %add3A_273 = arith.addi %add3A_248, %add3A_272 : i32
      %dma_start3A_274 = arith.constant 0 : i32
      %dma_start3A_275 = arith.constant 0 : i32
      %dma_start3A_276 = tpu.memref_slice %arg6[%add3A_273, %dma_start3A_274, %dma_start3A_275] : memref<80x2x125xi32, #tpu.memory_space<vmem>> -> memref<1x1x125xi32, #tpu.memory_space<vmem>>
      %dma_start3A_277 = tpu.memref_squeeze %dma_start3A_276 : memref<1x1x125xi32, #tpu.memory_space<vmem>> -> memref<125xi32, #tpu.memory_space<vmem>>
      %dma_start3A_278 = arith.constant 0 : i32
      %dma_start3A_279 = arith.constant 0 : i32
      %dma_start3A_280 = tpu.memref_slice %arg2[%dma_start3A_278, %dma_start3A_279] : memref<10000x64xf32, #tpu.memory_space<hbm>> -> memref<10000x64xf32, #tpu.memory_space<hbm>>
      tpu.enqueue_indirect_dma source(%dma_start3A_280 : memref<10000x64xf32, #tpu.memory_space<hbm>>) target(%arg10 : memref<125x64xf32, #tpu.memory_space<vmem>>) offsets(%dma_start3A_277 : memref<125xi32, #tpu.memory_space<vmem>>) semaphore(%arg15 : memref<!tpu.dma_semaphore, #tpu.memory_space<semaphore_mem>>)
    }
    %scan3A_71 = arith.constant 19 : i32
    %dma_wait3A_72 = arith.constant 78 : i32
    %dma_wait3A_73 = arith.constant 0 : i32
    %dma_wait3A_74 = arith.constant 0 : i32
    %dma_wait3A_75 = tpu.memref_slice %arg6[%dma_wait3A_72, %dma_wait3A_73, %dma_wait3A_74] : memref<80x2x125xi32, #tpu.memory_space<vmem>> -> memref<1x1x125xi32, #tpu.memory_space<vmem>>
    %dma_wait3A_76 = tpu.memref_squeeze %dma_wait3A_75 : memref<1x1x125xi32, #tpu.memory_space<vmem>> -> memref<125xi32, #tpu.memory_space<vmem>>
    %dma_wait3A_77 = arith.constant 0 : i32
    %dma_wait3A_78 = arith.constant 0 : i32
    %dma_wait3A_79 = tpu.memref_slice %arg2[%dma_wait3A_77, %dma_wait3A_78] : memref<10000x64xf32, #tpu.memory_space<hbm>> -> memref<10000x64xf32, #tpu.memory_space<hbm>>
    tpu.wait_indirect_dma semaphore(%arg14 : memref<!tpu.dma_semaphore, #tpu.memory_space<semaphore_mem>>) src(%dma_wait3A_79 : memref<10000x64xf32, #tpu.memory_space<hbm>>) dst(%arg9 : memref<125x64xf32, #tpu.memory_space<vmem>>)
    %dma_start3A_80 = arith.constant 78 : i32
    %dma_start3A_81 = arith.constant 1 : i32
    %dma_start3A_82 = arith.constant 0 : i32
    %dma_start3A_83 = tpu.memref_slice %arg6[%dma_start3A_80, %dma_start3A_81, %dma_start3A_82] : memref<80x2x125xi32, #tpu.memory_space<vmem>> -> memref<1x1x125xi32, #tpu.memory_space<vmem>>
    %dma_start3A_84 = tpu.memref_squeeze %dma_start3A_83 : memref<1x1x125xi32, #tpu.memory_space<vmem>> -> memref<125xi32, #tpu.memory_space<vmem>>
    %dma_start3A_85 = arith.constant 0 : i32
    %dma_start3A_86 = arith.constant 0 : i32
    %dma_start3A_87 = tpu.memref_slice %arg11[%dma_start3A_85, %dma_start3A_86] : memref<10240x64xf32, #tpu.memory_space<vmem_shared>> -> memref<10240x64xf32, #tpu.memory_space<vmem_shared>>
    tpu.enqueue_indirect_dma source(%arg9 : memref<125x64xf32, #tpu.memory_space<vmem>>) target(%dma_start3A_87 : memref<10240x64xf32, #tpu.memory_space<vmem_shared>>) offsets(%dma_start3A_84 : memref<125xi32, #tpu.memory_space<vmem>>) semaphore(%arg18 : memref<!tpu.dma_semaphore, #tpu.memory_space<semaphore_mem>>) {add = true}
    %dma_wait3A_88 = arith.constant 76 : i32
    %dma_wait3A_89 = arith.constant 1 : i32
    %dma_wait3A_90 = arith.constant 0 : i32
    %dma_wait3A_91 = tpu.memref_slice %arg6[%dma_wait3A_88, %dma_wait3A_89, %dma_wait3A_90] : memref<80x2x125xi32, #tpu.memory_space<vmem>> -> memref<1x1x125xi32, #tpu.memory_space<vmem>>
    %dma_wait3A_92 = tpu.memref_squeeze %dma_wait3A_91 : memref<1x1x125xi32, #tpu.memory_space<vmem>> -> memref<125xi32, #tpu.memory_space<vmem>>
    %dma_wait3A_93 = arith.constant 0 : i32
    %dma_wait3A_94 = arith.constant 0 : i32
    %dma_wait3A_95 = tpu.memref_slice %arg11[%dma_wait3A_93, %dma_wait3A_94] : memref<10240x64xf32, #tpu.memory_space<vmem_shared>> -> memref<10240x64xf32, #tpu.memory_space<vmem_shared>>
    tpu.wait_indirect_dma semaphore(%arg16 : memref<!tpu.dma_semaphore, #tpu.memory_space<semaphore_mem>>) src(%arg7 : memref<125x64xf32, #tpu.memory_space<vmem>>) dst(%dma_wait3A_95 : memref<10240x64xf32, #tpu.memory_space<vmem_shared>>)
    %dma_wait3A_96 = arith.constant 79 : i32
    %dma_wait3A_97 = arith.constant 0 : i32
    %dma_wait3A_98 = arith.constant 0 : i32
    %dma_wait3A_99 = tpu.memref_slice %arg6[%dma_wait3A_96, %dma_wait3A_97, %dma_wait3A_98] : memref<80x2x125xi32, #tpu.memory_space<vmem>> -> memref<1x1x125xi32, #tpu.memory_space<vmem>>
    %dma_wait3A_100 = tpu.memref_squeeze %dma_wait3A_99 : memref<1x1x125xi32, #tpu.memory_space<vmem>> -> memref<125xi32, #tpu.memory_space<vmem>>
    %dma_wait3A_101 = arith.constant 0 : i32
    %dma_wait3A_102 = arith.constant 0 : i32
    %dma_wait3A_103 = tpu.memref_slice %arg2[%dma_wait3A_101, %dma_wait3A_102] : memref<10000x64xf32, #tpu.memory_space<hbm>> -> memref<10000x64xf32, #tpu.memory_space<hbm>>
    tpu.wait_indirect_dma semaphore(%arg15 : memref<!tpu.dma_semaphore, #tpu.memory_space<semaphore_mem>>) src(%dma_wait3A_103 : memref<10000x64xf32, #tpu.memory_space<hbm>>) dst(%arg10 : memref<125x64xf32, #tpu.memory_space<vmem>>)
    %dma_start3A_104 = arith.constant 79 : i32
    %dma_start3A_105 = arith.constant 1 : i32
    %dma_start3A_106 = arith.constant 0 : i32
    %dma_start3A_107 = tpu.memref_slice %arg6[%dma_start3A_104, %dma_start3A_105, %dma_start3A_106] : memref<80x2x125xi32, #tpu.memory_space<vmem>> -> memref<1x1x125xi32, #tpu.memory_space<vmem>>
    %dma_start3A_108 = tpu.memref_squeeze %dma_start3A_107 : memref<1x1x125xi32, #tpu.memory_space<vmem>> -> memref<125xi32, #tpu.memory_space<vmem>>
    %dma_start3A_109 = arith.constant 0 : i32
    %dma_start3A_110 = arith.constant 0 : i32
    %dma_start3A_111 = tpu.memref_slice %arg11[%dma_start3A_109, %dma_start3A_110] : memref<10240x64xf32, #tpu.memory_space<vmem_shared>> -> memref<10240x64xf32, #tpu.memory_space<vmem_shared>>
    tpu.enqueue_indirect_dma source(%arg10 : memref<125x64xf32, #tpu.memory_space<vmem>>) target(%dma_start3A_111 : memref<10240x64xf32, #tpu.memory_space<vmem_shared>>) offsets(%dma_start3A_108 : memref<125xi32, #tpu.memory_space<vmem>>) semaphore(%arg19 : memref<!tpu.dma_semaphore, #tpu.memory_space<semaphore_mem>>) {add = true}
    %dma_wait3A_112 = arith.constant 77 : i32
    %dma_wait3A_113 = arith.constant 1 : i32
    %dma_wait3A_114 = arith.constant 0 : i32
    %dma_wait3A_115 = tpu.memref_slice %arg6[%dma_wait3A_112, %dma_wait3A_113, %dma_wait3A_114] : memref<80x2x125xi32, #tpu.memory_space<vmem>> -> memref<1x1x125xi32, #tpu.memory_space<vmem>>
    %dma_wait3A_116 = tpu.memref_squeeze %dma_wait3A_115 : memref<1x1x125xi32, #tpu.memory_space<vmem>> -> memref<125xi32, #tpu.memory_space<vmem>>
    %dma_wait3A_117 = arith.constant 0 : i32
    %dma_wait3A_118 = arith.constant 0 : i32
    %dma_wait3A_119 = tpu.memref_slice %arg11[%dma_wait3A_117, %dma_wait3A_118] : memref<10240x64xf32, #tpu.memory_space<vmem_shared>> -> memref<10240x64xf32, #tpu.memory_space<vmem_shared>>
    tpu.wait_indirect_dma semaphore(%arg17 : memref<!tpu.dma_semaphore, #tpu.memory_space<semaphore_mem>>) src(%arg8 : memref<125x64xf32, #tpu.memory_space<vmem>>) dst(%dma_wait3A_119 : memref<10240x64xf32, #tpu.memory_space<vmem_shared>>)
    %dma_wait3A_120 = arith.constant 78 : i32
    %dma_wait3A_121 = arith.constant 1 : i32
    %dma_wait3A_122 = arith.constant 0 : i32
    %dma_wait3A_123 = tpu.memref_slice %arg6[%dma_wait3A_120, %dma_wait3A_121, %dma_wait3A_122] : memref<80x2x125xi32, #tpu.memory_space<vmem>> -> memref<1x1x125xi32, #tpu.memory_space<vmem>>
    %dma_wait3A_124 = tpu.memref_squeeze %dma_wait3A_123 : memref<1x1x125xi32, #tpu.memory_space<vmem>> -> memref<125xi32, #tpu.memory_space<vmem>>
    %dma_wait3A_125 = arith.constant 0 : i32
    %dma_wait3A_126 = arith.constant 0 : i32
    %dma_wait3A_127 = tpu.memref_slice %arg11[%dma_wait3A_125, %dma_wait3A_126] : memref<10240x64xf32, #tpu.memory_space<vmem_shared>> -> memref<10240x64xf32, #tpu.memory_space<vmem_shared>>
    tpu.wait_indirect_dma semaphore(%arg18 : memref<!tpu.dma_semaphore, #tpu.memory_space<semaphore_mem>>) src(%arg9 : memref<125x64xf32, #tpu.memory_space<vmem>>) dst(%dma_wait3A_127 : memref<10240x64xf32, #tpu.memory_space<vmem_shared>>)
    %dma_wait3A_128 = arith.constant 79 : i32
    %dma_wait3A_129 = arith.constant 1 : i32
    %dma_wait3A_130 = arith.constant 0 : i32
    %dma_wait3A_131 = tpu.memref_slice %arg6[%dma_wait3A_128, %dma_wait3A_129, %dma_wait3A_130] : memref<80x2x125xi32, #tpu.memory_space<vmem>> -> memref<1x1x125xi32, #tpu.memory_space<vmem>>
    %dma_wait3A_132 = tpu.memref_squeeze %dma_wait3A_131 : memref<1x1x125xi32, #tpu.memory_space<vmem>> -> memref<125xi32, #tpu.memory_space<vmem>>
    %dma_wait3A_133 = arith.constant 0 : i32
    %dma_wait3A_134 = arith.constant 0 : i32
    %dma_wait3A_135 = tpu.memref_slice %arg11[%dma_wait3A_133, %dma_wait3A_134] : memref<10240x64xf32, #tpu.memory_space<vmem_shared>> -> memref<10240x64xf32, #tpu.memory_space<vmem_shared>>
    tpu.wait_indirect_dma semaphore(%arg19 : memref<!tpu.dma_semaphore, #tpu.memory_space<semaphore_mem>>) src(%arg10 : memref<125x64xf32, #tpu.memory_space<vmem>>) dst(%dma_wait3A_135 : memref<10240x64xf32, #tpu.memory_space<vmem_shared>>)
    %barrier3A_136 = arith.constant 0 : index
    tpu.barrier barrier_id(%barrier3A_136)
    %mul3A_137 = arith.constant 640 : i32
    %mul3A_138 = arith.muli %arg1, %mul3A_137 : i32
    %mul3A_139 = arith.constant 640 : i32
    %mul3A_140 = arith.muli %arg1, %mul3A_139 : i32
    "tpu.region"() ({
      %run_scoped3A = tpu.sem_alloc : memref<!tpu.dma_semaphore, #tpu.memory_space<semaphore_mem>>
      %dma_start3A_141 = arith.constant 0 : i32
      %dma_start3A_142 = tpu.memref_slice %arg5[%arg0, %mul3A_140, %dma_start3A_141] : memref<2x10240x64xf32, #tpu.memory_space<hbm>> -> memref<1x640x64xf32, #tpu.memory_space<hbm>>
      %dma_start3A_143 = tpu.memref_squeeze %dma_start3A_142 : memref<1x640x64xf32, #tpu.memory_space<hbm>> -> memref<640x64xf32, #tpu.memory_space<hbm>>
      %dma_start3A_144 = arith.constant 0 : i32
      %dma_start3A_145 = tpu.memref_slice %arg11[%mul3A_138, %dma_start3A_144] : memref<10240x64xf32, #tpu.memory_space<vmem_shared>> -> memref<640x64xf32, #tpu.memory_space<vmem_shared>>
      tpu.enqueue_dma source(%dma_start3A_145 : memref<640x64xf32, #tpu.memory_space<vmem_shared>>) target(%dma_start3A_143 : memref<640x64xf32, #tpu.memory_space<hbm>>) target_semaphore(%run_scoped3A : memref<!tpu.dma_semaphore, #tpu.memory_space<semaphore_mem>>)
      %dma_wait3A_146 = arith.constant 0 : i32
      %dma_wait3A_147 = tpu.memref_slice %arg5[%arg0, %mul3A_140, %dma_wait3A_146] : memref<2x10240x64xf32, #tpu.memory_space<hbm>> -> memref<1x640x64xf32, #tpu.memory_space<hbm>>
      %dma_wait3A_148 = tpu.memref_squeeze %dma_wait3A_147 : memref<1x640x64xf32, #tpu.memory_space<hbm>> -> memref<640x64xf32, #tpu.memory_space<hbm>>
      %dma_wait3A_149 = arith.constant 0 : i32
      %dma_wait3A_150 = tpu.memref_slice %arg11[%mul3A_138, %dma_wait3A_149] : memref<10240x64xf32, #tpu.memory_space<vmem_shared>> -> memref<640x64xf32, #tpu.memory_space<vmem_shared>>
      tpu.wait_dma2 semaphore(%run_scoped3A : memref<!tpu.dma_semaphore, #tpu.memory_space<semaphore_mem>>) src(%dma_wait3A_150 : memref<640x64xf32, #tpu.memory_space<vmem_shared>>) dst(%dma_wait3A_148 : memref<640x64xf32, #tpu.memory_space<hbm>>)
      tpu.yield
    }) : () -> ()
    return
  }
}

#map = affine_map<(d0, d1) -> (0, 0)>
#map1 = affine_map<(d0, d1) -> (0, 0, 0, 0)>
#map2 = affine_map<(d0, d1) -> (0, 0, 0)>
module attributes {stable_mosaic.version = 14 : i64} {
  func.func @propagate(%arg0: i32, %arg1: i32, %arg2: memref<10000x64xf32, #tpu.memory_space<hbm>>, %arg3: memref<32x80x2x125xi32, #tpu.memory_space<hbm>>, %arg4: memref<10240x64xf32, #tpu.memory_space<hbm>>, %arg5: memref<2x10240x64xf32, #tpu.memory_space<hbm>>, %arg6: memref<80x2x125xi32, #tpu.memory_space<vmem>>, %arg7: memref<125x64xf32, #tpu.memory_space<vmem>>, %arg8: memref<125x64xf32, #tpu.memory_space<vmem>>, %arg9: memref<125x64xf32, #tpu.memory_space<vmem>>, %arg10: memref<125x64xf32, #tpu.memory_space<vmem>>, %arg11: memref<10240x64xf32, #tpu.memory_space<vmem_shared>>, %arg12: memref<!tpu.dma_semaphore, #tpu.memory_space<semaphore_mem>>, %arg13: memref<!tpu.dma_semaphore, #tpu.memory_space<semaphore_mem>>, %arg14: memref<!tpu.dma_semaphore, #tpu.memory_space<semaphore_mem>>, %arg15: memref<!tpu.dma_semaphore, #tpu.memory_space<semaphore_mem>>, %arg16: memref<!tpu.dma_semaphore, #tpu.memory_space<semaphore_mem>>, %arg17: memref<!tpu.dma_semaphore, #tpu.memory_space<semaphore_mem>>, %arg18: memref<!tpu.dma_semaphore, #tpu.memory_space<semaphore_mem>>, %arg19: memref<!tpu.dma_semaphore, #tpu.memory_space<semaphore_mem>>) attributes {dimension_semantics = [#tpu.dimension_semantics<core_parallel>, #tpu.dimension_semantics<subcore_parallel>], iteration_bounds = array<i64: 2, 16>, scalar_prefetch = 0 : i64, scratch_operands = 14 : i64, tpu.core_type = #tpu.core_type<sc_vector_subcore>, window_params = [{transform_indices = #map}, {transform_indices = #map1}, {transform_indices = #map}, {transform_indices = #map2}]} {
    %mul3A = arith.constant 2 : i32
    %mul3A_0 = arith.muli %arg1, %mul3A : i32
    %add3A = arith.addi %mul3A_0, %arg0 : i32
    %mul3A_1 = arith.constant 640 : i32
    %mul3A_2 = arith.muli %arg1, %mul3A_1 : i32
    %mul3A_3 = arith.constant 640 : i32
    %mul3A_4 = arith.muli %arg1, %mul3A_3 : i32
    "tpu.region"() ({
      %run_scoped3A = tpu.sem_alloc : memref<!tpu.dma_semaphore, #tpu.memory_space<semaphore_mem>>
      %dma_start3A_141 = arith.constant 0 : i32
      %dma_start3A_142 = tpu.memref_slice %arg11[%mul3A_4, %dma_start3A_141] : memref<10240x64xf32, #tpu.memory_space<vmem_shared>> -> memref<640x64xf32, #tpu.memory_space<vmem_shared>>
      %dma_start3A_143 = arith.constant 0 : i32
      %dma_start3A_144 = tpu.memref_slice %arg4[%mul3A_2, %dma_start3A_143] : memref<10240x64xf32, #tpu.memory_space<hbm>> -> memref<640x64xf32, #tpu.memory_space<hbm>>
      tpu.enqueue_dma source(%dma_start3A_144 : memref<640x64xf32, #tpu.memory_space<hbm>>) target(%dma_start3A_142 : memref<640x64xf32, #tpu.memory_space<vmem_shared>>) target_semaphore(%run_scoped3A : memref<!tpu.dma_semaphore, #tpu.memory_space<semaphore_mem>>)
      %dma_wait3A_145 = arith.constant 0 : i32
      %dma_wait3A_146 = tpu.memref_slice %arg11[%mul3A_4, %dma_wait3A_145] : memref<10240x64xf32, #tpu.memory_space<vmem_shared>> -> memref<640x64xf32, #tpu.memory_space<vmem_shared>>
      %dma_wait3A_147 = arith.constant 0 : i32
      %dma_wait3A_148 = tpu.memref_slice %arg4[%mul3A_2, %dma_wait3A_147] : memref<10240x64xf32, #tpu.memory_space<hbm>> -> memref<640x64xf32, #tpu.memory_space<hbm>>
      tpu.wait_dma2 semaphore(%run_scoped3A : memref<!tpu.dma_semaphore, #tpu.memory_space<semaphore_mem>>) src(%dma_wait3A_148 : memref<640x64xf32, #tpu.memory_space<hbm>>) dst(%dma_wait3A_146 : memref<640x64xf32, #tpu.memory_space<vmem_shared>>)
      tpu.yield
    }) : () -> ()
    "tpu.region"() ({
      %run_scoped3A = tpu.sem_alloc : memref<!tpu.dma_semaphore, #tpu.memory_space<semaphore_mem>>
      %dma_start3A_141 = arith.constant 0 : i32
      %dma_start3A_142 = arith.constant 0 : i32
      %dma_start3A_143 = arith.constant 0 : i32
      %dma_start3A_144 = tpu.memref_slice %arg3[%add3A, %dma_start3A_141, %dma_start3A_142, %dma_start3A_143] : memref<32x80x2x125xi32, #tpu.memory_space<hbm>> -> memref<1x80x2x125xi32, #tpu.memory_space<hbm>>
      %dma_start3A_145 = tpu.memref_squeeze %dma_start3A_144 : memref<1x80x2x125xi32, #tpu.memory_space<hbm>> -> memref<80x2x125xi32, #tpu.memory_space<hbm>>
      %dma_start3A_146 = arith.constant 0 : i32
      %dma_start3A_147 = arith.constant 0 : i32
      %dma_start3A_148 = arith.constant 0 : i32
      %dma_start3A_149 = tpu.memref_slice %arg3[%add3A, %dma_start3A_146, %dma_start3A_147, %dma_start3A_148] : memref<32x80x2x125xi32, #tpu.memory_space<hbm>> -> memref<1x80x2x125xi32, #tpu.memory_space<hbm>>
      %dma_start3A_150 = tpu.memref_squeeze %dma_start3A_149 : memref<1x80x2x125xi32, #tpu.memory_space<hbm>> -> memref<80x2x125xi32, #tpu.memory_space<hbm>>
      tpu.enqueue_dma source(%dma_start3A_150 : memref<80x2x125xi32, #tpu.memory_space<hbm>>) target(%arg6 : memref<80x2x125xi32, #tpu.memory_space<vmem>>) target_semaphore(%run_scoped3A : memref<!tpu.dma_semaphore, #tpu.memory_space<semaphore_mem>>)
      %dma_wait3A_151 = arith.constant 0 : i32
      %dma_wait3A_152 = arith.constant 0 : i32
      %dma_wait3A_153 = arith.constant 0 : i32
      %dma_wait3A_154 = tpu.memref_slice %arg3[%add3A, %dma_wait3A_151, %dma_wait3A_152, %dma_wait3A_153] : memref<32x80x2x125xi32, #tpu.memory_space<hbm>> -> memref<1x80x2x125xi32, #tpu.memory_space<hbm>>
      %dma_wait3A_155 = tpu.memref_squeeze %dma_wait3A_154 : memref<1x80x2x125xi32, #tpu.memory_space<hbm>> -> memref<80x2x125xi32, #tpu.memory_space<hbm>>
      %dma_wait3A_156 = arith.constant 0 : i32
      %dma_wait3A_157 = arith.constant 0 : i32
      %dma_wait3A_158 = arith.constant 0 : i32
      %dma_wait3A_159 = tpu.memref_slice %arg3[%add3A, %dma_wait3A_156, %dma_wait3A_157, %dma_wait3A_158] : memref<32x80x2x125xi32, #tpu.memory_space<hbm>> -> memref<1x80x2x125xi32, #tpu.memory_space<hbm>>
      %dma_wait3A_160 = tpu.memref_squeeze %dma_wait3A_159 : memref<1x80x2x125xi32, #tpu.memory_space<hbm>> -> memref<80x2x125xi32, #tpu.memory_space<hbm>>
      tpu.wait_dma2 semaphore(%run_scoped3A : memref<!tpu.dma_semaphore, #tpu.memory_space<semaphore_mem>>) src(%dma_wait3A_160 : memref<80x2x125xi32, #tpu.memory_space<hbm>>) dst(%arg6 : memref<80x2x125xi32, #tpu.memory_space<vmem>>)
      tpu.yield
    }) : () -> ()
    %barrier3A = arith.constant 0 : index
    tpu.barrier barrier_id(%barrier3A)
    %dma_start3A = arith.constant 0 : i32
    %dma_start3A_5 = arith.constant 0 : i32
    %dma_start3A_6 = arith.constant 0 : i32
    %dma_start3A_7 = tpu.memref_slice %arg6[%dma_start3A, %dma_start3A_5, %dma_start3A_6] : memref<80x2x125xi32, #tpu.memory_space<vmem>> -> memref<1x1x125xi32, #tpu.memory_space<vmem>>
    %dma_start3A_8 = tpu.memref_squeeze %dma_start3A_7 : memref<1x1x125xi32, #tpu.memory_space<vmem>> -> memref<125xi32, #tpu.memory_space<vmem>>
    %dma_start3A_9 = arith.constant 0 : i32
    %dma_start3A_10 = arith.constant 0 : i32
    %dma_start3A_11 = tpu.memref_slice %arg2[%dma_start3A_9, %dma_start3A_10] : memref<10000x64xf32, #tpu.memory_space<hbm>> -> memref<10000x64xf32, #tpu.memory_space<hbm>>
    tpu.enqueue_indirect_dma source(%dma_start3A_11 : memref<10000x64xf32, #tpu.memory_space<hbm>>) target(%arg7 : memref<125x64xf32, #tpu.memory_space<vmem>>) offsets(%dma_start3A_8 : memref<125xi32, #tpu.memory_space<vmem>>) semaphore(%arg12 : memref<!tpu.dma_semaphore, #tpu.memory_space<semaphore_mem>>)
    %dma_start3A_12 = arith.constant 1 : i32
    %dma_start3A_13 = arith.constant 0 : i32
    %dma_start3A_14 = arith.constant 0 : i32
    %dma_start3A_15 = tpu.memref_slice %arg6[%dma_start3A_12, %dma_start3A_13, %dma_start3A_14] : memref<80x2x125xi32, #tpu.memory_space<vmem>> -> memref<1x1x125xi32, #tpu.memory_space<vmem>>
    %dma_start3A_16 = tpu.memref_squeeze %dma_start3A_15 : memref<1x1x125xi32, #tpu.memory_space<vmem>> -> memref<125xi32, #tpu.memory_space<vmem>>
    %dma_start3A_17 = arith.constant 0 : i32
    %dma_start3A_18 = arith.constant 0 : i32
    %dma_start3A_19 = tpu.memref_slice %arg2[%dma_start3A_17, %dma_start3A_18] : memref<10000x64xf32, #tpu.memory_space<hbm>> -> memref<10000x64xf32, #tpu.memory_space<hbm>>
    tpu.enqueue_indirect_dma source(%dma_start3A_19 : memref<10000x64xf32, #tpu.memory_space<hbm>>) target(%arg8 : memref<125x64xf32, #tpu.memory_space<vmem>>) offsets(%dma_start3A_16 : memref<125xi32, #tpu.memory_space<vmem>>) semaphore(%arg13 : memref<!tpu.dma_semaphore, #tpu.memory_space<semaphore_mem>>)
    %dma_wait3A = arith.constant 0 : i32
    %dma_wait3A_20 = arith.constant 0 : i32
    %dma_wait3A_21 = arith.constant 0 : i32
    %dma_wait3A_22 = tpu.memref_slice %arg6[%dma_wait3A, %dma_wait3A_20, %dma_wait3A_21] : memref<80x2x125xi32, #tpu.memory_space<vmem>> -> memref<1x1x125xi32, #tpu.memory_space<vmem>>
    %dma_wait3A_23 = tpu.memref_squeeze %dma_wait3A_22 : memref<1x1x125xi32, #tpu.memory_space<vmem>> -> memref<125xi32, #tpu.memory_space<vmem>>
    %dma_wait3A_24 = arith.constant 0 : i32
    %dma_wait3A_25 = arith.constant 0 : i32
    %dma_wait3A_26 = tpu.memref_slice %arg2[%dma_wait3A_24, %dma_wait3A_25] : memref<10000x64xf32, #tpu.memory_space<hbm>> -> memref<10000x64xf32, #tpu.memory_space<hbm>>
    tpu.wait_indirect_dma semaphore(%arg12 : memref<!tpu.dma_semaphore, #tpu.memory_space<semaphore_mem>>) src(%dma_wait3A_26 : memref<10000x64xf32, #tpu.memory_space<hbm>>) dst(%arg7 : memref<125x64xf32, #tpu.memory_space<vmem>>)
    %dma_start3A_27 = arith.constant 0 : i32
    %dma_start3A_28 = arith.constant 1 : i32
    %dma_start3A_29 = arith.constant 0 : i32
    %dma_start3A_30 = tpu.memref_slice %arg6[%dma_start3A_27, %dma_start3A_28, %dma_start3A_29] : memref<80x2x125xi32, #tpu.memory_space<vmem>> -> memref<1x1x125xi32, #tpu.memory_space<vmem>>
    %dma_start3A_31 = tpu.memref_squeeze %dma_start3A_30 : memref<1x1x125xi32, #tpu.memory_space<vmem>> -> memref<125xi32, #tpu.memory_space<vmem>>
    %dma_start3A_32 = arith.constant 0 : i32
    %dma_start3A_33 = arith.constant 0 : i32
    %dma_start3A_34 = tpu.memref_slice %arg11[%dma_start3A_32, %dma_start3A_33] : memref<10240x64xf32, #tpu.memory_space<vmem_shared>> -> memref<10240x64xf32, #tpu.memory_space<vmem_shared>>
    tpu.enqueue_indirect_dma source(%arg7 : memref<125x64xf32, #tpu.memory_space<vmem>>) target(%dma_start3A_34 : memref<10240x64xf32, #tpu.memory_space<vmem_shared>>) offsets(%dma_start3A_31 : memref<125xi32, #tpu.memory_space<vmem>>) semaphore(%arg16 : memref<!tpu.dma_semaphore, #tpu.memory_space<semaphore_mem>>) {add = true}
    %dma_start3A_35 = arith.constant 2 : i32
    %dma_start3A_36 = arith.constant 0 : i32
    %dma_start3A_37 = arith.constant 0 : i32
    %dma_start3A_38 = tpu.memref_slice %arg6[%dma_start3A_35, %dma_start3A_36, %dma_start3A_37] : memref<80x2x125xi32, #tpu.memory_space<vmem>> -> memref<1x1x125xi32, #tpu.memory_space<vmem>>
    %dma_start3A_39 = tpu.memref_squeeze %dma_start3A_38 : memref<1x1x125xi32, #tpu.memory_space<vmem>> -> memref<125xi32, #tpu.memory_space<vmem>>
    %dma_start3A_40 = arith.constant 0 : i32
    %dma_start3A_41 = arith.constant 0 : i32
    %dma_start3A_42 = tpu.memref_slice %arg2[%dma_start3A_40, %dma_start3A_41] : memref<10000x64xf32, #tpu.memory_space<hbm>> -> memref<10000x64xf32, #tpu.memory_space<hbm>>
    tpu.enqueue_indirect_dma source(%dma_start3A_42 : memref<10000x64xf32, #tpu.memory_space<hbm>>) target(%arg9 : memref<125x64xf32, #tpu.memory_space<vmem>>) offsets(%dma_start3A_39 : memref<125xi32, #tpu.memory_space<vmem>>) semaphore(%arg14 : memref<!tpu.dma_semaphore, #tpu.memory_space<semaphore_mem>>)
    %dma_wait3A_43 = arith.constant 1 : i32
    %dma_wait3A_44 = arith.constant 0 : i32
    %dma_wait3A_45 = arith.constant 0 : i32
    %dma_wait3A_46 = tpu.memref_slice %arg6[%dma_wait3A_43, %dma_wait3A_44, %dma_wait3A_45] : memref<80x2x125xi32, #tpu.memory_space<vmem>> -> memref<1x1x125xi32, #tpu.memory_space<vmem>>
    %dma_wait3A_47 = tpu.memref_squeeze %dma_wait3A_46 : memref<1x1x125xi32, #tpu.memory_space<vmem>> -> memref<125xi32, #tpu.memory_space<vmem>>
    %dma_wait3A_48 = arith.constant 0 : i32
    %dma_wait3A_49 = arith.constant 0 : i32
    %dma_wait3A_50 = tpu.memref_slice %arg2[%dma_wait3A_48, %dma_wait3A_49] : memref<10000x64xf32, #tpu.memory_space<hbm>> -> memref<10000x64xf32, #tpu.memory_space<hbm>>
    tpu.wait_indirect_dma semaphore(%arg13 : memref<!tpu.dma_semaphore, #tpu.memory_space<semaphore_mem>>) src(%dma_wait3A_50 : memref<10000x64xf32, #tpu.memory_space<hbm>>) dst(%arg8 : memref<125x64xf32, #tpu.memory_space<vmem>>)
    %dma_start3A_51 = arith.constant 1 : i32
    %dma_start3A_52 = arith.constant 1 : i32
    %dma_start3A_53 = arith.constant 0 : i32
    %dma_start3A_54 = tpu.memref_slice %arg6[%dma_start3A_51, %dma_start3A_52, %dma_start3A_53] : memref<80x2x125xi32, #tpu.memory_space<vmem>> -> memref<1x1x125xi32, #tpu.memory_space<vmem>>
    %dma_start3A_55 = tpu.memref_squeeze %dma_start3A_54 : memref<1x1x125xi32, #tpu.memory_space<vmem>> -> memref<125xi32, #tpu.memory_space<vmem>>
    %dma_start3A_56 = arith.constant 0 : i32
    %dma_start3A_57 = arith.constant 0 : i32
    %dma_start3A_58 = tpu.memref_slice %arg11[%dma_start3A_56, %dma_start3A_57] : memref<10240x64xf32, #tpu.memory_space<vmem_shared>> -> memref<10240x64xf32, #tpu.memory_space<vmem_shared>>
    tpu.enqueue_indirect_dma source(%arg8 : memref<125x64xf32, #tpu.memory_space<vmem>>) target(%dma_start3A_58 : memref<10240x64xf32, #tpu.memory_space<vmem_shared>>) offsets(%dma_start3A_55 : memref<125xi32, #tpu.memory_space<vmem>>) semaphore(%arg17 : memref<!tpu.dma_semaphore, #tpu.memory_space<semaphore_mem>>) {add = true}
    %dma_start3A_59 = arith.constant 3 : i32
    %dma_start3A_60 = arith.constant 0 : i32
    %dma_start3A_61 = arith.constant 0 : i32
    %dma_start3A_62 = tpu.memref_slice %arg6[%dma_start3A_59, %dma_start3A_60, %dma_start3A_61] : memref<80x2x125xi32, #tpu.memory_space<vmem>> -> memref<1x1x125xi32, #tpu.memory_space<vmem>>
    %dma_start3A_63 = tpu.memref_squeeze %dma_start3A_62 : memref<1x1x125xi32, #tpu.memory_space<vmem>> -> memref<125xi32, #tpu.memory_space<vmem>>
    %dma_start3A_64 = arith.constant 0 : i32
    %dma_start3A_65 = arith.constant 0 : i32
    %dma_start3A_66 = tpu.memref_slice %arg2[%dma_start3A_64, %dma_start3A_65] : memref<10000x64xf32, #tpu.memory_space<hbm>> -> memref<10000x64xf32, #tpu.memory_space<hbm>>
    tpu.enqueue_indirect_dma source(%dma_start3A_66 : memref<10000x64xf32, #tpu.memory_space<hbm>>) target(%arg10 : memref<125x64xf32, #tpu.memory_space<vmem>>) offsets(%dma_start3A_63 : memref<125xi32, #tpu.memory_space<vmem>>) semaphore(%arg15 : memref<!tpu.dma_semaphore, #tpu.memory_space<semaphore_mem>>)
    %scan3A = arith.constant 0 : i32
    %scan3A_67 = arith.constant 0 : i32
    %scan3A_68 = arith.constant 19 : i32
    %scan3A_69 = arith.addi %scan3A_67, %scan3A_68 : i32
    %scan3A_70 = arith.constant 1 : i32
    scf.for %scan3A_141 = %scan3A_67 to %scan3A_69 step %scan3A_70  : i32 {
      %mul3A_142 = arith.constant 4 : i32
      %mul3A_143 = arith.muli %mul3A_142, %scan3A_141 : i32
      %add3A_144 = arith.constant 2 : i32
      %add3A_145 = arith.addi %mul3A_143, %add3A_144 : i32
      %add3A_146 = arith.constant 0 : i32
      %add3A_147 = arith.addi %add3A_145, %add3A_146 : i32
      %dma_wait3A_148 = arith.constant 0 : i32
      %dma_wait3A_149 = arith.constant 0 : i32
      %dma_wait3A_150 = tpu.memref_slice %arg6[%add3A_147, %dma_wait3A_148, %dma_wait3A_149] : memref<80x2x125xi32, #tpu.memory_space<vmem>> -> memref<1x1x125xi32, #tpu.memory_space<vmem>>
      %dma_wait3A_151 = tpu.memref_squeeze %dma_wait3A_150 : memref<1x1x125xi32, #tpu.memory_space<vmem>> -> memref<125xi32, #tpu.memory_space<vmem>>
      %dma_wait3A_152 = arith.constant 0 : i32
      %dma_wait3A_153 = arith.constant 0 : i32
      %dma_wait3A_154 = tpu.memref_slice %arg2[%dma_wait3A_152, %dma_wait3A_153] : memref<10000x64xf32, #tpu.memory_space<hbm>> -> memref<10000x64xf32, #tpu.memory_space<hbm>>
      tpu.wait_indirect_dma semaphore(%arg14 : memref<!tpu.dma_semaphore, #tpu.memory_space<semaphore_mem>>) src(%dma_wait3A_154 : memref<10000x64xf32, #tpu.memory_space<hbm>>) dst(%arg9 : memref<125x64xf32, #tpu.memory_space<vmem>>)
      %dma_start3A_155 = arith.constant 1 : i32
      %dma_start3A_156 = arith.constant 0 : i32
      %dma_start3A_157 = tpu.memref_slice %arg6[%add3A_147, %dma_start3A_155, %dma_start3A_156] : memref<80x2x125xi32, #tpu.memory_space<vmem>> -> memref<1x1x125xi32, #tpu.memory_space<vmem>>
      %dma_start3A_158 = tpu.memref_squeeze %dma_start3A_157 : memref<1x1x125xi32, #tpu.memory_space<vmem>> -> memref<125xi32, #tpu.memory_space<vmem>>
      %dma_start3A_159 = arith.constant 0 : i32
      %dma_start3A_160 = arith.constant 0 : i32
      %dma_start3A_161 = tpu.memref_slice %arg11[%dma_start3A_159, %dma_start3A_160] : memref<10240x64xf32, #tpu.memory_space<vmem_shared>> -> memref<10240x64xf32, #tpu.memory_space<vmem_shared>>
      tpu.enqueue_indirect_dma source(%arg9 : memref<125x64xf32, #tpu.memory_space<vmem>>) target(%dma_start3A_161 : memref<10240x64xf32, #tpu.memory_space<vmem_shared>>) offsets(%dma_start3A_158 : memref<125xi32, #tpu.memory_space<vmem>>) semaphore(%arg18 : memref<!tpu.dma_semaphore, #tpu.memory_space<semaphore_mem>>) {add = true}
      %sub3A = arith.constant 2 : i32
      %sub3A_162 = arith.subi %add3A_147, %sub3A : i32
      %dma_wait3A_163 = arith.constant 1 : i32
      %dma_wait3A_164 = arith.constant 0 : i32
      %dma_wait3A_165 = tpu.memref_slice %arg6[%sub3A_162, %dma_wait3A_163, %dma_wait3A_164] : memref<80x2x125xi32, #tpu.memory_space<vmem>> -> memref<1x1x125xi32, #tpu.memory_space<vmem>>
      %dma_wait3A_166 = tpu.memref_squeeze %dma_wait3A_165 : memref<1x1x125xi32, #tpu.memory_space<vmem>> -> memref<125xi32, #tpu.memory_space<vmem>>
      %dma_wait3A_167 = arith.constant 0 : i32
      %dma_wait3A_168 = arith.constant 0 : i32
      %dma_wait3A_169 = tpu.memref_slice %arg11[%dma_wait3A_167, %dma_wait3A_168] : memref<10240x64xf32, #tpu.memory_space<vmem_shared>> -> memref<10240x64xf32, #tpu.memory_space<vmem_shared>>
      tpu.wait_indirect_dma semaphore(%arg16 : memref<!tpu.dma_semaphore, #tpu.memory_space<semaphore_mem>>) src(%arg7 : memref<125x64xf32, #tpu.memory_space<vmem>>) dst(%dma_wait3A_169 : memref<10240x64xf32, #tpu.memory_space<vmem_shared>>)
      %add3A_170 = arith.constant 2 : i32
      %add3A_171 = arith.addi %add3A_147, %add3A_170 : i32
      %dma_start3A_172 = arith.constant 0 : i32
      %dma_start3A_173 = arith.constant 0 : i32
      %dma_start3A_174 = tpu.memref_slice %arg6[%add3A_171, %dma_start3A_172, %dma_start3A_173] : memref<80x2x125xi32, #tpu.memory_space<vmem>> -> memref<1x1x125xi32, #tpu.memory_space<vmem>>
      %dma_start3A_175 = tpu.memref_squeeze %dma_start3A_174 : memref<1x1x125xi32, #tpu.memory_space<vmem>> -> memref<125xi32, #tpu.memory_space<vmem>>
      %dma_start3A_176 = arith.constant 0 : i32
      %dma_start3A_177 = arith.constant 0 : i32
      %dma_start3A_178 = tpu.memref_slice %arg2[%dma_start3A_176, %dma_start3A_177] : memref<10000x64xf32, #tpu.memory_space<hbm>> -> memref<10000x64xf32, #tpu.memory_space<hbm>>
      tpu.enqueue_indirect_dma source(%dma_start3A_178 : memref<10000x64xf32, #tpu.memory_space<hbm>>) target(%arg7 : memref<125x64xf32, #tpu.memory_space<vmem>>) offsets(%dma_start3A_175 : memref<125xi32, #tpu.memory_space<vmem>>) semaphore(%arg12 : memref<!tpu.dma_semaphore, #tpu.memory_space<semaphore_mem>>)
      %add3A_179 = arith.constant 1 : i32
      %add3A_180 = arith.addi %add3A_145, %add3A_179 : i32
      %dma_wait3A_181 = arith.constant 0 : i32
      %dma_wait3A_182 = arith.constant 0 : i32
      %dma_wait3A_183 = tpu.memref_slice %arg6[%add3A_180, %dma_wait3A_181, %dma_wait3A_182] : memref<80x2x125xi32, #tpu.memory_space<vmem>> -> memref<1x1x125xi32, #tpu.memory_space<vmem>>
      %dma_wait3A_184 = tpu.memref_squeeze %dma_wait3A_183 : memref<1x1x125xi32, #tpu.memory_space<vmem>> -> memref<125xi32, #tpu.memory_space<vmem>>
      %dma_wait3A_185 = arith.constant 0 : i32
      %dma_wait3A_186 = arith.constant 0 : i32
      %dma_wait3A_187 = tpu.memref_slice %arg2[%dma_wait3A_185, %dma_wait3A_186] : memref<10000x64xf32, #tpu.memory_space<hbm>> -> memref<10000x64xf32, #tpu.memory_space<hbm>>
      tpu.wait_indirect_dma semaphore(%arg15 : memref<!tpu.dma_semaphore, #tpu.memory_space<semaphore_mem>>) src(%dma_wait3A_187 : memref<10000x64xf32, #tpu.memory_space<hbm>>) dst(%arg10 : memref<125x64xf32, #tpu.memory_space<vmem>>)
      %dma_start3A_188 = arith.constant 1 : i32
      %dma_start3A_189 = arith.constant 0 : i32
      %dma_start3A_190 = tpu.memref_slice %arg6[%add3A_180, %dma_start3A_188, %dma_start3A_189] : memref<80x2x125xi32, #tpu.memory_space<vmem>> -> memref<1x1x125xi32, #tpu.memory_space<vmem>>
      %dma_start3A_191 = tpu.memref_squeeze %dma_start3A_190 : memref<1x1x125xi32, #tpu.memory_space<vmem>> -> memref<125xi32, #tpu.memory_space<vmem>>
      %dma_start3A_192 = arith.constant 0 : i32
      %dma_start3A_193 = arith.constant 0 : i32
      %dma_start3A_194 = tpu.memref_slice %arg11[%dma_start3A_192, %dma_start3A_193] : memref<10240x64xf32, #tpu.memory_space<vmem_shared>> -> memref<10240x64xf32, #tpu.memory_space<vmem_shared>>
      tpu.enqueue_indirect_dma source(%arg10 : memref<125x64xf32, #tpu.memory_space<vmem>>) target(%dma_start3A_194 : memref<10240x64xf32, #tpu.memory_space<vmem_shared>>) offsets(%dma_start3A_191 : memref<125xi32, #tpu.memory_space<vmem>>) semaphore(%arg19 : memref<!tpu.dma_semaphore, #tpu.memory_space<semaphore_mem>>) {add = true}
      %sub3A_195 = arith.constant 2 : i32
      %sub3A_196 = arith.subi %add3A_180, %sub3A_195 : i32
      %dma_wait3A_197 = arith.constant 1 : i32
      %dma_wait3A_198 = arith.constant 0 : i32
      %dma_wait3A_199 = tpu.memref_slice %arg6[%sub3A_196, %dma_wait3A_197, %dma_wait3A_198] : memref<80x2x125xi32, #tpu.memory_space<vmem>> -> memref<1x1x125xi32, #tpu.memory_space<vmem>>
      %dma_wait3A_200 = tpu.memref_squeeze %dma_wait3A_199 : memref<1x1x125xi32, #tpu.memory_space<vmem>> -> memref<125xi32, #tpu.memory_space<vmem>>
      %dma_wait3A_201 = arith.constant 0 : i32
      %dma_wait3A_202 = arith.constant 0 : i32
      %dma_wait3A_203 = tpu.memref_slice %arg11[%dma_wait3A_201, %dma_wait3A_202] : memref<10240x64xf32, #tpu.memory_space<vmem_shared>> -> memref<10240x64xf32, #tpu.memory_space<vmem_shared>>
      tpu.wait_indirect_dma semaphore(%arg17 : memref<!tpu.dma_semaphore, #tpu.memory_space<semaphore_mem>>) src(%arg8 : memref<125x64xf32, #tpu.memory_space<vmem>>) dst(%dma_wait3A_203 : memref<10240x64xf32, #tpu.memory_space<vmem_shared>>)
      %add3A_204 = arith.constant 2 : i32
      %add3A_205 = arith.addi %add3A_180, %add3A_204 : i32
      %dma_start3A_206 = arith.constant 0 : i32
      %dma_start3A_207 = arith.constant 0 : i32
      %dma_start3A_208 = tpu.memref_slice %arg6[%add3A_205, %dma_start3A_206, %dma_start3A_207] : memref<80x2x125xi32, #tpu.memory_space<vmem>> -> memref<1x1x125xi32, #tpu.memory_space<vmem>>
      %dma_start3A_209 = tpu.memref_squeeze %dma_start3A_208 : memref<1x1x125xi32, #tpu.memory_space<vmem>> -> memref<125xi32, #tpu.memory_space<vmem>>
      %dma_start3A_210 = arith.constant 0 : i32
      %dma_start3A_211 = arith.constant 0 : i32
      %dma_start3A_212 = tpu.memref_slice %arg2[%dma_start3A_210, %dma_start3A_211] : memref<10000x64xf32, #tpu.memory_space<hbm>> -> memref<10000x64xf32, #tpu.memory_space<hbm>>
      tpu.enqueue_indirect_dma source(%dma_start3A_212 : memref<10000x64xf32, #tpu.memory_space<hbm>>) target(%arg8 : memref<125x64xf32, #tpu.memory_space<vmem>>) offsets(%dma_start3A_209 : memref<125xi32, #tpu.memory_space<vmem>>) semaphore(%arg13 : memref<!tpu.dma_semaphore, #tpu.memory_space<semaphore_mem>>)
      %add3A_213 = arith.constant 2 : i32
      %add3A_214 = arith.addi %add3A_145, %add3A_213 : i32
      %dma_wait3A_215 = arith.constant 0 : i32
      %dma_wait3A_216 = arith.constant 0 : i32
      %dma_wait3A_217 = tpu.memref_slice %arg6[%add3A_214, %dma_wait3A_215, %dma_wait3A_216] : memref<80x2x125xi32, #tpu.memory_space<vmem>> -> memref<1x1x125xi32, #tpu.memory_space<vmem>>
      %dma_wait3A_218 = tpu.memref_squeeze %dma_wait3A_217 : memref<1x1x125xi32, #tpu.memory_space<vmem>> -> memref<125xi32, #tpu.memory_space<vmem>>
      %dma_wait3A_219 = arith.constant 0 : i32
      %dma_wait3A_220 = arith.constant 0 : i32
      %dma_wait3A_221 = tpu.memref_slice %arg2[%dma_wait3A_219, %dma_wait3A_220] : memref<10000x64xf32, #tpu.memory_space<hbm>> -> memref<10000x64xf32, #tpu.memory_space<hbm>>
      tpu.wait_indirect_dma semaphore(%arg12 : memref<!tpu.dma_semaphore, #tpu.memory_space<semaphore_mem>>) src(%dma_wait3A_221 : memref<10000x64xf32, #tpu.memory_space<hbm>>) dst(%arg7 : memref<125x64xf32, #tpu.memory_space<vmem>>)
      %dma_start3A_222 = arith.constant 1 : i32
      %dma_start3A_223 = arith.constant 0 : i32
      %dma_start3A_224 = tpu.memref_slice %arg6[%add3A_214, %dma_start3A_222, %dma_start3A_223] : memref<80x2x125xi32, #tpu.memory_space<vmem>> -> memref<1x1x125xi32, #tpu.memory_space<vmem>>
      %dma_start3A_225 = tpu.memref_squeeze %dma_start3A_224 : memref<1x1x125xi32, #tpu.memory_space<vmem>> -> memref<125xi32, #tpu.memory_space<vmem>>
      %dma_start3A_226 = arith.constant 0 : i32
      %dma_start3A_227 = arith.constant 0 : i32
      %dma_start3A_228 = tpu.memref_slice %arg11[%dma_start3A_226, %dma_start3A_227] : memref<10240x64xf32, #tpu.memory_space<vmem_shared>> -> memref<10240x64xf32, #tpu.memory_space<vmem_shared>>
      tpu.enqueue_indirect_dma source(%arg7 : memref<125x64xf32, #tpu.memory_space<vmem>>) target(%dma_start3A_228 : memref<10240x64xf32, #tpu.memory_space<vmem_shared>>) offsets(%dma_start3A_225 : memref<125xi32, #tpu.memory_space<vmem>>) semaphore(%arg16 : memref<!tpu.dma_semaphore, #tpu.memory_space<semaphore_mem>>) {add = true}
      %sub3A_229 = arith.constant 2 : i32
      %sub3A_230 = arith.subi %add3A_214, %sub3A_229 : i32
      %dma_wait3A_231 = arith.constant 1 : i32
      %dma_wait3A_232 = arith.constant 0 : i32
      %dma_wait3A_233 = tpu.memref_slice %arg6[%sub3A_230, %dma_wait3A_231, %dma_wait3A_232] : memref<80x2x125xi32, #tpu.memory_space<vmem>> -> memref<1x1x125xi32, #tpu.memory_space<vmem>>
      %dma_wait3A_234 = tpu.memref_squeeze %dma_wait3A_233 : memref<1x1x125xi32, #tpu.memory_space<vmem>> -> memref<125xi32, #tpu.memory_space<vmem>>
      %dma_wait3A_235 = arith.constant 0 : i32
      %dma_wait3A_236 = arith.constant 0 : i32
      %dma_wait3A_237 = tpu.memref_slice %arg11[%dma_wait3A_235, %dma_wait3A_236] : memref<10240x64xf32, #tpu.memory_space<vmem_shared>> -> memref<10240x64xf32, #tpu.memory_space<vmem_shared>>
      tpu.wait_indirect_dma semaphore(%arg18 : memref<!tpu.dma_semaphore, #tpu.memory_space<semaphore_mem>>) src(%arg9 : memref<125x64xf32, #tpu.memory_space<vmem>>) dst(%dma_wait3A_237 : memref<10240x64xf32, #tpu.memory_space<vmem_shared>>)
      %add3A_238 = arith.constant 2 : i32
      %add3A_239 = arith.addi %add3A_214, %add3A_238 : i32
      %dma_start3A_240 = arith.constant 0 : i32
      %dma_start3A_241 = arith.constant 0 : i32
      %dma_start3A_242 = tpu.memref_slice %arg6[%add3A_239, %dma_start3A_240, %dma_start3A_241] : memref<80x2x125xi32, #tpu.memory_space<vmem>> -> memref<1x1x125xi32, #tpu.memory_space<vmem>>
      %dma_start3A_243 = tpu.memref_squeeze %dma_start3A_242 : memref<1x1x125xi32, #tpu.memory_space<vmem>> -> memref<125xi32, #tpu.memory_space<vmem>>
      %dma_start3A_244 = arith.constant 0 : i32
      %dma_start3A_245 = arith.constant 0 : i32
      %dma_start3A_246 = tpu.memref_slice %arg2[%dma_start3A_244, %dma_start3A_245] : memref<10000x64xf32, #tpu.memory_space<hbm>> -> memref<10000x64xf32, #tpu.memory_space<hbm>>
      tpu.enqueue_indirect_dma source(%dma_start3A_246 : memref<10000x64xf32, #tpu.memory_space<hbm>>) target(%arg9 : memref<125x64xf32, #tpu.memory_space<vmem>>) offsets(%dma_start3A_243 : memref<125xi32, #tpu.memory_space<vmem>>) semaphore(%arg14 : memref<!tpu.dma_semaphore, #tpu.memory_space<semaphore_mem>>)
      %add3A_247 = arith.constant 3 : i32
      %add3A_248 = arith.addi %add3A_145, %add3A_247 : i32
      %dma_wait3A_249 = arith.constant 0 : i32
      %dma_wait3A_250 = arith.constant 0 : i32
      %dma_wait3A_251 = tpu.memref_slice %arg6[%add3A_248, %dma_wait3A_249, %dma_wait3A_250] : memref<80x2x125xi32, #tpu.memory_space<vmem>> -> memref<1x1x125xi32, #tpu.memory_space<vmem>>
      %dma_wait3A_252 = tpu.memref_squeeze %dma_wait3A_251 : memref<1x1x125xi32, #tpu.memory_space<vmem>> -> memref<125xi32, #tpu.memory_space<vmem>>
      %dma_wait3A_253 = arith.constant 0 : i32
      %dma_wait3A_254 = arith.constant 0 : i32
      %dma_wait3A_255 = tpu.memref_slice %arg2[%dma_wait3A_253, %dma_wait3A_254] : memref<10000x64xf32, #tpu.memory_space<hbm>> -> memref<10000x64xf32, #tpu.memory_space<hbm>>
      tpu.wait_indirect_dma semaphore(%arg13 : memref<!tpu.dma_semaphore, #tpu.memory_space<semaphore_mem>>) src(%dma_wait3A_255 : memref<10000x64xf32, #tpu.memory_space<hbm>>) dst(%arg8 : memref<125x64xf32, #tpu.memory_space<vmem>>)
      %dma_start3A_256 = arith.constant 1 : i32
      %dma_start3A_257 = arith.constant 0 : i32
      %dma_start3A_258 = tpu.memref_slice %arg6[%add3A_248, %dma_start3A_256, %dma_start3A_257] : memref<80x2x125xi32, #tpu.memory_space<vmem>> -> memref<1x1x125xi32, #tpu.memory_space<vmem>>
      %dma_start3A_259 = tpu.memref_squeeze %dma_start3A_258 : memref<1x1x125xi32, #tpu.memory_space<vmem>> -> memref<125xi32, #tpu.memory_space<vmem>>
      %dma_start3A_260 = arith.constant 0 : i32
      %dma_start3A_261 = arith.constant 0 : i32
      %dma_start3A_262 = tpu.memref_slice %arg11[%dma_start3A_260, %dma_start3A_261] : memref<10240x64xf32, #tpu.memory_space<vmem_shared>> -> memref<10240x64xf32, #tpu.memory_space<vmem_shared>>
      tpu.enqueue_indirect_dma source(%arg8 : memref<125x64xf32, #tpu.memory_space<vmem>>) target(%dma_start3A_262 : memref<10240x64xf32, #tpu.memory_space<vmem_shared>>) offsets(%dma_start3A_259 : memref<125xi32, #tpu.memory_space<vmem>>) semaphore(%arg17 : memref<!tpu.dma_semaphore, #tpu.memory_space<semaphore_mem>>) {add = true}
      %sub3A_263 = arith.constant 2 : i32
      %sub3A_264 = arith.subi %add3A_248, %sub3A_263 : i32
      %dma_wait3A_265 = arith.constant 1 : i32
      %dma_wait3A_266 = arith.constant 0 : i32
      %dma_wait3A_267 = tpu.memref_slice %arg6[%sub3A_264, %dma_wait3A_265, %dma_wait3A_266] : memref<80x2x125xi32, #tpu.memory_space<vmem>> -> memref<1x1x125xi32, #tpu.memory_space<vmem>>
      %dma_wait3A_268 = tpu.memref_squeeze %dma_wait3A_267 : memref<1x1x125xi32, #tpu.memory_space<vmem>> -> memref<125xi32, #tpu.memory_space<vmem>>
      %dma_wait3A_269 = arith.constant 0 : i32
      %dma_wait3A_270 = arith.constant 0 : i32
      %dma_wait3A_271 = tpu.memref_slice %arg11[%dma_wait3A_269, %dma_wait3A_270] : memref<10240x64xf32, #tpu.memory_space<vmem_shared>> -> memref<10240x64xf32, #tpu.memory_space<vmem_shared>>
      tpu.wait_indirect_dma semaphore(%arg19 : memref<!tpu.dma_semaphore, #tpu.memory_space<semaphore_mem>>) src(%arg10 : memref<125x64xf32, #tpu.memory_space<vmem>>) dst(%dma_wait3A_271 : memref<10240x64xf32, #tpu.memory_space<vmem_shared>>)
      %add3A_272 = arith.constant 2 : i32
      %add3A_273 = arith.addi %add3A_248, %add3A_272 : i32
      %dma_start3A_274 = arith.constant 0 : i32
      %dma_start3A_275 = arith.constant 0 : i32
      %dma_start3A_276 = tpu.memref_slice %arg6[%add3A_273, %dma_start3A_274, %dma_start3A_275] : memref<80x2x125xi32, #tpu.memory_space<vmem>> -> memref<1x1x125xi32, #tpu.memory_space<vmem>>
      %dma_start3A_277 = tpu.memref_squeeze %dma_start3A_276 : memref<1x1x125xi32, #tpu.memory_space<vmem>> -> memref<125xi32, #tpu.memory_space<vmem>>
      %dma_start3A_278 = arith.constant 0 : i32
      %dma_start3A_279 = arith.constant 0 : i32
      %dma_start3A_280 = tpu.memref_slice %arg2[%dma_start3A_278, %dma_start3A_279] : memref<10000x64xf32, #tpu.memory_space<hbm>> -> memref<10000x64xf32, #tpu.memory_space<hbm>>
      tpu.enqueue_indirect_dma source(%dma_start3A_280 : memref<10000x64xf32, #tpu.memory_space<hbm>>) target(%arg10 : memref<125x64xf32, #tpu.memory_space<vmem>>) offsets(%dma_start3A_277 : memref<125xi32, #tpu.memory_space<vmem>>) semaphore(%arg15 : memref<!tpu.dma_semaphore, #tpu.memory_space<semaphore_mem>>)
    }
    %scan3A_71 = arith.constant 19 : i32
    %dma_wait3A_72 = arith.constant 78 : i32
    %dma_wait3A_73 = arith.constant 0 : i32
    %dma_wait3A_74 = arith.constant 0 : i32
    %dma_wait3A_75 = tpu.memref_slice %arg6[%dma_wait3A_72, %dma_wait3A_73, %dma_wait3A_74] : memref<80x2x125xi32, #tpu.memory_space<vmem>> -> memref<1x1x125xi32, #tpu.memory_space<vmem>>
    %dma_wait3A_76 = tpu.memref_squeeze %dma_wait3A_75 : memref<1x1x125xi32, #tpu.memory_space<vmem>> -> memref<125xi32, #tpu.memory_space<vmem>>
    %dma_wait3A_77 = arith.constant 0 : i32
    %dma_wait3A_78 = arith.constant 0 : i32
    %dma_wait3A_79 = tpu.memref_slice %arg2[%dma_wait3A_77, %dma_wait3A_78] : memref<10000x64xf32, #tpu.memory_space<hbm>> -> memref<10000x64xf32, #tpu.memory_space<hbm>>
    tpu.wait_indirect_dma semaphore(%arg14 : memref<!tpu.dma_semaphore, #tpu.memory_space<semaphore_mem>>) src(%dma_wait3A_79 : memref<10000x64xf32, #tpu.memory_space<hbm>>) dst(%arg9 : memref<125x64xf32, #tpu.memory_space<vmem>>)
    %dma_start3A_80 = arith.constant 78 : i32
    %dma_start3A_81 = arith.constant 1 : i32
    %dma_start3A_82 = arith.constant 0 : i32
    %dma_start3A_83 = tpu.memref_slice %arg6[%dma_start3A_80, %dma_start3A_81, %dma_start3A_82] : memref<80x2x125xi32, #tpu.memory_space<vmem>> -> memref<1x1x125xi32, #tpu.memory_space<vmem>>
    %dma_start3A_84 = tpu.memref_squeeze %dma_start3A_83 : memref<1x1x125xi32, #tpu.memory_space<vmem>> -> memref<125xi32, #tpu.memory_space<vmem>>
    %dma_start3A_85 = arith.constant 0 : i32
    %dma_start3A_86 = arith.constant 0 : i32
    %dma_start3A_87 = tpu.memref_slice %arg11[%dma_start3A_85, %dma_start3A_86] : memref<10240x64xf32, #tpu.memory_space<vmem_shared>> -> memref<10240x64xf32, #tpu.memory_space<vmem_shared>>
    tpu.enqueue_indirect_dma source(%arg9 : memref<125x64xf32, #tpu.memory_space<vmem>>) target(%dma_start3A_87 : memref<10240x64xf32, #tpu.memory_space<vmem_shared>>) offsets(%dma_start3A_84 : memref<125xi32, #tpu.memory_space<vmem>>) semaphore(%arg18 : memref<!tpu.dma_semaphore, #tpu.memory_space<semaphore_mem>>) {add = true}
    %dma_wait3A_88 = arith.constant 76 : i32
    %dma_wait3A_89 = arith.constant 1 : i32
    %dma_wait3A_90 = arith.constant 0 : i32
    %dma_wait3A_91 = tpu.memref_slice %arg6[%dma_wait3A_88, %dma_wait3A_89, %dma_wait3A_90] : memref<80x2x125xi32, #tpu.memory_space<vmem>> -> memref<1x1x125xi32, #tpu.memory_space<vmem>>
    %dma_wait3A_92 = tpu.memref_squeeze %dma_wait3A_91 : memref<1x1x125xi32, #tpu.memory_space<vmem>> -> memref<125xi32, #tpu.memory_space<vmem>>
    %dma_wait3A_93 = arith.constant 0 : i32
    %dma_wait3A_94 = arith.constant 0 : i32
    %dma_wait3A_95 = tpu.memref_slice %arg11[%dma_wait3A_93, %dma_wait3A_94] : memref<10240x64xf32, #tpu.memory_space<vmem_shared>> -> memref<10240x64xf32, #tpu.memory_space<vmem_shared>>
    tpu.wait_indirect_dma semaphore(%arg16 : memref<!tpu.dma_semaphore, #tpu.memory_space<semaphore_mem>>) src(%arg7 : memref<125x64xf32, #tpu.memory_space<vmem>>) dst(%dma_wait3A_95 : memref<10240x64xf32, #tpu.memory_space<vmem_shared>>)
    %dma_wait3A_96 = arith.constant 79 : i32
    %dma_wait3A_97 = arith.constant 0 : i32
    %dma_wait3A_98 = arith.constant 0 : i32
    %dma_wait3A_99 = tpu.memref_slice %arg6[%dma_wait3A_96, %dma_wait3A_97, %dma_wait3A_98] : memref<80x2x125xi32, #tpu.memory_space<vmem>> -> memref<1x1x125xi32, #tpu.memory_space<vmem>>
    %dma_wait3A_100 = tpu.memref_squeeze %dma_wait3A_99 : memref<1x1x125xi32, #tpu.memory_space<vmem>> -> memref<125xi32, #tpu.memory_space<vmem>>
    %dma_wait3A_101 = arith.constant 0 : i32
    %dma_wait3A_102 = arith.constant 0 : i32
    %dma_wait3A_103 = tpu.memref_slice %arg2[%dma_wait3A_101, %dma_wait3A_102] : memref<10000x64xf32, #tpu.memory_space<hbm>> -> memref<10000x64xf32, #tpu.memory_space<hbm>>
    tpu.wait_indirect_dma semaphore(%arg15 : memref<!tpu.dma_semaphore, #tpu.memory_space<semaphore_mem>>) src(%dma_wait3A_103 : memref<10000x64xf32, #tpu.memory_space<hbm>>) dst(%arg10 : memref<125x64xf32, #tpu.memory_space<vmem>>)
    %dma_start3A_104 = arith.constant 79 : i32
    %dma_start3A_105 = arith.constant 1 : i32
    %dma_start3A_106 = arith.constant 0 : i32
    %dma_start3A_107 = tpu.memref_slice %arg6[%dma_start3A_104, %dma_start3A_105, %dma_start3A_106] : memref<80x2x125xi32, #tpu.memory_space<vmem>> -> memref<1x1x125xi32, #tpu.memory_space<vmem>>
    %dma_start3A_108 = tpu.memref_squeeze %dma_start3A_107 : memref<1x1x125xi32, #tpu.memory_space<vmem>> -> memref<125xi32, #tpu.memory_space<vmem>>
    %dma_start3A_109 = arith.constant 0 : i32
    %dma_start3A_110 = arith.constant 0 : i32
    %dma_start3A_111 = tpu.memref_slice %arg11[%dma_start3A_109, %dma_start3A_110] : memref<10240x64xf32, #tpu.memory_space<vmem_shared>> -> memref<10240x64xf32, #tpu.memory_space<vmem_shared>>
    tpu.enqueue_indirect_dma source(%arg10 : memref<125x64xf32, #tpu.memory_space<vmem>>) target(%dma_start3A_111 : memref<10240x64xf32, #tpu.memory_space<vmem_shared>>) offsets(%dma_start3A_108 : memref<125xi32, #tpu.memory_space<vmem>>) semaphore(%arg19 : memref<!tpu.dma_semaphore, #tpu.memory_space<semaphore_mem>>) {add = true}
    %dma_wait3A_112 = arith.constant 77 : i32
    %dma_wait3A_113 = arith.constant 1 : i32
    %dma_wait3A_114 = arith.constant 0 : i32
    %dma_wait3A_115 = tpu.memref_slice %arg6[%dma_wait3A_112, %dma_wait3A_113, %dma_wait3A_114] : memref<80x2x125xi32, #tpu.memory_space<vmem>> -> memref<1x1x125xi32, #tpu.memory_space<vmem>>
    %dma_wait3A_116 = tpu.memref_squeeze %dma_wait3A_115 : memref<1x1x125xi32, #tpu.memory_space<vmem>> -> memref<125xi32, #tpu.memory_space<vmem>>
    %dma_wait3A_117 = arith.constant 0 : i32
    %dma_wait3A_118 = arith.constant 0 : i32
    %dma_wait3A_119 = tpu.memref_slice %arg11[%dma_wait3A_117, %dma_wait3A_118] : memref<10240x64xf32, #tpu.memory_space<vmem_shared>> -> memref<10240x64xf32, #tpu.memory_space<vmem_shared>>
    tpu.wait_indirect_dma semaphore(%arg17 : memref<!tpu.dma_semaphore, #tpu.memory_space<semaphore_mem>>) src(%arg8 : memref<125x64xf32, #tpu.memory_space<vmem>>) dst(%dma_wait3A_119 : memref<10240x64xf32, #tpu.memory_space<vmem_shared>>)
    %dma_wait3A_120 = arith.constant 78 : i32
    %dma_wait3A_121 = arith.constant 1 : i32
    %dma_wait3A_122 = arith.constant 0 : i32
    %dma_wait3A_123 = tpu.memref_slice %arg6[%dma_wait3A_120, %dma_wait3A_121, %dma_wait3A_122] : memref<80x2x125xi32, #tpu.memory_space<vmem>> -> memref<1x1x125xi32, #tpu.memory_space<vmem>>
    %dma_wait3A_124 = tpu.memref_squeeze %dma_wait3A_123 : memref<1x1x125xi32, #tpu.memory_space<vmem>> -> memref<125xi32, #tpu.memory_space<vmem>>
    %dma_wait3A_125 = arith.constant 0 : i32
    %dma_wait3A_126 = arith.constant 0 : i32
    %dma_wait3A_127 = tpu.memref_slice %arg11[%dma_wait3A_125, %dma_wait3A_126] : memref<10240x64xf32, #tpu.memory_space<vmem_shared>> -> memref<10240x64xf32, #tpu.memory_space<vmem_shared>>
    tpu.wait_indirect_dma semaphore(%arg18 : memref<!tpu.dma_semaphore, #tpu.memory_space<semaphore_mem>>) src(%arg9 : memref<125x64xf32, #tpu.memory_space<vmem>>) dst(%dma_wait3A_127 : memref<10240x64xf32, #tpu.memory_space<vmem_shared>>)
    %dma_wait3A_128 = arith.constant 79 : i32
    %dma_wait3A_129 = arith.constant 1 : i32
    %dma_wait3A_130 = arith.constant 0 : i32
    %dma_wait3A_131 = tpu.memref_slice %arg6[%dma_wait3A_128, %dma_wait3A_129, %dma_wait3A_130] : memref<80x2x125xi32, #tpu.memory_space<vmem>> -> memref<1x1x125xi32, #tpu.memory_space<vmem>>
    %dma_wait3A_132 = tpu.memref_squeeze %dma_wait3A_131 : memref<1x1x125xi32, #tpu.memory_space<vmem>> -> memref<125xi32, #tpu.memory_space<vmem>>
    %dma_wait3A_133 = arith.constant 0 : i32
    %dma_wait3A_134 = arith.constant 0 : i32
    %dma_wait3A_135 = tpu.memref_slice %arg11[%dma_wait3A_133, %dma_wait3A_134] : memref<10240x64xf32, #tpu.memory_space<vmem_shared>> -> memref<10240x64xf32, #tpu.memory_space<vmem_shared>>
    tpu.wait_indirect_dma semaphore(%arg19 : memref<!tpu.dma_semaphore, #tpu.memory_space<semaphore_mem>>) src(%arg10 : memref<125x64xf32, #tpu.memory_space<vmem>>) dst(%dma_wait3A_135 : memref<10240x64xf32, #tpu.memory_space<vmem_shared>>)
    %barrier3A_136 = arith.constant 0 : index
    tpu.barrier barrier_id(%barrier3A_136)
    %mul3A_137 = arith.constant 640 : i32
    %mul3A_138 = arith.muli %arg1, %mul3A_137 : i32
    %mul3A_139 = arith.constant 640 : i32
    %mul3A_140 = arith.muli %arg1, %mul3A_139 : i32
    "tpu.region"() ({
      %run_scoped3A = tpu.sem_alloc : memref<!tpu.dma_semaphore, #tpu.memory_space<semaphore_mem>>
      %dma_start3A_141 = arith.constant 0 : i32
      %dma_start3A_142 = tpu.memref_slice %arg5[%arg0, %mul3A_140, %dma_start3A_141] : memref<2x10240x64xf32, #tpu.memory_space<hbm>> -> memref<1x640x64xf32, #tpu.memory_space<hbm>>
      %dma_start3A_143 = tpu.memref_squeeze %dma_start3A_142 : memref<1x640x64xf32, #tpu.memory_space<hbm>> -> memref<640x64xf32, #tpu.memory_space<hbm>>
      %dma_start3A_144 = arith.constant 0 : i32
      %dma_start3A_145 = tpu.memref_slice %arg11[%mul3A_138, %dma_start3A_144] : memref<10240x64xf32, #tpu.memory_space<vmem_shared>> -> memref<640x64xf32, #tpu.memory_space<vmem_shared>>
      tpu.enqueue_dma source(%dma_start3A_145 : memref<640x64xf32, #tpu.memory_space<vmem_shared>>) target(%dma_start3A_143 : memref<640x64xf32, #tpu.memory_space<hbm>>) target_semaphore(%run_scoped3A : memref<!tpu.dma_semaphore, #tpu.memory_space<semaphore_mem>>)
      %dma_wait3A_146 = arith.constant 0 : i32
      %dma_wait3A_147 = tpu.memref_slice %arg5[%arg0, %mul3A_140, %dma_wait3A_146] : memref<2x10240x64xf32, #tpu.memory_space<hbm>> -> memref<1x640x64xf32, #tpu.memory_space<hbm>>
      %dma_wait3A_148 = tpu.memref_squeeze %dma_wait3A_147 : memref<1x640x64xf32, #tpu.memory_space<hbm>> -> memref<640x64xf32, #tpu.memory_space<hbm>>
      %dma_wait3A_149 = arith.constant 0 : i32
      %dma_wait3A_150 = tpu.memref_slice %arg11[%mul3A_138, %dma_wait3A_149] : memref<10240x64xf32, #tpu.memory_space<vmem_shared>> -> memref<640x64xf32, #tpu.memory_space<vmem_shared>>
      tpu.wait_dma2 semaphore(%run_scoped3A : memref<!tpu.dma_semaphore, #tpu.memory_space<semaphore_mem>>) src(%dma_wait3A_150 : memref<640x64xf32, #tpu.memory_space<vmem_shared>>) dst(%dma_wait3A_148 : memref<640x64xf32, #tpu.memory_space<hbm>>)
      tpu.yield
    }) : () -> ()
    return
  }
}

#map = affine_map<(d0, d1) -> (0, 0)>
#map1 = affine_map<(d0, d1) -> (0, 0, 0, 0)>
#map2 = affine_map<(d0, d1) -> (0, 0, 0)>
module attributes {stable_mosaic.version = 14 : i64} {
  func.func @propagate(%arg0: i32, %arg1: i32, %arg2: memref<10000x64xf32, #tpu.memory_space<hbm>>, %arg3: memref<32x80x2x125xi32, #tpu.memory_space<hbm>>, %arg4: memref<10240x64xf32, #tpu.memory_space<hbm>>, %arg5: memref<2x10240x64xf32, #tpu.memory_space<hbm>>, %arg6: memref<80x2x125xi32, #tpu.memory_space<vmem>>, %arg7: memref<125x64xf32, #tpu.memory_space<vmem>>, %arg8: memref<125x64xf32, #tpu.memory_space<vmem>>, %arg9: memref<125x64xf32, #tpu.memory_space<vmem>>, %arg10: memref<125x64xf32, #tpu.memory_space<vmem>>, %arg11: memref<10240x64xf32, #tpu.memory_space<vmem_shared>>, %arg12: memref<!tpu.dma_semaphore, #tpu.memory_space<semaphore_mem>>, %arg13: memref<!tpu.dma_semaphore, #tpu.memory_space<semaphore_mem>>, %arg14: memref<!tpu.dma_semaphore, #tpu.memory_space<semaphore_mem>>, %arg15: memref<!tpu.dma_semaphore, #tpu.memory_space<semaphore_mem>>, %arg16: memref<!tpu.dma_semaphore, #tpu.memory_space<semaphore_mem>>, %arg17: memref<!tpu.dma_semaphore, #tpu.memory_space<semaphore_mem>>, %arg18: memref<!tpu.dma_semaphore, #tpu.memory_space<semaphore_mem>>, %arg19: memref<!tpu.dma_semaphore, #tpu.memory_space<semaphore_mem>>) attributes {dimension_semantics = [#tpu.dimension_semantics<core_parallel>, #tpu.dimension_semantics<subcore_parallel>], iteration_bounds = array<i64: 2, 16>, scalar_prefetch = 0 : i64, scratch_operands = 14 : i64, tpu.core_type = #tpu.core_type<sc_vector_subcore>, window_params = [{transform_indices = #map}, {transform_indices = #map1}, {transform_indices = #map}, {transform_indices = #map2}]} {
    %mul3A = arith.constant 2 : i32
    %mul3A_0 = arith.muli %arg1, %mul3A : i32
    %add3A = arith.addi %mul3A_0, %arg0 : i32
    %mul3A_1 = arith.constant 640 : i32
    %mul3A_2 = arith.muli %arg1, %mul3A_1 : i32
    %mul3A_3 = arith.constant 640 : i32
    %mul3A_4 = arith.muli %arg1, %mul3A_3 : i32
    "tpu.region"() ({
      %run_scoped3A = tpu.sem_alloc : memref<!tpu.dma_semaphore, #tpu.memory_space<semaphore_mem>>
      %dma_start3A_141 = arith.constant 0 : i32
      %dma_start3A_142 = tpu.memref_slice %arg11[%mul3A_4, %dma_start3A_141] : memref<10240x64xf32, #tpu.memory_space<vmem_shared>> -> memref<640x64xf32, #tpu.memory_space<vmem_shared>>
      %dma_start3A_143 = arith.constant 0 : i32
      %dma_start3A_144 = tpu.memref_slice %arg4[%mul3A_2, %dma_start3A_143] : memref<10240x64xf32, #tpu.memory_space<hbm>> -> memref<640x64xf32, #tpu.memory_space<hbm>>
      tpu.enqueue_dma source(%dma_start3A_144 : memref<640x64xf32, #tpu.memory_space<hbm>>) target(%dma_start3A_142 : memref<640x64xf32, #tpu.memory_space<vmem_shared>>) target_semaphore(%run_scoped3A : memref<!tpu.dma_semaphore, #tpu.memory_space<semaphore_mem>>)
      %dma_wait3A_145 = arith.constant 0 : i32
      %dma_wait3A_146 = tpu.memref_slice %arg11[%mul3A_4, %dma_wait3A_145] : memref<10240x64xf32, #tpu.memory_space<vmem_shared>> -> memref<640x64xf32, #tpu.memory_space<vmem_shared>>
      %dma_wait3A_147 = arith.constant 0 : i32
      %dma_wait3A_148 = tpu.memref_slice %arg4[%mul3A_2, %dma_wait3A_147] : memref<10240x64xf32, #tpu.memory_space<hbm>> -> memref<640x64xf32, #tpu.memory_space<hbm>>
      tpu.wait_dma2 semaphore(%run_scoped3A : memref<!tpu.dma_semaphore, #tpu.memory_space<semaphore_mem>>) src(%dma_wait3A_148 : memref<640x64xf32, #tpu.memory_space<hbm>>) dst(%dma_wait3A_146 : memref<640x64xf32, #tpu.memory_space<vmem_shared>>)
      tpu.yield
    }) : () -> ()
    "tpu.region"() ({
      %run_scoped3A = tpu.sem_alloc : memref<!tpu.dma_semaphore, #tpu.memory_space<semaphore_mem>>
      %dma_start3A_141 = arith.constant 0 : i32
      %dma_start3A_142 = arith.constant 0 : i32
      %dma_start3A_143 = arith.constant 0 : i32
      %dma_start3A_144 = tpu.memref_slice %arg3[%add3A, %dma_start3A_141, %dma_start3A_142, %dma_start3A_143] : memref<32x80x2x125xi32, #tpu.memory_space<hbm>> -> memref<1x80x2x125xi32, #tpu.memory_space<hbm>>
      %dma_start3A_145 = tpu.memref_squeeze %dma_start3A_144 : memref<1x80x2x125xi32, #tpu.memory_space<hbm>> -> memref<80x2x125xi32, #tpu.memory_space<hbm>>
      %dma_start3A_146 = arith.constant 0 : i32
      %dma_start3A_147 = arith.constant 0 : i32
      %dma_start3A_148 = arith.constant 0 : i32
      %dma_start3A_149 = tpu.memref_slice %arg3[%add3A, %dma_start3A_146, %dma_start3A_147, %dma_start3A_148] : memref<32x80x2x125xi32, #tpu.memory_space<hbm>> -> memref<1x80x2x125xi32, #tpu.memory_space<hbm>>
      %dma_start3A_150 = tpu.memref_squeeze %dma_start3A_149 : memref<1x80x2x125xi32, #tpu.memory_space<hbm>> -> memref<80x2x125xi32, #tpu.memory_space<hbm>>
      tpu.enqueue_dma source(%dma_start3A_150 : memref<80x2x125xi32, #tpu.memory_space<hbm>>) target(%arg6 : memref<80x2x125xi32, #tpu.memory_space<vmem>>) target_semaphore(%run_scoped3A : memref<!tpu.dma_semaphore, #tpu.memory_space<semaphore_mem>>)
      %dma_wait3A_151 = arith.constant 0 : i32
      %dma_wait3A_152 = arith.constant 0 : i32
      %dma_wait3A_153 = arith.constant 0 : i32
      %dma_wait3A_154 = tpu.memref_slice %arg3[%add3A, %dma_wait3A_151, %dma_wait3A_152, %dma_wait3A_153] : memref<32x80x2x125xi32, #tpu.memory_space<hbm>> -> memref<1x80x2x125xi32, #tpu.memory_space<hbm>>
      %dma_wait3A_155 = tpu.memref_squeeze %dma_wait3A_154 : memref<1x80x2x125xi32, #tpu.memory_space<hbm>> -> memref<80x2x125xi32, #tpu.memory_space<hbm>>
      %dma_wait3A_156 = arith.constant 0 : i32
      %dma_wait3A_157 = arith.constant 0 : i32
      %dma_wait3A_158 = arith.constant 0 : i32
      %dma_wait3A_159 = tpu.memref_slice %arg3[%add3A, %dma_wait3A_156, %dma_wait3A_157, %dma_wait3A_158] : memref<32x80x2x125xi32, #tpu.memory_space<hbm>> -> memref<1x80x2x125xi32, #tpu.memory_space<hbm>>
      %dma_wait3A_160 = tpu.memref_squeeze %dma_wait3A_159 : memref<1x80x2x125xi32, #tpu.memory_space<hbm>> -> memref<80x2x125xi32, #tpu.memory_space<hbm>>
      tpu.wait_dma2 semaphore(%run_scoped3A : memref<!tpu.dma_semaphore, #tpu.memory_space<semaphore_mem>>) src(%dma_wait3A_160 : memref<80x2x125xi32, #tpu.memory_space<hbm>>) dst(%arg6 : memref<80x2x125xi32, #tpu.memory_space<vmem>>)
      tpu.yield
    }) : () -> ()
    %barrier3A = arith.constant 0 : index
    tpu.barrier barrier_id(%barrier3A)
    %dma_start3A = arith.constant 0 : i32
    %dma_start3A_5 = arith.constant 0 : i32
    %dma_start3A_6 = arith.constant 0 : i32
    %dma_start3A_7 = tpu.memref_slice %arg6[%dma_start3A, %dma_start3A_5, %dma_start3A_6] : memref<80x2x125xi32, #tpu.memory_space<vmem>> -> memref<1x1x125xi32, #tpu.memory_space<vmem>>
    %dma_start3A_8 = tpu.memref_squeeze %dma_start3A_7 : memref<1x1x125xi32, #tpu.memory_space<vmem>> -> memref<125xi32, #tpu.memory_space<vmem>>
    %dma_start3A_9 = arith.constant 0 : i32
    %dma_start3A_10 = arith.constant 0 : i32
    %dma_start3A_11 = tpu.memref_slice %arg2[%dma_start3A_9, %dma_start3A_10] : memref<10000x64xf32, #tpu.memory_space<hbm>> -> memref<10000x64xf32, #tpu.memory_space<hbm>>
    tpu.enqueue_indirect_dma source(%dma_start3A_11 : memref<10000x64xf32, #tpu.memory_space<hbm>>) target(%arg7 : memref<125x64xf32, #tpu.memory_space<vmem>>) offsets(%dma_start3A_8 : memref<125xi32, #tpu.memory_space<vmem>>) semaphore(%arg12 : memref<!tpu.dma_semaphore, #tpu.memory_space<semaphore_mem>>)
    %dma_start3A_12 = arith.constant 1 : i32
    %dma_start3A_13 = arith.constant 0 : i32
    %dma_start3A_14 = arith.constant 0 : i32
    %dma_start3A_15 = tpu.memref_slice %arg6[%dma_start3A_12, %dma_start3A_13, %dma_start3A_14] : memref<80x2x125xi32, #tpu.memory_space<vmem>> -> memref<1x1x125xi32, #tpu.memory_space<vmem>>
    %dma_start3A_16 = tpu.memref_squeeze %dma_start3A_15 : memref<1x1x125xi32, #tpu.memory_space<vmem>> -> memref<125xi32, #tpu.memory_space<vmem>>
    %dma_start3A_17 = arith.constant 0 : i32
    %dma_start3A_18 = arith.constant 0 : i32
    %dma_start3A_19 = tpu.memref_slice %arg2[%dma_start3A_17, %dma_start3A_18] : memref<10000x64xf32, #tpu.memory_space<hbm>> -> memref<10000x64xf32, #tpu.memory_space<hbm>>
    tpu.enqueue_indirect_dma source(%dma_start3A_19 : memref<10000x64xf32, #tpu.memory_space<hbm>>) target(%arg8 : memref<125x64xf32, #tpu.memory_space<vmem>>) offsets(%dma_start3A_16 : memref<125xi32, #tpu.memory_space<vmem>>) semaphore(%arg13 : memref<!tpu.dma_semaphore, #tpu.memory_space<semaphore_mem>>)
    %dma_wait3A = arith.constant 0 : i32
    %dma_wait3A_20 = arith.constant 0 : i32
    %dma_wait3A_21 = arith.constant 0 : i32
    %dma_wait3A_22 = tpu.memref_slice %arg6[%dma_wait3A, %dma_wait3A_20, %dma_wait3A_21] : memref<80x2x125xi32, #tpu.memory_space<vmem>> -> memref<1x1x125xi32, #tpu.memory_space<vmem>>
    %dma_wait3A_23 = tpu.memref_squeeze %dma_wait3A_22 : memref<1x1x125xi32, #tpu.memory_space<vmem>> -> memref<125xi32, #tpu.memory_space<vmem>>
    %dma_wait3A_24 = arith.constant 0 : i32
    %dma_wait3A_25 = arith.constant 0 : i32
    %dma_wait3A_26 = tpu.memref_slice %arg2[%dma_wait3A_24, %dma_wait3A_25] : memref<10000x64xf32, #tpu.memory_space<hbm>> -> memref<10000x64xf32, #tpu.memory_space<hbm>>
    tpu.wait_indirect_dma semaphore(%arg12 : memref<!tpu.dma_semaphore, #tpu.memory_space<semaphore_mem>>) src(%dma_wait3A_26 : memref<10000x64xf32, #tpu.memory_space<hbm>>) dst(%arg7 : memref<125x64xf32, #tpu.memory_space<vmem>>)
    %dma_start3A_27 = arith.constant 0 : i32
    %dma_start3A_28 = arith.constant 1 : i32
    %dma_start3A_29 = arith.constant 0 : i32
    %dma_start3A_30 = tpu.memref_slice %arg6[%dma_start3A_27, %dma_start3A_28, %dma_start3A_29] : memref<80x2x125xi32, #tpu.memory_space<vmem>> -> memref<1x1x125xi32, #tpu.memory_space<vmem>>
    %dma_start3A_31 = tpu.memref_squeeze %dma_start3A_30 : memref<1x1x125xi32, #tpu.memory_space<vmem>> -> memref<125xi32, #tpu.memory_space<vmem>>
    %dma_start3A_32 = arith.constant 0 : i32
    %dma_start3A_33 = arith.constant 0 : i32
    %dma_start3A_34 = tpu.memref_slice %arg11[%dma_start3A_32, %dma_start3A_33] : memref<10240x64xf32, #tpu.memory_space<vmem_shared>> -> memref<10240x64xf32, #tpu.memory_space<vmem_shared>>
    tpu.enqueue_indirect_dma source(%arg7 : memref<125x64xf32, #tpu.memory_space<vmem>>) target(%dma_start3A_34 : memref<10240x64xf32, #tpu.memory_space<vmem_shared>>) offsets(%dma_start3A_31 : memref<125xi32, #tpu.memory_space<vmem>>) semaphore(%arg16 : memref<!tpu.dma_semaphore, #tpu.memory_space<semaphore_mem>>) {add = true}
    %dma_start3A_35 = arith.constant 2 : i32
    %dma_start3A_36 = arith.constant 0 : i32
    %dma_start3A_37 = arith.constant 0 : i32
    %dma_start3A_38 = tpu.memref_slice %arg6[%dma_start3A_35, %dma_start3A_36, %dma_start3A_37] : memref<80x2x125xi32, #tpu.memory_space<vmem>> -> memref<1x1x125xi32, #tpu.memory_space<vmem>>
    %dma_start3A_39 = tpu.memref_squeeze %dma_start3A_38 : memref<1x1x125xi32, #tpu.memory_space<vmem>> -> memref<125xi32, #tpu.memory_space<vmem>>
    %dma_start3A_40 = arith.constant 0 : i32
    %dma_start3A_41 = arith.constant 0 : i32
    %dma_start3A_42 = tpu.memref_slice %arg2[%dma_start3A_40, %dma_start3A_41] : memref<10000x64xf32, #tpu.memory_space<hbm>> -> memref<10000x64xf32, #tpu.memory_space<hbm>>
    tpu.enqueue_indirect_dma source(%dma_start3A_42 : memref<10000x64xf32, #tpu.memory_space<hbm>>) target(%arg9 : memref<125x64xf32, #tpu.memory_space<vmem>>) offsets(%dma_start3A_39 : memref<125xi32, #tpu.memory_space<vmem>>) semaphore(%arg14 : memref<!tpu.dma_semaphore, #tpu.memory_space<semaphore_mem>>)
    %dma_wait3A_43 = arith.constant 1 : i32
    %dma_wait3A_44 = arith.constant 0 : i32
    %dma_wait3A_45 = arith.constant 0 : i32
    %dma_wait3A_46 = tpu.memref_slice %arg6[%dma_wait3A_43, %dma_wait3A_44, %dma_wait3A_45] : memref<80x2x125xi32, #tpu.memory_space<vmem>> -> memref<1x1x125xi32, #tpu.memory_space<vmem>>
    %dma_wait3A_47 = tpu.memref_squeeze %dma_wait3A_46 : memref<1x1x125xi32, #tpu.memory_space<vmem>> -> memref<125xi32, #tpu.memory_space<vmem>>
    %dma_wait3A_48 = arith.constant 0 : i32
    %dma_wait3A_49 = arith.constant 0 : i32
    %dma_wait3A_50 = tpu.memref_slice %arg2[%dma_wait3A_48, %dma_wait3A_49] : memref<10000x64xf32, #tpu.memory_space<hbm>> -> memref<10000x64xf32, #tpu.memory_space<hbm>>
    tpu.wait_indirect_dma semaphore(%arg13 : memref<!tpu.dma_semaphore, #tpu.memory_space<semaphore_mem>>) src(%dma_wait3A_50 : memref<10000x64xf32, #tpu.memory_space<hbm>>) dst(%arg8 : memref<125x64xf32, #tpu.memory_space<vmem>>)
    %dma_start3A_51 = arith.constant 1 : i32
    %dma_start3A_52 = arith.constant 1 : i32
    %dma_start3A_53 = arith.constant 0 : i32
    %dma_start3A_54 = tpu.memref_slice %arg6[%dma_start3A_51, %dma_start3A_52, %dma_start3A_53] : memref<80x2x125xi32, #tpu.memory_space<vmem>> -> memref<1x1x125xi32, #tpu.memory_space<vmem>>
    %dma_start3A_55 = tpu.memref_squeeze %dma_start3A_54 : memref<1x1x125xi32, #tpu.memory_space<vmem>> -> memref<125xi32, #tpu.memory_space<vmem>>
    %dma_start3A_56 = arith.constant 0 : i32
    %dma_start3A_57 = arith.constant 0 : i32
    %dma_start3A_58 = tpu.memref_slice %arg11[%dma_start3A_56, %dma_start3A_57] : memref<10240x64xf32, #tpu.memory_space<vmem_shared>> -> memref<10240x64xf32, #tpu.memory_space<vmem_shared>>
    tpu.enqueue_indirect_dma source(%arg8 : memref<125x64xf32, #tpu.memory_space<vmem>>) target(%dma_start3A_58 : memref<10240x64xf32, #tpu.memory_space<vmem_shared>>) offsets(%dma_start3A_55 : memref<125xi32, #tpu.memory_space<vmem>>) semaphore(%arg17 : memref<!tpu.dma_semaphore, #tpu.memory_space<semaphore_mem>>) {add = true}
    %dma_start3A_59 = arith.constant 3 : i32
    %dma_start3A_60 = arith.constant 0 : i32
    %dma_start3A_61 = arith.constant 0 : i32
    %dma_start3A_62 = tpu.memref_slice %arg6[%dma_start3A_59, %dma_start3A_60, %dma_start3A_61] : memref<80x2x125xi32, #tpu.memory_space<vmem>> -> memref<1x1x125xi32, #tpu.memory_space<vmem>>
    %dma_start3A_63 = tpu.memref_squeeze %dma_start3A_62 : memref<1x1x125xi32, #tpu.memory_space<vmem>> -> memref<125xi32, #tpu.memory_space<vmem>>
    %dma_start3A_64 = arith.constant 0 : i32
    %dma_start3A_65 = arith.constant 0 : i32
    %dma_start3A_66 = tpu.memref_slice %arg2[%dma_start3A_64, %dma_start3A_65] : memref<10000x64xf32, #tpu.memory_space<hbm>> -> memref<10000x64xf32, #tpu.memory_space<hbm>>
    tpu.enqueue_indirect_dma source(%dma_start3A_66 : memref<10000x64xf32, #tpu.memory_space<hbm>>) target(%arg10 : memref<125x64xf32, #tpu.memory_space<vmem>>) offsets(%dma_start3A_63 : memref<125xi32, #tpu.memory_space<vmem>>) semaphore(%arg15 : memref<!tpu.dma_semaphore, #tpu.memory_space<semaphore_mem>>)
    %scan3A = arith.constant 0 : i32
    %scan3A_67 = arith.constant 0 : i32
    %scan3A_68 = arith.constant 19 : i32
    %scan3A_69 = arith.addi %scan3A_67, %scan3A_68 : i32
    %scan3A_70 = arith.constant 1 : i32
    scf.for %scan3A_141 = %scan3A_67 to %scan3A_69 step %scan3A_70  : i32 {
      %mul3A_142 = arith.constant 4 : i32
      %mul3A_143 = arith.muli %mul3A_142, %scan3A_141 : i32
      %add3A_144 = arith.constant 2 : i32
      %add3A_145 = arith.addi %mul3A_143, %add3A_144 : i32
      %add3A_146 = arith.constant 0 : i32
      %add3A_147 = arith.addi %add3A_145, %add3A_146 : i32
      %dma_wait3A_148 = arith.constant 0 : i32
      %dma_wait3A_149 = arith.constant 0 : i32
      %dma_wait3A_150 = tpu.memref_slice %arg6[%add3A_147, %dma_wait3A_148, %dma_wait3A_149] : memref<80x2x125xi32, #tpu.memory_space<vmem>> -> memref<1x1x125xi32, #tpu.memory_space<vmem>>
      %dma_wait3A_151 = tpu.memref_squeeze %dma_wait3A_150 : memref<1x1x125xi32, #tpu.memory_space<vmem>> -> memref<125xi32, #tpu.memory_space<vmem>>
      %dma_wait3A_152 = arith.constant 0 : i32
      %dma_wait3A_153 = arith.constant 0 : i32
      %dma_wait3A_154 = tpu.memref_slice %arg2[%dma_wait3A_152, %dma_wait3A_153] : memref<10000x64xf32, #tpu.memory_space<hbm>> -> memref<10000x64xf32, #tpu.memory_space<hbm>>
      tpu.wait_indirect_dma semaphore(%arg14 : memref<!tpu.dma_semaphore, #tpu.memory_space<semaphore_mem>>) src(%dma_wait3A_154 : memref<10000x64xf32, #tpu.memory_space<hbm>>) dst(%arg9 : memref<125x64xf32, #tpu.memory_space<vmem>>)
      %dma_start3A_155 = arith.constant 1 : i32
      %dma_start3A_156 = arith.constant 0 : i32
      %dma_start3A_157 = tpu.memref_slice %arg6[%add3A_147, %dma_start3A_155, %dma_start3A_156] : memref<80x2x125xi32, #tpu.memory_space<vmem>> -> memref<1x1x125xi32, #tpu.memory_space<vmem>>
      %dma_start3A_158 = tpu.memref_squeeze %dma_start3A_157 : memref<1x1x125xi32, #tpu.memory_space<vmem>> -> memref<125xi32, #tpu.memory_space<vmem>>
      %dma_start3A_159 = arith.constant 0 : i32
      %dma_start3A_160 = arith.constant 0 : i32
      %dma_start3A_161 = tpu.memref_slice %arg11[%dma_start3A_159, %dma_start3A_160] : memref<10240x64xf32, #tpu.memory_space<vmem_shared>> -> memref<10240x64xf32, #tpu.memory_space<vmem_shared>>
      tpu.enqueue_indirect_dma source(%arg9 : memref<125x64xf32, #tpu.memory_space<vmem>>) target(%dma_start3A_161 : memref<10240x64xf32, #tpu.memory_space<vmem_shared>>) offsets(%dma_start3A_158 : memref<125xi32, #tpu.memory_space<vmem>>) semaphore(%arg18 : memref<!tpu.dma_semaphore, #tpu.memory_space<semaphore_mem>>) {add = true}
      %sub3A = arith.constant 2 : i32
      %sub3A_162 = arith.subi %add3A_147, %sub3A : i32
      %dma_wait3A_163 = arith.constant 1 : i32
      %dma_wait3A_164 = arith.constant 0 : i32
      %dma_wait3A_165 = tpu.memref_slice %arg6[%sub3A_162, %dma_wait3A_163, %dma_wait3A_164] : memref<80x2x125xi32, #tpu.memory_space<vmem>> -> memref<1x1x125xi32, #tpu.memory_space<vmem>>
      %dma_wait3A_166 = tpu.memref_squeeze %dma_wait3A_165 : memref<1x1x125xi32, #tpu.memory_space<vmem>> -> memref<125xi32, #tpu.memory_space<vmem>>
      %dma_wait3A_167 = arith.constant 0 : i32
      %dma_wait3A_168 = arith.constant 0 : i32
      %dma_wait3A_169 = tpu.memref_slice %arg11[%dma_wait3A_167, %dma_wait3A_168] : memref<10240x64xf32, #tpu.memory_space<vmem_shared>> -> memref<10240x64xf32, #tpu.memory_space<vmem_shared>>
      tpu.wait_indirect_dma semaphore(%arg16 : memref<!tpu.dma_semaphore, #tpu.memory_space<semaphore_mem>>) src(%arg7 : memref<125x64xf32, #tpu.memory_space<vmem>>) dst(%dma_wait3A_169 : memref<10240x64xf32, #tpu.memory_space<vmem_shared>>)
      %add3A_170 = arith.constant 2 : i32
      %add3A_171 = arith.addi %add3A_147, %add3A_170 : i32
      %dma_start3A_172 = arith.constant 0 : i32
      %dma_start3A_173 = arith.constant 0 : i32
      %dma_start3A_174 = tpu.memref_slice %arg6[%add3A_171, %dma_start3A_172, %dma_start3A_173] : memref<80x2x125xi32, #tpu.memory_space<vmem>> -> memref<1x1x125xi32, #tpu.memory_space<vmem>>
      %dma_start3A_175 = tpu.memref_squeeze %dma_start3A_174 : memref<1x1x125xi32, #tpu.memory_space<vmem>> -> memref<125xi32, #tpu.memory_space<vmem>>
      %dma_start3A_176 = arith.constant 0 : i32
      %dma_start3A_177 = arith.constant 0 : i32
      %dma_start3A_178 = tpu.memref_slice %arg2[%dma_start3A_176, %dma_start3A_177] : memref<10000x64xf32, #tpu.memory_space<hbm>> -> memref<10000x64xf32, #tpu.memory_space<hbm>>
      tpu.enqueue_indirect_dma source(%dma_start3A_178 : memref<10000x64xf32, #tpu.memory_space<hbm>>) target(%arg7 : memref<125x64xf32, #tpu.memory_space<vmem>>) offsets(%dma_start3A_175 : memref<125xi32, #tpu.memory_space<vmem>>) semaphore(%arg12 : memref<!tpu.dma_semaphore, #tpu.memory_space<semaphore_mem>>)
      %add3A_179 = arith.constant 1 : i32
      %add3A_180 = arith.addi %add3A_145, %add3A_179 : i32
      %dma_wait3A_181 = arith.constant 0 : i32
      %dma_wait3A_182 = arith.constant 0 : i32
      %dma_wait3A_183 = tpu.memref_slice %arg6[%add3A_180, %dma_wait3A_181, %dma_wait3A_182] : memref<80x2x125xi32, #tpu.memory_space<vmem>> -> memref<1x1x125xi32, #tpu.memory_space<vmem>>
      %dma_wait3A_184 = tpu.memref_squeeze %dma_wait3A_183 : memref<1x1x125xi32, #tpu.memory_space<vmem>> -> memref<125xi32, #tpu.memory_space<vmem>>
      %dma_wait3A_185 = arith.constant 0 : i32
      %dma_wait3A_186 = arith.constant 0 : i32
      %dma_wait3A_187 = tpu.memref_slice %arg2[%dma_wait3A_185, %dma_wait3A_186] : memref<10000x64xf32, #tpu.memory_space<hbm>> -> memref<10000x64xf32, #tpu.memory_space<hbm>>
      tpu.wait_indirect_dma semaphore(%arg15 : memref<!tpu.dma_semaphore, #tpu.memory_space<semaphore_mem>>) src(%dma_wait3A_187 : memref<10000x64xf32, #tpu.memory_space<hbm>>) dst(%arg10 : memref<125x64xf32, #tpu.memory_space<vmem>>)
      %dma_start3A_188 = arith.constant 1 : i32
      %dma_start3A_189 = arith.constant 0 : i32
      %dma_start3A_190 = tpu.memref_slice %arg6[%add3A_180, %dma_start3A_188, %dma_start3A_189] : memref<80x2x125xi32, #tpu.memory_space<vmem>> -> memref<1x1x125xi32, #tpu.memory_space<vmem>>
      %dma_start3A_191 = tpu.memref_squeeze %dma_start3A_190 : memref<1x1x125xi32, #tpu.memory_space<vmem>> -> memref<125xi32, #tpu.memory_space<vmem>>
      %dma_start3A_192 = arith.constant 0 : i32
      %dma_start3A_193 = arith.constant 0 : i32
      %dma_start3A_194 = tpu.memref_slice %arg11[%dma_start3A_192, %dma_start3A_193] : memref<10240x64xf32, #tpu.memory_space<vmem_shared>> -> memref<10240x64xf32, #tpu.memory_space<vmem_shared>>
      tpu.enqueue_indirect_dma source(%arg10 : memref<125x64xf32, #tpu.memory_space<vmem>>) target(%dma_start3A_194 : memref<10240x64xf32, #tpu.memory_space<vmem_shared>>) offsets(%dma_start3A_191 : memref<125xi32, #tpu.memory_space<vmem>>) semaphore(%arg19 : memref<!tpu.dma_semaphore, #tpu.memory_space<semaphore_mem>>) {add = true}
      %sub3A_195 = arith.constant 2 : i32
      %sub3A_196 = arith.subi %add3A_180, %sub3A_195 : i32
      %dma_wait3A_197 = arith.constant 1 : i32
      %dma_wait3A_198 = arith.constant 0 : i32
      %dma_wait3A_199 = tpu.memref_slice %arg6[%sub3A_196, %dma_wait3A_197, %dma_wait3A_198] : memref<80x2x125xi32, #tpu.memory_space<vmem>> -> memref<1x1x125xi32, #tpu.memory_space<vmem>>
      %dma_wait3A_200 = tpu.memref_squeeze %dma_wait3A_199 : memref<1x1x125xi32, #tpu.memory_space<vmem>> -> memref<125xi32, #tpu.memory_space<vmem>>
      %dma_wait3A_201 = arith.constant 0 : i32
      %dma_wait3A_202 = arith.constant 0 : i32
      %dma_wait3A_203 = tpu.memref_slice %arg11[%dma_wait3A_201, %dma_wait3A_202] : memref<10240x64xf32, #tpu.memory_space<vmem_shared>> -> memref<10240x64xf32, #tpu.memory_space<vmem_shared>>
      tpu.wait_indirect_dma semaphore(%arg17 : memref<!tpu.dma_semaphore, #tpu.memory_space<semaphore_mem>>) src(%arg8 : memref<125x64xf32, #tpu.memory_space<vmem>>) dst(%dma_wait3A_203 : memref<10240x64xf32, #tpu.memory_space<vmem_shared>>)
      %add3A_204 = arith.constant 2 : i32
      %add3A_205 = arith.addi %add3A_180, %add3A_204 : i32
      %dma_start3A_206 = arith.constant 0 : i32
      %dma_start3A_207 = arith.constant 0 : i32
      %dma_start3A_208 = tpu.memref_slice %arg6[%add3A_205, %dma_start3A_206, %dma_start3A_207] : memref<80x2x125xi32, #tpu.memory_space<vmem>> -> memref<1x1x125xi32, #tpu.memory_space<vmem>>
      %dma_start3A_209 = tpu.memref_squeeze %dma_start3A_208 : memref<1x1x125xi32, #tpu.memory_space<vmem>> -> memref<125xi32, #tpu.memory_space<vmem>>
      %dma_start3A_210 = arith.constant 0 : i32
      %dma_start3A_211 = arith.constant 0 : i32
      %dma_start3A_212 = tpu.memref_slice %arg2[%dma_start3A_210, %dma_start3A_211] : memref<10000x64xf32, #tpu.memory_space<hbm>> -> memref<10000x64xf32, #tpu.memory_space<hbm>>
      tpu.enqueue_indirect_dma source(%dma_start3A_212 : memref<10000x64xf32, #tpu.memory_space<hbm>>) target(%arg8 : memref<125x64xf32, #tpu.memory_space<vmem>>) offsets(%dma_start3A_209 : memref<125xi32, #tpu.memory_space<vmem>>) semaphore(%arg13 : memref<!tpu.dma_semaphore, #tpu.memory_space<semaphore_mem>>)
      %add3A_213 = arith.constant 2 : i32
      %add3A_214 = arith.addi %add3A_145, %add3A_213 : i32
      %dma_wait3A_215 = arith.constant 0 : i32
      %dma_wait3A_216 = arith.constant 0 : i32
      %dma_wait3A_217 = tpu.memref_slice %arg6[%add3A_214, %dma_wait3A_215, %dma_wait3A_216] : memref<80x2x125xi32, #tpu.memory_space<vmem>> -> memref<1x1x125xi32, #tpu.memory_space<vmem>>
      %dma_wait3A_218 = tpu.memref_squeeze %dma_wait3A_217 : memref<1x1x125xi32, #tpu.memory_space<vmem>> -> memref<125xi32, #tpu.memory_space<vmem>>
      %dma_wait3A_219 = arith.constant 0 : i32
      %dma_wait3A_220 = arith.constant 0 : i32
      %dma_wait3A_221 = tpu.memref_slice %arg2[%dma_wait3A_219, %dma_wait3A_220] : memref<10000x64xf32, #tpu.memory_space<hbm>> -> memref<10000x64xf32, #tpu.memory_space<hbm>>
      tpu.wait_indirect_dma semaphore(%arg12 : memref<!tpu.dma_semaphore, #tpu.memory_space<semaphore_mem>>) src(%dma_wait3A_221 : memref<10000x64xf32, #tpu.memory_space<hbm>>) dst(%arg7 : memref<125x64xf32, #tpu.memory_space<vmem>>)
      %dma_start3A_222 = arith.constant 1 : i32
      %dma_start3A_223 = arith.constant 0 : i32
      %dma_start3A_224 = tpu.memref_slice %arg6[%add3A_214, %dma_start3A_222, %dma_start3A_223] : memref<80x2x125xi32, #tpu.memory_space<vmem>> -> memref<1x1x125xi32, #tpu.memory_space<vmem>>
      %dma_start3A_225 = tpu.memref_squeeze %dma_start3A_224 : memref<1x1x125xi32, #tpu.memory_space<vmem>> -> memref<125xi32, #tpu.memory_space<vmem>>
      %dma_start3A_226 = arith.constant 0 : i32
      %dma_start3A_227 = arith.constant 0 : i32
      %dma_start3A_228 = tpu.memref_slice %arg11[%dma_start3A_226, %dma_start3A_227] : memref<10240x64xf32, #tpu.memory_space<vmem_shared>> -> memref<10240x64xf32, #tpu.memory_space<vmem_shared>>
      tpu.enqueue_indirect_dma source(%arg7 : memref<125x64xf32, #tpu.memory_space<vmem>>) target(%dma_start3A_228 : memref<10240x64xf32, #tpu.memory_space<vmem_shared>>) offsets(%dma_start3A_225 : memref<125xi32, #tpu.memory_space<vmem>>) semaphore(%arg16 : memref<!tpu.dma_semaphore, #tpu.memory_space<semaphore_mem>>) {add = true}
      %sub3A_229 = arith.constant 2 : i32
      %sub3A_230 = arith.subi %add3A_214, %sub3A_229 : i32
      %dma_wait3A_231 = arith.constant 1 : i32
      %dma_wait3A_232 = arith.constant 0 : i32
      %dma_wait3A_233 = tpu.memref_slice %arg6[%sub3A_230, %dma_wait3A_231, %dma_wait3A_232] : memref<80x2x125xi32, #tpu.memory_space<vmem>> -> memref<1x1x125xi32, #tpu.memory_space<vmem>>
      %dma_wait3A_234 = tpu.memref_squeeze %dma_wait3A_233 : memref<1x1x125xi32, #tpu.memory_space<vmem>> -> memref<125xi32, #tpu.memory_space<vmem>>
      %dma_wait3A_235 = arith.constant 0 : i32
      %dma_wait3A_236 = arith.constant 0 : i32
      %dma_wait3A_237 = tpu.memref_slice %arg11[%dma_wait3A_235, %dma_wait3A_236] : memref<10240x64xf32, #tpu.memory_space<vmem_shared>> -> memref<10240x64xf32, #tpu.memory_space<vmem_shared>>
      tpu.wait_indirect_dma semaphore(%arg18 : memref<!tpu.dma_semaphore, #tpu.memory_space<semaphore_mem>>) src(%arg9 : memref<125x64xf32, #tpu.memory_space<vmem>>) dst(%dma_wait3A_237 : memref<10240x64xf32, #tpu.memory_space<vmem_shared>>)
      %add3A_238 = arith.constant 2 : i32
      %add3A_239 = arith.addi %add3A_214, %add3A_238 : i32
      %dma_start3A_240 = arith.constant 0 : i32
      %dma_start3A_241 = arith.constant 0 : i32
      %dma_start3A_242 = tpu.memref_slice %arg6[%add3A_239, %dma_start3A_240, %dma_start3A_241] : memref<80x2x125xi32, #tpu.memory_space<vmem>> -> memref<1x1x125xi32, #tpu.memory_space<vmem>>
      %dma_start3A_243 = tpu.memref_squeeze %dma_start3A_242 : memref<1x1x125xi32, #tpu.memory_space<vmem>> -> memref<125xi32, #tpu.memory_space<vmem>>
      %dma_start3A_244 = arith.constant 0 : i32
      %dma_start3A_245 = arith.constant 0 : i32
      %dma_start3A_246 = tpu.memref_slice %arg2[%dma_start3A_244, %dma_start3A_245] : memref<10000x64xf32, #tpu.memory_space<hbm>> -> memref<10000x64xf32, #tpu.memory_space<hbm>>
      tpu.enqueue_indirect_dma source(%dma_start3A_246 : memref<10000x64xf32, #tpu.memory_space<hbm>>) target(%arg9 : memref<125x64xf32, #tpu.memory_space<vmem>>) offsets(%dma_start3A_243 : memref<125xi32, #tpu.memory_space<vmem>>) semaphore(%arg14 : memref<!tpu.dma_semaphore, #tpu.memory_space<semaphore_mem>>)
      %add3A_247 = arith.constant 3 : i32
      %add3A_248 = arith.addi %add3A_145, %add3A_247 : i32
      %dma_wait3A_249 = arith.constant 0 : i32
      %dma_wait3A_250 = arith.constant 0 : i32
      %dma_wait3A_251 = tpu.memref_slice %arg6[%add3A_248, %dma_wait3A_249, %dma_wait3A_250] : memref<80x2x125xi32, #tpu.memory_space<vmem>> -> memref<1x1x125xi32, #tpu.memory_space<vmem>>
      %dma_wait3A_252 = tpu.memref_squeeze %dma_wait3A_251 : memref<1x1x125xi32, #tpu.memory_space<vmem>> -> memref<125xi32, #tpu.memory_space<vmem>>
      %dma_wait3A_253 = arith.constant 0 : i32
      %dma_wait3A_254 = arith.constant 0 : i32
      %dma_wait3A_255 = tpu.memref_slice %arg2[%dma_wait3A_253, %dma_wait3A_254] : memref<10000x64xf32, #tpu.memory_space<hbm>> -> memref<10000x64xf32, #tpu.memory_space<hbm>>
      tpu.wait_indirect_dma semaphore(%arg13 : memref<!tpu.dma_semaphore, #tpu.memory_space<semaphore_mem>>) src(%dma_wait3A_255 : memref<10000x64xf32, #tpu.memory_space<hbm>>) dst(%arg8 : memref<125x64xf32, #tpu.memory_space<vmem>>)
      %dma_start3A_256 = arith.constant 1 : i32
      %dma_start3A_257 = arith.constant 0 : i32
      %dma_start3A_258 = tpu.memref_slice %arg6[%add3A_248, %dma_start3A_256, %dma_start3A_257] : memref<80x2x125xi32, #tpu.memory_space<vmem>> -> memref<1x1x125xi32, #tpu.memory_space<vmem>>
      %dma_start3A_259 = tpu.memref_squeeze %dma_start3A_258 : memref<1x1x125xi32, #tpu.memory_space<vmem>> -> memref<125xi32, #tpu.memory_space<vmem>>
      %dma_start3A_260 = arith.constant 0 : i32
      %dma_start3A_261 = arith.constant 0 : i32
      %dma_start3A_262 = tpu.memref_slice %arg11[%dma_start3A_260, %dma_start3A_261] : memref<10240x64xf32, #tpu.memory_space<vmem_shared>> -> memref<10240x64xf32, #tpu.memory_space<vmem_shared>>
      tpu.enqueue_indirect_dma source(%arg8 : memref<125x64xf32, #tpu.memory_space<vmem>>) target(%dma_start3A_262 : memref<10240x64xf32, #tpu.memory_space<vmem_shared>>) offsets(%dma_start3A_259 : memref<125xi32, #tpu.memory_space<vmem>>) semaphore(%arg17 : memref<!tpu.dma_semaphore, #tpu.memory_space<semaphore_mem>>) {add = true}
      %sub3A_263 = arith.constant 2 : i32
      %sub3A_264 = arith.subi %add3A_248, %sub3A_263 : i32
      %dma_wait3A_265 = arith.constant 1 : i32
      %dma_wait3A_266 = arith.constant 0 : i32
      %dma_wait3A_267 = tpu.memref_slice %arg6[%sub3A_264, %dma_wait3A_265, %dma_wait3A_266] : memref<80x2x125xi32, #tpu.memory_space<vmem>> -> memref<1x1x125xi32, #tpu.memory_space<vmem>>
      %dma_wait3A_268 = tpu.memref_squeeze %dma_wait3A_267 : memref<1x1x125xi32, #tpu.memory_space<vmem>> -> memref<125xi32, #tpu.memory_space<vmem>>
      %dma_wait3A_269 = arith.constant 0 : i32
      %dma_wait3A_270 = arith.constant 0 : i32
      %dma_wait3A_271 = tpu.memref_slice %arg11[%dma_wait3A_269, %dma_wait3A_270] : memref<10240x64xf32, #tpu.memory_space<vmem_shared>> -> memref<10240x64xf32, #tpu.memory_space<vmem_shared>>
      tpu.wait_indirect_dma semaphore(%arg19 : memref<!tpu.dma_semaphore, #tpu.memory_space<semaphore_mem>>) src(%arg10 : memref<125x64xf32, #tpu.memory_space<vmem>>) dst(%dma_wait3A_271 : memref<10240x64xf32, #tpu.memory_space<vmem_shared>>)
      %add3A_272 = arith.constant 2 : i32
      %add3A_273 = arith.addi %add3A_248, %add3A_272 : i32
      %dma_start3A_274 = arith.constant 0 : i32
      %dma_start3A_275 = arith.constant 0 : i32
      %dma_start3A_276 = tpu.memref_slice %arg6[%add3A_273, %dma_start3A_274, %dma_start3A_275] : memref<80x2x125xi32, #tpu.memory_space<vmem>> -> memref<1x1x125xi32, #tpu.memory_space<vmem>>
      %dma_start3A_277 = tpu.memref_squeeze %dma_start3A_276 : memref<1x1x125xi32, #tpu.memory_space<vmem>> -> memref<125xi32, #tpu.memory_space<vmem>>
      %dma_start3A_278 = arith.constant 0 : i32
      %dma_start3A_279 = arith.constant 0 : i32
      %dma_start3A_280 = tpu.memref_slice %arg2[%dma_start3A_278, %dma_start3A_279] : memref<10000x64xf32, #tpu.memory_space<hbm>> -> memref<10000x64xf32, #tpu.memory_space<hbm>>
      tpu.enqueue_indirect_dma source(%dma_start3A_280 : memref<10000x64xf32, #tpu.memory_space<hbm>>) target(%arg10 : memref<125x64xf32, #tpu.memory_space<vmem>>) offsets(%dma_start3A_277 : memref<125xi32, #tpu.memory_space<vmem>>) semaphore(%arg15 : memref<!tpu.dma_semaphore, #tpu.memory_space<semaphore_mem>>)
    }
    %scan3A_71 = arith.constant 19 : i32
    %dma_wait3A_72 = arith.constant 78 : i32
    %dma_wait3A_73 = arith.constant 0 : i32
    %dma_wait3A_74 = arith.constant 0 : i32
    %dma_wait3A_75 = tpu.memref_slice %arg6[%dma_wait3A_72, %dma_wait3A_73, %dma_wait3A_74] : memref<80x2x125xi32, #tpu.memory_space<vmem>> -> memref<1x1x125xi32, #tpu.memory_space<vmem>>
    %dma_wait3A_76 = tpu.memref_squeeze %dma_wait3A_75 : memref<1x1x125xi32, #tpu.memory_space<vmem>> -> memref<125xi32, #tpu.memory_space<vmem>>
    %dma_wait3A_77 = arith.constant 0 : i32
    %dma_wait3A_78 = arith.constant 0 : i32
    %dma_wait3A_79 = tpu.memref_slice %arg2[%dma_wait3A_77, %dma_wait3A_78] : memref<10000x64xf32, #tpu.memory_space<hbm>> -> memref<10000x64xf32, #tpu.memory_space<hbm>>
    tpu.wait_indirect_dma semaphore(%arg14 : memref<!tpu.dma_semaphore, #tpu.memory_space<semaphore_mem>>) src(%dma_wait3A_79 : memref<10000x64xf32, #tpu.memory_space<hbm>>) dst(%arg9 : memref<125x64xf32, #tpu.memory_space<vmem>>)
    %dma_start3A_80 = arith.constant 78 : i32
    %dma_start3A_81 = arith.constant 1 : i32
    %dma_start3A_82 = arith.constant 0 : i32
    %dma_start3A_83 = tpu.memref_slice %arg6[%dma_start3A_80, %dma_start3A_81, %dma_start3A_82] : memref<80x2x125xi32, #tpu.memory_space<vmem>> -> memref<1x1x125xi32, #tpu.memory_space<vmem>>
    %dma_start3A_84 = tpu.memref_squeeze %dma_start3A_83 : memref<1x1x125xi32, #tpu.memory_space<vmem>> -> memref<125xi32, #tpu.memory_space<vmem>>
    %dma_start3A_85 = arith.constant 0 : i32
    %dma_start3A_86 = arith.constant 0 : i32
    %dma_start3A_87 = tpu.memref_slice %arg11[%dma_start3A_85, %dma_start3A_86] : memref<10240x64xf32, #tpu.memory_space<vmem_shared>> -> memref<10240x64xf32, #tpu.memory_space<vmem_shared>>
    tpu.enqueue_indirect_dma source(%arg9 : memref<125x64xf32, #tpu.memory_space<vmem>>) target(%dma_start3A_87 : memref<10240x64xf32, #tpu.memory_space<vmem_shared>>) offsets(%dma_start3A_84 : memref<125xi32, #tpu.memory_space<vmem>>) semaphore(%arg18 : memref<!tpu.dma_semaphore, #tpu.memory_space<semaphore_mem>>) {add = true}
    %dma_wait3A_88 = arith.constant 76 : i32
    %dma_wait3A_89 = arith.constant 1 : i32
    %dma_wait3A_90 = arith.constant 0 : i32
    %dma_wait3A_91 = tpu.memref_slice %arg6[%dma_wait3A_88, %dma_wait3A_89, %dma_wait3A_90] : memref<80x2x125xi32, #tpu.memory_space<vmem>> -> memref<1x1x125xi32, #tpu.memory_space<vmem>>
    %dma_wait3A_92 = tpu.memref_squeeze %dma_wait3A_91 : memref<1x1x125xi32, #tpu.memory_space<vmem>> -> memref<125xi32, #tpu.memory_space<vmem>>
    %dma_wait3A_93 = arith.constant 0 : i32
    %dma_wait3A_94 = arith.constant 0 : i32
    %dma_wait3A_95 = tpu.memref_slice %arg11[%dma_wait3A_93, %dma_wait3A_94] : memref<10240x64xf32, #tpu.memory_space<vmem_shared>> -> memref<10240x64xf32, #tpu.memory_space<vmem_shared>>
    tpu.wait_indirect_dma semaphore(%arg16 : memref<!tpu.dma_semaphore, #tpu.memory_space<semaphore_mem>>) src(%arg7 : memref<125x64xf32, #tpu.memory_space<vmem>>) dst(%dma_wait3A_95 : memref<10240x64xf32, #tpu.memory_space<vmem_shared>>)
    %dma_wait3A_96 = arith.constant 79 : i32
    %dma_wait3A_97 = arith.constant 0 : i32
    %dma_wait3A_98 = arith.constant 0 : i32
    %dma_wait3A_99 = tpu.memref_slice %arg6[%dma_wait3A_96, %dma_wait3A_97, %dma_wait3A_98] : memref<80x2x125xi32, #tpu.memory_space<vmem>> -> memref<1x1x125xi32, #tpu.memory_space<vmem>>
    %dma_wait3A_100 = tpu.memref_squeeze %dma_wait3A_99 : memref<1x1x125xi32, #tpu.memory_space<vmem>> -> memref<125xi32, #tpu.memory_space<vmem>>
    %dma_wait3A_101 = arith.constant 0 : i32
    %dma_wait3A_102 = arith.constant 0 : i32
    %dma_wait3A_103 = tpu.memref_slice %arg2[%dma_wait3A_101, %dma_wait3A_102] : memref<10000x64xf32, #tpu.memory_space<hbm>> -> memref<10000x64xf32, #tpu.memory_space<hbm>>
    tpu.wait_indirect_dma semaphore(%arg15 : memref<!tpu.dma_semaphore, #tpu.memory_space<semaphore_mem>>) src(%dma_wait3A_103 : memref<10000x64xf32, #tpu.memory_space<hbm>>) dst(%arg10 : memref<125x64xf32, #tpu.memory_space<vmem>>)
    %dma_start3A_104 = arith.constant 79 : i32
    %dma_start3A_105 = arith.constant 1 : i32
    %dma_start3A_106 = arith.constant 0 : i32
    %dma_start3A_107 = tpu.memref_slice %arg6[%dma_start3A_104, %dma_start3A_105, %dma_start3A_106] : memref<80x2x125xi32, #tpu.memory_space<vmem>> -> memref<1x1x125xi32, #tpu.memory_space<vmem>>
    %dma_start3A_108 = tpu.memref_squeeze %dma_start3A_107 : memref<1x1x125xi32, #tpu.memory_space<vmem>> -> memref<125xi32, #tpu.memory_space<vmem>>
    %dma_start3A_109 = arith.constant 0 : i32
    %dma_start3A_110 = arith.constant 0 : i32
    %dma_start3A_111 = tpu.memref_slice %arg11[%dma_start3A_109, %dma_start3A_110] : memref<10240x64xf32, #tpu.memory_space<vmem_shared>> -> memref<10240x64xf32, #tpu.memory_space<vmem_shared>>
    tpu.enqueue_indirect_dma source(%arg10 : memref<125x64xf32, #tpu.memory_space<vmem>>) target(%dma_start3A_111 : memref<10240x64xf32, #tpu.memory_space<vmem_shared>>) offsets(%dma_start3A_108 : memref<125xi32, #tpu.memory_space<vmem>>) semaphore(%arg19 : memref<!tpu.dma_semaphore, #tpu.memory_space<semaphore_mem>>) {add = true}
    %dma_wait3A_112 = arith.constant 77 : i32
    %dma_wait3A_113 = arith.constant 1 : i32
    %dma_wait3A_114 = arith.constant 0 : i32
    %dma_wait3A_115 = tpu.memref_slice %arg6[%dma_wait3A_112, %dma_wait3A_113, %dma_wait3A_114] : memref<80x2x125xi32, #tpu.memory_space<vmem>> -> memref<1x1x125xi32, #tpu.memory_space<vmem>>
    %dma_wait3A_116 = tpu.memref_squeeze %dma_wait3A_115 : memref<1x1x125xi32, #tpu.memory_space<vmem>> -> memref<125xi32, #tpu.memory_space<vmem>>
    %dma_wait3A_117 = arith.constant 0 : i32
    %dma_wait3A_118 = arith.constant 0 : i32
    %dma_wait3A_119 = tpu.memref_slice %arg11[%dma_wait3A_117, %dma_wait3A_118] : memref<10240x64xf32, #tpu.memory_space<vmem_shared>> -> memref<10240x64xf32, #tpu.memory_space<vmem_shared>>
    tpu.wait_indirect_dma semaphore(%arg17 : memref<!tpu.dma_semaphore, #tpu.memory_space<semaphore_mem>>) src(%arg8 : memref<125x64xf32, #tpu.memory_space<vmem>>) dst(%dma_wait3A_119 : memref<10240x64xf32, #tpu.memory_space<vmem_shared>>)
    %dma_wait3A_120 = arith.constant 78 : i32
    %dma_wait3A_121 = arith.constant 1 : i32
    %dma_wait3A_122 = arith.constant 0 : i32
    %dma_wait3A_123 = tpu.memref_slice %arg6[%dma_wait3A_120, %dma_wait3A_121, %dma_wait3A_122] : memref<80x2x125xi32, #tpu.memory_space<vmem>> -> memref<1x1x125xi32, #tpu.memory_space<vmem>>
    %dma_wait3A_124 = tpu.memref_squeeze %dma_wait3A_123 : memref<1x1x125xi32, #tpu.memory_space<vmem>> -> memref<125xi32, #tpu.memory_space<vmem>>
    %dma_wait3A_125 = arith.constant 0 : i32
    %dma_wait3A_126 = arith.constant 0 : i32
    %dma_wait3A_127 = tpu.memref_slice %arg11[%dma_wait3A_125, %dma_wait3A_126] : memref<10240x64xf32, #tpu.memory_space<vmem_shared>> -> memref<10240x64xf32, #tpu.memory_space<vmem_shared>>
    tpu.wait_indirect_dma semaphore(%arg18 : memref<!tpu.dma_semaphore, #tpu.memory_space<semaphore_mem>>) src(%arg9 : memref<125x64xf32, #tpu.memory_space<vmem>>) dst(%dma_wait3A_127 : memref<10240x64xf32, #tpu.memory_space<vmem_shared>>)
    %dma_wait3A_128 = arith.constant 79 : i32
    %dma_wait3A_129 = arith.constant 1 : i32
    %dma_wait3A_130 = arith.constant 0 : i32
    %dma_wait3A_131 = tpu.memref_slice %arg6[%dma_wait3A_128, %dma_wait3A_129, %dma_wait3A_130] : memref<80x2x125xi32, #tpu.memory_space<vmem>> -> memref<1x1x125xi32, #tpu.memory_space<vmem>>
    %dma_wait3A_132 = tpu.memref_squeeze %dma_wait3A_131 : memref<1x1x125xi32, #tpu.memory_space<vmem>> -> memref<125xi32, #tpu.memory_space<vmem>>
    %dma_wait3A_133 = arith.constant 0 : i32
    %dma_wait3A_134 = arith.constant 0 : i32
    %dma_wait3A_135 = tpu.memref_slice %arg11[%dma_wait3A_133, %dma_wait3A_134] : memref<10240x64xf32, #tpu.memory_space<vmem_shared>> -> memref<10240x64xf32, #tpu.memory_space<vmem_shared>>
    tpu.wait_indirect_dma semaphore(%arg19 : memref<!tpu.dma_semaphore, #tpu.memory_space<semaphore_mem>>) src(%arg10 : memref<125x64xf32, #tpu.memory_space<vmem>>) dst(%dma_wait3A_135 : memref<10240x64xf32, #tpu.memory_space<vmem_shared>>)
    %barrier3A_136 = arith.constant 0 : index
    tpu.barrier barrier_id(%barrier3A_136)
    %mul3A_137 = arith.constant 640 : i32
    %mul3A_138 = arith.muli %arg1, %mul3A_137 : i32
    %mul3A_139 = arith.constant 640 : i32
    %mul3A_140 = arith.muli %arg1, %mul3A_139 : i32
    "tpu.region"() ({
      %run_scoped3A = tpu.sem_alloc : memref<!tpu.dma_semaphore, #tpu.memory_space<semaphore_mem>>
      %dma_start3A_141 = arith.constant 0 : i32
      %dma_start3A_142 = tpu.memref_slice %arg5[%arg0, %mul3A_140, %dma_start3A_141] : memref<2x10240x64xf32, #tpu.memory_space<hbm>> -> memref<1x640x64xf32, #tpu.memory_space<hbm>>
      %dma_start3A_143 = tpu.memref_squeeze %dma_start3A_142 : memref<1x640x64xf32, #tpu.memory_space<hbm>> -> memref<640x64xf32, #tpu.memory_space<hbm>>
      %dma_start3A_144 = arith.constant 0 : i32
      %dma_start3A_145 = tpu.memref_slice %arg11[%mul3A_138, %dma_start3A_144] : memref<10240x64xf32, #tpu.memory_space<vmem_shared>> -> memref<640x64xf32, #tpu.memory_space<vmem_shared>>
      tpu.enqueue_dma source(%dma_start3A_145 : memref<640x64xf32, #tpu.memory_space<vmem_shared>>) target(%dma_start3A_143 : memref<640x64xf32, #tpu.memory_space<hbm>>) target_semaphore(%run_scoped3A : memref<!tpu.dma_semaphore, #tpu.memory_space<semaphore_mem>>)
      %dma_wait3A_146 = arith.constant 0 : i32
      %dma_wait3A_147 = tpu.memref_slice %arg5[%arg0, %mul3A_140, %dma_wait3A_146] : memref<2x10240x64xf32, #tpu.memory_space<hbm>> -> memref<1x640x64xf32, #tpu.memory_space<hbm>>
      %dma_wait3A_148 = tpu.memref_squeeze %dma_wait3A_147 : memref<1x640x64xf32, #tpu.memory_space<hbm>> -> memref<640x64xf32, #tpu.memory_space<hbm>>
      %dma_wait3A_149 = arith.constant 0 : i32
      %dma_wait3A_150 = tpu.memref_slice %arg11[%mul3A_138, %dma_wait3A_149] : memref<10240x64xf32, #tpu.memory_space<vmem_shared>> -> memref<640x64xf32, #tpu.memory_space<vmem_shared>>
      tpu.wait_dma2 semaphore(%run_scoped3A : memref<!tpu.dma_semaphore, #tpu.memory_space<semaphore_mem>>) src(%dma_wait3A_150 : memref<640x64xf32, #tpu.memory_space<vmem_shared>>) dst(%dma_wait3A_148 : memref<640x64xf32, #tpu.memory_space<hbm>>)
      tpu.yield
    }) : () -> ()
    return
  }
}

module attributes {stable_mosaic.version = 14 : i64} {
  func.func @_mm_body(%arg0: i32, %arg1: memref<1000x128xf32, #tpu.memory_space<vmem>>, %arg2: memref<128x64xf32, #tpu.memory_space<vmem>>, %arg3: memref<1000x64xf32, #tpu.memory_space<vmem>>) attributes {dimension_semantics = [#tpu.dimension_semantics<arbitrary>], iteration_bounds = array<i64: 10>, scalar_prefetch = 0 : i64, scratch_operands = 0 : i64, tpu.core_type = #tpu.core_type<tc>, window_params = [{transform_indices = @transform_0, window_bounds = array<i64: 1000, 128>}, {pipeline_mode = #tpu.pipeline_mode<synchronous>, transform_indices = @transform_1, window_bounds = array<i64: 128, 64>}, {transform_indices = @transform_2, window_bounds = array<i64: 1000, 64>}]} {
    %get3A = arith.constant 0 : index
    %get3A_0 = arith.constant 0 : index
    %get3A_1 = vector.load %arg1[%get3A, %get3A_0] : memref<1000x128xf32, #tpu.memory_space<vmem>>, vector<1000x128xf32>
    %get3A_2 = arith.constant 0 : index
    %get3A_3 = arith.constant 0 : index
    %get3A_4 = vector.load %arg2[%get3A_2, %get3A_3] : memref<128x64xf32, #tpu.memory_space<vmem>>, vector<128x64xf32>
    %dot_general3A = arith.constant dense<0.000000e+00> : vector<1000x64xf32>
    %dot_general3A_5 = tpu.matmul %get3A_1, %get3A_4, %dot_general3A {dimension_numbers = #tpu.dot_dimension_numbers<[1], [0], [0], [1], [0, 0, 1, 1], [], []>, transpose_lhs_hint = false} : vector<1000x128xf32>, vector<128x64xf32>, vector<1000x64xf32> -> vector<1000x64xf32>
    %swap3A = arith.constant 0 : index
    %swap3A_6 = arith.constant 0 : index
    %swap3A_7 = vector.load %arg3[%swap3A, %swap3A_6] : memref<1000x64xf32, #tpu.memory_space<vmem>>, vector<1000x64xf32>
    tpu.vector_store %arg3[%swap3A, %swap3A_6], %dot_general3A_5 {strides = array<i32>} : memref<1000x64xf32, #tpu.memory_space<vmem>>, vector<1000x64xf32>,
    return
  }
  func.func @transform_0(%arg0: i32) -> (i32, i32) {
    %c0_i32 = arith.constant 0 : i32
    %c0_i32_0 = arith.constant 0 : i32
    return %arg0, %c0_i32 : i32, i32
  }
  func.func @transform_1(%arg0: i32) -> (i32, i32) {
    %c0_i32 = arith.constant 0 : i32
    %c0_i32_0 = arith.constant 0 : i32
    %c0_i32_1 = arith.constant 0 : i32
    return %c0_i32, %c0_i32_0 : i32, i32
  }
  func.func @transform_2(%arg0: i32) -> (i32, i32) {
    %c0_i32 = arith.constant 0 : i32
    %c0_i32_0 = arith.constant 0 : i32
    return %arg0, %c0_i32 : i32, i32
  }
}

module attributes {stable_mosaic.version = 14 : i64} {
  func.func @_dinv_body(%arg0: memref<2x10240xf32, #tpu.memory_space<vmem>>, %arg1: memref<10000x64xf32, #tpu.memory_space<vmem>>, %arg2: memref<10240x1xf32, #tpu.memory_space<vmem>>, %arg3: memref<10000x64xf32, #tpu.memory_space<vmem>>) attributes {dimension_semantics = [], scalar_prefetch = 0 : i64, scratch_operands = 0 : i64, tpu.core_type = #tpu.core_type<tc>} {
    %get3A = arith.constant 0 : index
    %get3A_0 = arith.constant 0 : index
    %get3A_1 = vector.load %arg0[%get3A, %get3A_0] : memref<2x10240xf32, #tpu.memory_space<vmem>>, vector<1x10240xf32>
    %get3A_2 = vector.shape_cast %get3A_1 : vector<1x10240xf32> to vector<10240xf32>
    %get3A_3 = arith.constant 1 : index
    %get3A_4 = arith.constant 0 : index
    %get3A_5 = vector.load %arg0[%get3A_3, %get3A_4] : memref<2x10240xf32, #tpu.memory_space<vmem>>, vector<1x10240xf32>
    %get3A_6 = vector.shape_cast %get3A_5 : vector<1x10240xf32> to vector<10240xf32>
    %add3A = arith.addf %get3A_2, %get3A_6 : vector<10240xf32>
    %add3A_7 = arith.constant 1.000000e+00 : f32
    %add3A_8 = vector.broadcast %add3A_7 : f32 to vector<10240xf32>
    %add3A_9 = arith.addf %add3A, %add3A_8 : vector<10240xf32>
    %rsqrt3A = math.rsqrt %add3A_9 : vector<10240xf32>
    %broadcast_in_dim3A = vector.shape_cast %rsqrt3A : vector<10240xf32> to vector<10240x1xf32>
    %swap3A = arith.constant 0 : index
    %swap3A_10 = arith.constant 0 : index
    %swap3A_11 = vector.load %arg2[%swap3A, %swap3A_10] : memref<10240x1xf32, #tpu.memory_space<vmem>>, vector<10240x1xf32>
    tpu.vector_store %arg2[%swap3A, %swap3A_10], %broadcast_in_dim3A {strides = array<i32>} : memref<10240x1xf32, #tpu.memory_space<vmem>>, vector<10240x1xf32>,
    %slice3A = vector.extract_strided_slice %broadcast_in_dim3A {offsets = [0, 0], sizes = [10000, 1], strides = [1, 1]} : vector<10240x1xf32> to vector<10000x1xf32>
    %get3A_12 = arith.constant 0 : index
    %get3A_13 = arith.constant 0 : index
    %get3A_14 = vector.load %arg1[%get3A_12, %get3A_13] : memref<10000x64xf32, #tpu.memory_space<vmem>>, vector<10000x64xf32>
    %mul3A = vector.broadcast %slice3A : vector<10000x1xf32> to vector<10000x64xf32>
    %mul3A_15 = arith.mulf %mul3A, %get3A_14 : vector<10000x64xf32>
    %swap3A_16 = arith.constant 0 : index
    %swap3A_17 = arith.constant 0 : index
    %swap3A_18 = vector.load %arg3[%swap3A_16, %swap3A_17] : memref<10000x64xf32, #tpu.memory_space<vmem>>, vector<10000x64xf32>
    tpu.vector_store %arg3[%swap3A_16, %swap3A_17], %mul3A_15 {strides = array<i32>} : memref<10000x64xf32, #tpu.memory_space<vmem>>, vector<10000x64xf32>,
    return
  }
}

module attributes {stable_mosaic.version = 14 : i64} {
  func.func @_epilogue_body(%arg0: i32, %arg1: memref<1000x1xf32, #tpu.memory_space<vmem>>, %arg2: memref<1x1000x64xf32, #tpu.memory_space<vmem>>, %arg3: memref<1x1000x64xf32, #tpu.memory_space<vmem>>, %arg4: memref<1000x64xf32, #tpu.memory_space<vmem>>, %arg5: memref<1x64xf32, #tpu.memory_space<vmem>>, %arg6: memref<64x64xf32, #tpu.memory_space<vmem>>, %arg7: memref<1000x64xf32, #tpu.memory_space<vmem>>) attributes {dimension_semantics = [#tpu.dimension_semantics<arbitrary>], iteration_bounds = array<i64: 10>, scalar_prefetch = 0 : i64, scratch_operands = 0 : i64, tpu.core_type = #tpu.core_type<tc>, window_params = [{transform_indices = @transform_0, window_bounds = array<i64: 1000, 1>}, {transform_indices = @transform_1, window_bounds = array<i64: 1, 1000, 64>}, {transform_indices = @transform_2, window_bounds = array<i64: 1, 1000, 64>}, {transform_indices = @transform_3, window_bounds = array<i64: 1000, 64>}, {pipeline_mode = #tpu.pipeline_mode<synchronous>, transform_indices = @transform_4, window_bounds = array<i64: 1, 64>}, {pipeline_mode = #tpu.pipeline_mode<synchronous>, transform_indices = @transform_5, window_bounds = array<i64: 64, 64>}, {transform_indices = @transform_6, window_bounds = array<i64: 1000, 64>}]} {
    %get3A = arith.constant 0 : index
    %get3A_0 = arith.constant 0 : index
    %get3A_1 = vector.load %arg1[%get3A, %get3A_0] : memref<1000x1xf32, #tpu.memory_space<vmem>>, vector<1000x1xf32>
    %get3A_2 = arith.constant 0 : index
    %get3A_3 = arith.constant 0 : index
    %get3A_4 = arith.constant 0 : index
    %get3A_5 = vector.load %arg2[%get3A_2, %get3A_3, %get3A_4] : memref<1x1000x64xf32, #tpu.memory_space<vmem>>, vector<1x1000x64xf32>
    %get3A_6 = vector.shape_cast %get3A_5 : vector<1x1000x64xf32> to vector<1000x64xf32>
    %get3A_7 = arith.constant 0 : index
    %get3A_8 = arith.constant 0 : index
    %get3A_9 = arith.constant 0 : index
    %get3A_10 = vector.load %arg3[%get3A_7, %get3A_8, %get3A_9] : memref<1x1000x64xf32, #tpu.memory_space<vmem>>, vector<1x1000x64xf32>
    %get3A_11 = vector.shape_cast %get3A_10 : vector<1x1000x64xf32> to vector<1000x64xf32>
    %add3A = arith.addf %get3A_6, %get3A_11 : vector<1000x64xf32>
    %get3A_12 = arith.constant 0 : index
    %get3A_13 = arith.constant 0 : index
    %get3A_14 = vector.load %arg4[%get3A_12, %get3A_13] : memref<1000x64xf32, #tpu.memory_space<vmem>>, vector<1000x64xf32>
    %add3A_15 = arith.addf %add3A, %get3A_14 : vector<1000x64xf32>
    %mul3A = vector.broadcast %get3A_1 : vector<1000x1xf32> to vector<1000x64xf32>
    %mul3A_16 = arith.mulf %mul3A, %add3A_15 : vector<1000x64xf32>
    %get3A_17 = arith.constant 0 : index
    %get3A_18 = arith.constant 0 : index
    %get3A_19 = vector.load %arg5[%get3A_17, %get3A_18] : memref<1x64xf32, #tpu.memory_space<vmem>>, vector<1x64xf32>
    %add3A_20 = vector.broadcast %get3A_19 : vector<1x64xf32> to vector<1000x64xf32>
    %add3A_21 = arith.addf %mul3A_16, %add3A_20 : vector<1000x64xf32>
    %max3A = arith.constant 0.000000e+00 : f32
    %max3A_22 = vector.broadcast %max3A : f32 to vector<1000x64xf32>
    %max3A_23 = arith.maximumf %add3A_21, %max3A_22 : vector<1000x64xf32>
    %get3A_24 = arith.constant 0 : index
    %get3A_25 = arith.constant 0 : index
    %get3A_26 = vector.load %arg6[%get3A_24, %get3A_25] : memref<64x64xf32, #tpu.memory_space<vmem>>, vector<64x64xf32>
    %dot_general3A = arith.constant dense<0.000000e+00> : vector<1000x64xf32>
    %dot_general3A_27 = tpu.matmul %max3A_23, %get3A_26, %dot_general3A {dimension_numbers = #tpu.dot_dimension_numbers<[1], [0], [0], [1], [0, 0, 1, 1], [], []>, transpose_lhs_hint = false} : vector<1000x64xf32>, vector<64x64xf32>, vector<1000x64xf32> -> vector<1000x64xf32>
    %mul3A_28 = vector.broadcast %get3A_1 : vector<1000x1xf32> to vector<1000x64xf32>
    %mul3A_29 = arith.mulf %mul3A_28, %dot_general3A_27 : vector<1000x64xf32>
    %swap3A = arith.constant 0 : index
    %swap3A_30 = arith.constant 0 : index
    %swap3A_31 = vector.load %arg7[%swap3A, %swap3A_30] : memref<1000x64xf32, #tpu.memory_space<vmem>>, vector<1000x64xf32>
    tpu.vector_store %arg7[%swap3A, %swap3A_30], %mul3A_29 {strides = array<i32>} : memref<1000x64xf32, #tpu.memory_space<vmem>>, vector<1000x64xf32>,
    return
  }
  func.func @transform_0(%arg0: i32) -> (i32, i32) {
    %c0_i32 = arith.constant 0 : i32
    %c0_i32_0 = arith.constant 0 : i32
    return %arg0, %c0_i32 : i32, i32
  }
  func.func @transform_1(%arg0: i32) -> (i32, i32, i32) {
    %c0_i32 = arith.constant 0 : i32
    %c0_i32_0 = arith.constant 0 : i32
    %c0_i32_1 = arith.constant 0 : i32
    return %c0_i32, %arg0, %c0_i32_0 : i32, i32, i32
  }
  func.func @transform_2(%arg0: i32) -> (i32, i32, i32) {
    %c1_i32 = arith.constant 1 : i32
    %c0_i32 = arith.constant 0 : i32
    %c0_i32_0 = arith.constant 0 : i32
    return %c1_i32, %arg0, %c0_i32 : i32, i32, i32
  }
  func.func @transform_3(%arg0: i32) -> (i32, i32) {
    %c0_i32 = arith.constant 0 : i32
    %c0_i32_0 = arith.constant 0 : i32
    return %arg0, %c0_i32 : i32, i32
  }
  func.func @transform_4(%arg0: i32) -> (i32, i32) {
    %c0_i32 = arith.constant 0 : i32
    %c0_i32_0 = arith.constant 0 : i32
    %c0_i32_1 = arith.constant 0 : i32
    return %c0_i32, %c0_i32_0 : i32, i32
  }
  func.func @transform_5(%arg0: i32) -> (i32, i32) {
    %c0_i32 = arith.constant 0 : i32
    %c0_i32_0 = arith.constant 0 : i32
    %c0_i32_1 = arith.constant 0 : i32
    return %c0_i32, %c0_i32_0 : i32, i32
  }
  func.func @transform_6(%arg0: i32) -> (i32, i32) {
    %c0_i32 = arith.constant 0 : i32
    %c0_i32_0 = arith.constant 0 : i32
    return %arg0, %c0_i32 : i32, i32
  }
}

module attributes {stable_mosaic.version = 14 : i64} {
  func.func @_epilogue_body(%arg0: i32, %arg1: memref<1000x1xf32, #tpu.memory_space<vmem>>, %arg2: memref<1x1000x64xf32, #tpu.memory_space<vmem>>, %arg3: memref<1x1000x64xf32, #tpu.memory_space<vmem>>, %arg4: memref<1000x64xf32, #tpu.memory_space<vmem>>, %arg5: memref<1x64xf32, #tpu.memory_space<vmem>>, %arg6: memref<1000x64xf32, #tpu.memory_space<vmem>>) attributes {dimension_semantics = [#tpu.dimension_semantics<arbitrary>], iteration_bounds = array<i64: 10>, scalar_prefetch = 0 : i64, scratch_operands = 0 : i64, tpu.core_type = #tpu.core_type<tc>, window_params = [{transform_indices = @transform_0, window_bounds = array<i64: 1000, 1>}, {transform_indices = @transform_1, window_bounds = array<i64: 1, 1000, 64>}, {transform_indices = @transform_2, window_bounds = array<i64: 1, 1000, 64>}, {transform_indices = @transform_3, window_bounds = array<i64: 1000, 64>}, {pipeline_mode = #tpu.pipeline_mode<synchronous>, transform_indices = @transform_4, window_bounds = array<i64: 1, 64>}, {transform_indices = @transform_5, window_bounds = array<i64: 1000, 64>}]} {
    %get3A = arith.constant 0 : index
    %get3A_0 = arith.constant 0 : index
    %get3A_1 = vector.load %arg1[%get3A, %get3A_0] : memref<1000x1xf32, #tpu.memory_space<vmem>>, vector<1000x1xf32>
    %get3A_2 = arith.constant 0 : index
    %get3A_3 = arith.constant 0 : index
    %get3A_4 = arith.constant 0 : index
    %get3A_5 = vector.load %arg2[%get3A_2, %get3A_3, %get3A_4] : memref<1x1000x64xf32, #tpu.memory_space<vmem>>, vector<1x1000x64xf32>
    %get3A_6 = vector.shape_cast %get3A_5 : vector<1x1000x64xf32> to vector<1000x64xf32>
    %get3A_7 = arith.constant 0 : index
    %get3A_8 = arith.constant 0 : index
    %get3A_9 = arith.constant 0 : index
    %get3A_10 = vector.load %arg3[%get3A_7, %get3A_8, %get3A_9] : memref<1x1000x64xf32, #tpu.memory_space<vmem>>, vector<1x1000x64xf32>
    %get3A_11 = vector.shape_cast %get3A_10 : vector<1x1000x64xf32> to vector<1000x64xf32>
    %add3A = arith.addf %get3A_6, %get3A_11 : vector<1000x64xf32>
    %get3A_12 = arith.constant 0 : index
    %get3A_13 = arith.constant 0 : index
    %get3A_14 = vector.load %arg4[%get3A_12, %get3A_13] : memref<1000x64xf32, #tpu.memory_space<vmem>>, vector<1000x64xf32>
    %add3A_15 = arith.addf %add3A, %get3A_14 : vector<1000x64xf32>
    %mul3A = vector.broadcast %get3A_1 : vector<1000x1xf32> to vector<1000x64xf32>
    %mul3A_16 = arith.mulf %mul3A, %add3A_15 : vector<1000x64xf32>
    %get3A_17 = arith.constant 0 : index
    %get3A_18 = arith.constant 0 : index
    %get3A_19 = vector.load %arg5[%get3A_17, %get3A_18] : memref<1x64xf32, #tpu.memory_space<vmem>>, vector<1x64xf32>
    %add3A_20 = vector.broadcast %get3A_19 : vector<1x64xf32> to vector<1000x64xf32>
    %add3A_21 = arith.addf %mul3A_16, %add3A_20 : vector<1000x64xf32>
    %max3A = arith.constant 0.000000e+00 : f32
    %max3A_22 = vector.broadcast %max3A : f32 to vector<1000x64xf32>
    %max3A_23 = arith.maximumf %add3A_21, %max3A_22 : vector<1000x64xf32>
    %mul3A_24 = vector.broadcast %get3A_1 : vector<1000x1xf32> to vector<1000x64xf32>
    %mul3A_25 = arith.mulf %mul3A_24, %max3A_23 : vector<1000x64xf32>
    %swap3A = arith.constant 0 : index
    %swap3A_26 = arith.constant 0 : index
    %swap3A_27 = vector.load %arg6[%swap3A, %swap3A_26] : memref<1000x64xf32, #tpu.memory_space<vmem>>, vector<1000x64xf32>
    tpu.vector_store %arg6[%swap3A, %swap3A_26], %mul3A_25 {strides = array<i32>} : memref<1000x64xf32, #tpu.memory_space<vmem>>, vector<1000x64xf32>,
    return
  }
  func.func @transform_0(%arg0: i32) -> (i32, i32) {
    %c0_i32 = arith.constant 0 : i32
    %c0_i32_0 = arith.constant 0 : i32
    return %arg0, %c0_i32 : i32, i32
  }
  func.func @transform_1(%arg0: i32) -> (i32, i32, i32) {
    %c0_i32 = arith.constant 0 : i32
    %c0_i32_0 = arith.constant 0 : i32
    %c0_i32_1 = arith.constant 0 : i32
    return %c0_i32, %arg0, %c0_i32_0 : i32, i32, i32
  }
  func.func @transform_2(%arg0: i32) -> (i32, i32, i32) {
    %c1_i32 = arith.constant 1 : i32
    %c0_i32 = arith.constant 0 : i32
    %c0_i32_0 = arith.constant 0 : i32
    return %c1_i32, %arg0, %c0_i32 : i32, i32, i32
  }
  func.func @transform_3(%arg0: i32) -> (i32, i32) {
    %c0_i32 = arith.constant 0 : i32
    %c0_i32_0 = arith.constant 0 : i32
    return %arg0, %c0_i32 : i32, i32
  }
  func.func @transform_4(%arg0: i32) -> (i32, i32) {
    %c0_i32 = arith.constant 0 : i32
    %c0_i32_0 = arith.constant 0 : i32
    %c0_i32_1 = arith.constant 0 : i32
    return %c0_i32, %c0_i32_0 : i32, i32
  }
  func.func @transform_5(%arg0: i32) -> (i32, i32) {
    %c0_i32 = arith.constant 0 : i32
    %c0_i32_0 = arith.constant 0 : i32
    return %arg0, %c0_i32 : i32, i32
  }
}

module attributes {stable_mosaic.version = 14 : i64} {
  func.func @_heads_body(%arg0: i32, %arg1: memref<1000x1xf32, #tpu.memory_space<vmem>>, %arg2: memref<1x1000x64xf32, #tpu.memory_space<vmem>>, %arg3: memref<1x1000x64xf32, #tpu.memory_space<vmem>>, %arg4: memref<1000x64xf32, #tpu.memory_space<vmem>>, %arg5: memref<64x64xf32, #tpu.memory_space<vmem>>, %arg6: memref<64x64xf32, #tpu.memory_space<vmem>>, %arg7: memref<1x64xf32, #tpu.memory_space<vmem>>, %arg8: memref<1x64xf32, #tpu.memory_space<vmem>>, %arg9: memref<1000x64xf32, #tpu.memory_space<vmem>>, %arg10: memref<1000x64xf32, #tpu.memory_space<vmem>>) attributes {dimension_semantics = [#tpu.dimension_semantics<arbitrary>], iteration_bounds = array<i64: 10>, scalar_prefetch = 0 : i64, scratch_operands = 0 : i64, tpu.core_type = #tpu.core_type<tc>, window_params = [{transform_indices = @transform_0, window_bounds = array<i64: 1000, 1>}, {transform_indices = @transform_1, window_bounds = array<i64: 1, 1000, 64>}, {transform_indices = @transform_2, window_bounds = array<i64: 1, 1000, 64>}, {transform_indices = @transform_3, window_bounds = array<i64: 1000, 64>}, {pipeline_mode = #tpu.pipeline_mode<synchronous>, transform_indices = @transform_4, window_bounds = array<i64: 64, 64>}, {pipeline_mode = #tpu.pipeline_mode<synchronous>, transform_indices = @transform_5, window_bounds = array<i64: 64, 64>}, {pipeline_mode = #tpu.pipeline_mode<synchronous>, transform_indices = @transform_6, window_bounds = array<i64: 1, 64>}, {pipeline_mode = #tpu.pipeline_mode<synchronous>, transform_indices = @transform_7, window_bounds = array<i64: 1, 64>}, {transform_indices = @transform_8, window_bounds = array<i64: 1000, 64>}, {transform_indices = @transform_9, window_bounds = array<i64: 1000, 64>}]} {
    %get3A = arith.constant 0 : index
    %get3A_0 = arith.constant 0 : index
    %get3A_1 = vector.load %arg1[%get3A, %get3A_0] : memref<1000x1xf32, #tpu.memory_space<vmem>>, vector<1000x1xf32>
    %get3A_2 = arith.constant 0 : index
    %get3A_3 = arith.constant 0 : index
    %get3A_4 = arith.constant 0 : index
    %get3A_5 = vector.load %arg2[%get3A_2, %get3A_3, %get3A_4] : memref<1x1000x64xf32, #tpu.memory_space<vmem>>, vector<1x1000x64xf32>
    %get3A_6 = vector.shape_cast %get3A_5 : vector<1x1000x64xf32> to vector<1000x64xf32>
    %get3A_7 = arith.constant 0 : index
    %get3A_8 = arith.constant 0 : index
    %get3A_9 = arith.constant 0 : index
    %get3A_10 = vector.load %arg3[%get3A_7, %get3A_8, %get3A_9] : memref<1x1000x64xf32, #tpu.memory_space<vmem>>, vector<1x1000x64xf32>
    %get3A_11 = vector.shape_cast %get3A_10 : vector<1x1000x64xf32> to vector<1000x64xf32>
    %add3A = arith.addf %get3A_6, %get3A_11 : vector<1000x64xf32>
    %get3A_12 = arith.constant 0 : index
    %get3A_13 = arith.constant 0 : index
    %get3A_14 = vector.load %arg4[%get3A_12, %get3A_13] : memref<1000x64xf32, #tpu.memory_space<vmem>>, vector<1000x64xf32>
    %add3A_15 = arith.addf %add3A, %get3A_14 : vector<1000x64xf32>
    %get3A_16 = arith.constant 0 : index
    %get3A_17 = arith.constant 0 : index
    %get3A_18 = vector.load %arg5[%get3A_16, %get3A_17] : memref<64x64xf32, #tpu.memory_space<vmem>>, vector<64x64xf32>
    %dot_general3A = arith.constant dense<0.000000e+00> : vector<1000x64xf32>
    %dot_general3A_19 = tpu.matmul %add3A_15, %get3A_18, %dot_general3A {dimension_numbers = #tpu.dot_dimension_numbers<[1], [0], [0], [1], [0, 0, 1, 1], [], []>, transpose_lhs_hint = false} : vector<1000x64xf32>, vector<64x64xf32>, vector<1000x64xf32> -> vector<1000x64xf32>
    %mul3A = vector.broadcast %get3A_1 : vector<1000x1xf32> to vector<1000x64xf32>
    %mul3A_20 = arith.mulf %mul3A, %dot_general3A_19 : vector<1000x64xf32>
    %get3A_21 = arith.constant 0 : index
    %get3A_22 = arith.constant 0 : index
    %get3A_23 = vector.load %arg7[%get3A_21, %get3A_22] : memref<1x64xf32, #tpu.memory_space<vmem>>, vector<1x64xf32>
    %add3A_24 = vector.broadcast %get3A_23 : vector<1x64xf32> to vector<1000x64xf32>
    %add3A_25 = arith.addf %mul3A_20, %add3A_24 : vector<1000x64xf32>
    %max3A = arith.constant 0.000000e+00 : f32
    %max3A_26 = vector.broadcast %max3A : f32 to vector<1000x64xf32>
    %max3A_27 = arith.maximumf %add3A_25, %max3A_26 : vector<1000x64xf32>
    %mul3A_28 = vector.broadcast %get3A_1 : vector<1000x1xf32> to vector<1000x64xf32>
    %mul3A_29 = arith.mulf %mul3A_28, %max3A_27 : vector<1000x64xf32>
    %swap3A = arith.constant 0 : index
    %swap3A_30 = arith.constant 0 : index
    %swap3A_31 = vector.load %arg9[%swap3A, %swap3A_30] : memref<1000x64xf32, #tpu.memory_space<vmem>>, vector<1000x64xf32>
    tpu.vector_store %arg9[%swap3A, %swap3A_30], %mul3A_29 {strides = array<i32>} : memref<1000x64xf32, #tpu.memory_space<vmem>>, vector<1000x64xf32>,
    %get3A_32 = arith.constant 0 : index
    %get3A_33 = arith.constant 0 : index
    %get3A_34 = vector.load %arg6[%get3A_32, %get3A_33] : memref<64x64xf32, #tpu.memory_space<vmem>>, vector<64x64xf32>
    %dot_general3A_35 = arith.constant dense<0.000000e+00> : vector<1000x64xf32>
    %dot_general3A_36 = tpu.matmul %add3A_15, %get3A_34, %dot_general3A_35 {dimension_numbers = #tpu.dot_dimension_numbers<[1], [0], [0], [1], [0, 0, 1, 1], [], []>, transpose_lhs_hint = false} : vector<1000x64xf32>, vector<64x64xf32>, vector<1000x64xf32> -> vector<1000x64xf32>
    %mul3A_37 = vector.broadcast %get3A_1 : vector<1000x1xf32> to vector<1000x64xf32>
    %mul3A_38 = arith.mulf %mul3A_37, %dot_general3A_36 : vector<1000x64xf32>
    %get3A_39 = arith.constant 0 : index
    %get3A_40 = arith.constant 0 : index
    %get3A_41 = vector.load %arg8[%get3A_39, %get3A_40] : memref<1x64xf32, #tpu.memory_space<vmem>>, vector<1x64xf32>
    %add3A_42 = vector.broadcast %get3A_41 : vector<1x64xf32> to vector<1000x64xf32>
    %add3A_43 = arith.addf %mul3A_38, %add3A_42 : vector<1000x64xf32>
    %max3A_44 = arith.constant 0.000000e+00 : f32
    %max3A_45 = vector.broadcast %max3A_44 : f32 to vector<1000x64xf32>
    %max3A_46 = arith.maximumf %add3A_43, %max3A_45 : vector<1000x64xf32>
    %swap3A_47 = arith.constant 0 : index
    %swap3A_48 = arith.constant 0 : index
    %swap3A_49 = vector.load %arg10[%swap3A_47, %swap3A_48] : memref<1000x64xf32, #tpu.memory_space<vmem>>, vector<1000x64xf32>
    tpu.vector_store %arg10[%swap3A_47, %swap3A_48], %max3A_46 {strides = array<i32>} : memref<1000x64xf32, #tpu.memory_space<vmem>>, vector<1000x64xf32>,
    return
  }
  func.func @transform_0(%arg0: i32) -> (i32, i32) {
    %c0_i32 = arith.constant 0 : i32
    %c0_i32_0 = arith.constant 0 : i32
    return %arg0, %c0_i32 : i32, i32
  }
  func.func @transform_1(%arg0: i32) -> (i32, i32, i32) {
    %c0_i32 = arith.constant 0 : i32
    %c0_i32_0 = arith.constant 0 : i32
    %c0_i32_1 = arith.constant 0 : i32
    return %c0_i32, %arg0, %c0_i32_0 : i32, i32, i32
  }
  func.func @transform_2(%arg0: i32) -> (i32, i32, i32) {
    %c1_i32 = arith.constant 1 : i32
    %c0_i32 = arith.constant 0 : i32
    %c0_i32_0 = arith.constant 0 : i32
    return %c1_i32, %arg0, %c0_i32 : i32, i32, i32
  }
  func.func @transform_3(%arg0: i32) -> (i32, i32) {
    %c0_i32 = arith.constant 0 : i32
    %c0_i32_0 = arith.constant 0 : i32
    return %arg0, %c0_i32 : i32, i32
  }
  func.func @transform_4(%arg0: i32) -> (i32, i32) {
    %c0_i32 = arith.constant 0 : i32
    %c0_i32_0 = arith.constant 0 : i32
    %c0_i32_1 = arith.constant 0 : i32
    return %c0_i32, %c0_i32_0 : i32, i32
  }
  func.func @transform_5(%arg0: i32) -> (i32, i32) {
    %c0_i32 = arith.constant 0 : i32
    %c0_i32_0 = arith.constant 0 : i32
    %c0_i32_1 = arith.constant 0 : i32
    return %c0_i32, %c0_i32_0 : i32, i32
  }
  func.func @transform_6(%arg0: i32) -> (i32, i32) {
    %c0_i32 = arith.constant 0 : i32
    %c0_i32_0 = arith.constant 0 : i32
    %c0_i32_1 = arith.constant 0 : i32
    return %c0_i32, %c0_i32_0 : i32, i32
  }
  func.func @transform_7(%arg0: i32) -> (i32, i32) {
    %c0_i32 = arith.constant 0 : i32
    %c0_i32_0 = arith.constant 0 : i32
    %c0_i32_1 = arith.constant 0 : i32
    return %c0_i32, %c0_i32_0 : i32, i32
  }
  func.func @transform_8(%arg0: i32) -> (i32, i32) {
    %c0_i32 = arith.constant 0 : i32
    %c0_i32_0 = arith.constant 0 : i32
    return %arg0, %c0_i32 : i32, i32
  }
  func.func @transform_9(%arg0: i32) -> (i32, i32) {
    %c0_i32 = arith.constant 0 : i32
    %c0_i32_0 = arith.constant 0 : i32
    return %arg0, %c0_i32 : i32, i32
  }
}

module attributes {stable_mosaic.version = 14 : i64} {
  func.func @_sst_body(%arg0: i32, %arg1: i32, %arg2: memref<1000x64xf32, #tpu.memory_space<vmem>>, %arg3: memref<2048x64xf32, #tpu.memory_space<vmem>>, %arg4: memref<1000x2048xf32, #tpu.memory_space<vmem>>) attributes {dimension_semantics = [#tpu.dimension_semantics<arbitrary>, #tpu.dimension_semantics<arbitrary>], iteration_bounds = array<i64: 10, 5>, scalar_prefetch = 0 : i64, scratch_operands = 0 : i64, tpu.core_type = #tpu.core_type<tc>, window_params = [{transform_indices = @transform_0, window_bounds = array<i64: 1000, 64>}, {transform_indices = @transform_1, window_bounds = array<i64: 2048, 64>}, {transform_indices = @transform_2, window_bounds = array<i64: 1000, 2048>}]} {
    %get3A = arith.constant 0 : index
    %get3A_0 = arith.constant 0 : index
    %get3A_1 = vector.load %arg2[%get3A, %get3A_0] : memref<1000x64xf32, #tpu.memory_space<vmem>>, vector<1000x64xf32>
    %get3A_2 = arith.constant 0 : index
    %get3A_3 = arith.constant 0 : index
    %get3A_4 = vector.load %arg3[%get3A_2, %get3A_3] : memref<2048x64xf32, #tpu.memory_space<vmem>>, vector<2048x64xf32>
    %dot_general3A = arith.constant dense<0.000000e+00> : vector<1000x2048xf32>
    %dot_general3A_5 = tpu.matmul %get3A_1, %get3A_4, %dot_general3A {dimension_numbers = #tpu.dot_dimension_numbers<[1], [1], [0], [0], [0, 0, 1, 0], [], []>, transpose_lhs_hint = false} : vector<1000x64xf32>, vector<2048x64xf32>, vector<1000x2048xf32> -> vector<1000x2048xf32>
    %swap3A = arith.constant 0 : index
    %swap3A_6 = arith.constant 0 : index
    %swap3A_7 = vector.load %arg4[%swap3A, %swap3A_6] : memref<1000x2048xf32, #tpu.memory_space<vmem>>, vector<1000x2048xf32>
    tpu.vector_store %arg4[%swap3A, %swap3A_6], %dot_general3A_5 {strides = array<i32>} : memref<1000x2048xf32, #tpu.memory_space<vmem>>, vector<1000x2048xf32>,
    return
  }
  func.func @transform_0(%arg0: i32, %arg1: i32) -> (i32, i32) {
    %c0_i32 = arith.constant 0 : i32
    %c0_i32_0 = arith.constant 0 : i32
    return %arg0, %c0_i32 : i32, i32
  }
  func.func @transform_1(%arg0: i32, %arg1: i32) -> (i32, i32) {
    %c0_i32 = arith.constant 0 : i32
    %c0_i32_0 = arith.constant 0 : i32
    return %arg1, %c0_i32 : i32, i32
  }
  func.func @transform_2(%arg0: i32, %arg1: i32) -> (i32, i32) {
    %c0_i32 = arith.constant 0 : i32
    return %arg0, %arg1 : i32, i32
  }
}

module attributes {stable_mosaic.version = 14 : i64} {
  func.func @_heads_body(%arg0: i32, %arg1: memref<1000x1xf32, #tpu.memory_space<vmem>>, %arg2: memref<1x1000x64xf32, #tpu.memory_space<vmem>>, %arg3: memref<1x1000x64xf32, #tpu.memory_space<vmem>>, %arg4: memref<1000x64xf32, #tpu.memory_space<vmem>>, %arg5: memref<64x128xf32, #tpu.memory_space<vmem>>, %arg6: memref<1x128xf32, #tpu.memory_space<vmem>>, %arg7: memref<1000x128xf32, #tpu.memory_space<vmem>>) attributes {dimension_semantics = [#tpu.dimension_semantics<arbitrary>], iteration_bounds = array<i64: 10>, scalar_prefetch = 0 : i64, scratch_operands = 0 : i64, tpu.core_type = #tpu.core_type<tc>, window_params = [{transform_indices = @transform_0, window_bounds = array<i64: 1000, 1>}, {transform_indices = @transform_1, window_bounds = array<i64: 1, 1000, 64>}, {transform_indices = @transform_2, window_bounds = array<i64: 1, 1000, 64>}, {transform_indices = @transform_3, window_bounds = array<i64: 1000, 64>}, {pipeline_mode = #tpu.pipeline_mode<synchronous>, transform_indices = @transform_4, window_bounds = array<i64: 64, 128>}, {pipeline_mode = #tpu.pipeline_mode<synchronous>, transform_indices = @transform_5, window_bounds = array<i64: 1, 128>}, {transform_indices = @transform_6, window_bounds = array<i64: 1000, 128>}]} {
    %get3A = arith.constant 0 : index
    %get3A_0 = arith.constant 0 : index
    %get3A_1 = vector.load %arg1[%get3A, %get3A_0] : memref<1000x1xf32, #tpu.memory_space<vmem>>, vector<1000x1xf32>
    %get3A_2 = arith.constant 0 : index
    %get3A_3 = arith.constant 0 : index
    %get3A_4 = arith.constant 0 : index
    %get3A_5 = vector.load %arg2[%get3A_2, %get3A_3, %get3A_4] : memref<1x1000x64xf32, #tpu.memory_space<vmem>>, vector<1x1000x64xf32>
    %get3A_6 = vector.shape_cast %get3A_5 : vector<1x1000x64xf32> to vector<1000x64xf32>
    %get3A_7 = arith.constant 0 : index
    %get3A_8 = arith.constant 0 : index
    %get3A_9 = arith.constant 0 : index
    %get3A_10 = vector.load %arg3[%get3A_7, %get3A_8, %get3A_9] : memref<1x1000x64xf32, #tpu.memory_space<vmem>>, vector<1x1000x64xf32>
    %get3A_11 = vector.shape_cast %get3A_10 : vector<1x1000x64xf32> to vector<1000x64xf32>
    %add3A = arith.addf %get3A_6, %get3A_11 : vector<1000x64xf32>
    %get3A_12 = arith.constant 0 : index
    %get3A_13 = arith.constant 0 : index
    %get3A_14 = vector.load %arg4[%get3A_12, %get3A_13] : memref<1000x64xf32, #tpu.memory_space<vmem>>, vector<1000x64xf32>
    %add3A_15 = arith.addf %add3A, %get3A_14 : vector<1000x64xf32>
    %get3A_16 = arith.constant 0 : index
    %get3A_17 = arith.constant 0 : index
    %get3A_18 = vector.load %arg5[%get3A_16, %get3A_17] : memref<64x128xf32, #tpu.memory_space<vmem>>, vector<64x128xf32>
    %dot_general3A = arith.constant dense<0.000000e+00> : vector<1000x128xf32>
    %dot_general3A_19 = tpu.matmul %add3A_15, %get3A_18, %dot_general3A {dimension_numbers = #tpu.dot_dimension_numbers<[1], [0], [0], [1], [0, 0, 1, 1], [], []>, transpose_lhs_hint = false} : vector<1000x64xf32>, vector<64x128xf32>, vector<1000x128xf32> -> vector<1000x128xf32>
    %mul3A = vector.broadcast %get3A_1 : vector<1000x1xf32> to vector<1000x128xf32>
    %mul3A_20 = arith.mulf %mul3A, %dot_general3A_19 : vector<1000x128xf32>
    %get3A_21 = arith.constant 0 : index
    %get3A_22 = arith.constant 0 : index
    %get3A_23 = vector.load %arg6[%get3A_21, %get3A_22] : memref<1x128xf32, #tpu.memory_space<vmem>>, vector<1x128xf32>
    %add3A_24 = vector.broadcast %get3A_23 : vector<1x128xf32> to vector<1000x128xf32>
    %add3A_25 = arith.addf %mul3A_20, %add3A_24 : vector<1000x128xf32>
    %max3A = arith.constant 0.000000e+00 : f32
    %max3A_26 = vector.broadcast %max3A : f32 to vector<1000x128xf32>
    %max3A_27 = arith.maximumf %add3A_25, %max3A_26 : vector<1000x128xf32>
    %swap3A = arith.constant 0 : index
    %swap3A_28 = arith.constant 0 : index
    %swap3A_29 = vector.load %arg7[%swap3A, %swap3A_28] : memref<1000x128xf32, #tpu.memory_space<vmem>>, vector<1000x128xf32>
    tpu.vector_store %arg7[%swap3A, %swap3A_28], %max3A_27 {strides = array<i32>} : memref<1000x128xf32, #tpu.memory_space<vmem>>, vector<1000x128xf32>,
    return
  }
  func.func @transform_0(%arg0: i32) -> (i32, i32) {
    %c0_i32 = arith.constant 0 : i32
    %c0_i32_0 = arith.constant 0 : i32
    return %arg0, %c0_i32 : i32, i32
  }
  func.func @transform_1(%arg0: i32) -> (i32, i32, i32) {
    %c0_i32 = arith.constant 0 : i32
    %c0_i32_0 = arith.constant 0 : i32
    %c0_i32_1 = arith.constant 0 : i32
    return %c0_i32, %arg0, %c0_i32_0 : i32, i32, i32
  }
  func.func @transform_2(%arg0: i32) -> (i32, i32, i32) {
    %c1_i32 = arith.constant 1 : i32
    %c0_i32 = arith.constant 0 : i32
    %c0_i32_0 = arith.constant 0 : i32
    return %c1_i32, %arg0, %c0_i32 : i32, i32, i32
  }
  func.func @transform_3(%arg0: i32) -> (i32, i32) {
    %c0_i32 = arith.constant 0 : i32
    %c0_i32_0 = arith.constant 0 : i32
    return %arg0, %c0_i32 : i32, i32
  }
  func.func @transform_4(%arg0: i32) -> (i32, i32) {
    %c0_i32 = arith.constant 0 : i32
    %c0_i32_0 = arith.constant 0 : i32
    %c0_i32_1 = arith.constant 0 : i32
    return %c0_i32, %c0_i32_0 : i32, i32
  }
  func.func @transform_5(%arg0: i32) -> (i32, i32) {
    %c0_i32 = arith.constant 0 : i32
    %c0_i32_0 = arith.constant 0 : i32
    %c0_i32_1 = arith.constant 0 : i32
    return %c0_i32, %c0_i32_0 : i32, i32
  }
  func.func @transform_6(%arg0: i32) -> (i32, i32) {
    %c0_i32 = arith.constant 0 : i32
    %c0_i32_0 = arith.constant 0 : i32
    return %arg0, %c0_i32 : i32, i32
  }
}

</mosaic_0001>

<sc_bundles>
// kernel: kernel.14.cloned.1.call-start
scs
__scs_entry_jumppad:
0x0: {  	(pc) =	sbr.rel $0x88, $3  }
0x1: {  	(tag) =	ssettag $0x0;
	lr =	simm.s32 $0x1  }
0x2: {  	[smem:$0x3F95] =	sst lr;
	_ =	strace $0xD0000000  }
0x3: {  	_ = 	snop  }
0x4: {  	_ = 	snop  }
0x5: {  	_ = 	snop  }
0x6: {  	_ = 	snop  }
0x7: {  	_ = 	snop  }
__scs_overlays_trampoline_lowered:
0x8: {  	[smem:$0x3FA4] =	sst s0  }
0x9: {  	[smem:$0x3FA5] =	sst s1  }
0xa: {  	[smem:$0x3FA6] =	sst s2  }
0xb: {  	[smem:$0x3FA7] =	sst s3  }
0xc: {  	[smem:$0x3FA8] =	sst s4  }
0xd: {  	[smem:$0x3FA9] =	sst s5  }
0xe: {  	[smem:$0x3FAA] =	sst s6  }
0xf: {  	[smem:$0x3FAB] =	sst s7  }
0x10: {  	[smem:$0x3FAC] =	sst s8  }
0x11: {  	[smem:$0x3FAD] =	sst s9;
	s0 =	simm.s32 @!p0 $0x0  }
0x12: {  	s1 =	sld [smem:$0x3F93];
	s0 =	simm.s32 @p0 $0x1  }
0x13: {  	[smem:$0x3FAE] =	sst s0;
	s0 =	simm.s32 @!p1 $0x0  }
0x14: {  	s2 =	sld [smem:$0x3F92];
	s0 =	simm.s32 @p1 $0x1  }
0x15: {  	[smem:$0x3FAF] =	sst s0;
	s0 =	simm.s32 @!p2 $0x0  }
0x16: {  	s3 =	sld [smem:$0x3FDB];
	s0 =	simm.s32 @p2 $0x1  }
0x17: {  	s4 =	simm.s32 $0x1BF5;
	[smem:$0x3FB1] =	sst s0  }
0x18: {  	s0 =	sld [smem:$0x3F94];
	_ =	swait.ge [sflag:s4], $0x0  }
0x19: {  	s7 =	sld [smem:$0x3F95]  }
0x1a: {  	s8 =	sadd.s32 $0xFFFFE003, lr  }
0x1b: {  	s9 =	sadd.s32 $0xFFFFFEF7, lr;
	s5 =	simm.s32 $0xFFFFFFFF;
	p2 =	slt.u32 s8, $0xFFFFF086  }
0x1c: {  	p1 =	slt.u32 s9, $0xF7A;
	s5 =	simm.s32 @!p2 $0x0  }
0x1d: {  	s5 =	simm.s32 @p1 $0x1;
	p0 =	seq.s32 s7, s2  }
0x1e: {  	s7 =	smul.u32 @!p0 $0xF7A, s2;
	p2 =	seq.s32 @!p0 s5, $0x0  }
0x1f: {  	s9 =	smul.u32 $0xF7A, s1;
	s8 =	simm.s32 @!p0 $0x1BF5;
	p2 =	por !p2, p0  }
0x20: {  	[sflag:s8] =	ssyncset.s32 @!p0 $0xFFFFF086;
	s6 =	sadd.s32 @!p0 s3, s7;
	s7 =	simm.s32 @!p0 $0x108  }
0x21: {  	s3 =	sadd.s32 s3, s9;
	s6 =	sadd.s32 @!p0 $0x88, s6;
	s7 =	simm.s32 @p2 $0x1082  }
0x22: {  	[simem:s7], [sflag:s8] =	dma.local @!p0 [hbm:s6], $0xF7A  }
0x23: {  	s9 =	sor.u32 $0xD0000000, s2;
	s6 =	simm.s32 $0x108;
	_ =	swait.ge @!p0 [sflag:s8], $0x0  }
0x24: {  	s3 =	sadd.s32 $0x88, s3;
	s6 =	simm.s32 @!p1 $0x1082;
	[sflag:s4] =	ssyncset.s32 $0xFFFFF086  }
0x25: {  	[simem:s6], [sflag:s4] =	dma.local [hbm:s3], $0xF7A  }
0x26: {  	[smem:$0x3F95] =	sst s1;
	(tag) =	ssettag s2;
	_ =	strace s9  }
0x27: {  	s1 =	sld [smem:$0x3FA5]  }
0x28: {  	s2 =	sld [smem:$0x3FA6]  }
0x29: {  	s4 =	sld [smem:$0x3FA8]  }
0x2a: {  	p0 =	seq.s32 s5, $0x0;
	s5 =	sld [smem:$0x3FA9]  }
0x2b: {  	s6 =	sld [smem:$0x3FAA]  }
0x2c: {  	s7 =	sld [smem:$0x3FAB]  }
0x2d: {  	s3 =	simm.s32 $0x108;
	s8 =	sld [smem:$0x3FAC]  }
0x2e: {  	s3 =	simm.s32 @!p0 $0x1082;
	s9 =	sld [smem:$0x3FAD]  }
0x2f: {  	lr =	sadd.s32 s0, s3;
	s0 =	sld [smem:$0x3FA4]  }
0x30: {  	s3 =	sld [smem:$0x3FA7]  }
0x31: {  	[smem:$0x3FB0] =	sst s10  }
0x32: {  	s10 =	sld [smem:$0x3FAE];
	_ =	sdelay $0x3  }
0x33: {  	p0 =	seq.s32 s10, $0x1;
	s10 =	sld [smem:$0x3FB0];
	_ =	sdelay $0x3  }
0x34: {  	[smem:$0x3FB0] =	sst s10  }
0x35: {  	s10 =	sld [smem:$0x3FAF];
	_ =	sdelay $0x3  }
0x36: {  	p1 =	seq.s32 s10, $0x1;
	s10 =	sld [smem:$0x3FB0];
	_ =	sdelay $0x3  }
0x37: {  	[smem:$0x3FB0] =	sst s10  }
0x38: {  	s10 =	sld [smem:$0x3FB1]  }
0x39: {  	_ = 	snop;
	(pc) =	sbr.ind lr, $3  }
0x3a: {  	_ = 	snop  }
0x3b: {  	_ = 	snop  }
0x3c: {  	p2 =	seq.s32 s10, $0x1;
	s10 =	sld [smem:$0x3FB0]  }
0x3d: {  	_ =	shalt  }
0x3e: {  	_ =	shalt  }
0x3f: {  	_ =	shalt  }
0x40: {  	_ =	shalt  }
0x41: {  	_ =	shalt  }
0x42: {  	_ =	shalt  }
0x43: {  	_ =	shalt  }
0x44: {  	_ =	shalt  }
0x45: {  	_ =	shalt  }
0x46: {  	_ =	shalt  }
0x47: {  	_ =	shalt  }
0x48: {  	_ =	shalt  }
0x49: {  	_ =	shalt  }
0x4a: {  	_ =	shalt  }
0x4b: {  	_ =	shalt  }
0x4c: {  	_ =	shalt  }
0x4d: {  	_ =	shalt  }
0x4e: {  	_ =	shalt  }
0x4f: {  	_ =	shalt  }
0x50: {  	_ =	shalt  }
0x51: {  	_ =	shalt  }
0x52: {  	_ =	shalt  }
0x53: {  	_ =	shalt  }
0x54: {  	_ =	shalt  }
0x55: {  	_ =	shalt  }
0x56: {  	_ =	shalt  }
0x57: {  	_ =	shalt  }
0x58: {  	_ =	shalt  }
0x59: {  	_ =	shalt  }
0x5a: {  	_ =	shalt  }
0x5b: {  	_ =	shalt  }
0x5c: {  	_ =	shalt  }
0x5d: {  	_ =	shalt  }
0x5e: {  	_ =	shalt  }
0x5f: {  	_ =	shalt  }
0x60: {  	_ =	shalt  }
0x61: {  	_ =	shalt  }
0x62: {  	_ =	shalt  }
0x63: {  	_ =	shalt  }
0x64: {  	_ =	shalt  }
0x65: {  	_ =	shalt  }
0x66: {  	_ =	shalt  }
0x67: {  	_ =	shalt  }
0x68: {  	_ =	shalt  }
0x69: {  	_ =	shalt  }
0x6a: {  	_ =	shalt  }
0x6b: {  	_ =	shalt  }
0x6c: {  	_ =	shalt  }
0x6d: {  	_ =	shalt  }
0x6e: {  	_ =	shalt  }
0x6f: {  	_ =	shalt  }
0x70: {  	_ =	shalt  }
0x71: {  	_ =	shalt  }
0x72: {  	_ =	shalt  }
0x73: {  	_ =	shalt  }
0x74: {  	_ =	shalt  }
0x75: {  	_ =	shalt  }
0x76: {  	_ =	shalt  }
0x77: {  	_ =	shalt  }
0x78: {  	_ =	shalt  }
0x79: {  	_ =	shalt  }
0x7a: {  	_ =	shalt  }
0x7b: {  	_ =	shalt  }
0x7c: {  	_ =	shalt  }
0x7d: {  	_ =	shalt  }
0x7e: {  	_ =	shalt  }
0x7f: {  	_ =	shalt  }
0x80: {  	_ =	shalt  }
0x81: {  	_ =	shalt  }
0x82: {  	_ =	shalt  }
0x83: {  	_ =	shalt  }
0x84: {  	_ =	shalt  }
0x85: {  	_ =	shalt  }
0x86: {  	_ =	shalt  }
0x87: {  	_ =	shalt  }
.Lfunc_end0:
.L_simem_size_0:
called_computation_lowered:
.L_overlay_start_0:
0x88: {  	s2 =	sld [smem:$0x3FD9]  }
0x89: {  	s3 =	sld [smem:$0x3FFE];
	_ =	sdelay $0x1  }
0x8a: {  	s1 =	srdreg.scid  }
0x8b: {  	s0 =	sand.u32 $0x1, s1  }
0x8c: {  	s14 =	sshll.u32 s0, $0xA;
	s2 =	sadd.s32 s3, s2  }
0x8d: {  	s2 =	sadd.s32 s2, s14  }
0x8e: {  	[smem:$0x3FBC] =	sst s2  }
0x8f: {  	_ = 	snop  }
0x90: {  	s2 =	sld [smem:$0x3FD0];
	_ =	sdelay $0x2  }
0x91: {  	s15 =	simm.s32 $0xA;
	s4 =	simm.s32 $0x10  }
0x92: {  	[smem:s4], [sflag:s15] =	dma.local [hbm:s2], $0x1  }
0x93: {  	_ =	swait.eq [sflag:s15], $0x1  }
0x94: {  	s16 =	sld [smem:$0x10];
	[sflag:s15] =	ssyncset.done $0x0  }
0x95: {  	s17 =	sld [smem:$0x11];
	[sflag:s15] =	ssyncadd.s32 $0xFFFFFFFF  }
0x96: {  	s18 =	sld [smem:$0x12];
	(tm) =	ssettm $0x1  }
0x97: {  	s5 =	sld [smem:$0x3FFB];
	_ =	sdelay $0x3  }
0x98: {  	_ =	strace s5  }
0x99: {  	s5 =	sld [smem:$0x3FFC];
	_ =	sdelay $0x3  }
0x9a: {  	_ =	strace s5  }
0x9b: {  	s5 =	sld [smem:$0x3FFD];
	_ =	sdelay $0x3  }
0x9c: {  	_ =	strace s5  }
0x9d: {  	_ =	strace $0x8FFFFFFF  }
0x9e: {  	s19 =	sld [smem:$0x3FDB];
	_ =	sdelay $0x1  }
0x9f: {  	s6 =	simm.s32 $_scs_section_size  }
0xa0: {  	s7 =	simm.s32 $_size__tile_overlayer_lowered;
	s8 =	simm.s32 $_tile_overlayer_lowered  }
0xa1: {  	s22 =	simm.s32 $0x1BFF;
	s21 =	sshll.u32 s8, $0x1;
	s5 =	sadd.s32 s6, s19  }
0xa2: {  	s9 =	simm.s32 $0x0;
	s20 =	sshll.u32 s7, $0x1;
	s7 =	sadd.s32 s21, s5  }
0xa3: {  	[timem:s9], [sflag:s22] =	dma.local [hbm:s7], s20  }
0xa4: {  	_ =	swait.ge [sflag:s22], s20  }
0xa5: {  	s6 =	ssub.s32 $0x0, s20;
	[sflag:s22] =	ssyncset.done $0x0  }
0xa6: {  	[sflag:s22] =	ssyncadd.s32 s6;
	_ =	sdelay $0x1  }
0xa7: {  	s23 =	simm.s32 $0x1B8B  }
0xa8: {  	_ =	swait.ge [sflag:s23], $0x1  }
0xa9: {  	[sflag:s23] =	ssyncset.done $0x0  }
0xaa: {  	s25 =	simm.s32 $0x1B8E;
	s24 =	sld [smem:$0x3FFE];
	[sflag:s23] =	ssyncadd.s32 $0xFFFFFFFF  }
0xab: {  	s26 =	simm.s32 $execute0_lowered;
	[smem:$0x3FD2] =	sst s25  }
0xac: {  	s7 =	sshll.u32 s26, $0x1;
	_ =	strace $0x80000046;
	[dreg:$0x1] =	wrdreg $0xFFFFFFFF  }
0xad: {  	s28 =	simm.s32 $_size_execute0_lowered;
	s5 =	sadd.s32 s5, s7;
	[dreg:$0x0] =	wrdreg $0x0  }
0xae: {  	s7 =	sshll.u32 s28, $0x1;
	[dreg:$0x2] =	wrdreg s5  }
0xaf: {  	[dreg:$0x3] =	wrdreg s7  }
0xb0: {  	[dreg:$0x4] =	wrdreg $0xC0  }
0xb1: {  	_ =	task [dreg:s9], $0x5FFFF  }
0xb2: {  	[dreg:$0x1] =	wrdreg $0xFFFFFFFF  }
0xb3: {  	[dreg:$0x0] =	wrdreg $0x60  }
0xb4: {  	[dreg:$0x2] =	wrdreg s18  }
0xb5: {  	[dreg:$0x3] =	wrdreg s24  }
0xb6: {  	[dreg:$0x4] =	wrdreg s16  }
0xb7: {  	[dreg:$0x5] =	wrdreg s17  }
0xb8: {  	[dreg:$0x6] =	wrdreg $0x29F80  }
0xb9: {  	[dreg:$0x7] =	wrdreg $0x9  }
0xba: {  	_ =	task.clear_ibuf [dreg:s9], $0x8FFFF;
	_ =	strace $0x90000046  }
0xbb: {  	s29 =	simm.s32 $0x9;
	_ =	strace $0x80000048  }
0xbc: {  	_ =	swait.ge [sflag:s29], $0x1  }
0xbd: {  	[sflag:s29] =	ssyncadd.s32 $0xFFFFFFFF  }
0xbe: {  	_ =	strace $0x90000048  }
0xbf: {  	_ =	sfence  }
0xc0: {  	s30 =	sld [smem:$0x0];
	_ =	sdelay $0x2  }
0xc1: {  	s31 =	sshll.u32 s1, $0xD;
	s1 =	sshrl.u32 s1, $0x2  }
0xc2: {  	s3 =	sand.u32 $0x4000, s31;
	s1 =	sadd.s32 s1, s30  }
0xc3: {  	s0 =	sor.u32 s3, s0;
	s1 =	sshll.u32 s1, $0x11  }
0xc4: {  	s0 =	sor.u32 s1, s0  }
0xc5: {  	s0 =	sadd.s32 $0x8F2B, s0  }
0xc6: {  	[sflag:s0] =	ssyncadd.remote.s32 $0x1  }
0xc7: {  	_ =	sfence.sel $0xFFFF  }
0xc8: {  	[dreg:$0x0] =	wrdreg $0xFFFFFFFF;
	(pc) =	sbr.abs _section_cstart, $3  }
0xc9: {  	[dreg:$0x1] =	wrdreg $0xFFFFFFFF  }
0xca: {  	_ =	task.clear_ibuf [dreg:s9], $0x2FFFF;
	_ =	strace $0x9FFFFFFF  }
0xcb: {  	(tm) =	ssettm $0x7FFFFFFF  }
tec
execute0_lowered:
.L_overlay_start_1:
0x0: {  	(tag) =	ssettag $0x1  }
0x1: {  	s8 =	rddreg [dreg:$0x0]  }
0x2: {  	s9 =	rddreg [dreg:$0x1]  }
0x3: {  	s4 =	rddreg [dreg:$0x2]  }
0x4: {  	s29 =	rddreg [dreg:$0x3]  }
0x5: {  	s2 =	rddreg [dreg:$0x4];
	s3 =	simm.s32 $0x0;
	s1 =	stileid.u32  }
0x6: {  	s5 =	srdreg.scid;
	[smem:$0x7FF] =	sst s3  }
0x7: {  	s30 =	smul.u32 $0x280, s1;
	s31 =	sand.u32 $0x1, s5;
	s7 =	sshll.u32 s1, $0x6  }
0x8: {  	s26 =	sshll.u32 s1, $0x1;
	_ =	strace $0x80000047;
	s5 =	sor.u32 $0x1C02, s7  }
0x9: {  	s10 =	sor.u32 s31, s26;
	s6 =	sadd.s32 s30, s2;
	s25 =	sshrl.u32 s30, $0x3  }
0xa: {  	s4 =	sadd.s32 s4, s25;
	s7 =	sshrl.u32 s6, $0x3;
	s6 =	simm.s32 $0x2  }
0xb: {  	[spmem:s7], [sflag:s5] =	dma.local [hbm:s4], $0x50  }
0xc: {  	s10 =	smul.u32 $0x4F0, s10;
	_ =	swait.ge [sflag:s6], $0x50  }
0xd: {  	[sflag:s6] =	ssyncset.done $0x0  }
0xe: {  	s8 =	sadd.s32 s8, s10;
	[sflag:s6] =	ssyncadd.s32 $0xFFFFFFB0  }
0xf: {  	[tilespmem:s3], [sflag:$0x2] =	stream.linear.gather [hbm4b:s8+s3], $0x2780, $0x38;
	[tilespmem:$0x2C78] =	vst v63  }
0x10: {  	_ =	swait.ge [sflag:s6], $0x2780  }
0x11: {  	[sflag:s6] =	ssyncset.done $0x0  }
0x12: {  	s9 =	sadd.s32 $0x3800, s9;
	s10 =	simm.s32 $0x2780;
	[sflag:s6] =	ssyncadd.s32 $0xFFFFD880  }
0x13: {  	[tilespmem:s10], [sflag:$0x2] =	stream.linear.gather [hbm4b:s9+s3], $0x278, $0x38;
	[tilespmem:$0x2C78] =	vst v63  }
0x14: {  	_ =	swait.ge [sflag:s6], $0x278  }
0x15: {  	[sflag:s6] =	ssyncset.done $0x0  }
0x16: {  	[sflag:s6] =	ssyncadd.s32 $0xFFFFFD88  }
0x17: {  	s11 =	simm.s32 $0x271;
	[bflag:$0x0] =	sbarrier.arrive $0xFFFF  }
0x18: {  	[spmem:s2] =	stream.indirect.scatter.add.f32 [tilespmem:s10], [sflag:$0x1], $0x1, s3, s11, $0xb8;
	[tilespmem:$0x2C78] =	vst v63  }
0x19: {  	s12 =	simm.s32 $0x278  }
0x1a: {  	[spmem:s2] =	stream.indirect.scatter.add.f32 [tilespmem:s10], [sflag:$0x1], $0x1, s12, s11, $0xb8;
	[tilespmem:$0x2C78] =	vst v63  }
0x1b: {  	s13 =	simm.s32 $0x4F0  }
0x1c: {  	[spmem:s2] =	stream.indirect.scatter.add.f32 [tilespmem:s10], [sflag:$0x1], $0x1, s13, s11, $0xb8;
	[tilespmem:$0x2C78] =	vst v63  }
0x1d: {  	s14 =	simm.s32 $0x768  }
0x1e: {  	[spmem:s2] =	stream.indirect.scatter.add.f32 [tilespmem:s10], [sflag:$0x1], $0x1, s14, s11, $0xb8;
	[tilespmem:$0x2C78] =	vst v63  }
0x1f: {  	s15 =	simm.s32 $0x9E0  }
0x20: {  	[spmem:s2] =	stream.indirect.scatter.add.f32 [tilespmem:s10], [sflag:$0x1], $0x1, s15, s11, $0xb8;
	[tilespmem:$0x2C78] =	vst v63  }
0x21: {  	s16 =	simm.s32 $0xC58  }
0x22: {  	[spmem:s2] =	stream.indirect.scatter.add.f32 [tilespmem:s10], [sflag:$0x1], $0x1, s16, s11, $0xb8;
	[tilespmem:$0x2C78] =	vst v63  }
0x23: {  	s17 =	simm.s32 $0xED0  }
0x24: {  	[spmem:s2] =	stream.indirect.scatter.add.f32 [tilespmem:s10], [sflag:$0x1], $0x1, s17, s11, $0xb8;
	[tilespmem:$0x2C78] =	vst v63  }
0x25: {  	s18 =	simm.s32 $0x1148  }
0x26: {  	[spmem:s2] =	stream.indirect.scatter.add.f32 [tilespmem:s10], [sflag:$0x1], $0x1, s18, s11, $0xb8;
	[tilespmem:$0x2C78] =	vst v63  }
0x27: {  	s19 =	simm.s32 $0x13C0  }
0x28: {  	[spmem:s2] =	stream.indirect.scatter.add.f32 [tilespmem:s10], [sflag:$0x1], $0x1, s19, s11, $0xb8;
	[tilespmem:$0x2C78] =	vst v63  }
0x29: {  	s20 =	simm.s32 $0x1638  }
0x2a: {  	[spmem:s2] =	stream.indirect.scatter.add.f32 [tilespmem:s10], [sflag:$0x1], $0x1, s20, s11, $0xb8;
	[tilespmem:$0x2C78] =	vst v63  }
0x2b: {  	s21 =	simm.s32 $0x18B0  }
0x2c: {  	[spmem:s2] =	stream.indirect.scatter.add.f32 [tilespmem:s10], [sflag:$0x1], $0x1, s21, s11, $0xb8;
	[tilespmem:$0x2C78] =	vst v63  }
0x2d: {  	s22 =	simm.s32 $0x1B28  }
0x2e: {  	[spmem:s2] =	stream.indirect.scatter.add.f32 [tilespmem:s10], [sflag:$0x1], $0x1, s22, s11, $0xb8;
	[tilespmem:$0x2C78] =	vst v63  }
0x2f: {  	s23 =	simm.s32 $0x1DA0  }
0x30: {  	[spmem:s2] =	stream.indirect.scatter.add.f32 [tilespmem:s10], [sflag:$0x1], $0x1, s23, s11, $0xb8;
	[tilespmem:$0x2C78] =	vst v63  }
0x31: {  	s24 =	simm.s32 $0x2018  }
0x32: {  	[spmem:s2] =	stream.indirect.scatter.add.f32 [tilespmem:s10], [sflag:$0x1], $0x1, s24, s11, $0xb8;
	[tilespmem:$0x2C78] =	vst v63  }
0x33: {  	s25 =	simm.s32 $0x2290  }
0x34: {  	[spmem:s2] =	stream.indirect.scatter.add.f32 [tilespmem:s10], [sflag:$0x1], $0x1, s25, s11, $0xb8;
	[tilespmem:$0x2C78] =	vst v63  }
0x35: {  	s28 =	simm.s32 $0x1;
	s26 =	simm.s32 $0x2508  }
0x36: {  	[spmem:s2] =	stream.indirect.scatter.add.f32 [tilespmem:s10], [sflag:$0x1], $0x1, s26, s11, $0xb8;
	[tilespmem:$0x2C78] =	vst v63  }
0x37: {  	_ =	swait.ge [sflag:s28], $0x271  }
0x38: {  	[sflag:s28] =	ssyncset.done $0x0  }
0x39: {  	[sflag:s28] =	ssyncadd.s32 $0xFFFFFD8F  }
0x3a: {  	_ =	swait.ge [sflag:s28], $0x271  }
0x3b: {  	[sflag:s28] =	ssyncset.done $0x0  }
0x3c: {  	[sflag:s28] =	ssyncadd.s32 $0xFFFFFD8F  }
0x3d: {  	_ =	swait.ge [sflag:s28], $0x271  }
0x3e: {  	[sflag:s28] =	ssyncset.done $0x0  }
0x3f: {  	[sflag:s28] =	ssyncadd.s32 $0xFFFFFD8F  }
0x40: {  	_ =	swait.ge [sflag:s28], $0x271  }
0x41: {  	[sflag:s28] =	ssyncset.done $0x0  }
0x42: {  	[sflag:s28] =	ssyncadd.s32 $0xFFFFFD8F  }
0x43: {  	_ =	swait.ge [sflag:s28], $0x271  }
0x44: {  	[sflag:s28] =	ssyncset.done $0x0  }
0x45: {  	[sflag:s28] =	ssyncadd.s32 $0xFFFFFD8F  }
0x46: {  	_ =	swait.ge [sflag:s28], $0x271  }
0x47: {  	[sflag:s28] =	ssyncset.done $0x0  }
0x48: {  	[sflag:s28] =	ssyncadd.s32 $0xFFFFFD8F  }
0x49: {  	_ =	swait.ge [sflag:s28], $0x271  }
0x4a: {  	[sflag:s28] =	ssyncset.done $0x0  }
0x4b: {  	[sflag:s28] =	ssyncadd.s32 $0xFFFFFD8F  }
0x4c: {  	_ =	swait.ge [sflag:s28], $0x271  }
0x4d: {  	[sflag:s28] =	ssyncset.done $0x0  }
0x4e: {  	[sflag:s28] =	ssyncadd.s32 $0xFFFFFD8F  }
0x4f: {  	_ =	swait.ge [sflag:s28], $0x271  }
0x50: {  	[sflag:s28] =	ssyncset.done $0x0  }
0x51: {  	[sflag:s28] =	ssyncadd.s32 $0xFFFFFD8F  }
0x52: {  	_ =	swait.ge [sflag:s28], $0x271  }
0x53: {  	[sflag:s28] =	ssyncset.done $0x0  }
0x54: {  	[sflag:s28] =	ssyncadd.s32 $0xFFFFFD8F  }
0x55: {  	_ =	swait.ge [sflag:s28], $0x271  }
0x56: {  	[sflag:s28] =	ssyncset.done $0x0  }
0x57: {  	[sflag:s28] =	ssyncadd.s32 $0xFFFFFD8F  }
0x58: {  	_ =	swait.ge [sflag:s28], $0x271  }
0x59: {  	[sflag:s28] =	ssyncset.done $0x0  }
0x5a: {  	[sflag:s28] =	ssyncadd.s32 $0xFFFFFD8F  }
0x5b: {  	_ =	swait.ge [sflag:s28], $0x271  }
0x5c: {  	[sflag:s28] =	ssyncset.done $0x0  }
0x5d: {  	[sflag:s28] =	ssyncadd.s32 $0xFFFFFD8F  }
0x5e: {  	_ =	swait.ge [sflag:s28], $0x271  }
0x5f: {  	[sflag:s28] =	ssyncset.done $0x0  }
0x60: {  	s0 =	smul.u32 $0x2800, s31;
	[sflag:s28] =	ssyncadd.s32 $0xFFFFFD8F  }
0x61: {  	s31 =	ssub.s32 $0x2, s31;
	_ =	swait.ge [sflag:s28], $0x271  }
0x62: {  	s0 =	sadd.s32 s30, s0;
	s30 =	sshrl.u32 s31, $0x1;
	[sflag:s28] =	ssyncset.done $0x0  }
0x63: {  	s30 =	ssub.s32 s31, s30;
	[sflag:s28] =	ssyncadd.s32 $0xFFFFFD8F  }
0x64: {  	s31 =	smax.u32 s30, $0x1;
	_ =	swait.ge [sflag:s28], $0x271  }
0x65: {  	p0 =	sne.s32 s31, $0x1;
	[sflag:s28] =	ssyncset.done $0x0  }
.Ltmp0:
0x66: {  	s0 =	sshrl.u32 s0, $0x3;
	[sflag:s28] =	ssyncadd.s32 $0xFFFFFD8F;
	(pc) =	sbr.rel @!p0 .LBB2_2-.Ltmp0, $4  }
0x67: {  	s29 =	sadd.s32 s29, s0;
	[bflag:$0x0] =	sbarrier.arrive $0xFFFF  }
0x68: {  	[hbm:s29], [sflag:s5] =	dma.local [spmem:s7], $0x50  }
0x69: {  	_ =	swait.ge [sflag:s6], $0x50  }
0x6a: {  	s30 =	sadd.s32 $0xFFFFFFFF, s31;
	[sflag:s6] =	ssyncset.done $0x0  }
.LBB2_1:
0x6b: {  	p0 =	sne.s32 s30, $0x1;
	s30 =	sadd.s32 $0xFFFFFFFF, s30;
	[sflag:s6] =	ssyncadd.s32 $0xFFFFFFB0  }
0x6c: {  	[spmem:s7], [sflag:s5] =	dma.local [hbm:s4], $0x50  }
0x6d: {  	_ =	swait.ge [sflag:s6], $0x50  }
0x6e: {  	[sflag:s6] =	ssyncset.done $0x0  }
0x6f: {  	[sflag:s6] =	ssyncadd.s32 $0xFFFFFFB0  }
0x70: {  	[tilespmem:s3], [sflag:$0x2] =	stream.linear.gather [hbm4b:s8+s3], $0x2780, $0x38;
	[tilespmem:$0x2C78] =	vst v63  }
0x71: {  	_ =	swait.ge [sflag:s6], $0x2780  }
0x72: {  	[sflag:s6] =	ssyncset.done $0x0  }
0x73: {  	[sflag:s6] =	ssyncadd.s32 $0xFFFFD880  }
0x74: {  	[tilespmem:s10], [sflag:$0x2] =	stream.linear.gather [hbm4b:s9+s3], $0x278, $0x38;
	[tilespmem:$0x2C78] =	vst v63  }
0x75: {  	_ =	swait.ge [sflag:s6], $0x278  }
0x76: {  	[sflag:s6] =	ssyncset.done $0x0  }
0x77: {  	[sflag:s6] =	ssyncadd.s32 $0xFFFFFD88  }
0x78: {  	[bflag:$0x0] =	sbarrier.arrive $0xFFFF  }
0x79: {  	[spmem:s2] =	stream.indirect.scatter.add.f32 [tilespmem:s10], [sflag:$0x1], $0x1, s3, s11, $0xb8;
	[tilespmem:$0x2C78] =	vst v63  }
0x7a: {  	_ = 	snop  }
0x7b: {  	[spmem:s2] =	stream.indirect.scatter.add.f32 [tilespmem:s10], [sflag:$0x1], $0x1, s12, s11, $0xb8;
	[tilespmem:$0x2C78] =	vst v63  }
0x7c: {  	_ = 	snop  }
0x7d: {  	[spmem:s2] =	stream.indirect.scatter.add.f32 [tilespmem:s10], [sflag:$0x1], $0x1, s13, s11, $0xb8;
	[tilespmem:$0x2C78] =	vst v63  }
0x7e: {  	_ = 	snop  }
0x7f: {  	[spmem:s2] =	stream.indirect.scatter.add.f32 [tilespmem:s10], [sflag:$0x1], $0x1, s14, s11, $0xb8;
	[tilespmem:$0x2C78] =	vst v63  }
0x80: {  	_ = 	snop  }
0x81: {  	[spmem:s2] =	stream.indirect.scatter.add.f32 [tilespmem:s10], [sflag:$0x1], $0x1, s15, s11, $0xb8;
	[tilespmem:$0x2C78] =	vst v63  }
0x82: {  	_ = 	snop  }
0x83: {  	[spmem:s2] =	stream.indirect.scatter.add.f32 [tilespmem:s10], [sflag:$0x1], $0x1, s16, s11, $0xb8;
	[tilespmem:$0x2C78] =	vst v63  }
0x84: {  	_ = 	snop  }
0x85: {  	[spmem:s2] =	stream.indirect.scatter.add.f32 [tilespmem:s10], [sflag:$0x1], $0x1, s17, s11, $0xb8;
	[tilespmem:$0x2C78] =	vst v63  }
0x86: {  	_ = 	snop  }
0x87: {  	[spmem:s2] =	stream.indirect.scatter.add.f32 [tilespmem:s10], [sflag:$0x1], $0x1, s18, s11, $0xb8;
	[tilespmem:$0x2C78] =	vst v63  }
0x88: {  	_ = 	snop  }
0x89: {  	[spmem:s2] =	stream.indirect.scatter.add.f32 [tilespmem:s10], [sflag:$0x1], $0x1, s19, s11, $0xb8;
	[tilespmem:$0x2C78] =	vst v63  }
0x8a: {  	_ = 	snop  }
0x8b: {  	[spmem:s2] =	stream.indirect.scatter.add.f32 [tilespmem:s10], [sflag:$0x1], $0x1, s20, s11, $0xb8;
	[tilespmem:$0x2C78] =	vst v63  }
0x8c: {  	_ = 	snop  }
0x8d: {  	[spmem:s2] =	stream.indirect.scatter.add.f32 [tilespmem:s10], [sflag:$0x1], $0x1, s21, s11, $0xb8;
	[tilespmem:$0x2C78] =	vst v63  }
0x8e: {  	_ = 	snop  }
0x8f: {  	[spmem:s2] =	stream.indirect.scatter.add.f32 [tilespmem:s10], [sflag:$0x1], $0x1, s22, s11, $0xb8;
	[tilespmem:$0x2C78] =	vst v63  }
0x90: {  	_ = 	snop  }
0x91: {  	[spmem:s2] =	stream.indirect.scatter.add.f32 [tilespmem:s10], [sflag:$0x1], $0x1, s23, s11, $0xb8;
	[tilespmem:$0x2C78] =	vst v63  }
0x92: {  	_ = 	snop  }
0x93: {  	[spmem:s2] =	stream.indirect.scatter.add.f32 [tilespmem:s10], [sflag:$0x1], $0x1, s24, s11, $0xb8;
	[tilespmem:$0x2C78] =	vst v63  }
0x94: {  	_ = 	snop  }
0x95: {  	[spmem:s2] =	stream.indirect.scatter.add.f32 [tilespmem:s10], [sflag:$0x1], $0x1, s25, s11, $0xb8;
	[tilespmem:$0x2C78] =	vst v63  }
0x96: {  	_ = 	snop  }
0x97: {  	[spmem:s2] =	stream.indirect.scatter.add.f32 [tilespmem:s10], [sflag:$0x1], $0x1, s26, s11, $0xb8;
	[tilespmem:$0x2C78] =	vst v63  }
0x98: {  	_ =	swait.ge [sflag:s28], $0x271  }
0x99: {  	[sflag:s28] =	ssyncset.done $0x0  }
0x9a: {  	[sflag:s28] =	ssyncadd.s32 $0xFFFFFD8F  }
0x9b: {  	_ =	swait.ge [sflag:s28], $0x271  }
0x9c: {  	[sflag:s28] =	ssyncset.done $0x0  }
0x9d: {  	[sflag:s28] =	ssyncadd.s32 $0xFFFFFD8F  }
0x9e: {  	_ =	swait.ge [sflag:s28], $0x271  }
0x9f: {  	[sflag:s28] =	ssyncset.done $0x0  }
0xa0: {  	[sflag:s28] =	ssyncadd.s32 $0xFFFFFD8F  }
0xa1: {  	_ =	swait.ge [sflag:s28], $0x271  }
0xa2: {  	[sflag:s28] =	ssyncset.done $0x0  }
0xa3: {  	[sflag:s28] =	ssyncadd.s32 $0xFFFFFD8F  }
0xa4: {  	_ =	swait.ge [sflag:s28], $0x271  }
0xa5: {  	[sflag:s28] =	ssyncset.done $0x0  }
0xa6: {  	[sflag:s28] =	ssyncadd.s32 $0xFFFFFD8F  }
0xa7: {  	_ =	swait.ge [sflag:s28], $0x271  }
0xa8: {  	[sflag:s28] =	ssyncset.done $0x0  }
0xa9: {  	[sflag:s28] =	ssyncadd.s32 $0xFFFFFD8F  }
0xaa: {  	_ =	swait.ge [sflag:s28], $0x271  }
0xab: {  	[sflag:s28] =	ssyncset.done $0x0  }
0xac: {  	[sflag:s28] =	ssyncadd.s32 $0xFFFFFD8F  }
0xad: {  	_ =	swait.ge [sflag:s28], $0x271  }
0xae: {  	[sflag:s28] =	ssyncset.done $0x0  }
0xaf: {  	[sflag:s28] =	ssyncadd.s32 $0xFFFFFD8F  }
0xb0: {  	_ =	swait.ge [sflag:s28], $0x271  }
0xb1: {  	[sflag:s28] =	ssyncset.done $0x0  }
0xb2: {  	[sflag:s28] =	ssyncadd.s32 $0xFFFFFD8F  }
0xb3: {  	_ =	swait.ge [sflag:s28], $0x271  }
0xb4: {  	[sflag:s28] =	ssyncset.done $0x0  }
0xb5: {  	[sflag:s28] =	ssyncadd.s32 $0xFFFFFD8F  }
0xb6: {  	_ =	swait.ge [sflag:s28], $0x271  }
0xb7: {  	[sflag:s28] =	ssyncset.done $0x0  }
0xb8: {  	[sflag:s28] =	ssyncadd.s32 $0xFFFFFD8F  }
0xb9: {  	_ =	swait.ge [sflag:s28], $0x271  }
0xba: {  	[sflag:s28] =	ssyncset.done $0x0  }
0xbb: {  	[sflag:s28] =	ssyncadd.s32 $0xFFFFFD8F  }
0xbc: {  	_ =	swait.ge [sflag:s28], $0x271  }
0xbd: {  	[sflag:s28] =	ssyncset.done $0x0  }
0xbe: {  	[sflag:s28] =	ssyncadd.s32 $0xFFFFFD8F  }
0xbf: {  	_ =	swait.ge [sflag:s28], $0x271  }
0xc0: {  	[sflag:s28] =	ssyncset.done $0x0  }
0xc1: {  	[sflag:s28] =	ssyncadd.s32 $0xFFFFFD8F  }
0xc2: {  	_ =	swait.ge [sflag:s28], $0x271  }
0xc3: {  	[sflag:s28] =	ssyncset.done $0x0  }
0xc4: {  	[sflag:s28] =	ssyncadd.s32 $0xFFFFFD8F  }
0xc5: {  	_ =	swait.ge [sflag:s28], $0x271  }
0xc6: {  	[sflag:s28] =	ssyncset.done $0x0  }
.Ltmp1:
0xc7: {  	[sflag:s28] =	ssyncadd.s32 $0xFFFFFD8F;
	(pc) =	sbr.rel @p0 .LBB2_1-.Ltmp1, $4  }
0xc8: {  	[bflag:$0x0] =	sbarrier.arrive $0xFFFF  }
0xc9: {  	[hbm:s29], [sflag:s5] =	dma.local [spmem:s7], $0x50  }
0xca: {  	_ =	swait.ge [sflag:s6], $0x50  }
0xcb: {  	[sflag:s6] =	ssyncset.done $0x0  }
.LBB2_2:
0xcc: {  	[sflag:s6] =	ssyncadd.s32 $0xFFFFFFB0  }
0xcd: {  	_ =	sfence.sel $0x180000  }
0xce: {  	[bflag:$0x0] =	sbarrier.arrive $0xFFFF  }
0xcf: {  	_ =	strace $0x90000047  }
0xd0: {  	[bflag:$0x2] =	sbarrier.arrive $0xFFFF  }
0xd1: {  	p0 =	sne.s32 s1, $0x0;
	s0 =	rddreg [dreg:$0x5]  }
0xd2: {  	s0 =	sadd.s32 @!p0 $0x100000, s0  }
0xd3: {  	[sflag:s0] =	ssyncadd.tile.s32 @!p0 $0x1;
	_ =	shalt  }
.Lfunc_end2:
_tile_overlayer_lowered:
.L_overlay_start_2:
0xd4: {  	(tag) =	ssettag $0x2  }
0xd5: {  	s0 =	rddreg [dreg:$0x0];
	s2 =	stileid.u32  }
0xd6: {  	s1 =	rddreg [dreg:$0x1];
	p0 =	sne.s32 s2, $0x0  }
0xd7: {  	s3 =	rddreg [dreg:$0x2];
	[bflag:$0x3] =	sbarrier.arrive $0xFFFF;
	s2 =	simm.s32 @!p0 $0x1C02  }
0xd8: {  	[timem:s3], [sflag:s2] =	dma.local @!p0 [hbm:s0], s1  }
0xd9: {  	s0 =	simm.s32 @!p0 $0x2  }
0xda: {  	_ =	swait.ge @!p0 [sflag:s0], s1  }
0xdb: {  	s1 =	ssub.s32 @!p0 $0x0, s1;
	[sflag:s0] =	ssyncset.done @!p0 $0x0  }
0xdc: {  	[sflag:s0] =	ssyncadd.s32 @!p0 s1  }
0xdd: {  	[bflag:$0x3] =	sbarrier.arrive $0xFFFF  }
0xde: {  	_ =	shalt  }

// kernel: kernel.17.cloned.1.call-start
scs
__scs_entry_jumppad:
0x0: {  	(pc) =	sbr.rel $0x88, $3  }
0x1: {  	(tag) =	ssettag $0x0;
	lr =	simm.s32 $0x1  }
0x2: {  	[smem:$0x3F95] =	sst lr;
	_ =	strace $0xD0000000  }
0x3: {  	_ = 	snop  }
0x4: {  	_ = 	snop  }
0x5: {  	_ = 	snop  }
0x6: {  	_ = 	snop  }
0x7: {  	_ = 	snop  }
__scs_overlays_trampoline_lowered:
0x8: {  	[smem:$0x3FA4] =	sst s0  }
0x9: {  	[smem:$0x3FA5] =	sst s1  }
0xa: {  	[smem:$0x3FA6] =	sst s2  }
0xb: {  	[smem:$0x3FA7] =	sst s3  }
0xc: {  	[smem:$0x3FA8] =	sst s4  }
0xd: {  	[smem:$0x3FA9] =	sst s5  }
0xe: {  	[smem:$0x3FAA] =	sst s6  }
0xf: {  	[smem:$0x3FAB] =	sst s7  }
0x10: {  	[smem:$0x3FAC] =	sst s8  }
0x11: {  	[smem:$0x3FAD] =	sst s9;
	s0 =	simm.s32 @!p0 $0x0  }
0x12: {  	s1 =	sld [smem:$0x3F93];
	s0 =	simm.s32 @p0 $0x1  }
0x13: {  	[smem:$0x3FAE] =	sst s0;
	s0 =	simm.s32 @!p1 $0x0  }
0x14: {  	s2 =	sld [smem:$0x3F92];
	s0 =	simm.s32 @p1 $0x1  }
0x15: {  	[smem:$0x3FAF] =	sst s0;
	s0 =	simm.s32 @!p2 $0x0  }
0x16: {  	s3 =	sld [smem:$0x3FDB];
	s0 =	simm.s32 @p2 $0x1  }
0x17: {  	s4 =	simm.s32 $0x1BF5;
	[smem:$0x3FB1] =	sst s0  }
0x18: {  	s0 =	sld [smem:$0x3F94];
	_ =	swait.ge [sflag:s4], $0x0  }
0x19: {  	s7 =	sld [smem:$0x3F95]  }
0x1a: {  	s8 =	sadd.s32 $0xFFFFE003, lr  }
0x1b: {  	s9 =	sadd.s32 $0xFFFFFEF7, lr;
	s5 =	simm.s32 $0xFFFFFFFF;
	p2 =	slt.u32 s8, $0xFFFFF086  }
0x1c: {  	p1 =	slt.u32 s9, $0xF7A;
	s5 =	simm.s32 @!p2 $0x0  }
0x1d: {  	s5 =	simm.s32 @p1 $0x1;
	p0 =	seq.s32 s7, s2  }
0x1e: {  	s7 =	smul.u32 @!p0 $0xF7A, s2;
	p2 =	seq.s32 @!p0 s5, $0x0  }
0x1f: {  	s9 =	smul.u32 $0xF7A, s1;
	s8 =	simm.s32 @!p0 $0x1BF5;
	p2 =	por !p2, p0  }
0x20: {  	[sflag:s8] =	ssyncset.s32 @!p0 $0xFFFFF086;
	s6 =	sadd.s32 @!p0 s3, s7;
	s7 =	simm.s32 @!p0 $0x108  }
0x21: {  	s3 =	sadd.s32 s3, s9;
	s6 =	sadd.s32 @!p0 $0x88, s6;
	s7 =	simm.s32 @p2 $0x1082  }
0x22: {  	[simem:s7], [sflag:s8] =	dma.local @!p0 [hbm:s6], $0xF7A  }
0x23: {  	s9 =	sor.u32 $0xD0000000, s2;
	s6 =	simm.s32 $0x108;
	_ =	swait.ge @!p0 [sflag:s8], $0x0  }
0x24: {  	s3 =	sadd.s32 $0x88, s3;
	s6 =	simm.s32 @!p1 $0x1082;
	[sflag:s4] =	ssyncset.s32 $0xFFFFF086  }
0x25: {  	[simem:s6], [sflag:s4] =	dma.local [hbm:s3], $0xF7A  }
0x26: {  	[smem:$0x3F95] =	sst s1;
	(tag) =	ssettag s2;
	_ =	strace s9  }
0x27: {  	s1 =	sld [smem:$0x3FA5]  }
0x28: {  	s2 =	sld [smem:$0x3FA6]  }
0x29: {  	s4 =	sld [smem:$0x3FA8]  }
0x2a: {  	p0 =	seq.s32 s5, $0x0;
	s5 =	sld [smem:$0x3FA9]  }
0x2b: {  	s6 =	sld [smem:$0x3FAA]  }
0x2c: {  	s7 =	sld [smem:$0x3FAB]  }
0x2d: {  	s3 =	simm.s32 $0x108;
	s8 =	sld [smem:$0x3FAC]  }
0x2e: {  	s3 =	simm.s32 @!p0 $0x1082;
	s9 =	sld [smem:$0x3FAD]  }
0x2f: {  	lr =	sadd.s32 s0, s3;
	s0 =	sld [smem:$0x3FA4]  }
0x30: {  	s3 =	sld [smem:$0x3FA7]  }
0x31: {  	[smem:$0x3FB0] =	sst s10  }
0x32: {  	s10 =	sld [smem:$0x3FAE];
	_ =	sdelay $0x3  }
0x33: {  	p0 =	seq.s32 s10, $0x1;
	s10 =	sld [smem:$0x3FB0];
	_ =	sdelay $0x3  }
0x34: {  	[smem:$0x3FB0] =	sst s10  }
0x35: {  	s10 =	sld [smem:$0x3FAF];
	_ =	sdelay $0x3  }
0x36: {  	p1 =	seq.s32 s10, $0x1;
	s10 =	sld [smem:$0x3FB0];
	_ =	sdelay $0x3  }
0x37: {  	[smem:$0x3FB0] =	sst s10  }
0x38: {  	s10 =	sld [smem:$0x3FB1]  }
0x39: {  	_ = 	snop;
	(pc) =	sbr.ind lr, $3  }
0x3a: {  	_ = 	snop  }
0x3b: {  	_ = 	snop  }
0x3c: {  	p2 =	seq.s32 s10, $0x1;
	s10 =	sld [smem:$0x3FB0]  }
0x3d: {  	_ =	shalt  }
0x3e: {  	_ =	shalt  }
0x3f: {  	_ =	shalt  }
0x40: {  	_ =	shalt  }
0x41: {  	_ =	shalt  }
0x42: {  	_ =	shalt  }
0x43: {  	_ =	shalt  }
0x44: {  	_ =	shalt  }
0x45: {  	_ =	shalt  }
0x46: {  	_ =	shalt  }
0x47: {  	_ =	shalt  }
0x48: {  	_ =	shalt  }
0x49: {  	_ =	shalt  }
0x4a: {  	_ =	shalt  }
0x4b: {  	_ =	shalt  }
0x4c: {  	_ =	shalt  }
0x4d: {  	_ =	shalt  }
0x4e: {  	_ =	shalt  }
0x4f: {  	_ =	shalt  }
0x50: {  	_ =	shalt  }
0x51: {  	_ =	shalt  }
0x52: {  	_ =	shalt  }
0x53: {  	_ =	shalt  }
0x54: {  	_ =	shalt  }
0x55: {  	_ =	shalt  }
0x56: {  	_ =	shalt  }
0x57: {  	_ =	shalt  }
0x58: {  	_ =	shalt  }
0x59: {  	_ =	shalt  }
0x5a: {  	_ =	shalt  }
0x5b: {  	_ =	shalt  }
0x5c: {  	_ =	shalt  }
0x5d: {  	_ =	shalt  }
0x5e: {  	_ =	shalt  }
0x5f: {  	_ =	shalt  }
0x60: {  	_ =	shalt  }
0x61: {  	_ =	shalt  }
0x62: {  	_ =	shalt  }
0x63: {  	_ =	shalt  }
0x64: {  	_ =	shalt  }
0x65: {  	_ =	shalt  }
0x66: {  	_ =	shalt  }
0x67: {  	_ =	shalt  }
0x68: {  	_ =	shalt  }
0x69: {  	_ =	shalt  }
0x6a: {  	_ =	shalt  }
0x6b: {  	_ =	shalt  }
0x6c: {  	_ =	shalt  }
0x6d: {  	_ =	shalt  }
0x6e: {  	_ =	shalt  }
0x6f: {  	_ =	shalt  }
0x70: {  	_ =	shalt  }
0x71: {  	_ =	shalt  }
0x72: {  	_ =	shalt  }
0x73: {  	_ =	shalt  }
0x74: {  	_ =	shalt  }
0x75: {  	_ =	shalt  }
0x76: {  	_ =	shalt  }
0x77: {  	_ =	shalt  }
0x78: {  	_ =	shalt  }
0x79: {  	_ =	shalt  }
0x7a: {  	_ =	shalt  }
0x7b: {  	_ =	shalt  }
0x7c: {  	_ =	shalt  }
0x7d: {  	_ =	shalt  }
0x7e: {  	_ =	shalt  }
0x7f: {  	_ =	shalt  }
0x80: {  	_ =	shalt  }
0x81: {  	_ =	shalt  }
0x82: {  	_ =	shalt  }
0x83: {  	_ =	shalt  }
0x84: {  	_ =	shalt  }
0x85: {  	_ =	shalt  }
0x86: {  	_ =	shalt  }
0x87: {  	_ =	shalt  }
.Lfunc_end0:
.L_simem_size_0:
called_computation.1_lowered:
.L_overlay_start_0:
0x88: {  	s2 =	sld [smem:$0x3FD9]  }
0x89: {  	s3 =	sld [smem:$0x3FFE];
	_ =	sdelay $0x1  }
0x8a: {  	s1 =	srdreg.scid  }
0x8b: {  	s0 =	sand.u32 $0x1, s1  }
0x8c: {  	s14 =	sshll.u32 s0, $0xA;
	s2 =	sadd.s32 s3, s2  }
0x8d: {  	s2 =	sadd.s32 s2, s14  }
0x8e: {  	[smem:$0x3FBC] =	sst s2  }
0x8f: {  	_ = 	snop  }
0x90: {  	s2 =	sld [smem:$0x3FD0];
	_ =	sdelay $0x2  }
0x91: {  	s15 =	simm.s32 $0xA;
	s4 =	simm.s32 $0x10  }
0x92: {  	[smem:s4], [sflag:s15] =	dma.local [hbm:s2], $0x1  }
0x93: {  	_ =	swait.eq [sflag:s15], $0x1  }
0x94: {  	[sflag:s15] =	ssyncset.done $0x0  }
0x95: {  	[sflag:s15] =	ssyncadd.s32 $0xFFFFFFFF  }
0x96: {  	s16 =	sld [smem:$0x12];
	(tm) =	ssettm $0x1  }
0x97: {  	s17 =	sld [smem:$0x3FFB];
	_ =	sdelay $0x3  }
0x98: {  	_ =	strace s17  }
0x99: {  	s3 =	sld [smem:$0x3FFC];
	_ =	sdelay $0x3  }
0x9a: {  	_ =	strace s3  }
0x9b: {  	s3 =	sld [smem:$0x3FFD];
	_ =	sdelay $0x3  }
0x9c: {  	_ =	strace s3  }
0x9d: {  	_ =	strace $0x8FFFFFFF  }
0x9e: {  	s18 =	sld [smem:$0x3FDB];
	_ =	sdelay $0x1  }
0x9f: {  	s19 =	simm.s32 $_scs_section_size  }
0xa0: {  	s5 =	simm.s32 $_size__tile_overlayer_lowered;
	s6 =	simm.s32 $_tile_overlayer_lowered  }
0xa1: {  	s22 =	simm.s32 $0x1BFF;
	s21 =	sshll.u32 s6, $0x1;
	s3 =	sadd.s32 s19, s18  }
0xa2: {  	s7 =	simm.s32 $0x0;
	s20 =	sshll.u32 s5, $0x1;
	s5 =	sadd.s32 s21, s3  }
0xa3: {  	[timem:s7], [sflag:s22] =	dma.local [hbm:s5], s20  }
0xa4: {  	_ =	swait.ge [sflag:s22], s20  }
0xa5: {  	s4 =	ssub.s32 $0x0, s20;
	[sflag:s22] =	ssyncset.done $0x0  }
0xa6: {  	[sflag:s22] =	ssyncadd.s32 s4;
	_ =	sdelay $0x1  }
0xa7: {  	s23 =	simm.s32 $0x1B8B  }
0xa8: {  	_ =	swait.ge [sflag:s23], $0x1  }
0xa9: {  	[sflag:s23] =	ssyncset.done $0x0  }
0xaa: {  	s25 =	simm.s32 $0x1B8E;
	s24 =	sld [smem:$0x3FFE];
	[sflag:s23] =	ssyncadd.s32 $0xFFFFFFFF  }
0xab: {  	s26 =	simm.s32 $execute0_lowered;
	[smem:$0x3FD2] =	sst s25  }
0xac: {  	s5 =	sshll.u32 s26, $0x1;
	_ =	strace $0x80000049;
	[dreg:$0x1] =	wrdreg $0xFFFFFFFF  }
0xad: {  	s28 =	simm.s32 $_size_execute0_lowered;
	s3 =	sadd.s32 s3, s5;
	[dreg:$0x0] =	wrdreg $0x0  }
0xae: {  	s5 =	sshll.u32 s28, $0x1;
	[dreg:$0x2] =	wrdreg s3  }
0xaf: {  	[dreg:$0x3] =	wrdreg s5  }
0xb0: {  	[dreg:$0x4] =	wrdreg $0xC0  }
0xb1: {  	_ =	task [dreg:s7], $0x5FFFF  }
0xb2: {  	[dreg:$0x1] =	wrdreg $0xFFFFFFFF  }
0xb3: {  	[dreg:$0x0] =	wrdreg $0x60  }
0xb4: {  	[dreg:$0x2] =	wrdreg s16  }
0xb5: {  	[dreg:$0x3] =	wrdreg s24  }
0xb6: {  	[dreg:$0x4] =	wrdreg $0xCD000  }
0xb7: {  	[dreg:$0x5] =	wrdreg $0x9  }
0xb8: {  	_ =	task.clear_ibuf [dreg:s7], $0x6FFFF;
	_ =	strace $0x90000049  }
0xb9: {  	s29 =	simm.s32 $0x9;
	_ =	strace $0x8000004B  }
0xba: {  	_ =	swait.ge [sflag:s29], $0x1  }
0xbb: {  	[sflag:s29] =	ssyncadd.s32 $0xFFFFFFFF  }
0xbc: {  	_ =	strace $0x9000004B  }
0xbd: {  	_ =	sfence  }
0xbe: {  	s30 =	sld [smem:$0x0];
	_ =	sdelay $0x2  }
0xbf: {  	s31 =	sshll.u32 s1, $0xD;
	s1 =	sshrl.u32 s1, $0x2  }
0xc0: {  	s3 =	sand.u32 $0x4000, s31;
	s1 =	sadd.s32 s1, s30  }
0xc1: {  	s0 =	sor.u32 s3, s0;
	s1 =	sshll.u32 s1, $0x11  }
0xc2: {  	s0 =	sor.u32 s1, s0  }
0xc3: {  	s0 =	sadd.s32 $0x8F2B, s0  }
0xc4: {  	[sflag:s0] =	ssyncadd.remote.s32 $0x1  }
0xc5: {  	_ =	sfence.sel $0xFFFF  }
0xc6: {  	[dreg:$0x0] =	wrdreg $0xFFFFFFFF;
	(pc) =	sbr.abs _section_cstart, $3  }
0xc7: {  	[dreg:$0x1] =	wrdreg $0xFFFFFFFF  }
0xc8: {  	_ =	task.clear_ibuf [dreg:s7], $0x2FFFF;
	_ =	strace $0x9FFFFFFF  }
0xc9: {  	(tm) =	ssettm $0x7FFFFFFF  }
tec
execute0_lowered:
.L_overlay_start_1:
0x0: {  	(tag) =	ssettag $0x1  }
0x1: {  	s1 =	rddreg [dreg:$0x0]  }
0x2: {  	s0 =	srdreg.scid;
	s5 =	rddreg [dreg:$0x1]  }
0x3: {  	s12 =	stileid.u32;
	s3 =	rddreg [dreg:$0x2]  }
0x4: {  	s4 =	simm.s32 $0x0;
	s13 =	simm.s32 $0x5000;
	s15 =	simm.s32 $0x6F40  }
0x5: {  	s16 =	simm.s32 $0x1;
	s19 =	simm.s32 $0x8E80;
	s20 =	simm.s32 $0x2  }
0x6: {  	s21 =	simm.s32 $0x180;
	s22 =	simm.s32 $0x300;
	s23 =	simm.s32 $0xADC0  }
0x7: {  	s24 =	simm.s32 $0x3;
	s25 =	simm.s32 $0x5;
	s28 =	simm.s32 $0x6  }
0x8: {  	s29 =	simm.s32 $0x7;
	s30 =	simm.s32 $0x8;
	s31 =	simm.s32 $0x4E80  }
0x9: {  	s0 =	sand.u32 $0x1, s0;
	s2 =	sshll.u32 s12, $0x1;
	s6 =	smul.u32 $0xA000, s12  }
0xa: {  	[smem:$0x7FF] =	sst s4;
	s26 =	sshll.u32 s12, $0x6;
	s12 =	simm.s32 $0x7D  }
0xb: {  	s2 =	sor.u32 s0, s2;
	s7 =	smul.u32 $0xA0000, s0;
	_ =	strace $0x8000004A  }
0xc: {  	s0 =	ssub.s32 $0x2, s0;
	s2 =	smul.u32 $0xA00, s2;
	s8 =	sshrl.u32 s6, $0x3  }
0xd: {  	s9 =	sshrl.u32 s0, $0x1;
	s11 =	sadd.s32 s6, s3;
	s7 =	sadd.s32 s6, s7  }
0xe: {  	s8 =	sadd.s32 s8, s5;
	s0 =	ssub.s32 s0, s9;
	s6 =	sor.u32 $0x1C09, s26  }
0xf: {  	s26 =	simm.s32 $0x4;
	s2 =	sadd.s32 s2, s5;
	s7 =	sshrl.u32 s7, $0x3  }
0x10: {  	s9 =	smax.u32 s0, $0x1;
	s0 =	simm.s32 $0x0;
	s10 =	sadd.s32 s7, s5  }
0x11: {  	s5 =	sadd.s32 $0x17A00, s8;
	s7 =	sadd.s32 $0x3A00, s2;
	s2 =	simm.s32 $0x4F80  }
0x12: {  	s8 =	sadd.s32 $0x2BA00, s10;
	s10 =	sshrl.u32 s11, $0x3;
	s11 =	simm.s32 $0x9  }
.LBB2_1:
0x13: {  	[spmem:s10], [sflag:s6] =	dma.local [hbm:s5], $0x1400  }
0x14: {  	_ =	swait.ge [sflag:s11], $0x1400  }
0x15: {  	[sflag:s11] =	ssyncset.done $0x0  }
0x16: {  	[sflag:s11] =	ssyncadd.s32 $0xFFFFEC00  }
0x17: {  	[tilespmem:s4], [sflag:$0x9] =	stream.linear.gather [hbm4b:s7+s4], $0x5000, $0x38;
	[tilespmem:$0x16D00] =	vst v63  }
0x18: {  	_ =	swait.ge [sflag:s11], $0x5000  }
0x19: {  	[sflag:s11] =	ssyncset.done $0x0  }
0x1a: {  	[sflag:s11] =	ssyncadd.s32 $0xFFFFB000  }
0x1b: {  	[bflag:$0x0] =	sbarrier.arrive $0xFFFF  }
0x1c: {  	[tilespmem:s13], [sflag:$0x1] =	stream.indirect.gather [hbm4b:s1+s12], $0x40, s4, s12, $0xb8;
	[tilespmem:$0x16D00] =	vst v63  }
0x1d: {  	s14 =	simm.s32 $0x100  }
0x1e: {  	[tilespmem:s15], [sflag:$0x2] =	stream.indirect.gather [hbm4b:s1+s12], $0x40, s14, s12, $0xb8;
	[tilespmem:$0x16D00] =	vst v63  }
0x1f: {  	_ =	swait.ge [sflag:s16], $0x1F40  }
0x20: {  	[sflag:s16] =	ssyncset.done $0x0  }
0x21: {  	s18 =	simm.s32 $0x80;
	[sflag:s16] =	ssyncadd.s32 $0xFFFFE0C0  }
0x22: {  	[spmem:s3] =	stream.indirect.scatter.add.f32 [tilespmem:s13], [sflag:$0x5], $0x40, s18, s12, $0xb8;
	[tilespmem:$0x16D00] =	vst v63  }
0x23: {  	s17 =	simm.s32 $0x200  }
0x24: {  	[tilespmem:s19], [sflag:$0x3] =	stream.indirect.gather [hbm4b:s1+s12], $0x40, s17, s12, $0xb8;
	[tilespmem:$0x16D00] =	vst v63  }
0x25: {  	_ =	swait.ge [sflag:s20], $0x1F40  }
0x26: {  	[sflag:s20] =	ssyncset.done $0x0  }
0x27: {  	[sflag:s20] =	ssyncadd.s32 $0xFFFFE0C0  }
0x28: {  	[spmem:s3] =	stream.indirect.scatter.add.f32 [tilespmem:s15], [sflag:$0x6], $0x40, s21, s12, $0xb8;
	[tilespmem:$0x16D00] =	vst v63  }
0x29: {  	_ = 	snop  }
0x2a: {  	[tilespmem:s23], [sflag:$0x4] =	stream.indirect.gather [hbm4b:s1+s12], $0x40, s22, s12, $0xb8;
	[tilespmem:$0x16D00] =	vst v63  }
0x2b: {  	_ =	swait.ge [sflag:s24], $0x1F40  }
0x2c: {  	[sflag:s24] =	ssyncset.done $0x0  }
0x2d: {  	s18 =	simm.s32 $0x280;
	[sflag:s24] =	ssyncadd.s32 $0xFFFFE0C0  }
0x2e: {  	[spmem:s3] =	stream.indirect.scatter.add.f32 [tilespmem:s19], [sflag:$0x7], $0x40, s18, s12, $0xb8;
	[tilespmem:$0x16D00] =	vst v63  }
0x2f: {  	_ =	swait.ge [sflag:s25], $0x1F40  }
0x30: {  	[sflag:s25] =	ssyncset.done $0x0  }
0x31: {  	s17 =	simm.s32 $0x400;
	[sflag:s25] =	ssyncadd.s32 $0xFFFFE0C0  }
0x32: {  	[tilespmem:s13], [sflag:$0x1] =	stream.indirect.gather [hbm4b:s1+s12], $0x40, s17, s12, $0xb8;
	[tilespmem:$0x16D00] =	vst v63  }
0x33: {  	_ =	swait.ge [sflag:s26], $0x1F40  }
0x34: {  	[sflag:s26] =	ssyncset.done $0x0  }
0x35: {  	s18 =	simm.s32 $0x380;
	[sflag:s26] =	ssyncadd.s32 $0xFFFFE0C0  }
0x36: {  	[spmem:s3] =	stream.indirect.scatter.add.f32 [tilespmem:s23], [sflag:$0x8], $0x40, s18, s12, $0xb8;
	[tilespmem:$0x16D00] =	vst v63  }
0x37: {  	_ =	swait.ge [sflag:s28], $0x1F40  }
0x38: {  	[sflag:s28] =	ssyncset.done $0x0  }
0x39: {  	s17 =	simm.s32 $0x500;
	[sflag:s28] =	ssyncadd.s32 $0xFFFFE0C0  }
0x3a: {  	[tilespmem:s15], [sflag:$0x2] =	stream.indirect.gather [hbm4b:s1+s12], $0x40, s17, s12, $0xb8;
	[tilespmem:$0x16D00] =	vst v63  }
0x3b: {  	_ =	swait.ge [sflag:s16], $0x1F40  }
0x3c: {  	[sflag:s16] =	ssyncset.done $0x0  }
0x3d: {  	s18 =	simm.s32 $0x480;
	[sflag:s16] =	ssyncadd.s32 $0xFFFFE0C0  }
0x3e: {  	[spmem:s3] =	stream.indirect.scatter.add.f32 [tilespmem:s13], [sflag:$0x5], $0x40, s18, s12, $0xb8;
	[tilespmem:$0x16D00] =	vst v63  }
0x3f: {  	_ =	swait.ge [sflag:s29], $0x1F40  }
0x40: {  	[sflag:s29] =	ssyncset.done $0x0  }
0x41: {  	s17 =	simm.s32 $0x600;
	[sflag:s29] =	ssyncadd.s32 $0xFFFFE0C0  }
0x42: {  	[tilespmem:s19], [sflag:$0x3] =	stream.indirect.gather [hbm4b:s1+s12], $0x40, s17, s12, $0xb8;
	[tilespmem:$0x16D00] =	vst v63  }
0x43: {  	_ =	swait.ge [sflag:s20], $0x1F40  }
0x44: {  	[sflag:s20] =	ssyncset.done $0x0  }
0x45: {  	s18 =	simm.s32 $0x580;
	[sflag:s20] =	ssyncadd.s32 $0xFFFFE0C0  }
0x46: {  	[spmem:s3] =	stream.indirect.scatter.add.f32 [tilespmem:s15], [sflag:$0x6], $0x40, s18, s12, $0xb8;
	[tilespmem:$0x16D00] =	vst v63  }
0x47: {  	_ =	swait.ge [sflag:s30], $0x1F40  }
0x48: {  	[sflag:s30] =	ssyncset.done $0x0  }
0x49: {  	s14 =	simm.s32 $0x1000;
	s17 =	simm.s32 $0x700;
	[sflag:s30] =	ssyncadd.s32 $0xFFFFE0C0  }
.LBB2_2:
0x4a: {  	[tilespmem:s23], [sflag:$0x4] =	stream.indirect.gather [hbm4b:s1+s12], $0x40, s17, s12, $0xb8;
	[tilespmem:$0x16D00] =	vst v63  }
0x4b: {  	s17 =	smov.u32 s14  }
0x4c: {  	p0 =	sne.s32 s14, $0x12000;
	s14 =	sadd.s32 $0x1000, s14;
	_ =	swait.ge [sflag:s24], $0x1F40  }
0x4d: {  	s17 =	sshra.s32 s17, $0x2;
	[sflag:s24] =	ssyncset.done $0x0  }
0x4e: {  	s18 =	sadd.s32 $0x280, s17;
	[sflag:s24] =	ssyncadd.s32 $0xFFFFE0C0  }
0x4f: {  	[spmem:s3] =	stream.indirect.scatter.add.f32 [tilespmem:s19], [sflag:$0x7], $0x40, s18, s12, $0xb8;
	[tilespmem:$0x16D00] =	vst v63  }
0x50: {  	_ =	swait.ge [sflag:s25], $0x1F40  }
0x51: {  	[sflag:s25] =	ssyncset.done $0x0  }
0x52: {  	s18 =	sadd.s32 $0x400, s17;
	[sflag:s25] =	ssyncadd.s32 $0xFFFFE0C0  }
0x53: {  	[tilespmem:s13], [sflag:$0x1] =	stream.indirect.gather [hbm4b:s1+s12], $0x40, s18, s12, $0xb8;
	[tilespmem:$0x16D00] =	vst v63  }
0x54: {  	_ =	swait.ge [sflag:s26], $0x1F40  }
0x55: {  	[sflag:s26] =	ssyncset.done $0x0  }
0x56: {  	s18 =	sadd.s32 $0x380, s17;
	[sflag:s26] =	ssyncadd.s32 $0xFFFFE0C0  }
0x57: {  	[spmem:s3] =	stream.indirect.scatter.add.f32 [tilespmem:s23], [sflag:$0x8], $0x40, s18, s12, $0xb8;
	[tilespmem:$0x16D00] =	vst v63  }
0x58: {  	_ =	swait.ge [sflag:s28], $0x1F40  }
0x59: {  	[sflag:s28] =	ssyncset.done $0x0  }
0x5a: {  	s18 =	sadd.s32 $0x500, s17;
	[sflag:s28] =	ssyncadd.s32 $0xFFFFE0C0  }
0x5b: {  	[tilespmem:s15], [sflag:$0x2] =	stream.indirect.gather [hbm4b:s1+s12], $0x40, s18, s12, $0xb8;
	[tilespmem:$0x16D00] =	vst v63  }
0x5c: {  	_ =	swait.ge [sflag:s16], $0x1F40  }
0x5d: {  	[sflag:s16] =	ssyncset.done $0x0  }
0x5e: {  	s18 =	sadd.s32 $0x480, s17;
	[sflag:s16] =	ssyncadd.s32 $0xFFFFE0C0  }
0x5f: {  	[spmem:s3] =	stream.indirect.scatter.add.f32 [tilespmem:s13], [sflag:$0x5], $0x40, s18, s12, $0xb8;
	[tilespmem:$0x16D00] =	vst v63  }
0x60: {  	_ =	swait.ge [sflag:s29], $0x1F40  }
0x61: {  	[sflag:s29] =	ssyncset.done $0x0  }
0x62: {  	s18 =	sadd.s32 $0x600, s17;
	[sflag:s29] =	ssyncadd.s32 $0xFFFFE0C0  }
0x63: {  	[tilespmem:s19], [sflag:$0x3] =	stream.indirect.gather [hbm4b:s1+s12], $0x40, s18, s12, $0xb8;
	[tilespmem:$0x16D00] =	vst v63  }
0x64: {  	_ =	swait.ge [sflag:s20], $0x1F40  }
0x65: {  	[sflag:s20] =	ssyncset.done $0x0  }
.Ltmp0:
0x66: {  	s18 =	sadd.s32 $0x580, s17;
	[sflag:s20] =	ssyncadd.s32 $0xFFFFE0C0;
	(pc) =	sbr.rel @p0 .LBB2_2-.Ltmp0, $4  }
0x67: {  	[spmem:s3] =	stream.indirect.scatter.add.f32 [tilespmem:s15], [sflag:$0x6], $0x40, s18, s12, $0xb8;
	[tilespmem:$0x16D00] =	vst v63  }
0x68: {  	_ =	swait.ge [sflag:s30], $0x1F40  }
0x69: {  	[sflag:s30] =	ssyncset.done $0x0  }
0x6a: {  	s17 =	sadd.s32 $0x700, s17;
	[sflag:s30] =	ssyncadd.s32 $0xFFFFE0C0  }
0x6b: {  	[tilespmem:s23], [sflag:$0x4] =	stream.indirect.gather [hbm4b:s1+s12], $0x40, s17, s12, $0xb8;
	[tilespmem:$0x16D00] =	vst v63  }
0x6c: {  	_ =	swait.ge [sflag:s24], $0x1F40  }
0x6d: {  	[sflag:s24] =	ssyncset.done $0x0  }
0x6e: {  	[sflag:s24] =	ssyncadd.s32 $0xFFFFE0C0  }
0x6f: {  	[spmem:s3] =	stream.indirect.scatter.add.f32 [tilespmem:s19], [sflag:$0x7], $0x40, s31, s12, $0xb8;
	[tilespmem:$0x16D00] =	vst v63  }
0x70: {  	_ =	swait.ge [sflag:s25], $0x1F40  }
0x71: {  	[sflag:s25] =	ssyncset.done $0x0  }
0x72: {  	[sflag:s25] =	ssyncadd.s32 $0xFFFFE0C0  }
0x73: {  	_ =	swait.ge [sflag:s26], $0x1F40  }
0x74: {  	[sflag:s26] =	ssyncset.done $0x0  }
0x75: {  	[sflag:s26] =	ssyncadd.s32 $0xFFFFE0C0  }
0x76: {  	[spmem:s3] =	stream.indirect.scatter.add.f32 [tilespmem:s23], [sflag:$0x8], $0x40, s2, s12, $0xb8;
	[tilespmem:$0x16D00] =	vst v63  }
0x77: {  	_ =	swait.ge [sflag:s28], $0x1F40  }
0x78: {  	[sflag:s28] =	ssyncset.done $0x0  }
0x79: {  	[sflag:s28] =	ssyncadd.s32 $0xFFFFE0C0  }
0x7a: {  	_ =	swait.ge [sflag:s29], $0x1F40  }
0x7b: {  	[sflag:s29] =	ssyncset.done $0x0  }
0x7c: {  	[sflag:s29] =	ssyncadd.s32 $0xFFFFE0C0  }
0x7d: {  	_ =	swait.ge [sflag:s30], $0x1F40  }
0x7e: {  	s0 =	sadd.s32 $0x1, s0;
	[sflag:s30] =	ssyncset.done $0x0  }
0x7f: {  	p0 =	sne.s32 s0, s9;
	[sflag:s30] =	ssyncadd.s32 $0xFFFFE0C0  }
.Ltmp1:
0x80: {  	[bflag:$0x0] =	sbarrier.arrive $0xFFFF;
	(pc) =	sbr.rel @p0 .LBB2_1-.Ltmp1, $4  }
0x81: {  	[hbm:s8], [sflag:s6] =	dma.local [spmem:s10], $0x1400  }
0x82: {  	_ =	swait.ge [sflag:s11], $0x1400  }
0x83: {  	[sflag:s11] =	ssyncset.done $0x0  }
0x84: {  	[sflag:s11] =	ssyncadd.s32 $0xFFFFEC00  }
0x85: {  	_ =	sfence.sel $0x180000  }
0x86: {  	[bflag:$0x0] =	sbarrier.arrive $0xFFFF  }
0x87: {  	_ =	strace $0x9000004A  }
0x88: {  	s0 =	stileid.u32;
	[bflag:$0x2] =	sbarrier.arrive $0xFFFF  }
0x89: {  	p0 =	sne.s32 s0, $0x0;
	s0 =	rddreg [dreg:$0x3]  }
0x8a: {  	s0 =	sadd.s32 @!p0 $0x100000, s0  }
0x8b: {  	[sflag:s0] =	ssyncadd.tile.s32 @!p0 $0x1;
	_ =	shalt  }
.Lfunc_end2:
_tile_overlayer_lowered:
.L_overlay_start_2:
0x8c: {  	(tag) =	ssettag $0x2  }
0x8d: {  	s0 =	rddreg [dreg:$0x0];
	s2 =	stileid.u32  }
0x8e: {  	s1 =	rddreg [dreg:$0x1];
	p0 =	sne.s32 s2, $0x0  }
0x8f: {  	s3 =	rddreg [dreg:$0x2];
	[bflag:$0x3] =	sbarrier.arrive $0xFFFF;
	s2 =	simm.s32 @!p0 $0x1C09  }
0x90: {  	[timem:s3], [sflag:s2] =	dma.local @!p0 [hbm:s0], s1  }
0x91: {  	s0 =	simm.s32 @!p0 $0x9  }
0x92: {  	_ =	swait.ge @!p0 [sflag:s0], s1  }
0x93: {  	s1 =	ssub.s32 @!p0 $0x0, s1;
	[sflag:s0] =	ssyncset.done @!p0 $0x0  }
0x94: {  	[sflag:s0] =	ssyncadd.s32 @!p0 s1  }
0x95: {  	[bflag:$0x3] =	sbarrier.arrive $0xFFFF  }
0x96: {  	_ =	shalt  }

// kernel: kernel.20.cloned.1.call-start
scs
__scs_entry_jumppad:
0x0: {  	(pc) =	sbr.rel $0x88, $3  }
0x1: {  	(tag) =	ssettag $0x0;
	lr =	simm.s32 $0x1  }
0x2: {  	[smem:$0x3F95] =	sst lr;
	_ =	strace $0xD0000000  }
0x3: {  	_ = 	snop  }
0x4: {  	_ = 	snop  }
0x5: {  	_ = 	snop  }
0x6: {  	_ = 	snop  }
0x7: {  	_ = 	snop  }
__scs_overlays_trampoline_lowered:
0x8: {  	[smem:$0x3FA4] =	sst s0  }
0x9: {  	[smem:$0x3FA5] =	sst s1  }
0xa: {  	[smem:$0x3FA6] =	sst s2  }
0xb: {  	[smem:$0x3FA7] =	sst s3  }
0xc: {  	[smem:$0x3FA8] =	sst s4  }
0xd: {  	[smem:$0x3FA9] =	sst s5  }
0xe: {  	[smem:$0x3FAA] =	sst s6  }
0xf: {  	[smem:$0x3FAB] =	sst s7  }
0x10: {  	[smem:$0x3FAC] =	sst s8  }
0x11: {  	[smem:$0x3FAD] =	sst s9;
	s0 =	simm.s32 @!p0 $0x0  }
0x12: {  	s1 =	sld [smem:$0x3F93];
	s0 =	simm.s32 @p0 $0x1  }
0x13: {  	[smem:$0x3FAE] =	sst s0;
	s0 =	simm.s32 @!p1 $0x0  }
0x14: {  	s2 =	sld [smem:$0x3F92];
	s0 =	simm.s32 @p1 $0x1  }
0x15: {  	[smem:$0x3FAF] =	sst s0;
	s0 =	simm.s32 @!p2 $0x0  }
0x16: {  	s3 =	sld [smem:$0x3FDB];
	s0 =	simm.s32 @p2 $0x1  }
0x17: {  	s4 =	simm.s32 $0x1BF5;
	[smem:$0x3FB1] =	sst s0  }
0x18: {  	s0 =	sld [smem:$0x3F94];
	_ =	swait.ge [sflag:s4], $0x0  }
0x19: {  	s7 =	sld [smem:$0x3F95]  }
0x1a: {  	s8 =	sadd.s32 $0xFFFFE003, lr  }
0x1b: {  	s9 =	sadd.s32 $0xFFFFFEF7, lr;
	s5 =	simm.s32 $0xFFFFFFFF;
	p2 =	slt.u32 s8, $0xFFFFF086  }
0x1c: {  	p1 =	slt.u32 s9, $0xF7A;
	s5 =	simm.s32 @!p2 $0x0  }
0x1d: {  	s5 =	simm.s32 @p1 $0x1;
	p0 =	seq.s32 s7, s2  }
0x1e: {  	s7 =	smul.u32 @!p0 $0xF7A, s2;
	p2 =	seq.s32 @!p0 s5, $0x0  }
0x1f: {  	s9 =	smul.u32 $0xF7A, s1;
	s8 =	simm.s32 @!p0 $0x1BF5;
	p2 =	por !p2, p0  }
0x20: {  	[sflag:s8] =	ssyncset.s32 @!p0 $0xFFFFF086;
	s6 =	sadd.s32 @!p0 s3, s7;
	s7 =	simm.s32 @!p0 $0x108  }
0x21: {  	s3 =	sadd.s32 s3, s9;
	s6 =	sadd.s32 @!p0 $0x88, s6;
	s7 =	simm.s32 @p2 $0x1082  }
0x22: {  	[simem:s7], [sflag:s8] =	dma.local @!p0 [hbm:s6], $0xF7A  }
0x23: {  	s9 =	sor.u32 $0xD0000000, s2;
	s6 =	simm.s32 $0x108;
	_ =	swait.ge @!p0 [sflag:s8], $0x0  }
0x24: {  	s3 =	sadd.s32 $0x88, s3;
	s6 =	simm.s32 @!p1 $0x1082;
	[sflag:s4] =	ssyncset.s32 $0xFFFFF086  }
0x25: {  	[simem:s6], [sflag:s4] =	dma.local [hbm:s3], $0xF7A  }
0x26: {  	[smem:$0x3F95] =	sst s1;
	(tag) =	ssettag s2;
	_ =	strace s9  }
0x27: {  	s1 =	sld [smem:$0x3FA5]  }
0x28: {  	s2 =	sld [smem:$0x3FA6]  }
0x29: {  	s4 =	sld [smem:$0x3FA8]  }
0x2a: {  	p0 =	seq.s32 s5, $0x0;
	s5 =	sld [smem:$0x3FA9]  }
0x2b: {  	s6 =	sld [smem:$0x3FAA]  }
0x2c: {  	s7 =	sld [smem:$0x3FAB]  }
0x2d: {  	s3 =	simm.s32 $0x108;
	s8 =	sld [smem:$0x3FAC]  }
0x2e: {  	s3 =	simm.s32 @!p0 $0x1082;
	s9 =	sld [smem:$0x3FAD]  }
0x2f: {  	lr =	sadd.s32 s0, s3;
	s0 =	sld [smem:$0x3FA4]  }
0x30: {  	s3 =	sld [smem:$0x3FA7]  }
0x31: {  	[smem:$0x3FB0] =	sst s10  }
0x32: {  	s10 =	sld [smem:$0x3FAE];
	_ =	sdelay $0x3  }
0x33: {  	p0 =	seq.s32 s10, $0x1;
	s10 =	sld [smem:$0x3FB0];
	_ =	sdelay $0x3  }
0x34: {  	[smem:$0x3FB0] =	sst s10  }
0x35: {  	s10 =	sld [smem:$0x3FAF];
	_ =	sdelay $0x3  }
0x36: {  	p1 =	seq.s32 s10, $0x1;
	s10 =	sld [smem:$0x3FB0];
	_ =	sdelay $0x3  }
0x37: {  	[smem:$0x3FB0] =	sst s10  }
0x38: {  	s10 =	sld [smem:$0x3FB1]  }
0x39: {  	_ = 	snop;
	(pc) =	sbr.ind lr, $3  }
0x3a: {  	_ = 	snop  }
0x3b: {  	_ = 	snop  }
0x3c: {  	p2 =	seq.s32 s10, $0x1;
	s10 =	sld [smem:$0x3FB0]  }
0x3d: {  	_ =	shalt  }
0x3e: {  	_ =	shalt  }
0x3f: {  	_ =	shalt  }
0x40: {  	_ =	shalt  }
0x41: {  	_ =	shalt  }
0x42: {  	_ =	shalt  }
0x43: {  	_ =	shalt  }
0x44: {  	_ =	shalt  }
0x45: {  	_ =	shalt  }
0x46: {  	_ =	shalt  }
0x47: {  	_ =	shalt  }
0x48: {  	_ =	shalt  }
0x49: {  	_ =	shalt  }
0x4a: {  	_ =	shalt  }
0x4b: {  	_ =	shalt  }
0x4c: {  	_ =	shalt  }
0x4d: {  	_ =	shalt  }
0x4e: {  	_ =	shalt  }
0x4f: {  	_ =	shalt  }
0x50: {  	_ =	shalt  }
0x51: {  	_ =	shalt  }
0x52: {  	_ =	shalt  }
0x53: {  	_ =	shalt  }
0x54: {  	_ =	shalt  }
0x55: {  	_ =	shalt  }
0x56: {  	_ =	shalt  }
0x57: {  	_ =	shalt  }
0x58: {  	_ =	shalt  }
0x59: {  	_ =	shalt  }
0x5a: {  	_ =	shalt  }
0x5b: {  	_ =	shalt  }
0x5c: {  	_ =	shalt  }
0x5d: {  	_ =	shalt  }
0x5e: {  	_ =	shalt  }
0x5f: {  	_ =	shalt  }
0x60: {  	_ =	shalt  }
0x61: {  	_ =	shalt  }
0x62: {  	_ =	shalt  }
0x63: {  	_ =	shalt  }
0x64: {  	_ =	shalt  }
0x65: {  	_ =	shalt  }
0x66: {  	_ =	shalt  }
0x67: {  	_ =	shalt  }
0x68: {  	_ =	shalt  }
0x69: {  	_ =	shalt  }
0x6a: {  	_ =	shalt  }
0x6b: {  	_ =	shalt  }
0x6c: {  	_ =	shalt  }
0x6d: {  	_ =	shalt  }
0x6e: {  	_ =	shalt  }
0x6f: {  	_ =	shalt  }
0x70: {  	_ =	shalt  }
0x71: {  	_ =	shalt  }
0x72: {  	_ =	shalt  }
0x73: {  	_ =	shalt  }
0x74: {  	_ =	shalt  }
0x75: {  	_ =	shalt  }
0x76: {  	_ =	shalt  }
0x77: {  	_ =	shalt  }
0x78: {  	_ =	shalt  }
0x79: {  	_ =	shalt  }
0x7a: {  	_ =	shalt  }
0x7b: {  	_ =	shalt  }
0x7c: {  	_ =	shalt  }
0x7d: {  	_ =	shalt  }
0x7e: {  	_ =	shalt  }
0x7f: {  	_ =	shalt  }
0x80: {  	_ =	shalt  }
0x81: {  	_ =	shalt  }
0x82: {  	_ =	shalt  }
0x83: {  	_ =	shalt  }
0x84: {  	_ =	shalt  }
0x85: {  	_ =	shalt  }
0x86: {  	_ =	shalt  }
0x87: {  	_ =	shalt  }
.Lfunc_end0:
.L_simem_size_0:
called_computation.2_lowered:
.L_overlay_start_0:
0x88: {  	s2 =	sld [smem:$0x3FD9]  }
0x89: {  	s3 =	sld [smem:$0x3FFE];
	_ =	sdelay $0x1  }
0x8a: {  	s1 =	srdreg.scid  }
0x8b: {  	s0 =	sand.u32 $0x1, s1  }
0x8c: {  	s14 =	sshll.u32 s0, $0xA;
	s2 =	sadd.s32 s3, s2  }
0x8d: {  	s2 =	sadd.s32 s2, s14  }
0x8e: {  	[smem:$0x3FBC] =	sst s2  }
0x8f: {  	_ = 	snop  }
0x90: {  	s2 =	sld [smem:$0x3FD0];
	_ =	sdelay $0x2  }
0x91: {  	s15 =	simm.s32 $0xA;
	s4 =	simm.s32 $0x10  }
0x92: {  	[smem:s4], [sflag:s15] =	dma.local [hbm:s2], $0x1  }
0x93: {  	_ =	swait.eq [sflag:s15], $0x1  }
0x94: {  	[sflag:s15] =	ssyncset.done $0x0  }
0x95: {  	[sflag:s15] =	ssyncadd.s32 $0xFFFFFFFF  }
0x96: {  	s16 =	sld [smem:$0x12];
	(tm) =	ssettm $0x1  }
0x97: {  	s17 =	sld [smem:$0x3FFB];
	_ =	sdelay $0x3  }
0x98: {  	_ =	strace s17  }
0x99: {  	s3 =	sld [smem:$0x3FFC];
	_ =	sdelay $0x3  }
0x9a: {  	_ =	strace s3  }
0x9b: {  	s3 =	sld [smem:$0x3FFD];
	_ =	sdelay $0x3  }
0x9c: {  	_ =	strace s3  }
0x9d: {  	_ =	strace $0x8FFFFFFF  }
0x9e: {  	s18 =	sld [smem:$0x3FDB];
	_ =	sdelay $0x1  }
0x9f: {  	s19 =	simm.s32 $_scs_section_size  }
0xa0: {  	s5 =	simm.s32 $_size__tile_overlayer_lowered;
	s6 =	simm.s32 $_tile_overlayer_lowered  }
0xa1: {  	s22 =	simm.s32 $0x1BFF;
	s21 =	sshll.u32 s6, $0x1;
	s3 =	sadd.s32 s19, s18  }
0xa2: {  	s7 =	simm.s32 $0x0;
	s20 =	sshll.u32 s5, $0x1;
	s5 =	sadd.s32 s21, s3  }
0xa3: {  	[timem:s7], [sflag:s22] =	dma.local [hbm:s5], s20  }
0xa4: {  	_ =	swait.ge [sflag:s22], s20  }
0xa5: {  	s4 =	ssub.s32 $0x0, s20;
	[sflag:s22] =	ssyncset.done $0x0  }
0xa6: {  	[sflag:s22] =	ssyncadd.s32 s4;
	_ =	sdelay $0x1  }
0xa7: {  	s23 =	simm.s32 $0x1B8B  }
0xa8: {  	_ =	swait.ge [sflag:s23], $0x1  }
0xa9: {  	[sflag:s23] =	ssyncset.done $0x0  }
0xaa: {  	s25 =	simm.s32 $0x1B8E;
	s24 =	sld [smem:$0x3FFE];
	[sflag:s23] =	ssyncadd.s32 $0xFFFFFFFF  }
0xab: {  	s26 =	simm.s32 $execute0_lowered;
	[smem:$0x3FD2] =	sst s25  }
0xac: {  	s5 =	sshll.u32 s26, $0x1;
	_ =	strace $0x8000004C;
	[dreg:$0x1] =	wrdreg $0xFFFFFFFF  }
0xad: {  	s28 =	simm.s32 $_size_execute0_lowered;
	s3 =	sadd.s32 s3, s5;
	[dreg:$0x0] =	wrdreg $0x0  }
0xae: {  	s5 =	sshll.u32 s28, $0x1;
	[dreg:$0x2] =	wrdreg s3  }
0xaf: {  	[dreg:$0x3] =	wrdreg s5  }
0xb0: {  	[dreg:$0x4] =	wrdreg $0xC0  }
0xb1: {  	_ =	task [dreg:s7], $0x5FFFF  }
0xb2: {  	[dreg:$0x1] =	wrdreg $0xFFFFFFFF  }
0xb3: {  	[dreg:$0x0] =	wrdreg $0x60  }
0xb4: {  	[dreg:$0x2] =	wrdreg s16  }
0xb5: {  	[dreg:$0x3] =	wrdreg s24  }
0xb6: {  	[dreg:$0x4] =	wrdreg $0xCD000  }
0xb7: {  	[dreg:$0x5] =	wrdreg $0x9  }
0xb8: {  	_ =	task.clear_ibuf [dreg:s7], $0x6FFFF;
	_ =	strace $0x9000004C  }
0xb9: {  	s29 =	simm.s32 $0x9;
	_ =	strace $0x8000004E  }
0xba: {  	_ =	swait.ge [sflag:s29], $0x1  }
0xbb: {  	[sflag:s29] =	ssyncadd.s32 $0xFFFFFFFF  }
0xbc: {  	_ =	strace $0x9000004E  }
0xbd: {  	_ =	sfence  }
0xbe: {  	s30 =	sld [smem:$0x0];
	_ =	sdelay $0x2  }
0xbf: {  	s31 =	sshll.u32 s1, $0xD;
	s1 =	sshrl.u32 s1, $0x2  }
0xc0: {  	s3 =	sand.u32 $0x4000, s31;
	s1 =	sadd.s32 s1, s30  }
0xc1: {  	s0 =	sor.u32 s3, s0;
	s1 =	sshll.u32 s1, $0x11  }
0xc2: {  	s0 =	sor.u32 s1, s0  }
0xc3: {  	s0 =	sadd.s32 $0x8F2B, s0  }
0xc4: {  	[sflag:s0] =	ssyncadd.remote.s32 $0x1  }
0xc5: {  	_ =	sfence.sel $0xFFFF  }
0xc6: {  	[dreg:$0x0] =	wrdreg $0xFFFFFFFF;
	(pc) =	sbr.abs _section_cstart, $3  }
0xc7: {  	[dreg:$0x1] =	wrdreg $0xFFFFFFFF  }
0xc8: {  	_ =	task.clear_ibuf [dreg:s7], $0x2FFFF;
	_ =	strace $0x9FFFFFFF  }
0xc9: {  	(tm) =	ssettm $0x7FFFFFFF  }
tec
execute0_lowered:
.L_overlay_start_1:
0x0: {  	(tag) =	ssettag $0x1  }
0x1: {  	s1 =	rddreg [dreg:$0x0]  }
0x2: {  	s0 =	srdreg.scid;
	s5 =	rddreg [dreg:$0x1]  }
0x3: {  	s12 =	stileid.u32;
	s3 =	rddreg [dreg:$0x2]  }
0x4: {  	s4 =	simm.s32 $0x0;
	s13 =	simm.s32 $0x5000;
	s15 =	simm.s32 $0x6F40  }
0x5: {  	s16 =	simm.s32 $0x1;
	s19 =	simm.s32 $0x8E80;
	s20 =	simm.s32 $0x2  }
0x6: {  	s21 =	simm.s32 $0x180;
	s22 =	simm.s32 $0x300;
	s23 =	simm.s32 $0xADC0  }
0x7: {  	s24 =	simm.s32 $0x3;
	s25 =	simm.s32 $0x5;
	s28 =	simm.s32 $0x6  }
0x8: {  	s29 =	simm.s32 $0x7;
	s30 =	simm.s32 $0x8;
	s31 =	simm.s32 $0x4E80  }
0x9: {  	s0 =	sand.u32 $0x1, s0;
	s2 =	sshll.u32 s12, $0x1;
	s6 =	smul.u32 $0xA000, s12  }
0xa: {  	[smem:$0x7FF] =	sst s4;
	s26 =	sshll.u32 s12, $0x6;
	s12 =	simm.s32 $0x7D  }
0xb: {  	s2 =	sor.u32 s0, s2;
	s7 =	smul.u32 $0xA0000, s0;
	_ =	strace $0x8000004D  }
0xc: {  	s0 =	ssub.s32 $0x2, s0;
	s2 =	smul.u32 $0xA00, s2;
	s8 =	sshrl.u32 s6, $0x3  }
0xd: {  	s9 =	sshrl.u32 s0, $0x1;
	s11 =	sadd.s32 s6, s3;
	s7 =	sadd.s32 s6, s7  }
0xe: {  	s8 =	sadd.s32 s8, s5;
	s0 =	ssub.s32 s0, s9;
	s6 =	sor.u32 $0x1C09, s26  }
0xf: {  	s26 =	simm.s32 $0x4;
	s2 =	sadd.s32 s2, s5;
	s7 =	sshrl.u32 s7, $0x3  }
0x10: {  	s9 =	smax.u32 s0, $0x1;
	s0 =	simm.s32 $0x0;
	s10 =	sadd.s32 s7, s5  }
0x11: {  	s5 =	sadd.s32 $0x17A00, s8;
	s7 =	sadd.s32 $0x3A00, s2;
	s2 =	simm.s32 $0x4F80  }
0x12: {  	s8 =	sadd.s32 $0x2BA00, s10;
	s10 =	sshrl.u32 s11, $0x3;
	s11 =	simm.s32 $0x9  }
.LBB2_1:
0x13: {  	[spmem:s10], [sflag:s6] =	dma.local [hbm:s5], $0x1400  }
0x14: {  	_ =	swait.ge [sflag:s11], $0x1400  }
0x15: {  	[sflag:s11] =	ssyncset.done $0x0  }
0x16: {  	[sflag:s11] =	ssyncadd.s32 $0xFFFFEC00  }
0x17: {  	[tilespmem:s4], [sflag:$0x9] =	stream.linear.gather [hbm4b:s7+s4], $0x5000, $0x38;
	[tilespmem:$0x16D00] =	vst v63  }
0x18: {  	_ =	swait.ge [sflag:s11], $0x5000  }
0x19: {  	[sflag:s11] =	ssyncset.done $0x0  }
0x1a: {  	[sflag:s11] =	ssyncadd.s32 $0xFFFFB000  }
0x1b: {  	[bflag:$0x0] =	sbarrier.arrive $0xFFFF  }
0x1c: {  	[tilespmem:s13], [sflag:$0x1] =	stream.indirect.gather [hbm4b:s1+s12], $0x40, s4, s12, $0xb8;
	[tilespmem:$0x16D00] =	vst v63  }
0x1d: {  	s14 =	simm.s32 $0x100  }
0x1e: {  	[tilespmem:s15], [sflag:$0x2] =	stream.indirect.gather [hbm4b:s1+s12], $0x40, s14, s12, $0xb8;
	[tilespmem:$0x16D00] =	vst v63  }
0x1f: {  	_ =	swait.ge [sflag:s16], $0x1F40  }
0x20: {  	[sflag:s16] =	ssyncset.done $0x0  }
0x21: {  	s18 =	simm.s32 $0x80;
	[sflag:s16] =	ssyncadd.s32 $0xFFFFE0C0  }
0x22: {  	[spmem:s3] =	stream.indirect.scatter.add.f32 [tilespmem:s13], [sflag:$0x5], $0x40, s18, s12, $0xb8;
	[tilespmem:$0x16D00] =	vst v63  }
0x23: {  	s17 =	simm.s32 $0x200  }
0x24: {  	[tilespmem:s19], [sflag:$0x3] =	stream.indirect.gather [hbm4b:s1+s12], $0x40, s17, s12, $0xb8;
	[tilespmem:$0x16D00] =	vst v63  }
0x25: {  	_ =	swait.ge [sflag:s20], $0x1F40  }
0x26: {  	[sflag:s20] =	ssyncset.done $0x0  }
0x27: {  	[sflag:s20] =	ssyncadd.s32 $0xFFFFE0C0  }
0x28: {  	[spmem:s3] =	stream.indirect.scatter.add.f32 [tilespmem:s15], [sflag:$0x6], $0x40, s21, s12, $0xb8;
	[tilespmem:$0x16D00] =	vst v63  }
0x29: {  	_ = 	snop  }
0x2a: {  	[tilespmem:s23], [sflag:$0x4] =	stream.indirect.gather [hbm4b:s1+s12], $0x40, s22, s12, $0xb8;
	[tilespmem:$0x16D00] =	vst v63  }
0x2b: {  	_ =	swait.ge [sflag:s24], $0x1F40  }
0x2c: {  	[sflag:s24] =	ssyncset.done $0x0  }
0x2d: {  	s18 =	simm.s32 $0x280;
	[sflag:s24] =	ssyncadd.s32 $0xFFFFE0C0  }
0x2e: {  	[spmem:s3] =	stream.indirect.scatter.add.f32 [tilespmem:s19], [sflag:$0x7], $0x40, s18, s12, $0xb8;
	[tilespmem:$0x16D00] =	vst v63  }
0x2f: {  	_ =	swait.ge [sflag:s25], $0x1F40  }
0x30: {  	[sflag:s25] =	ssyncset.done $0x0  }
0x31: {  	s17 =	simm.s32 $0x400;
	[sflag:s25] =	ssyncadd.s32 $0xFFFFE0C0  }
0x32: {  	[tilespmem:s13], [sflag:$0x1] =	stream.indirect.gather [hbm4b:s1+s12], $0x40, s17, s12, $0xb8;
	[tilespmem:$0x16D00] =	vst v63  }
0x33: {  	_ =	swait.ge [sflag:s26], $0x1F40  }
0x34: {  	[sflag:s26] =	ssyncset.done $0x0  }
0x35: {  	s18 =	simm.s32 $0x380;
	[sflag:s26] =	ssyncadd.s32 $0xFFFFE0C0  }
0x36: {  	[spmem:s3] =	stream.indirect.scatter.add.f32 [tilespmem:s23], [sflag:$0x8], $0x40, s18, s12, $0xb8;
	[tilespmem:$0x16D00] =	vst v63  }
0x37: {  	_ =	swait.ge [sflag:s28], $0x1F40  }
0x38: {  	[sflag:s28] =	ssyncset.done $0x0  }
0x39: {  	s17 =	simm.s32 $0x500;
	[sflag:s28] =	ssyncadd.s32 $0xFFFFE0C0  }
0x3a: {  	[tilespmem:s15], [sflag:$0x2] =	stream.indirect.gather [hbm4b:s1+s12], $0x40, s17, s12, $0xb8;
	[tilespmem:$0x16D00] =	vst v63  }
0x3b: {  	_ =	swait.ge [sflag:s16], $0x1F40  }
0x3c: {  	[sflag:s16] =	ssyncset.done $0x0  }
0x3d: {  	s18 =	simm.s32 $0x480;
	[sflag:s16] =	ssyncadd.s32 $0xFFFFE0C0  }
0x3e: {  	[spmem:s3] =	stream.indirect.scatter.add.f32 [tilespmem:s13], [sflag:$0x5], $0x40, s18, s12, $0xb8;
	[tilespmem:$0x16D00] =	vst v63  }
0x3f: {  	_ =	swait.ge [sflag:s29], $0x1F40  }
0x40: {  	[sflag:s29] =	ssyncset.done $0x0  }
0x41: {  	s17 =	simm.s32 $0x600;
	[sflag:s29] =	ssyncadd.s32 $0xFFFFE0C0  }
0x42: {  	[tilespmem:s19], [sflag:$0x3] =	stream.indirect.gather [hbm4b:s1+s12], $0x40, s17, s12, $0xb8;
	[tilespmem:$0x16D00] =	vst v63  }
0x43: {  	_ =	swait.ge [sflag:s20], $0x1F40  }
0x44: {  	[sflag:s20] =	ssyncset.done $0x0  }
0x45: {  	s18 =	simm.s32 $0x580;
	[sflag:s20] =	ssyncadd.s32 $0xFFFFE0C0  }
0x46: {  	[spmem:s3] =	stream.indirect.scatter.add.f32 [tilespmem:s15], [sflag:$0x6], $0x40, s18, s12, $0xb8;
	[tilespmem:$0x16D00] =	vst v63  }
0x47: {  	_ =	swait.ge [sflag:s30], $0x1F40  }
0x48: {  	[sflag:s30] =	ssyncset.done $0x0  }
0x49: {  	s14 =	simm.s32 $0x1000;
	s17 =	simm.s32 $0x700;
	[sflag:s30] =	ssyncadd.s32 $0xFFFFE0C0  }
.LBB2_2:
0x4a: {  	[tilespmem:s23], [sflag:$0x4] =	stream.indirect.gather [hbm4b:s1+s12], $0x40, s17, s12, $0xb8;
	[tilespmem:$0x16D00] =	vst v63  }
0x4b: {  	s17 =	smov.u32 s14  }
0x4c: {  	p0 =	sne.s32 s14, $0x12000;
	s14 =	sadd.s32 $0x1000, s14;
	_ =	swait.ge [sflag:s24], $0x1F40  }
0x4d: {  	s17 =	sshra.s32 s17, $0x2;
	[sflag:s24] =	ssyncset.done $0x0  }
0x4e: {  	s18 =	sadd.s32 $0x280, s17;
	[sflag:s24] =	ssyncadd.s32 $0xFFFFE0C0  }
0x4f: {  	[spmem:s3] =	stream.indirect.scatter.add.f32 [tilespmem:s19], [sflag:$0x7], $0x40, s18, s12, $0xb8;
	[tilespmem:$0x16D00] =	vst v63  }
0x50: {  	_ =	swait.ge [sflag:s25], $0x1F40  }
0x51: {  	[sflag:s25] =	ssyncset.done $0x0  }
0x52: {  	s18 =	sadd.s32 $0x400, s17;
	[sflag:s25] =	ssyncadd.s32 $0xFFFFE0C0  }
0x53: {  	[tilespmem:s13], [sflag:$0x1] =	stream.indirect.gather [hbm4b:s1+s12], $0x40, s18, s12, $0xb8;
	[tilespmem:$0x16D00] =	vst v63  }
0x54: {  	_ =	swait.ge [sflag:s26], $0x1F40  }
0x55: {  	[sflag:s26] =	ssyncset.done $0x0  }
0x56: {  	s18 =	sadd.s32 $0x380, s17;
	[sflag:s26] =	ssyncadd.s32 $0xFFFFE0C0  }
0x57: {  	[spmem:s3] =	stream.indirect.scatter.add.f32 [tilespmem:s23], [sflag:$0x8], $0x40, s18, s12, $0xb8;
	[tilespmem:$0x16D00] =	vst v63  }
0x58: {  	_ =	swait.ge [sflag:s28], $0x1F40  }
0x59: {  	[sflag:s28] =	ssyncset.done $0x0  }
0x5a: {  	s18 =	sadd.s32 $0x500, s17;
	[sflag:s28] =	ssyncadd.s32 $0xFFFFE0C0  }
0x5b: {  	[tilespmem:s15], [sflag:$0x2] =	stream.indirect.gather [hbm4b:s1+s12], $0x40, s18, s12, $0xb8;
	[tilespmem:$0x16D00] =	vst v63  }
0x5c: {  	_ =	swait.ge [sflag:s16], $0x1F40  }
0x5d: {  	[sflag:s16] =	ssyncset.done $0x0  }
0x5e: {  	s18 =	sadd.s32 $0x480, s17;
	[sflag:s16] =	ssyncadd.s32 $0xFFFFE0C0  }
0x5f: {  	[spmem:s3] =	stream.indirect.scatter.add.f32 [tilespmem:s13], [sflag:$0x5], $0x40, s18, s12, $0xb8;
	[tilespmem:$0x16D00] =	vst v63  }
0x60: {  	_ =	swait.ge [sflag:s29], $0x1F40  }
0x61: {  	[sflag:s29] =	ssyncset.done $0x0  }
0x62: {  	s18 =	sadd.s32 $0x600, s17;
	[sflag:s29] =	ssyncadd.s32 $0xFFFFE0C0  }
0x63: {  	[tilespmem:s19], [sflag:$0x3] =	stream.indirect.gather [hbm4b:s1+s12], $0x40, s18, s12, $0xb8;
	[tilespmem:$0x16D00] =	vst v63  }
0x64: {  	_ =	swait.ge [sflag:s20], $0x1F40  }
0x65: {  	[sflag:s20] =	ssyncset.done $0x0  }
.Ltmp0:
0x66: {  	s18 =	sadd.s32 $0x580, s17;
	[sflag:s20] =	ssyncadd.s32 $0xFFFFE0C0;
	(pc) =	sbr.rel @p0 .LBB2_2-.Ltmp0, $4  }
0x67: {  	[spmem:s3] =	stream.indirect.scatter.add.f32 [tilespmem:s15], [sflag:$0x6], $0x40, s18, s12, $0xb8;
	[tilespmem:$0x16D00] =	vst v63  }
0x68: {  	_ =	swait.ge [sflag:s30], $0x1F40  }
0x69: {  	[sflag:s30] =	ssyncset.done $0x0  }
0x6a: {  	s17 =	sadd.s32 $0x700, s17;
	[sflag:s30] =	ssyncadd.s32 $0xFFFFE0C0  }
0x6b: {  	[tilespmem:s23], [sflag:$0x4] =	stream.indirect.gather [hbm4b:s1+s12], $0x40, s17, s12, $0xb8;
	[tilespmem:$0x16D00] =	vst v63  }
0x6c: {  	_ =	swait.ge [sflag:s24], $0x1F40  }
0x6d: {  	[sflag:s24] =	ssyncset.done $0x0  }
0x6e: {  	[sflag:s24] =	ssyncadd.s32 $0xFFFFE0C0  }
0x6f: {  	[spmem:s3] =	stream.indirect.scatter.add.f32 [tilespmem:s19], [sflag:$0x7], $0x40, s31, s12, $0xb8;
	[tilespmem:$0x16D00] =	vst v63  }
0x70: {  	_ =	swait.ge [sflag:s25], $0x1F40  }
0x71: {  	[sflag:s25] =	ssyncset.done $0x0  }
0x72: {  	[sflag:s25] =	ssyncadd.s32 $0xFFFFE0C0  }
0x73: {  	_ =	swait.ge [sflag:s26], $0x1F40  }
0x74: {  	[sflag:s26] =	ssyncset.done $0x0  }
0x75: {  	[sflag:s26] =	ssyncadd.s32 $0xFFFFE0C0  }
0x76: {  	[spmem:s3] =	stream.indirect.scatter.add.f32 [tilespmem:s23], [sflag:$0x8], $0x40, s2, s12, $0xb8;
	[tilespmem:$0x16D00] =	vst v63  }
0x77: {  	_ =	swait.ge [sflag:s28], $0x1F40  }
0x78: {  	[sflag:s28] =	ssyncset.done $0x0  }
0x79: {  	[sflag:s28] =	ssyncadd.s32 $0xFFFFE0C0  }
0x7a: {  	_ =	swait.ge [sflag:s29], $0x1F40  }
0x7b: {  	[sflag:s29] =	ssyncset.done $0x0  }
0x7c: {  	[sflag:s29] =	ssyncadd.s32 $0xFFFFE0C0  }
0x7d: {  	_ =	swait.ge [sflag:s30], $0x1F40  }
0x7e: {  	s0 =	sadd.s32 $0x1, s0;
	[sflag:s30] =	ssyncset.done $0x0  }
0x7f: {  	p0 =	sne.s32 s0, s9;
	[sflag:s30] =	ssyncadd.s32 $0xFFFFE0C0  }
.Ltmp1:
0x80: {  	[bflag:$0x0] =	sbarrier.arrive $0xFFFF;
	(pc) =	sbr.rel @p0 .LBB2_1-.Ltmp1, $4  }
0x81: {  	[hbm:s8], [sflag:s6] =	dma.local [spmem:s10], $0x1400  }
0x82: {  	_ =	swait.ge [sflag:s11], $0x1400  }
0x83: {  	[sflag:s11] =	ssyncset.done $0x0  }
0x84: {  	[sflag:s11] =	ssyncadd.s32 $0xFFFFEC00  }
0x85: {  	_ =	sfence.sel $0x180000  }
0x86: {  	[bflag:$0x0] =	sbarrier.arrive $0xFFFF  }
0x87: {  	_ =	strace $0x9000004D  }
0x88: {  	s0 =	stileid.u32;
	[bflag:$0x2] =	sbarrier.arrive $0xFFFF  }
0x89: {  	p0 =	sne.s32 s0, $0x0;
	s0 =	rddreg [dreg:$0x3]  }
0x8a: {  	s0 =	sadd.s32 @!p0 $0x100000, s0  }
0x8b: {  	[sflag:s0] =	ssyncadd.tile.s32 @!p0 $0x1;
	_ =	shalt  }
.Lfunc_end2:
_tile_overlayer_lowered:
.L_overlay_start_2:
0x8c: {  	(tag) =	ssettag $0x2  }
0x8d: {  	s0 =	rddreg [dreg:$0x0];
	s2 =	stileid.u32  }
0x8e: {  	s1 =	rddreg [dreg:$0x1];
	p0 =	sne.s32 s2, $0x0  }
0x8f: {  	s3 =	rddreg [dreg:$0x2];
	[bflag:$0x3] =	sbarrier.arrive $0xFFFF;
	s2 =	simm.s32 @!p0 $0x1C09  }
0x90: {  	[timem:s3], [sflag:s2] =	dma.local @!p0 [hbm:s0], s1  }
0x91: {  	s0 =	simm.s32 @!p0 $0x9  }
0x92: {  	_ =	swait.ge @!p0 [sflag:s0], s1  }
0x93: {  	s1 =	ssub.s32 @!p0 $0x0, s1;
	[sflag:s0] =	ssyncset.done @!p0 $0x0  }
0x94: {  	[sflag:s0] =	ssyncadd.s32 @!p0 s1  }
0x95: {  	[bflag:$0x3] =	sbarrier.arrive $0xFFFF  }
0x96: {  	_ =	shalt  }

// kernel: kernel.23.cloned.1.call-start
scs
__scs_entry_jumppad:
0x0: {  	(pc) =	sbr.rel $0x88, $3  }
0x1: {  	(tag) =	ssettag $0x0;
	lr =	simm.s32 $0x1  }
0x2: {  	[smem:$0x3F95] =	sst lr;
	_ =	strace $0xD0000000  }
0x3: {  	_ = 	snop  }
0x4: {  	_ = 	snop  }
0x5: {  	_ = 	snop  }
0x6: {  	_ = 	snop  }
0x7: {  	_ = 	snop  }
__scs_overlays_trampoline_lowered:
0x8: {  	[smem:$0x3FA4] =	sst s0  }
0x9: {  	[smem:$0x3FA5] =	sst s1  }
0xa: {  	[smem:$0x3FA6] =	sst s2  }
0xb: {  	[smem:$0x3FA7] =	sst s3  }
0xc: {  	[smem:$0x3FA8] =	sst s4  }
0xd: {  	[smem:$0x3FA9] =	sst s5  }
0xe: {  	[smem:$0x3FAA] =	sst s6  }
0xf: {  	[smem:$0x3FAB] =	sst s7  }
0x10: {  	[smem:$0x3FAC] =	sst s8  }
0x11: {  	[smem:$0x3FAD] =	sst s9;
	s0 =	simm.s32 @!p0 $0x0  }
0x12: {  	s1 =	sld [smem:$0x3F93];
	s0 =	simm.s32 @p0 $0x1  }
0x13: {  	[smem:$0x3FAE] =	sst s0;
	s0 =	simm.s32 @!p1 $0x0  }
0x14: {  	s2 =	sld [smem:$0x3F92];
	s0 =	simm.s32 @p1 $0x1  }
0x15: {  	[smem:$0x3FAF] =	sst s0;
	s0 =	simm.s32 @!p2 $0x0  }
0x16: {  	s3 =	sld [smem:$0x3FDB];
	s0 =	simm.s32 @p2 $0x1  }
0x17: {  	s4 =	simm.s32 $0x1BF5;
	[smem:$0x3FB1] =	sst s0  }
0x18: {  	s0 =	sld [smem:$0x3F94];
	_ =	swait.ge [sflag:s4], $0x0  }
0x19: {  	s7 =	sld [smem:$0x3F95]  }
0x1a: {  	s8 =	sadd.s32 $0xFFFFE003, lr  }
0x1b: {  	s9 =	sadd.s32 $0xFFFFFEF7, lr;
	s5 =	simm.s32 $0xFFFFFFFF;
	p2 =	slt.u32 s8, $0xFFFFF086  }
0x1c: {  	p1 =	slt.u32 s9, $0xF7A;
	s5 =	simm.s32 @!p2 $0x0  }
0x1d: {  	s5 =	simm.s32 @p1 $0x1;
	p0 =	seq.s32 s7, s2  }
0x1e: {  	s7 =	smul.u32 @!p0 $0xF7A, s2;
	p2 =	seq.s32 @!p0 s5, $0x0  }
0x1f: {  	s9 =	smul.u32 $0xF7A, s1;
	s8 =	simm.s32 @!p0 $0x1BF5;
	p2 =	por !p2, p0  }
0x20: {  	[sflag:s8] =	ssyncset.s32 @!p0 $0xFFFFF086;
	s6 =	sadd.s32 @!p0 s3, s7;
	s7 =	simm.s32 @!p0 $0x108  }
0x21: {  	s3 =	sadd.s32 s3, s9;
	s6 =	sadd.s32 @!p0 $0x88, s6;
	s7 =	simm.s32 @p2 $0x1082  }
0x22: {  	[simem:s7], [sflag:s8] =	dma.local @!p0 [hbm:s6], $0xF7A  }
0x23: {  	s9 =	sor.u32 $0xD0000000, s2;
	s6 =	simm.s32 $0x108;
	_ =	swait.ge @!p0 [sflag:s8], $0x0  }
0x24: {  	s3 =	sadd.s32 $0x88, s3;
	s6 =	simm.s32 @!p1 $0x1082;
	[sflag:s4] =	ssyncset.s32 $0xFFFFF086  }
0x25: {  	[simem:s6], [sflag:s4] =	dma.local [hbm:s3], $0xF7A  }
0x26: {  	[smem:$0x3F95] =	sst s1;
	(tag) =	ssettag s2;
	_ =	strace s9  }
0x27: {  	s1 =	sld [smem:$0x3FA5]  }
0x28: {  	s2 =	sld [smem:$0x3FA6]  }
0x29: {  	s4 =	sld [smem:$0x3FA8]  }
0x2a: {  	p0 =	seq.s32 s5, $0x0;
	s5 =	sld [smem:$0x3FA9]  }
0x2b: {  	s6 =	sld [smem:$0x3FAA]  }
0x2c: {  	s7 =	sld [smem:$0x3FAB]  }
0x2d: {  	s3 =	simm.s32 $0x108;
	s8 =	sld [smem:$0x3FAC]  }
0x2e: {  	s3 =	simm.s32 @!p0 $0x1082;
	s9 =	sld [smem:$0x3FAD]  }
0x2f: {  	lr =	sadd.s32 s0, s3;
	s0 =	sld [smem:$0x3FA4]  }
0x30: {  	s3 =	sld [smem:$0x3FA7]  }
0x31: {  	[smem:$0x3FB0] =	sst s10  }
0x32: {  	s10 =	sld [smem:$0x3FAE];
	_ =	sdelay $0x3  }
0x33: {  	p0 =	seq.s32 s10, $0x1;
	s10 =	sld [smem:$0x3FB0];
	_ =	sdelay $0x3  }
0x34: {  	[smem:$0x3FB0] =	sst s10  }
0x35: {  	s10 =	sld [smem:$0x3FAF];
	_ =	sdelay $0x3  }
0x36: {  	p1 =	seq.s32 s10, $0x1;
	s10 =	sld [smem:$0x3FB0];
	_ =	sdelay $0x3  }
0x37: {  	[smem:$0x3FB0] =	sst s10  }
0x38: {  	s10 =	sld [smem:$0x3FB1]  }
0x39: {  	_ = 	snop;
	(pc) =	sbr.ind lr, $3  }
0x3a: {  	_ = 	snop  }
0x3b: {  	_ = 	snop  }
0x3c: {  	p2 =	seq.s32 s10, $0x1;
	s10 =	sld [smem:$0x3FB0]  }
0x3d: {  	_ =	shalt  }
0x3e: {  	_ =	shalt  }
0x3f: {  	_ =	shalt  }
0x40: {  	_ =	shalt  }
0x41: {  	_ =	shalt  }
0x42: {  	_ =	shalt  }
0x43: {  	_ =	shalt  }
0x44: {  	_ =	shalt  }
0x45: {  	_ =	shalt  }
0x46: {  	_ =	shalt  }
0x47: {  	_ =	shalt  }
0x48: {  	_ =	shalt  }
0x49: {  	_ =	shalt  }
0x4a: {  	_ =	shalt  }
0x4b: {  	_ =	shalt  }
0x4c: {  	_ =	shalt  }
0x4d: {  	_ =	shalt  }
0x4e: {  	_ =	shalt  }
0x4f: {  	_ =	shalt  }
0x50: {  	_ =	shalt  }
0x51: {  	_ =	shalt  }
0x52: {  	_ =	shalt  }
0x53: {  	_ =	shalt  }
0x54: {  	_ =	shalt  }
0x55: {  	_ =	shalt  }
0x56: {  	_ =	shalt  }
0x57: {  	_ =	shalt  }
0x58: {  	_ =	shalt  }
0x59: {  	_ =	shalt  }
0x5a: {  	_ =	shalt  }
0x5b: {  	_ =	shalt  }
0x5c: {  	_ =	shalt  }
0x5d: {  	_ =	shalt  }
0x5e: {  	_ =	shalt  }
0x5f: {  	_ =	shalt  }
0x60: {  	_ =	shalt  }
0x61: {  	_ =	shalt  }
0x62: {  	_ =	shalt  }
0x63: {  	_ =	shalt  }
0x64: {  	_ =	shalt  }
0x65: {  	_ =	shalt  }
0x66: {  	_ =	shalt  }
0x67: {  	_ =	shalt  }
0x68: {  	_ =	shalt  }
0x69: {  	_ =	shalt  }
0x6a: {  	_ =	shalt  }
0x6b: {  	_ =	shalt  }
0x6c: {  	_ =	shalt  }
0x6d: {  	_ =	shalt  }
0x6e: {  	_ =	shalt  }
0x6f: {  	_ =	shalt  }
0x70: {  	_ =	shalt  }
0x71: {  	_ =	shalt  }
0x72: {  	_ =	shalt  }
0x73: {  	_ =	shalt  }
0x74: {  	_ =	shalt  }
0x75: {  	_ =	shalt  }
0x76: {  	_ =	shalt  }
0x77: {  	_ =	shalt  }
0x78: {  	_ =	shalt  }
0x79: {  	_ =	shalt  }
0x7a: {  	_ =	shalt  }
0x7b: {  	_ =	shalt  }
0x7c: {  	_ =	shalt  }
0x7d: {  	_ =	shalt  }
0x7e: {  	_ =	shalt  }
0x7f: {  	_ =	shalt  }
0x80: {  	_ =	shalt  }
0x81: {  	_ =	shalt  }
0x82: {  	_ =	shalt  }
0x83: {  	_ =	shalt  }
0x84: {  	_ =	shalt  }
0x85: {  	_ =	shalt  }
0x86: {  	_ =	shalt  }
0x87: {  	_ =	shalt  }
.Lfunc_end0:
.L_simem_size_0:
called_computation.3_lowered:
.L_overlay_start_0:
0x88: {  	s2 =	sld [smem:$0x3FD9]  }
0x89: {  	s3 =	sld [smem:$0x3FFE];
	_ =	sdelay $0x1  }
0x8a: {  	s1 =	srdreg.scid  }
0x8b: {  	s0 =	sand.u32 $0x1, s1  }
0x8c: {  	s14 =	sshll.u32 s0, $0xA;
	s2 =	sadd.s32 s3, s2  }
0x8d: {  	s2 =	sadd.s32 s2, s14  }
0x8e: {  	[smem:$0x3FBC] =	sst s2  }
0x8f: {  	_ = 	snop  }
0x90: {  	s2 =	sld [smem:$0x3FD0];
	_ =	sdelay $0x2  }
0x91: {  	s15 =	simm.s32 $0xA;
	s4 =	simm.s32 $0x10  }
0x92: {  	[smem:s4], [sflag:s15] =	dma.local [hbm:s2], $0x1  }
0x93: {  	_ =	swait.eq [sflag:s15], $0x1  }
0x94: {  	[sflag:s15] =	ssyncset.done $0x0  }
0x95: {  	[sflag:s15] =	ssyncadd.s32 $0xFFFFFFFF  }
0x96: {  	s16 =	sld [smem:$0x12];
	(tm) =	ssettm $0x1  }
0x97: {  	s17 =	sld [smem:$0x3FFB];
	_ =	sdelay $0x3  }
0x98: {  	_ =	strace s17  }
0x99: {  	s3 =	sld [smem:$0x3FFC];
	_ =	sdelay $0x3  }
0x9a: {  	_ =	strace s3  }
0x9b: {  	s3 =	sld [smem:$0x3FFD];
	_ =	sdelay $0x3  }
0x9c: {  	_ =	strace s3  }
0x9d: {  	_ =	strace $0x8FFFFFFF  }
0x9e: {  	s18 =	sld [smem:$0x3FDB];
	_ =	sdelay $0x1  }
0x9f: {  	s19 =	simm.s32 $_scs_section_size  }
0xa0: {  	s5 =	simm.s32 $_size__tile_overlayer_lowered;
	s6 =	simm.s32 $_tile_overlayer_lowered  }
0xa1: {  	s22 =	simm.s32 $0x1BFF;
	s21 =	sshll.u32 s6, $0x1;
	s3 =	sadd.s32 s19, s18  }
0xa2: {  	s7 =	simm.s32 $0x0;
	s20 =	sshll.u32 s5, $0x1;
	s5 =	sadd.s32 s21, s3  }
0xa3: {  	[timem:s7], [sflag:s22] =	dma.local [hbm:s5], s20  }
0xa4: {  	_ =	swait.ge [sflag:s22], s20  }
0xa5: {  	s4 =	ssub.s32 $0x0, s20;
	[sflag:s22] =	ssyncset.done $0x0  }
0xa6: {  	[sflag:s22] =	ssyncadd.s32 s4;
	_ =	sdelay $0x1  }
0xa7: {  	s23 =	simm.s32 $0x1B8B  }
0xa8: {  	_ =	swait.ge [sflag:s23], $0x1  }
0xa9: {  	[sflag:s23] =	ssyncset.done $0x0  }
0xaa: {  	s25 =	simm.s32 $0x1B8E;
	s24 =	sld [smem:$0x3FFE];
	[sflag:s23] =	ssyncadd.s32 $0xFFFFFFFF  }
0xab: {  	s26 =	simm.s32 $execute0_lowered;
	[smem:$0x3FD2] =	sst s25  }
0xac: {  	s5 =	sshll.u32 s26, $0x1;
	_ =	strace $0x8000004F;
	[dreg:$0x1] =	wrdreg $0xFFFFFFFF  }
0xad: {  	s28 =	simm.s32 $_size_execute0_lowered;
	s3 =	sadd.s32 s3, s5;
	[dreg:$0x0] =	wrdreg $0x0  }
0xae: {  	s5 =	sshll.u32 s28, $0x1;
	[dreg:$0x2] =	wrdreg s3  }
0xaf: {  	[dreg:$0x3] =	wrdreg s5  }
0xb0: {  	[dreg:$0x4] =	wrdreg $0xC0  }
0xb1: {  	_ =	task [dreg:s7], $0x5FFFF  }
0xb2: {  	[dreg:$0x1] =	wrdreg $0xFFFFFFFF  }
0xb3: {  	[dreg:$0x0] =	wrdreg $0x60  }
0xb4: {  	[dreg:$0x2] =	wrdreg s16  }
0xb5: {  	[dreg:$0x3] =	wrdreg s24  }
0xb6: {  	[dreg:$0x4] =	wrdreg $0xCD000  }
0xb7: {  	[dreg:$0x5] =	wrdreg $0x9  }
0xb8: {  	_ =	task.clear_ibuf [dreg:s7], $0x6FFFF;
	_ =	strace $0x9000004F  }
0xb9: {  	s29 =	simm.s32 $0x9;
	_ =	strace $0x80000051  }
0xba: {  	_ =	swait.ge [sflag:s29], $0x1  }
0xbb: {  	[sflag:s29] =	ssyncadd.s32 $0xFFFFFFFF  }
0xbc: {  	_ =	strace $0x90000051  }
0xbd: {  	_ =	sfence  }
0xbe: {  	s30 =	sld [smem:$0x0];
	_ =	sdelay $0x2  }
0xbf: {  	s31 =	sshll.u32 s1, $0xD;
	s1 =	sshrl.u32 s1, $0x2  }
0xc0: {  	s3 =	sand.u32 $0x4000, s31;
	s1 =	sadd.s32 s1, s30  }
0xc1: {  	s0 =	sor.u32 s3, s0;
	s1 =	sshll.u32 s1, $0x11  }
0xc2: {  	s0 =	sor.u32 s1, s0  }
0xc3: {  	s0 =	sadd.s32 $0x8F2B, s0  }
0xc4: {  	[sflag:s0] =	ssyncadd.remote.s32 $0x1  }
0xc5: {  	_ =	sfence.sel $0xFFFF  }
0xc6: {  	[dreg:$0x0] =	wrdreg $0xFFFFFFFF;
	(pc) =	sbr.abs _section_cstart, $3  }
0xc7: {  	[dreg:$0x1] =	wrdreg $0xFFFFFFFF  }
0xc8: {  	_ =	task.clear_ibuf [dreg:s7], $0x2FFFF;
	_ =	strace $0x9FFFFFFF  }
0xc9: {  	(tm) =	ssettm $0x7FFFFFFF  }
tec
execute0_lowered:
.L_overlay_start_1:
0x0: {  	(tag) =	ssettag $0x1  }
0x1: {  	s1 =	rddreg [dreg:$0x0]  }
0x2: {  	s0 =	srdreg.scid;
	s5 =	rddreg [dreg:$0x1]  }
0x3: {  	s12 =	stileid.u32;
	s3 =	rddreg [dreg:$0x2]  }
0x4: {  	s4 =	simm.s32 $0x0;
	s13 =	simm.s32 $0x5000;
	s15 =	simm.s32 $0x6F40  }
0x5: {  	s16 =	simm.s32 $0x1;
	s19 =	simm.s32 $0x8E80;
	s20 =	simm.s32 $0x2  }
0x6: {  	s21 =	simm.s32 $0x180;
	s22 =	simm.s32 $0x300;
	s23 =	simm.s32 $0xADC0  }
0x7: {  	s24 =	simm.s32 $0x3;
	s25 =	simm.s32 $0x5;
	s28 =	simm.s32 $0x6  }
0x8: {  	s29 =	simm.s32 $0x7;
	s30 =	simm.s32 $0x8;
	s31 =	simm.s32 $0x4E80  }
0x9: {  	s0 =	sand.u32 $0x1, s0;
	s2 =	sshll.u32 s12, $0x1;
	s6 =	smul.u32 $0xA000, s12  }
0xa: {  	[smem:$0x7FF] =	sst s4;
	s26 =	sshll.u32 s12, $0x6;
	s12 =	simm.s32 $0x7D  }
0xb: {  	s2 =	sor.u32 s0, s2;
	s7 =	smul.u32 $0xA0000, s0;
	_ =	strace $0x80000050  }
0xc: {  	s0 =	ssub.s32 $0x2, s0;
	s2 =	smul.u32 $0xA00, s2;
	s8 =	sshrl.u32 s6, $0x3  }
0xd: {  	s9 =	sshrl.u32 s0, $0x1;
	s11 =	sadd.s32 s6, s3;
	s7 =	sadd.s32 s6, s7  }
0xe: {  	s8 =	sadd.s32 s8, s5;
	s0 =	ssub.s32 s0, s9;
	s6 =	sor.u32 $0x1C09, s26  }
0xf: {  	s26 =	simm.s32 $0x4;
	s2 =	sadd.s32 s2, s5;
	s7 =	sshrl.u32 s7, $0x3  }
0x10: {  	s9 =	smax.u32 s0, $0x1;
	s0 =	simm.s32 $0x0;
	s10 =	sadd.s32 s7, s5  }
0x11: {  	s5 =	sadd.s32 $0x17A00, s8;
	s7 =	sadd.s32 $0x3A00, s2;
	s2 =	simm.s32 $0x4F80  }
0x12: {  	s8 =	sadd.s32 $0x2BA00, s10;
	s10 =	sshrl.u32 s11, $0x3;
	s11 =	simm.s32 $0x9  }
.LBB2_1:
0x13: {  	[spmem:s10], [sflag:s6] =	dma.local [hbm:s5], $0x1400  }
0x14: {  	_ =	swait.ge [sflag:s11], $0x1400  }
0x15: {  	[sflag:s11] =	ssyncset.done $0x0  }
0x16: {  	[sflag:s11] =	ssyncadd.s32 $0xFFFFEC00  }
0x17: {  	[tilespmem:s4], [sflag:$0x9] =	stream.linear.gather [hbm4b:s7+s4], $0x5000, $0x38;
	[tilespmem:$0x16D00] =	vst v63  }
0x18: {  	_ =	swait.ge [sflag:s11], $0x5000  }
0x19: {  	[sflag:s11] =	ssyncset.done $0x0  }
0x1a: {  	[sflag:s11] =	ssyncadd.s32 $0xFFFFB000  }
0x1b: {  	[bflag:$0x0] =	sbarrier.arrive $0xFFFF  }
0x1c: {  	[tilespmem:s13], [sflag:$0x1] =	stream.indirect.gather [hbm4b:s1+s12], $0x40, s4, s12, $0xb8;
	[tilespmem:$0x16D00] =	vst v63  }
0x1d: {  	s14 =	simm.s32 $0x100  }
0x1e: {  	[tilespmem:s15], [sflag:$0x2] =	stream.indirect.gather [hbm4b:s1+s12], $0x40, s14, s12, $0xb8;
	[tilespmem:$0x16D00] =	vst v63  }
0x1f: {  	_ =	swait.ge [sflag:s16], $0x1F40  }
0x20: {  	[sflag:s16] =	ssyncset.done $0x0  }
0x21: {  	s18 =	simm.s32 $0x80;
	[sflag:s16] =	ssyncadd.s32 $0xFFFFE0C0  }
0x22: {  	[spmem:s3] =	stream.indirect.scatter.add.f32 [tilespmem:s13], [sflag:$0x5], $0x40, s18, s12, $0xb8;
	[tilespmem:$0x16D00] =	vst v63  }
0x23: {  	s17 =	simm.s32 $0x200  }
0x24: {  	[tilespmem:s19], [sflag:$0x3] =	stream.indirect.gather [hbm4b:s1+s12], $0x40, s17, s12, $0xb8;
	[tilespmem:$0x16D00] =	vst v63  }
0x25: {  	_ =	swait.ge [sflag:s20], $0x1F40  }
0x26: {  	[sflag:s20] =	ssyncset.done $0x0  }
0x27: {  	[sflag:s20] =	ssyncadd.s32 $0xFFFFE0C0  }
0x28: {  	[spmem:s3] =	stream.indirect.scatter.add.f32 [tilespmem:s15], [sflag:$0x6], $0x40, s21, s12, $0xb8;
	[tilespmem:$0x16D00] =	vst v63  }
0x29: {  	_ = 	snop  }
0x2a: {  	[tilespmem:s23], [sflag:$0x4] =	stream.indirect.gather [hbm4b:s1+s12], $0x40, s22, s12, $0xb8;
	[tilespmem:$0x16D00] =	vst v63  }
0x2b: {  	_ =	swait.ge [sflag:s24], $0x1F40  }
0x2c: {  	[sflag:s24] =	ssyncset.done $0x0  }
0x2d: {  	s18 =	simm.s32 $0x280;
	[sflag:s24] =	ssyncadd.s32 $0xFFFFE0C0  }
0x2e: {  	[spmem:s3] =	stream.indirect.scatter.add.f32 [tilespmem:s19], [sflag:$0x7], $0x40, s18, s12, $0xb8;
	[tilespmem:$0x16D00] =	vst v63  }
0x2f: {  	_ =	swait.ge [sflag:s25], $0x1F40  }
0x30: {  	[sflag:s25] =	ssyncset.done $0x0  }
0x31: {  	s17 =	simm.s32 $0x400;
	[sflag:s25] =	ssyncadd.s32 $0xFFFFE0C0  }
0x32: {  	[tilespmem:s13], [sflag:$0x1] =	stream.indirect.gather [hbm4b:s1+s12], $0x40, s17, s12, $0xb8;
	[tilespmem:$0x16D00] =	vst v63  }
0x33: {  	_ =	swait.ge [sflag:s26], $0x1F40  }
0x34: {  	[sflag:s26] =	ssyncset.done $0x0  }
0x35: {  	s18 =	simm.s32 $0x380;
	[sflag:s26] =	ssyncadd.s32 $0xFFFFE0C0  }
0x36: {  	[spmem:s3] =	stream.indirect.scatter.add.f32 [tilespmem:s23], [sflag:$0x8], $0x40, s18, s12, $0xb8;
	[tilespmem:$0x16D00] =	vst v63  }
0x37: {  	_ =	swait.ge [sflag:s28], $0x1F40  }
0x38: {  	[sflag:s28] =	ssyncset.done $0x0  }
0x39: {  	s17 =	simm.s32 $0x500;
	[sflag:s28] =	ssyncadd.s32 $0xFFFFE0C0  }
0x3a: {  	[tilespmem:s15], [sflag:$0x2] =	stream.indirect.gather [hbm4b:s1+s12], $0x40, s17, s12, $0xb8;
	[tilespmem:$0x16D00] =	vst v63  }
0x3b: {  	_ =	swait.ge [sflag:s16], $0x1F40  }
0x3c: {  	[sflag:s16] =	ssyncset.done $0x0  }
0x3d: {  	s18 =	simm.s32 $0x480;
	[sflag:s16] =	ssyncadd.s32 $0xFFFFE0C0  }
0x3e: {  	[spmem:s3] =	stream.indirect.scatter.add.f32 [tilespmem:s13], [sflag:$0x5], $0x40, s18, s12, $0xb8;
	[tilespmem:$0x16D00] =	vst v63  }
0x3f: {  	_ =	swait.ge [sflag:s29], $0x1F40  }
0x40: {  	[sflag:s29] =	ssyncset.done $0x0  }
0x41: {  	s17 =	simm.s32 $0x600;
	[sflag:s29] =	ssyncadd.s32 $0xFFFFE0C0  }
0x42: {  	[tilespmem:s19], [sflag:$0x3] =	stream.indirect.gather [hbm4b:s1+s12], $0x40, s17, s12, $0xb8;
	[tilespmem:$0x16D00] =	vst v63  }
0x43: {  	_ =	swait.ge [sflag:s20], $0x1F40  }
0x44: {  	[sflag:s20] =	ssyncset.done $0x0  }
0x45: {  	s18 =	simm.s32 $0x580;
	[sflag:s20] =	ssyncadd.s32 $0xFFFFE0C0  }
0x46: {  	[spmem:s3] =	stream.indirect.scatter.add.f32 [tilespmem:s15], [sflag:$0x6], $0x40, s18, s12, $0xb8;
	[tilespmem:$0x16D00] =	vst v63  }
0x47: {  	_ =	swait.ge [sflag:s30], $0x1F40  }
0x48: {  	[sflag:s30] =	ssyncset.done $0x0  }
0x49: {  	s14 =	simm.s32 $0x1000;
	s17 =	simm.s32 $0x700;
	[sflag:s30] =	ssyncadd.s32 $0xFFFFE0C0  }
.LBB2_2:
0x4a: {  	[tilespmem:s23], [sflag:$0x4] =	stream.indirect.gather [hbm4b:s1+s12], $0x40, s17, s12, $0xb8;
	[tilespmem:$0x16D00] =	vst v63  }
0x4b: {  	s17 =	smov.u32 s14  }
0x4c: {  	p0 =	sne.s32 s14, $0x12000;
	s14 =	sadd.s32 $0x1000, s14;
	_ =	swait.ge [sflag:s24], $0x1F40  }
0x4d: {  	s17 =	sshra.s32 s17, $0x2;
	[sflag:s24] =	ssyncset.done $0x0  }
0x4e: {  	s18 =	sadd.s32 $0x280, s17;
	[sflag:s24] =	ssyncadd.s32 $0xFFFFE0C0  }
0x4f: {  	[spmem:s3] =	stream.indirect.scatter.add.f32 [tilespmem:s19], [sflag:$0x7], $0x40, s18, s12, $0xb8;
	[tilespmem:$0x16D00] =	vst v63  }
0x50: {  	_ =	swait.ge [sflag:s25], $0x1F40  }
0x51: {  	[sflag:s25] =	ssyncset.done $0x0  }
0x52: {  	s18 =	sadd.s32 $0x400, s17;
	[sflag:s25] =	ssyncadd.s32 $0xFFFFE0C0  }
0x53: {  	[tilespmem:s13], [sflag:$0x1] =	stream.indirect.gather [hbm4b:s1+s12], $0x40, s18, s12, $0xb8;
	[tilespmem:$0x16D00] =	vst v63  }
0x54: {  	_ =	swait.ge [sflag:s26], $0x1F40  }
0x55: {  	[sflag:s26] =	ssyncset.done $0x0  }
0x56: {  	s18 =	sadd.s32 $0x380, s17;
	[sflag:s26] =	ssyncadd.s32 $0xFFFFE0C0  }
0x57: {  	[spmem:s3] =	stream.indirect.scatter.add.f32 [tilespmem:s23], [sflag:$0x8], $0x40, s18, s12, $0xb8;
	[tilespmem:$0x16D00] =	vst v63  }
0x58: {  	_ =	swait.ge [sflag:s28], $0x1F40  }
0x59: {  	[sflag:s28] =	ssyncset.done $0x0  }
0x5a: {  	s18 =	sadd.s32 $0x500, s17;
	[sflag:s28] =	ssyncadd.s32 $0xFFFFE0C0  }
0x5b: {  	[tilespmem:s15], [sflag:$0x2] =	stream.indirect.gather [hbm4b:s1+s12], $0x40, s18, s12, $0xb8;
	[tilespmem:$0x16D00] =	vst v63  }
0x5c: {  	_ =	swait.ge [sflag:s16], $0x1F40  }
0x5d: {  	[sflag:s16] =	ssyncset.done $0x0  }
0x5e: {  	s18 =	sadd.s32 $0x480, s17;
	[sflag:s16] =	ssyncadd.s32 $0xFFFFE0C0  }
0x5f: {  	[spmem:s3] =	stream.indirect.scatter.add.f32 [tilespmem:s13], [sflag:$0x5], $0x40, s18, s12, $0xb8;
	[tilespmem:$0x16D00] =	vst v63  }
0x60: {  	_ =	swait.ge [sflag:s29], $0x1F40  }
0x61: {  	[sflag:s29] =	ssyncset.done $0x0  }
0x62: {  	s18 =	sadd.s32 $0x600, s17;
	[sflag:s29] =	ssyncadd.s32 $0xFFFFE0C0  }
0x63: {  	[tilespmem:s19], [sflag:$0x3] =	stream.indirect.gather [hbm4b:s1+s12], $0x40, s18, s12, $0xb8;
	[tilespmem:$0x16D00] =	vst v63  }
0x64: {  	_ =	swait.ge [sflag:s20], $0x1F40  }
0x65: {  	[sflag:s20] =	ssyncset.done $0x0  }
.Ltmp0:
0x66: {  	s18 =	sadd.s32 $0x580, s17;
	[sflag:s20] =	ssyncadd.s32 $0xFFFFE0C0;
	(pc) =	sbr.rel @p0 .LBB2_2-.Ltmp0, $4  }
0x67: {  	[spmem:s3] =	stream.indirect.scatter.add.f32 [tilespmem:s15], [sflag:$0x6], $0x40, s18, s12, $0xb8;
	[tilespmem:$0x16D00] =	vst v63  }
0x68: {  	_ =	swait.ge [sflag:s30], $0x1F40  }
0x69: {  	[sflag:s30] =	ssyncset.done $0x0  }
0x6a: {  	s17 =	sadd.s32 $0x700, s17;
	[sflag:s30] =	ssyncadd.s32 $0xFFFFE0C0  }
0x6b: {  	[tilespmem:s23], [sflag:$0x4] =	stream.indirect.gather [hbm4b:s1+s12], $0x40, s17, s12, $0xb8;
	[tilespmem:$0x16D00] =	vst v63  }
0x6c: {  	_ =	swait.ge [sflag:s24], $0x1F40  }
0x6d: {  	[sflag:s24] =	ssyncset.done $0x0  }
0x6e: {  	[sflag:s24] =	ssyncadd.s32 $0xFFFFE0C0  }
0x6f: {  	[spmem:s3] =	stream.indirect.scatter.add.f32 [tilespmem:s19], [sflag:$0x7], $0x40, s31, s12, $0xb8;
	[tilespmem:$0x16D00] =	vst v63  }
0x70: {  	_ =	swait.ge [sflag:s25], $0x1F40  }
0x71: {  	[sflag:s25] =	ssyncset.done $0x0  }
0x72: {  	[sflag:s25] =	ssyncadd.s32 $0xFFFFE0C0  }
0x73: {  	_ =	swait.ge [sflag:s26], $0x1F40  }
0x74: {  	[sflag:s26] =	ssyncset.done $0x0  }
0x75: {  	[sflag:s26] =	ssyncadd.s32 $0xFFFFE0C0  }
0x76: {  	[spmem:s3] =	stream.indirect.scatter.add.f32 [tilespmem:s23], [sflag:$0x8], $0x40, s2, s12, $0xb8;
	[tilespmem:$0x16D00] =	vst v63  }
0x77: {  	_ =	swait.ge [sflag:s28], $0x1F40  }
0x78: {  	[sflag:s28] =	ssyncset.done $0x0  }
0x79: {  	[sflag:s28] =	ssyncadd.s32 $0xFFFFE0C0  }
0x7a: {  	_ =	swait.ge [sflag:s29], $0x1F40  }
0x7b: {  	[sflag:s29] =	ssyncset.done $0x0  }
0x7c: {  	[sflag:s29] =	ssyncadd.s32 $0xFFFFE0C0  }
0x7d: {  	_ =	swait.ge [sflag:s30], $0x1F40  }
0x7e: {  	s0 =	sadd.s32 $0x1, s0;
	[sflag:s30] =	ssyncset.done $0x0  }
0x7f: {  	p0 =	sne.s32 s0, s9;
	[sflag:s30] =	ssyncadd.s32 $0xFFFFE0C0  }
.Ltmp1:
0x80: {  	[bflag:$0x0] =	sbarrier.arrive $0xFFFF;
	(pc) =	sbr.rel @p0 .LBB2_1-.Ltmp1, $4  }
0x81: {  	[hbm:s8], [sflag:s6] =	dma.local [spmem:s10], $0x1400  }
0x82: {  	_ =	swait.ge [sflag:s11], $0x1400  }
0x83: {  	[sflag:s11] =	ssyncset.done $0x0  }
0x84: {  	[sflag:s11] =	ssyncadd.s32 $0xFFFFEC00  }
0x85: {  	_ =	sfence.sel $0x180000  }
0x86: {  	[bflag:$0x0] =	sbarrier.arrive $0xFFFF  }
0x87: {  	_ =	strace $0x90000050  }
0x88: {  	s0 =	stileid.u32;
	[bflag:$0x2] =	sbarrier.arrive $0xFFFF  }
0x89: {  	p0 =	sne.s32 s0, $0x0;
	s0 =	rddreg [dreg:$0x3]  }
0x8a: {  	s0 =	sadd.s32 @!p0 $0x100000, s0  }
0x8b: {  	[sflag:s0] =	ssyncadd.tile.s32 @!p0 $0x1;
	_ =	shalt  }
.Lfunc_end2:
_tile_overlayer_lowered:
.L_overlay_start_2:
0x8c: {  	(tag) =	ssettag $0x2  }
0x8d: {  	s0 =	rddreg [dreg:$0x0];
	s2 =	stileid.u32  }
0x8e: {  	s1 =	rddreg [dreg:$0x1];
	p0 =	sne.s32 s2, $0x0  }
0x8f: {  	s3 =	rddreg [dreg:$0x2];
	[bflag:$0x3] =	sbarrier.arrive $0xFFFF;
	s2 =	simm.s32 @!p0 $0x1C09  }
0x90: {  	[timem:s3], [sflag:s2] =	dma.local @!p0 [hbm:s0], s1  }
0x91: {  	s0 =	simm.s32 @!p0 $0x9  }
0x92: {  	_ =	swait.ge @!p0 [sflag:s0], s1  }
0x93: {  	s1 =	ssub.s32 @!p0 $0x0, s1;
	[sflag:s0] =	ssyncset.done @!p0 $0x0  }
0x94: {  	[sflag:s0] =	ssyncadd.s32 @!p0 s1  }
0x95: {  	[bflag:$0x3] =	sbarrier.arrive $0xFFFF  }
0x96: {  	_ =	shalt  }

// kernel: kernel.26.cloned.1.call-start
scs
__scs_entry_jumppad:
0x0: {  	(pc) =	sbr.rel $0x88, $3  }
0x1: {  	(tag) =	ssettag $0x0;
	lr =	simm.s32 $0x1  }
0x2: {  	[smem:$0x3F95] =	sst lr;
	_ =	strace $0xD0000000  }
0x3: {  	_ = 	snop  }
0x4: {  	_ = 	snop  }
0x5: {  	_ = 	snop  }
0x6: {  	_ = 	snop  }
0x7: {  	_ = 	snop  }
__scs_overlays_trampoline_lowered:
0x8: {  	[smem:$0x3FA4] =	sst s0  }
0x9: {  	[smem:$0x3FA5] =	sst s1  }
0xa: {  	[smem:$0x3FA6] =	sst s2  }
0xb: {  	[smem:$0x3FA7] =	sst s3  }
0xc: {  	[smem:$0x3FA8] =	sst s4  }
0xd: {  	[smem:$0x3FA9] =	sst s5  }
0xe: {  	[smem:$0x3FAA] =	sst s6  }
0xf: {  	[smem:$0x3FAB] =	sst s7  }
0x10: {  	[smem:$0x3FAC] =	sst s8  }
0x11: {  	[smem:$0x3FAD] =	sst s9;
	s0 =	simm.s32 @!p0 $0x0  }
0x12: {  	s1 =	sld [smem:$0x3F93];
	s0 =	simm.s32 @p0 $0x1  }
0x13: {  	[smem:$0x3FAE] =	sst s0;
	s0 =	simm.s32 @!p1 $0x0  }
0x14: {  	s2 =	sld [smem:$0x3F92];
	s0 =	simm.s32 @p1 $0x1  }
0x15: {  	[smem:$0x3FAF] =	sst s0;
	s0 =	simm.s32 @!p2 $0x0  }
0x16: {  	s3 =	sld [smem:$0x3FDB];
	s0 =	simm.s32 @p2 $0x1  }
0x17: {  	s4 =	simm.s32 $0x1BF5;
	[smem:$0x3FB1] =	sst s0  }
0x18: {  	s0 =	sld [smem:$0x3F94];
	_ =	swait.ge [sflag:s4], $0x0  }
0x19: {  	s7 =	sld [smem:$0x3F95]  }
0x1a: {  	s8 =	sadd.s32 $0xFFFFE003, lr  }
0x1b: {  	s9 =	sadd.s32 $0xFFFFFEF7, lr;
	s5 =	simm.s32 $0xFFFFFFFF;
	p2 =	slt.u32 s8, $0xFFFFF086  }
0x1c: {  	p1 =	slt.u32 s9, $0xF7A;
	s5 =	simm.s32 @!p2 $0x0  }
0x1d: {  	s5 =	simm.s32 @p1 $0x1;
	p0 =	seq.s32 s7, s2  }
0x1e: {  	s7 =	smul.u32 @!p0 $0xF7A, s2;
	p2 =	seq.s32 @!p0 s5, $0x0  }
0x1f: {  	s9 =	smul.u32 $0xF7A, s1;
	s8 =	simm.s32 @!p0 $0x1BF5;
	p2 =	por !p2, p0  }
0x20: {  	[sflag:s8] =	ssyncset.s32 @!p0 $0xFFFFF086;
	s6 =	sadd.s32 @!p0 s3, s7;
	s7 =	simm.s32 @!p0 $0x108  }
0x21: {  	s3 =	sadd.s32 s3, s9;
	s6 =	sadd.s32 @!p0 $0x88, s6;
	s7 =	simm.s32 @p2 $0x1082  }
0x22: {  	[simem:s7], [sflag:s8] =	dma.local @!p0 [hbm:s6], $0xF7A  }
0x23: {  	s9 =	sor.u32 $0xD0000000, s2;
	s6 =	simm.s32 $0x108;
	_ =	swait.ge @!p0 [sflag:s8], $0x0  }
0x24: {  	s3 =	sadd.s32 $0x88, s3;
	s6 =	simm.s32 @!p1 $0x1082;
	[sflag:s4] =	ssyncset.s32 $0xFFFFF086  }
0x25: {  	[simem:s6], [sflag:s4] =	dma.local [hbm:s3], $0xF7A  }
0x26: {  	[smem:$0x3F95] =	sst s1;
	(tag) =	ssettag s2;
	_ =	strace s9  }
0x27: {  	s1 =	sld [smem:$0x3FA5]  }
0x28: {  	s2 =	sld [smem:$0x3FA6]  }
0x29: {  	s4 =	sld [smem:$0x3FA8]  }
0x2a: {  	p0 =	seq.s32 s5, $0x0;
	s5 =	sld [smem:$0x3FA9]  }
0x2b: {  	s6 =	sld [smem:$0x3FAA]  }
0x2c: {  	s7 =	sld [smem:$0x3FAB]  }
0x2d: {  	s3 =	simm.s32 $0x108;
	s8 =	sld [smem:$0x3FAC]  }
0x2e: {  	s3 =	simm.s32 @!p0 $0x1082;
	s9 =	sld [smem:$0x3FAD]  }
0x2f: {  	lr =	sadd.s32 s0, s3;
	s0 =	sld [smem:$0x3FA4]  }
0x30: {  	s3 =	sld [smem:$0x3FA7]  }
0x31: {  	[smem:$0x3FB0] =	sst s10  }
0x32: {  	s10 =	sld [smem:$0x3FAE];
	_ =	sdelay $0x3  }
0x33: {  	p0 =	seq.s32 s10, $0x1;
	s10 =	sld [smem:$0x3FB0];
	_ =	sdelay $0x3  }
0x34: {  	[smem:$0x3FB0] =	sst s10  }
0x35: {  	s10 =	sld [smem:$0x3FAF];
	_ =	sdelay $0x3  }
0x36: {  	p1 =	seq.s32 s10, $0x1;
	s10 =	sld [smem:$0x3FB0];
	_ =	sdelay $0x3  }
0x37: {  	[smem:$0x3FB0] =	sst s10  }
0x38: {  	s10 =	sld [smem:$0x3FB1]  }
0x39: {  	_ = 	snop;
	(pc) =	sbr.ind lr, $3  }
0x3a: {  	_ = 	snop  }
0x3b: {  	_ = 	snop  }
0x3c: {  	p2 =	seq.s32 s10, $0x1;
	s10 =	sld [smem:$0x3FB0]  }
0x3d: {  	_ =	shalt  }
0x3e: {  	_ =	shalt  }
0x3f: {  	_ =	shalt  }
0x40: {  	_ =	shalt  }
0x41: {  	_ =	shalt  }
0x42: {  	_ =	shalt  }
0x43: {  	_ =	shalt  }
0x44: {  	_ =	shalt  }
0x45: {  	_ =	shalt  }
0x46: {  	_ =	shalt  }
0x47: {  	_ =	shalt  }
0x48: {  	_ =	shalt  }
0x49: {  	_ =	shalt  }
0x4a: {  	_ =	shalt  }
0x4b: {  	_ =	shalt  }
0x4c: {  	_ =	shalt  }
0x4d: {  	_ =	shalt  }
0x4e: {  	_ =	shalt  }
0x4f: {  	_ =	shalt  }
0x50: {  	_ =	shalt  }
0x51: {  	_ =	shalt  }
0x52: {  	_ =	shalt  }
0x53: {  	_ =	shalt  }
0x54: {  	_ =	shalt  }
0x55: {  	_ =	shalt  }
0x56: {  	_ =	shalt  }
0x57: {  	_ =	shalt  }
0x58: {  	_ =	shalt  }
0x59: {  	_ =	shalt  }
0x5a: {  	_ =	shalt  }
0x5b: {  	_ =	shalt  }
0x5c: {  	_ =	shalt  }
0x5d: {  	_ =	shalt  }
0x5e: {  	_ =	shalt  }
0x5f: {  	_ =	shalt  }
0x60: {  	_ =	shalt  }
0x61: {  	_ =	shalt  }
0x62: {  	_ =	shalt  }
0x63: {  	_ =	shalt  }
0x64: {  	_ =	shalt  }
0x65: {  	_ =	shalt  }
0x66: {  	_ =	shalt  }
0x67: {  	_ =	shalt  }
0x68: {  	_ =	shalt  }
0x69: {  	_ =	shalt  }
0x6a: {  	_ =	shalt  }
0x6b: {  	_ =	shalt  }
0x6c: {  	_ =	shalt  }
0x6d: {  	_ =	shalt  }
0x6e: {  	_ =	shalt  }
0x6f: {  	_ =	shalt  }
0x70: {  	_ =	shalt  }
0x71: {  	_ =	shalt  }
0x72: {  	_ =	shalt  }
0x73: {  	_ =	shalt  }
0x74: {  	_ =	shalt  }
0x75: {  	_ =	shalt  }
0x76: {  	_ =	shalt  }
0x77: {  	_ =	shalt  }
0x78: {  	_ =	shalt  }
0x79: {  	_ =	shalt  }
0x7a: {  	_ =	shalt  }
0x7b: {  	_ =	shalt  }
0x7c: {  	_ =	shalt  }
0x7d: {  	_ =	shalt  }
0x7e: {  	_ =	shalt  }
0x7f: {  	_ =	shalt  }
0x80: {  	_ =	shalt  }
0x81: {  	_ =	shalt  }
0x82: {  	_ =	shalt  }
0x83: {  	_ =	shalt  }
0x84: {  	_ =	shalt  }
0x85: {  	_ =	shalt  }
0x86: {  	_ =	shalt  }
0x87: {  	_ =	shalt  }
.Lfunc_end0:
.L_simem_size_0:
called_computation.4_lowered:
.L_overlay_start_0:
0x88: {  	s2 =	sld [smem:$0x3FD9]  }
0x89: {  	s3 =	sld [smem:$0x3FFE];
	_ =	sdelay $0x1  }
0x8a: {  	s1 =	srdreg.scid  }
0x8b: {  	s0 =	sand.u32 $0x1, s1  }
0x8c: {  	s14 =	sshll.u32 s0, $0xA;
	s2 =	sadd.s32 s3, s2  }
0x8d: {  	s2 =	sadd.s32 s2, s14  }
0x8e: {  	[smem:$0x3FBC] =	sst s2  }
0x8f: {  	_ = 	snop  }
0x90: {  	s2 =	sld [smem:$0x3FD0];
	_ =	sdelay $0x2  }
0x91: {  	s15 =	simm.s32 $0xA;
	s4 =	simm.s32 $0x10  }
0x92: {  	[smem:s4], [sflag:s15] =	dma.local [hbm:s2], $0x1  }
0x93: {  	_ =	swait.eq [sflag:s15], $0x1  }
0x94: {  	[sflag:s15] =	ssyncset.done $0x0  }
0x95: {  	[sflag:s15] =	ssyncadd.s32 $0xFFFFFFFF  }
0x96: {  	s16 =	sld [smem:$0x12];
	(tm) =	ssettm $0x1  }
0x97: {  	s17 =	sld [smem:$0x3FFB];
	_ =	sdelay $0x3  }
0x98: {  	_ =	strace s17  }
0x99: {  	s3 =	sld [smem:$0x3FFC];
	_ =	sdelay $0x3  }
0x9a: {  	_ =	strace s3  }
0x9b: {  	s3 =	sld [smem:$0x3FFD];
	_ =	sdelay $0x3  }
0x9c: {  	_ =	strace s3  }
0x9d: {  	_ =	strace $0x8FFFFFFF  }
0x9e: {  	s18 =	sld [smem:$0x3FDB];
	_ =	sdelay $0x1  }
0x9f: {  	s19 =	simm.s32 $_scs_section_size  }
0xa0: {  	s5 =	simm.s32 $_size__tile_overlayer_lowered;
	s6 =	simm.s32 $_tile_overlayer_lowered  }
0xa1: {  	s22 =	simm.s32 $0x1BFF;
	s21 =	sshll.u32 s6, $0x1;
	s3 =	sadd.s32 s19, s18  }
0xa2: {  	s7 =	simm.s32 $0x0;
	s20 =	sshll.u32 s5, $0x1;
	s5 =	sadd.s32 s21, s3  }
0xa3: {  	[timem:s7], [sflag:s22] =	dma.local [hbm:s5], s20  }
0xa4: {  	_ =	swait.ge [sflag:s22], s20  }
0xa5: {  	s4 =	ssub.s32 $0x0, s20;
	[sflag:s22] =	ssyncset.done $0x0  }
0xa6: {  	[sflag:s22] =	ssyncadd.s32 s4;
	_ =	sdelay $0x1  }
0xa7: {  	s23 =	simm.s32 $0x1B8B  }
0xa8: {  	_ =	swait.ge [sflag:s23], $0x1  }
0xa9: {  	[sflag:s23] =	ssyncset.done $0x0  }
0xaa: {  	s25 =	simm.s32 $0x1B8E;
	s24 =	sld [smem:$0x3FFE];
	[sflag:s23] =	ssyncadd.s32 $0xFFFFFFFF  }
0xab: {  	s26 =	simm.s32 $execute0_lowered;
	[smem:$0x3FD2] =	sst s25  }
0xac: {  	s5 =	sshll.u32 s26, $0x1;
	_ =	strace $0x80000052;
	[dreg:$0x1] =	wrdreg $0xFFFFFFFF  }
0xad: {  	s28 =	simm.s32 $_size_execute0_lowered;
	s3 =	sadd.s32 s3, s5;
	[dreg:$0x0] =	wrdreg $0x0  }
0xae: {  	s5 =	sshll.u32 s28, $0x1;
	[dreg:$0x2] =	wrdreg s3  }
0xaf: {  	[dreg:$0x3] =	wrdreg s5  }
0xb0: {  	[dreg:$0x4] =	wrdreg $0xC0  }
0xb1: {  	_ =	task [dreg:s7], $0x5FFFF  }
0xb2: {  	[dreg:$0x1] =	wrdreg $0xFFFFFFFF  }
0xb3: {  	[dreg:$0x0] =	wrdreg $0x60  }
0xb4: {  	[dreg:$0x2] =	wrdreg s16  }
0xb5: {  	[dreg:$0x3] =	wrdreg s24  }
0xb6: {  	[dreg:$0x4] =	wrdreg $0xCD000  }
0xb7: {  	[dreg:$0x5] =	wrdreg $0x9  }
0xb8: {  	_ =	task.clear_ibuf [dreg:s7], $0x6FFFF;
	_ =	strace $0x90000052  }
0xb9: {  	s29 =	simm.s32 $0x9;
	_ =	strace $0x80000054  }
0xba: {  	_ =	swait.ge [sflag:s29], $0x1  }
0xbb: {  	[sflag:s29] =	ssyncadd.s32 $0xFFFFFFFF  }
0xbc: {  	_ =	strace $0x90000054  }
0xbd: {  	_ =	sfence  }
0xbe: {  	s30 =	sld [smem:$0x0];
	_ =	sdelay $0x2  }
0xbf: {  	s31 =	sshll.u32 s1, $0xD;
	s1 =	sshrl.u32 s1, $0x2  }
0xc0: {  	s3 =	sand.u32 $0x4000, s31;
	s1 =	sadd.s32 s1, s30  }
0xc1: {  	s0 =	sor.u32 s3, s0;
	s1 =	sshll.u32 s1, $0x11  }
0xc2: {  	s0 =	sor.u32 s1, s0  }
0xc3: {  	s0 =	sadd.s32 $0x8F2B, s0  }
0xc4: {  	[sflag:s0] =	ssyncadd.remote.s32 $0x1  }
0xc5: {  	_ =	sfence.sel $0xFFFF  }
0xc6: {  	[dreg:$0x0] =	wrdreg $0xFFFFFFFF;
	(pc) =	sbr.abs _section_cstart, $3  }
0xc7: {  	[dreg:$0x1] =	wrdreg $0xFFFFFFFF  }
0xc8: {  	_ =	task.clear_ibuf [dreg:s7], $0x2FFFF;
	_ =	strace $0x9FFFFFFF  }
0xc9: {  	(tm) =	ssettm $0x7FFFFFFF  }
tec
execute0_lowered:
.L_overlay_start_1:
0x0: {  	(tag) =	ssettag $0x1  }
0x1: {  	s1 =	rddreg [dreg:$0x0]  }
0x2: {  	s0 =	srdreg.scid;
	s5 =	rddreg [dreg:$0x1]  }
0x3: {  	s12 =	stileid.u32;
	s3 =	rddreg [dreg:$0x2]  }
0x4: {  	s4 =	simm.s32 $0x0;
	s13 =	simm.s32 $0x5000;
	s15 =	simm.s32 $0x6F40  }
0x5: {  	s16 =	simm.s32 $0x1;
	s19 =	simm.s32 $0x8E80;
	s20 =	simm.s32 $0x2  }
0x6: {  	s21 =	simm.s32 $0x180;
	s22 =	simm.s32 $0x300;
	s23 =	simm.s32 $0xADC0  }
0x7: {  	s24 =	simm.s32 $0x3;
	s25 =	simm.s32 $0x5;
	s28 =	simm.s32 $0x6  }
0x8: {  	s29 =	simm.s32 $0x7;
	s30 =	simm.s32 $0x8;
	s31 =	simm.s32 $0x4E80  }
0x9: {  	s0 =	sand.u32 $0x1, s0;
	s2 =	sshll.u32 s12, $0x1;
	s6 =	smul.u32 $0xA000, s12  }
0xa: {  	[smem:$0x7FF] =	sst s4;
	s26 =	sshll.u32 s12, $0x6;
	s12 =	simm.s32 $0x7D  }
0xb: {  	s2 =	sor.u32 s0, s2;
	s7 =	smul.u32 $0xA0000, s0;
	_ =	strace $0x80000053  }
0xc: {  	s0 =	ssub.s32 $0x2, s0;
	s2 =	smul.u32 $0xA00, s2;
	s8 =	sshrl.u32 s6, $0x3  }
0xd: {  	s9 =	sshrl.u32 s0, $0x1;
	s11 =	sadd.s32 s6, s3;
	s7 =	sadd.s32 s6, s7  }
0xe: {  	s8 =	sadd.s32 s8, s5;
	s0 =	ssub.s32 s0, s9;
	s6 =	sor.u32 $0x1C09, s26  }
0xf: {  	s26 =	simm.s32 $0x4;
	s2 =	sadd.s32 s2, s5;
	s7 =	sshrl.u32 s7, $0x3  }
0x10: {  	s9 =	smax.u32 s0, $0x1;
	s0 =	simm.s32 $0x0;
	s10 =	sadd.s32 s7, s5  }
0x11: {  	s5 =	sadd.s32 $0x17A00, s8;
	s7 =	sadd.s32 $0x3A00, s2;
	s2 =	simm.s32 $0x4F80  }
0x12: {  	s8 =	sadd.s32 $0x2BA00, s10;
	s10 =	sshrl.u32 s11, $0x3;
	s11 =	simm.s32 $0x9  }
.LBB2_1:
0x13: {  	[spmem:s10], [sflag:s6] =	dma.local [hbm:s5], $0x1400  }
0x14: {  	_ =	swait.ge [sflag:s11], $0x1400  }
0x15: {  	[sflag:s11] =	ssyncset.done $0x0  }
0x16: {  	[sflag:s11] =	ssyncadd.s32 $0xFFFFEC00  }
0x17: {  	[tilespmem:s4], [sflag:$0x9] =	stream.linear.gather [hbm4b:s7+s4], $0x5000, $0x38;
	[tilespmem:$0x16D00] =	vst v63  }
0x18: {  	_ =	swait.ge [sflag:s11], $0x5000  }
0x19: {  	[sflag:s11] =	ssyncset.done $0x0  }
0x1a: {  	[sflag:s11] =	ssyncadd.s32 $0xFFFFB000  }
0x1b: {  	[bflag:$0x0] =	sbarrier.arrive $0xFFFF  }
0x1c: {  	[tilespmem:s13], [sflag:$0x1] =	stream.indirect.gather [hbm4b:s1+s12], $0x40, s4, s12, $0xb8;
	[tilespmem:$0x16D00] =	vst v63  }
0x1d: {  	s14 =	simm.s32 $0x100  }
0x1e: {  	[tilespmem:s15], [sflag:$0x2] =	stream.indirect.gather [hbm4b:s1+s12], $0x40, s14, s12, $0xb8;
	[tilespmem:$0x16D00] =	vst v63  }
0x1f: {  	_ =	swait.ge [sflag:s16], $0x1F40  }
0x20: {  	[sflag:s16] =	ssyncset.done $0x0  }
0x21: {  	s18 =	simm.s32 $0x80;
	[sflag:s16] =	ssyncadd.s32 $0xFFFFE0C0  }
0x22: {  	[spmem:s3] =	stream.indirect.scatter.add.f32 [tilespmem:s13], [sflag:$0x5], $0x40, s18, s12, $0xb8;
	[tilespmem:$0x16D00] =	vst v63  }
0x23: {  	s17 =	simm.s32 $0x200  }
0x24: {  	[tilespmem:s19], [sflag:$0x3] =	stream.indirect.gather [hbm4b:s1+s12], $0x40, s17, s12, $0xb8;
	[tilespmem:$0x16D00] =	vst v63  }
0x25: {  	_ =	swait.ge [sflag:s20], $0x1F40  }
0x26: {  	[sflag:s20] =	ssyncset.done $0x0  }
0x27: {  	[sflag:s20] =	ssyncadd.s32 $0xFFFFE0C0  }
0x28: {  	[spmem:s3] =	stream.indirect.scatter.add.f32 [tilespmem:s15], [sflag:$0x6], $0x40, s21, s12, $0xb8;
	[tilespmem:$0x16D00] =	vst v63  }
0x29: {  	_ = 	snop  }
0x2a: {  	[tilespmem:s23], [sflag:$0x4] =	stream.indirect.gather [hbm4b:s1+s12], $0x40, s22, s12, $0xb8;
	[tilespmem:$0x16D00] =	vst v63  }
0x2b: {  	_ =	swait.ge [sflag:s24], $0x1F40  }
0x2c: {  	[sflag:s24] =	ssyncset.done $0x0  }
0x2d: {  	s18 =	simm.s32 $0x280;
	[sflag:s24] =	ssyncadd.s32 $0xFFFFE0C0  }
0x2e: {  	[spmem:s3] =	stream.indirect.scatter.add.f32 [tilespmem:s19], [sflag:$0x7], $0x40, s18, s12, $0xb8;
	[tilespmem:$0x16D00] =	vst v63  }
0x2f: {  	_ =	swait.ge [sflag:s25], $0x1F40  }
0x30: {  	[sflag:s25] =	ssyncset.done $0x0  }
0x31: {  	s17 =	simm.s32 $0x400;
	[sflag:s25] =	ssyncadd.s32 $0xFFFFE0C0  }
0x32: {  	[tilespmem:s13], [sflag:$0x1] =	stream.indirect.gather [hbm4b:s1+s12], $0x40, s17, s12, $0xb8;
	[tilespmem:$0x16D00] =	vst v63  }
0x33: {  	_ =	swait.ge [sflag:s26], $0x1F40  }
0x34: {  	[sflag:s26] =	ssyncset.done $0x0  }
0x35: {  	s18 =	simm.s32 $0x380;
	[sflag:s26] =	ssyncadd.s32 $0xFFFFE0C0  }
0x36: {  	[spmem:s3] =	stream.indirect.scatter.add.f32 [tilespmem:s23], [sflag:$0x8], $0x40, s18, s12, $0xb8;
	[tilespmem:$0x16D00] =	vst v63  }
0x37: {  	_ =	swait.ge [sflag:s28], $0x1F40  }
0x38: {  	[sflag:s28] =	ssyncset.done $0x0  }
0x39: {  	s17 =	simm.s32 $0x500;
	[sflag:s28] =	ssyncadd.s32 $0xFFFFE0C0  }
0x3a: {  	[tilespmem:s15], [sflag:$0x2] =	stream.indirect.gather [hbm4b:s1+s12], $0x40, s17, s12, $0xb8;
	[tilespmem:$0x16D00] =	vst v63  }
0x3b: {  	_ =	swait.ge [sflag:s16], $0x1F40  }
0x3c: {  	[sflag:s16] =	ssyncset.done $0x0  }
0x3d: {  	s18 =	simm.s32 $0x480;
	[sflag:s16] =	ssyncadd.s32 $0xFFFFE0C0  }
0x3e: {  	[spmem:s3] =	stream.indirect.scatter.add.f32 [tilespmem:s13], [sflag:$0x5], $0x40, s18, s12, $0xb8;
	[tilespmem:$0x16D00] =	vst v63  }
0x3f: {  	_ =	swait.ge [sflag:s29], $0x1F40  }
0x40: {  	[sflag:s29] =	ssyncset.done $0x0  }
0x41: {  	s17 =	simm.s32 $0x600;
	[sflag:s29] =	ssyncadd.s32 $0xFFFFE0C0  }
0x42: {  	[tilespmem:s19], [sflag:$0x3] =	stream.indirect.gather [hbm4b:s1+s12], $0x40, s17, s12, $0xb8;
	[tilespmem:$0x16D00] =	vst v63  }
0x43: {  	_ =	swait.ge [sflag:s20], $0x1F40  }
0x44: {  	[sflag:s20] =	ssyncset.done $0x0  }
0x45: {  	s18 =	simm.s32 $0x580;
	[sflag:s20] =	ssyncadd.s32 $0xFFFFE0C0  }
0x46: {  	[spmem:s3] =	stream.indirect.scatter.add.f32 [tilespmem:s15], [sflag:$0x6], $0x40, s18, s12, $0xb8;
	[tilespmem:$0x16D00] =	vst v63  }
0x47: {  	_ =	swait.ge [sflag:s30], $0x1F40  }
0x48: {  	[sflag:s30] =	ssyncset.done $0x0  }
0x49: {  	s14 =	simm.s32 $0x1000;
	s17 =	simm.s32 $0x700;
	[sflag:s30] =	ssyncadd.s32 $0xFFFFE0C0  }
.LBB2_2:
0x4a: {  	[tilespmem:s23], [sflag:$0x4] =	stream.indirect.gather [hbm4b:s1+s12], $0x40, s17, s12, $0xb8;
	[tilespmem:$0x16D00] =	vst v63  }
0x4b: {  	s17 =	smov.u32 s14  }
0x4c: {  	p0 =	sne.s32 s14, $0x12000;
	s14 =	sadd.s32 $0x1000, s14;
	_ =	swait.ge [sflag:s24], $0x1F40  }
0x4d: {  	s17 =	sshra.s32 s17, $0x2;
	[sflag:s24] =	ssyncset.done $0x0  }
0x4e: {  	s18 =	sadd.s32 $0x280, s17;
	[sflag:s24] =	ssyncadd.s32 $0xFFFFE0C0  }
0x4f: {  	[spmem:s3] =	stream.indirect.scatter.add.f32 [tilespmem:s19], [sflag:$0x7], $0x40, s18, s12, $0xb8;
	[tilespmem:$0x16D00] =	vst v63  }
0x50: {  	_ =	swait.ge [sflag:s25], $0x1F40  }
0x51: {  	[sflag:s25] =	ssyncset.done $0x0  }
0x52: {  	s18 =	sadd.s32 $0x400, s17;
	[sflag:s25] =	ssyncadd.s32 $0xFFFFE0C0  }
0x53: {  	[tilespmem:s13], [sflag:$0x1] =	stream.indirect.gather [hbm4b:s1+s12], $0x40, s18, s12, $0xb8;
	[tilespmem:$0x16D00] =	vst v63  }
0x54: {  	_ =	swait.ge [sflag:s26], $0x1F40  }
0x55: {  	[sflag:s26] =	ssyncset.done $0x0  }
0x56: {  	s18 =	sadd.s32 $0x380, s17;
	[sflag:s26] =	ssyncadd.s32 $0xFFFFE0C0  }
0x57: {  	[spmem:s3] =	stream.indirect.scatter.add.f32 [tilespmem:s23], [sflag:$0x8], $0x40, s18, s12, $0xb8;
	[tilespmem:$0x16D00] =	vst v63  }
0x58: {  	_ =	swait.ge [sflag:s28], $0x1F40  }
0x59: {  	[sflag:s28] =	ssyncset.done $0x0  }
0x5a: {  	s18 =	sadd.s32 $0x500, s17;
	[sflag:s28] =	ssyncadd.s32 $0xFFFFE0C0  }
0x5b: {  	[tilespmem:s15], [sflag:$0x2] =	stream.indirect.gather [hbm4b:s1+s12], $0x40, s18, s12, $0xb8;
	[tilespmem:$0x16D00] =	vst v63  }
0x5c: {  	_ =	swait.ge [sflag:s16], $0x1F40  }
0x5d: {  	[sflag:s16] =	ssyncset.done $0x0  }
0x5e: {  	s18 =	sadd.s32 $0x480, s17;
	[sflag:s16] =	ssyncadd.s32 $0xFFFFE0C0  }
0x5f: {  	[spmem:s3] =	stream.indirect.scatter.add.f32 [tilespmem:s13], [sflag:$0x5], $0x40, s18, s12, $0xb8;
	[tilespmem:$0x16D00] =	vst v63  }
0x60: {  	_ =	swait.ge [sflag:s29], $0x1F40  }
0x61: {  	[sflag:s29] =	ssyncset.done $0x0  }
0x62: {  	s18 =	sadd.s32 $0x600, s17;
	[sflag:s29] =	ssyncadd.s32 $0xFFFFE0C0  }
0x63: {  	[tilespmem:s19], [sflag:$0x3] =	stream.indirect.gather [hbm4b:s1+s12], $0x40, s18, s12, $0xb8;
	[tilespmem:$0x16D00] =	vst v63  }
0x64: {  	_ =	swait.ge [sflag:s20], $0x1F40  }
0x65: {  	[sflag:s20] =	ssyncset.done $0x0  }
.Ltmp0:
0x66: {  	s18 =	sadd.s32 $0x580, s17;
	[sflag:s20] =	ssyncadd.s32 $0xFFFFE0C0;
	(pc) =	sbr.rel @p0 .LBB2_2-.Ltmp0, $4  }
0x67: {  	[spmem:s3] =	stream.indirect.scatter.add.f32 [tilespmem:s15], [sflag:$0x6], $0x40, s18, s12, $0xb8;
	[tilespmem:$0x16D00] =	vst v63  }
0x68: {  	_ =	swait.ge [sflag:s30], $0x1F40  }
0x69: {  	[sflag:s30] =	ssyncset.done $0x0  }
0x6a: {  	s17 =	sadd.s32 $0x700, s17;
	[sflag:s30] =	ssyncadd.s32 $0xFFFFE0C0  }
0x6b: {  	[tilespmem:s23], [sflag:$0x4] =	stream.indirect.gather [hbm4b:s1+s12], $0x40, s17, s12, $0xb8;
	[tilespmem:$0x16D00] =	vst v63  }
0x6c: {  	_ =	swait.ge [sflag:s24], $0x1F40  }
0x6d: {  	[sflag:s24] =	ssyncset.done $0x0  }
0x6e: {  	[sflag:s24] =	ssyncadd.s32 $0xFFFFE0C0  }
0x6f: {  	[spmem:s3] =	stream.indirect.scatter.add.f32 [tilespmem:s19], [sflag:$0x7], $0x40, s31, s12, $0xb8;
	[tilespmem:$0x16D00] =	vst v63  }
0x70: {  	_ =	swait.ge [sflag:s25], $0x1F40  }
0x71: {  	[sflag:s25] =	ssyncset.done $0x0  }
0x72: {  	[sflag:s25] =	ssyncadd.s32 $0xFFFFE0C0  }
0x73: {  	_ =	swait.ge [sflag:s26], $0x1F40  }
0x74: {  	[sflag:s26] =	ssyncset.done $0x0  }
0x75: {  	[sflag:s26] =	ssyncadd.s32 $0xFFFFE0C0  }
0x76: {  	[spmem:s3] =	stream.indirect.scatter.add.f32 [tilespmem:s23], [sflag:$0x8], $0x40, s2, s12, $0xb8;
	[tilespmem:$0x16D00] =	vst v63  }
0x77: {  	_ =	swait.ge [sflag:s28], $0x1F40  }
0x78: {  	[sflag:s28] =	ssyncset.done $0x0  }
0x79: {  	[sflag:s28] =	ssyncadd.s32 $0xFFFFE0C0  }
0x7a: {  	_ =	swait.ge [sflag:s29], $0x1F40  }
0x7b: {  	[sflag:s29] =	ssyncset.done $0x0  }
0x7c: {  	[sflag:s29] =	ssyncadd.s32 $0xFFFFE0C0  }
0x7d: {  	_ =	swait.ge [sflag:s30], $0x1F40  }
0x7e: {  	s0 =	sadd.s32 $0x1, s0;
	[sflag:s30] =	ssyncset.done $0x0  }
0x7f: {  	p0 =	sne.s32 s0, s9;
	[sflag:s30] =	ssyncadd.s32 $0xFFFFE0C0  }
.Ltmp1:
0x80: {  	[bflag:$0x0] =	sbarrier.arrive $0xFFFF;
	(pc) =	sbr.rel @p0 .LBB2_1-.Ltmp1, $4  }
0x81: {  	[hbm:s8], [sflag:s6] =	dma.local [spmem:s10], $0x1400  }
0x82: {  	_ =	swait.ge [sflag:s11], $0x1400  }
0x83: {  	[sflag:s11] =	ssyncset.done $0x0  }
0x84: {  	[sflag:s11] =	ssyncadd.s32 $0xFFFFEC00  }
0x85: {  	_ =	sfence.sel $0x180000  }
0x86: {  	[bflag:$0x0] =	sbarrier.arrive $0xFFFF  }
0x87: {  	_ =	strace $0x90000053  }
0x88: {  	s0 =	stileid.u32;
	[bflag:$0x2] =	sbarrier.arrive $0xFFFF  }
0x89: {  	p0 =	sne.s32 s0, $0x0;
	s0 =	rddreg [dreg:$0x3]  }
0x8a: {  	s0 =	sadd.s32 @!p0 $0x100000, s0  }
0x8b: {  	[sflag:s0] =	ssyncadd.tile.s32 @!p0 $0x1;
	_ =	shalt  }
.Lfunc_end2:
_tile_overlayer_lowered:
.L_overlay_start_2:
0x8c: {  	(tag) =	ssettag $0x2  }
0x8d: {  	s0 =	rddreg [dreg:$0x0];
	s2 =	stileid.u32  }
0x8e: {  	s1 =	rddreg [dreg:$0x1];
	p0 =	sne.s32 s2, $0x0  }
0x8f: {  	s3 =	rddreg [dreg:$0x2];
	[bflag:$0x3] =	sbarrier.arrive $0xFFFF;
	s2 =	simm.s32 @!p0 $0x1C09  }
0x90: {  	[timem:s3], [sflag:s2] =	dma.local @!p0 [hbm:s0], s1  }
0x91: {  	s0 =	simm.s32 @!p0 $0x9  }
0x92: {  	_ =	swait.ge @!p0 [sflag:s0], s1  }
0x93: {  	s1 =	ssub.s32 @!p0 $0x0, s1;
	[sflag:s0] =	ssyncset.done @!p0 $0x0  }
0x94: {  	[sflag:s0] =	ssyncadd.s32 @!p0 s1  }
0x95: {  	[bflag:$0x3] =	sbarrier.arrive $0xFFFF  }
0x96: {  	_ =	shalt  }

</sc_bundles>
